<compile_context>
chip_gen: v7x
topology: tpu7x:2x2x1
jax: 0.10.2.dev20260603
libtpu: 0.0.44.dev20260713+nightly
codegen_flags: <defaults>
</compile_context>

<pallas_src>
import functools

import jax
import jax.numpy as jnp
from jax import lax
from jax.experimental import pallas as pl
from jax.experimental.pallas import tpu as pltpu
from jax.experimental.pallas import tpu_sc as plsc

S = 7
CH = 30
BATCH = 1024
CELLS_IMG = S * S
ROW = S * S * CH
NC, NS, L = 2, 16, 16
NW = NC * NS
IMGS_W = BATCH // NW
CELLS_W = IMGS_W * CELLS_IMG
GROUPS = CELLS_W // L


def _nsqrt(x):
    bits = lax.bitcast_convert_type(x, jnp.int32)
    i = jnp.int32(0x5F3759DF) - lax.shift_right_logical(bits, 1)
    y = lax.bitcast_convert_type(i, jnp.float32)
    y = y * (1.5 - 0.5 * x * y * y)
    y = y * (1.5 - 0.5 * x * y * y)
    y = y * (1.5 - 0.5 * x * y * y)
    return x * y


def _box_group(p, t):
    t4 = t[4]
    coo = jnp.where(t4 > 0.0, 1.0, 0.0)

    inv14 = jnp.float32(1.0 / 14.0)
    t_cx = t[0] * inv14
    t_cy = t[1] * inv14
    t_ltx = t_cx - 0.5 * t[2]
    t_lty = t_cy - 0.5 * t[3]
    t_rbx = t_cx + 0.5 * t[2]
    t_rby = t_cy + 0.5 * t[3]
    a2 = t[2] * t[3]

    ious = []
    for o in (0, 5):
        cx = p[o + 0] * inv14
        cy = p[o + 1] * inv14
        ltx = jnp.maximum(cx - 0.5 * p[o + 2], t_ltx)
        lty = jnp.maximum(cy - 0.5 * p[o + 3], t_lty)
        rbx = jnp.minimum(cx + 0.5 * p[o + 2], t_rbx)
        rby = jnp.minimum(cy + 0.5 * p[o + 3], t_rby)
        w = jnp.maximum(rbx - ltx, 0.0)
        h = jnp.maximum(rby - lty, 0.0)
        inter = w * h
        a1 = p[o + 2] * p[o + 3]
        ious.append(inter / (a1 + a2 - inter))
    use1 = ious[1] > ious[0]
    max_iou = jnp.maximum(ious[0], ious[1])

    def sel(a, b):
        return jnp.where(use1, b, a)

    rx = sel(p[0], p[5])
    ry = sel(p[1], p[6])
    rw = sel(p[2], p[7])
    rh = sel(p[3], p[8])
    rconf = sel(p[4], p[9])
    nconf = sel(p[9], p[4])
    tx = sel(t[0], t[5])
    ty = sel(t[1], t[6])
    tw = sel(t[2], t[7])
    th = sel(t[3], t[8])

    dx = rx - tx
    dy = ry - ty
    sw = rw + tw - 2.0 * _nsqrt(rw * tw)
    sh = rh + th - 2.0 * _nsqrt(rh * th)
    loc = dx * dx + dy * dy + sw + sh
    dc = rconf - max_iou
    contain = dc * dc

    return coo * (5.0 * loc + 2.0 * contain + nconf * nconf)


def _make_sc_kernel():
    mesh = plsc.VectorSubcoreMesh(core_axis_name="c", subcore_axis_name="s")

    @functools.partial(
        pl.kernel,
        mesh=mesh,
        compiler_params=pltpu.CompilerParams(needs_layout_passes=False),
        out_type=jax.ShapeDtypeStruct((NW * L,), jnp.float32),
        scratch_types=[
            pltpu.VMEM((IMGS_W, ROW), jnp.float32),
            pltpu.VMEM((IMGS_W, ROW), jnp.float32),
            pltpu.VMEM((L,), jnp.float32),
            pltpu.SemaphoreType.DMA,
            pltpu.SemaphoreType.DMA,
            pltpu.SemaphoreType.DMA,
            pltpu.SemaphoreType.DMA,
            pltpu.SemaphoreType.DMA,
            pltpu.SemaphoreType.DMA,
            pltpu.SemaphoreType.DMA,
            pltpu.SemaphoreType.DMA,
        ],
    )
    def yolo_box_kernel(pred_hbm, tgt_hbm, out_hbm, pbuf, tbuf, accv,
                        s0, s1, s2, s3, s4, s5, s6, s7):
        wid = lax.axis_index("s") * NC + lax.axis_index("c")
        img0 = wid * IMGS_W
        lane = lax.iota(jnp.int32, L)
        q = IMGS_W // 4

        sems = (s0, s1, s2, s3, s4, s5, s6, s7)
        cps = []
        for k in range(4):
            cps.append(pltpu.async_copy(
                pred_hbm.at[pl.ds(img0 + k * q, q)],
                pbuf.at[pl.ds(k * q, q)], sems[2 * k]))
            cps.append(pltpu.async_copy(
                tgt_hbm.at[pl.ds(img0 + k * q, q)],
                tbuf.at[pl.ds(k * q, q)], sems[2 * k + 1]))

        def group_body(g, carry):
            acc_in, img, rem30 = carry
            p = {c: plsc.load_gather(pbuf, [img, rem30 + c]) for c in range(10)}
            t = {c: plsc.load_gather(tbuf, [img, rem30 + c]) for c in range(10)}
            acc_out = acc_in + _box_group(p, t)
            rem30n = rem30 + L * CH
            wrap = rem30n >= ROW
            img_n = img + jnp.where(wrap, 1, 0)
            rem30_n = rem30n - jnp.where(wrap, ROW, 0)
            return acc_out, img_n, rem30_n

        def pair_body(j, carry):
            return group_body(0, group_body(0, carry))

        carry = (jnp.zeros((L,), jnp.float32), lane * 0, lane * CH)
        cps[0].wait()
        cps[1].wait()
        carry = lax.fori_loop(0, 12, pair_body, carry)
        cps[2].wait()
        cps[3].wait()
        carry = lax.fori_loop(0, 12, pair_body, carry)
        cps[4].wait()
        cps[5].wait()
        carry = lax.fori_loop(0, 12, pair_body, carry)
        cps[6].wait()
        cps[7].wait()
        acc, _, _ = lax.fori_loop(0, 13, pair_body, carry)
        accv[...] = acc
        pltpu.sync_copy(accv, out_hbm.at[pl.ds(wid * L, L)])

    return yolo_box_kernel


_SC_KERNEL = _make_sc_kernel()

_TC_ROWS = 128


def _tc_body(p_ref, t_ref, o_ref):
    i = pl.program_id(0)

    pos = lax.broadcasted_iota(jnp.int32, (1, ROW), 1)
    chan = pos - (pos // CH) * CH
    cls_m = jnp.where(chan >= 10, 1.0, 0.0)

    rp = lax.broadcasted_iota(jnp.int32, (ROW, CELLS_IMG), 0)
    ck = lax.broadcasted_iota(jnp.int32, (ROW, CELLS_IMG), 1)
    s1 = jnp.where(rp == ck * CH + 4, 1.0, 0.0)

    rk = lax.broadcasted_iota(jnp.int32, (CELLS_IMG, ROW), 0)
    cp = lax.broadcasted_iota(jnp.int32, (CELLS_IMG, ROW), 1)
    ch2 = cp - (cp // CH) * CH
    incell = (cp // CH) == rk
    s23 = jnp.where(incell & (ch2 >= 10), -1.0, 0.0) + jnp.where(
        incell & ((ch2 == 4) | (ch2 == 9)), 0.5, 0.0)

    p = p_ref[...]
    t = t_ref[...]
    d = p - t
    sq = d * d

    t4c = lax.dot_general(t, s1, (((1,), (0,)), ((), ())),
                          preferred_element_type=jnp.float32)
    noo = jnp.where(t4c == 0.0, 1.0, 0.0)
    exp23 = lax.dot_general(noo, s23, (((1,), (0,)), ((), ())),
                            preferred_element_type=jnp.float32)

    val = jnp.sum(sq * (cls_m + exp23))

    @pl.when(i == 0)
    def _init():
        o_ref[0, 0] = 0.0

    o_ref[0, 0] += val


def _tc_part(p2, t2):
    return pl.pallas_call(
        _tc_body,
        grid=(BATCH // _TC_ROWS,),
        in_specs=[
            pl.BlockSpec((_TC_ROWS, ROW), lambda i: (i, 0)),
            pl.BlockSpec((_TC_ROWS, ROW), lambda i: (i, 0)),
        ],
        out_specs=pl.BlockSpec(memory_space=pltpu.SMEM),
        out_shape=jax.ShapeDtypeStruct((1, 1), jnp.float32),
    )(p2, t2)


@jax.jit
def kernel(pred_tensor, target_tensor):
    p2 = pred_tensor.reshape(BATCH, ROW)
    t2 = target_tensor.reshape(BATCH, ROW)
    box_partials = _SC_KERNEL(p2, t2)
    dense = _tc_part(p2, t2)
    return (jnp.sum(box_partials) + dense[0, 0]) * jnp.float32(1.0 / BATCH)

# --- scband reference (transcript-rebuilt; emitter-appended) ---
"""Pipeline reference for scband-yolo-loss-21818433864438 (READ-ONLY COPY).

The authoritative reference and input builder live on the scoring server;
editing this copy changes nothing except your own understanding.
"""

import jax, jax.numpy as jnp
import numpy as np

S = 7
B = 2
L_COORD = 5.0
L_NOOBJ = 0.5
BATCH = 1024


def setup_inputs(seed: int = 0) -> dict:
    key = jax.random.key(seed)
    k1, k2 = jax.random.split(key)
    # fill='rand': uniform [0,1). Keeps w/h positive so sqrt() in loc_loss is valid,
    # and target confidence channel (index 4) is >0 almost surely, matching the
    # 'object present' branch of the loss for (virtually) every grid cell.
    pred_tensor = jax.random.uniform(k1, (BATCH, S, S, 30), dtype=jnp.float32)
    target_tensor = jax.random.uniform(k2, (BATCH, S, S, 30), dtype=jnp.float32)
    return {"pred_tensor": pred_tensor, "target_tensor": target_tensor}


def _loss(pred, tgt, coo_mask, noo_mask):
    N = pred.shape[0]
    # cells containing an object (conf > 0) and not containing (conf == 0)
    pred_f = pred.reshape(-1, 30)
    tgt_f = tgt.reshape(-1, 30)
    coo_m = coo_mask.reshape(-1)
    noo_m = noo_mask.reshape(-1)

    # no-object confidence loss: columns 4 and 9 (the two box confidences)
    noo_sq = (pred_f[:, 4] - tgt_f[:, 4]) ** 2 + (pred_f[:, 9] - tgt_f[:, 9]) ** 2
    nooobj_loss = jnp.sum(jnp.where(noo_m, noo_sq, 0.0))

    class_pred = pred_f[:, 10:]
    class_tgt = tgt_f[:, 10:]

    # vectorized version of the python loop over box pairs (step 2)
    bp = pred_f[:, :10].reshape(-1, 2, 5)   # [M, 2, 5]
    bt = tgt_f[:, :10].reshape(-1, 2, 5)    # [M, 2, 5]
    # convert (cx, cy, w, h) -> (x1, y1, x2, y2); note hard-coded /14.0 as in original
    b1lt = bp[:, :, :2] / 14.0 - 0.5 * bp[:, :, 2:4]
    b1rb = bp[:, :, :2] / 14.0 + 0.5 * bp[:, :, 2:4]
    box2 = bt[:, 0, :]                # original uses box_target[i] (first of pair)
    b2lt = box2[:, :2] / 14.0 - 0.5 * box2[:, 2:4]
    b2rb = box2[:, :2] / 14.0 + 0.5 * box2[:, 2:4]

    lt = jnp.maximum(b1lt, b2lt[:, None, :])
    rb = jnp.minimum(b1rb, b2rb[:, None, :])
    wh = jnp.maximum(rb - lt, 0.0)
    inter = wh[..., 0] * wh[..., 1]
    area1 = (b1rb[..., 0] - b1lt[..., 0]) * (b1rb[..., 1] - b1lt[..., 1])
    area2 = (b2rb[:, 0] - b2lt[:, 0]) * (b2rb[:, 1] - b2lt[:, 1])
    iou = inter / (area1 + area2[:, None] - inter)  # [M, 2]

    max_index = jnp.argmax(iou, axis=1)                       # responsible box per pair
    max_iou = jax.lax.stop_gradient(jnp.max(iou, axis=1))     # .data in original (detached)

    sel = max_index[:, None, None]
    resp_pred = jnp.take_along_axis(bp, sel, axis=1)[:, 0, :]
    resp_tgt = jnp.take_along_axis(bt, sel, axis=1)[:, 0, :]
    notresp_pred = jnp.take_along_axis(bp, 1 - sel, axis=1)[:, 0, :]

    contain_loss = jnp.sum(jnp.where(coo_m, (resp_pred[:, 4] - max_iou) ** 2, 0.0))
    loc_loss = jnp.sum(
        jnp.where(coo_m[:, None], (resp_pred[:, :2] - resp_tgt[:, :2]) ** 2, 0.0)
    ) + jnp.sum(
        jnp.where(
            coo_m[:, None],
            (jnp.sqrt(resp_pred[:, 2:4]) - jnp.sqrt(resp_tgt[:, 2:4])) ** 2,
            0.0,
        )
    )
    # target confidence of the non-responsible box is zeroed in the original
    not_contain_loss = jnp.sum(jnp.where(coo_m, (notresp_pred[:, 4] - 0.0) ** 2, 0.0))
    class_loss = jnp.sum(jnp.where(coo_m[:, None], (class_pred - class_tgt) ** 2, 0.0))

    return (
        L_COORD * loc_loss
        + float(B) * contain_loss
        + L_NOOBJ * nooobj_loss
        + class_loss
        + not_contain_loss
    ) / N


def reference(pred_tensor, target_tensor):
    conf = target_tensor[:, :, :, 4]
    coo_mask = conf > 0
    noo_mask = conf == 0
    return _loss(pred_tensor, target_tensor, coo_mask, noo_mask)

if __name__ == "__main__":
    import jax
    _d = setup_inputs()
    print(jax.jit(kernel)(*tuple(_d.values())))

</pallas_src>

<mosaic_0001>
#map = affine_map<(d0, d1) -> (0, 0)>
#map1 = affine_map<(d0, d1) -> (0)>
module attributes {stable_mosaic.version = 14 : i64} {
  func.func @yolo_box_kernel(%arg0: i32, %arg1: i32, %arg2: memref<1024x1470xf32, #tpu.memory_space<hbm>>, %arg3: memref<1024x1470xf32, #tpu.memory_space<hbm>>, %arg4: memref<512xf32, #tpu.memory_space<hbm>>, %arg5: memref<32x1470xf32, #tpu.memory_space<vmem>>, %arg6: memref<32x1470xf32, #tpu.memory_space<vmem>>, %arg7: memref<16xf32, #tpu.memory_space<vmem>>, %arg8: memref<!tpu.dma_semaphore, #tpu.memory_space<semaphore_mem>>, %arg9: memref<!tpu.dma_semaphore, #tpu.memory_space<semaphore_mem>>, %arg10: memref<!tpu.dma_semaphore, #tpu.memory_space<semaphore_mem>>, %arg11: memref<!tpu.dma_semaphore, #tpu.memory_space<semaphore_mem>>, %arg12: memref<!tpu.dma_semaphore, #tpu.memory_space<semaphore_mem>>, %arg13: memref<!tpu.dma_semaphore, #tpu.memory_space<semaphore_mem>>, %arg14: memref<!tpu.dma_semaphore, #tpu.memory_space<semaphore_mem>>, %arg15: memref<!tpu.dma_semaphore, #tpu.memory_space<semaphore_mem>>) attributes {dimension_semantics = [#tpu.dimension_semantics<core_parallel>, #tpu.dimension_semantics<subcore_parallel>], iteration_bounds = array<i64: 2, 16>, scalar_prefetch = 0 : i64, scratch_operands = 11 : i64, tpu.core_type = #tpu.core_type<sc_vector_subcore>, window_params = [{transform_indices = #map}, {transform_indices = #map}, {transform_indices = #map1}]} {
    %mul3A = arith.constant 2 : i32
    %mul3A_0 = arith.muli %arg1, %mul3A : i32
    %add3A = arith.addi %mul3A_0, %arg0 : i32
    %mul3A_1 = arith.constant 32 : i32
    %mul3A_2 = arith.muli %add3A, %mul3A_1 : i32
    %iota3A = tpu.iota {dimensions = array<i32: 0>} : vector<16xi32>
    %add3A_3 = arith.constant 0 : i32
    %add3A_4 = arith.addi %mul3A_2, %add3A_3 : i32
    %dma_start3A = arith.constant 0 : i32
    %dma_start3A_5 = arith.constant 0 : i32
    %dma_start3A_6 = tpu.memref_slice %arg5[%dma_start3A, %dma_start3A_5] : memref<32x1470xf32, #tpu.memory_space<vmem>> -> memref<8x1470xf32, #tpu.memory_space<vmem>>
    %dma_start3A_7 = arith.constant 0 : i32
    %dma_start3A_8 = tpu.memref_slice %arg2[%add3A_4, %dma_start3A_7] : memref<1024x1470xf32, #tpu.memory_space<hbm>> -> memref<8x1470xf32, #tpu.memory_space<hbm>>
    %dma_start3A_9 = arith.constant 0 : i32
    %dma_start3A_10 = arith.constant 0 : i32
    %dma_start3A_11 = tpu.memref_slice %arg5[%dma_start3A_9, %dma_start3A_10] : memref<32x1470xf32, #tpu.memory_space<vmem>> -> memref<8x1470xf32, #tpu.memory_space<vmem>>
    %dma_start3A_12 = arith.constant 0 : i32
    %dma_start3A_13 = tpu.memref_slice %arg2[%add3A_4, %dma_start3A_12] : memref<1024x1470xf32, #tpu.memory_space<hbm>> -> memref<8x1470xf32, #tpu.memory_space<hbm>>
    tpu.enqueue_dma source(%dma_start3A_13 : memref<8x1470xf32, #tpu.memory_space<hbm>>) target(%dma_start3A_11 : memref<8x1470xf32, #tpu.memory_space<vmem>>) target_semaphore(%arg8 : memref<!tpu.dma_semaphore, #tpu.memory_space<semaphore_mem>>)
    %add3A_14 = arith.constant 0 : i32
    %add3A_15 = arith.addi %mul3A_2, %add3A_14 : i32
    %dma_start3A_16 = arith.constant 0 : i32
    %dma_start3A_17 = arith.constant 0 : i32
    %dma_start3A_18 = tpu.memref_slice %arg6[%dma_start3A_16, %dma_start3A_17] : memref<32x1470xf32, #tpu.memory_space<vmem>> -> memref<8x1470xf32, #tpu.memory_space<vmem>>
    %dma_start3A_19 = arith.constant 0 : i32
    %dma_start3A_20 = tpu.memref_slice %arg3[%add3A_15, %dma_start3A_19] : memref<1024x1470xf32, #tpu.memory_space<hbm>> -> memref<8x1470xf32, #tpu.memory_space<hbm>>
    %dma_start3A_21 = arith.constant 0 : i32
    %dma_start3A_22 = arith.constant 0 : i32
    %dma_start3A_23 = tpu.memref_slice %arg6[%dma_start3A_21, %dma_start3A_22] : memref<32x1470xf32, #tpu.memory_space<vmem>> -> memref<8x1470xf32, #tpu.memory_space<vmem>>
    %dma_start3A_24 = arith.constant 0 : i32
    %dma_start3A_25 = tpu.memref_slice %arg3[%add3A_15, %dma_start3A_24] : memref<1024x1470xf32, #tpu.memory_space<hbm>> -> memref<8x1470xf32, #tpu.memory_space<hbm>>
    tpu.enqueue_dma source(%dma_start3A_25 : memref<8x1470xf32, #tpu.memory_space<hbm>>) target(%dma_start3A_23 : memref<8x1470xf32, #tpu.memory_space<vmem>>) target_semaphore(%arg9 : memref<!tpu.dma_semaphore, #tpu.memory_space<semaphore_mem>>)
    %add3A_26 = arith.constant 8 : i32
    %add3A_27 = arith.addi %mul3A_2, %add3A_26 : i32
    %dma_start3A_28 = arith.constant 8 : i32
    %dma_start3A_29 = arith.constant 0 : i32
    %dma_start3A_30 = tpu.memref_slice %arg5[%dma_start3A_28, %dma_start3A_29] : memref<32x1470xf32, #tpu.memory_space<vmem>> -> memref<8x1470xf32, #tpu.memory_space<vmem>>
    %dma_start3A_31 = arith.constant 0 : i32
    %dma_start3A_32 = tpu.memref_slice %arg2[%add3A_27, %dma_start3A_31] : memref<1024x1470xf32, #tpu.memory_space<hbm>> -> memref<8x1470xf32, #tpu.memory_space<hbm>>
    %dma_start3A_33 = arith.constant 8 : i32
    %dma_start3A_34 = arith.constant 0 : i32
    %dma_start3A_35 = tpu.memref_slice %arg5[%dma_start3A_33, %dma_start3A_34] : memref<32x1470xf32, #tpu.memory_space<vmem>> -> memref<8x1470xf32, #tpu.memory_space<vmem>>
    %dma_start3A_36 = arith.constant 0 : i32
    %dma_start3A_37 = tpu.memref_slice %arg2[%add3A_27, %dma_start3A_36] : memref<1024x1470xf32, #tpu.memory_space<hbm>> -> memref<8x1470xf32, #tpu.memory_space<hbm>>
    tpu.enqueue_dma source(%dma_start3A_37 : memref<8x1470xf32, #tpu.memory_space<hbm>>) target(%dma_start3A_35 : memref<8x1470xf32, #tpu.memory_space<vmem>>) target_semaphore(%arg10 : memref<!tpu.dma_semaphore, #tpu.memory_space<semaphore_mem>>)
    %add3A_38 = arith.constant 8 : i32
    %add3A_39 = arith.addi %mul3A_2, %add3A_38 : i32
    %dma_start3A_40 = arith.constant 8 : i32
    %dma_start3A_41 = arith.constant 0 : i32
    %dma_start3A_42 = tpu.memref_slice %arg6[%dma_start3A_40, %dma_start3A_41] : memref<32x1470xf32, #tpu.memory_space<vmem>> -> memref<8x1470xf32, #tpu.memory_space<vmem>>
    %dma_start3A_43 = arith.constant 0 : i32
    %dma_start3A_44 = tpu.memref_slice %arg3[%add3A_39, %dma_start3A_43] : memref<1024x1470xf32, #tpu.memory_space<hbm>> -> memref<8x1470xf32, #tpu.memory_space<hbm>>
    %dma_start3A_45 = arith.constant 8 : i32
    %dma_start3A_46 = arith.constant 0 : i32
    %dma_start3A_47 = tpu.memref_slice %arg6[%dma_start3A_45, %dma_start3A_46] : memref<32x1470xf32, #tpu.memory_space<vmem>> -> memref<8x1470xf32, #tpu.memory_space<vmem>>
    %dma_start3A_48 = arith.constant 0 : i32
    %dma_start3A_49 = tpu.memref_slice %arg3[%add3A_39, %dma_start3A_48] : memref<1024x1470xf32, #tpu.memory_space<hbm>> -> memref<8x1470xf32, #tpu.memory_space<hbm>>
    tpu.enqueue_dma source(%dma_start3A_49 : memref<8x1470xf32, #tpu.memory_space<hbm>>) target(%dma_start3A_47 : memref<8x1470xf32, #tpu.memory_space<vmem>>) target_semaphore(%arg11 : memref<!tpu.dma_semaphore, #tpu.memory_space<semaphore_mem>>)
    %add3A_50 = arith.constant 16 : i32
    %add3A_51 = arith.addi %mul3A_2, %add3A_50 : i32
    %dma_start3A_52 = arith.constant 16 : i32
    %dma_start3A_53 = arith.constant 0 : i32
    %dma_start3A_54 = tpu.memref_slice %arg5[%dma_start3A_52, %dma_start3A_53] : memref<32x1470xf32, #tpu.memory_space<vmem>> -> memref<8x1470xf32, #tpu.memory_space<vmem>>
    %dma_start3A_55 = arith.constant 0 : i32
    %dma_start3A_56 = tpu.memref_slice %arg2[%add3A_51, %dma_start3A_55] : memref<1024x1470xf32, #tpu.memory_space<hbm>> -> memref<8x1470xf32, #tpu.memory_space<hbm>>
    %dma_start3A_57 = arith.constant 16 : i32
    %dma_start3A_58 = arith.constant 0 : i32
    %dma_start3A_59 = tpu.memref_slice %arg5[%dma_start3A_57, %dma_start3A_58] : memref<32x1470xf32, #tpu.memory_space<vmem>> -> memref<8x1470xf32, #tpu.memory_space<vmem>>
    %dma_start3A_60 = arith.constant 0 : i32
    %dma_start3A_61 = tpu.memref_slice %arg2[%add3A_51, %dma_start3A_60] : memref<1024x1470xf32, #tpu.memory_space<hbm>> -> memref<8x1470xf32, #tpu.memory_space<hbm>>
    tpu.enqueue_dma source(%dma_start3A_61 : memref<8x1470xf32, #tpu.memory_space<hbm>>) target(%dma_start3A_59 : memref<8x1470xf32, #tpu.memory_space<vmem>>) target_semaphore(%arg12 : memref<!tpu.dma_semaphore, #tpu.memory_space<semaphore_mem>>)
    %add3A_62 = arith.constant 16 : i32
    %add3A_63 = arith.addi %mul3A_2, %add3A_62 : i32
    %dma_start3A_64 = arith.constant 16 : i32
    %dma_start3A_65 = arith.constant 0 : i32
    %dma_start3A_66 = tpu.memref_slice %arg6[%dma_start3A_64, %dma_start3A_65] : memref<32x1470xf32, #tpu.memory_space<vmem>> -> memref<8x1470xf32, #tpu.memory_space<vmem>>
    %dma_start3A_67 = arith.constant 0 : i32
    %dma_start3A_68 = tpu.memref_slice %arg3[%add3A_63, %dma_start3A_67] : memref<1024x1470xf32, #tpu.memory_space<hbm>> -> memref<8x1470xf32, #tpu.memory_space<hbm>>
    %dma_start3A_69 = arith.constant 16 : i32
    %dma_start3A_70 = arith.constant 0 : i32
    %dma_start3A_71 = tpu.memref_slice %arg6[%dma_start3A_69, %dma_start3A_70] : memref<32x1470xf32, #tpu.memory_space<vmem>> -> memref<8x1470xf32, #tpu.memory_space<vmem>>
    %dma_start3A_72 = arith.constant 0 : i32
    %dma_start3A_73 = tpu.memref_slice %arg3[%add3A_63, %dma_start3A_72] : memref<1024x1470xf32, #tpu.memory_space<hbm>> -> memref<8x1470xf32, #tpu.memory_space<hbm>>
    tpu.enqueue_dma source(%dma_start3A_73 : memref<8x1470xf32, #tpu.memory_space<hbm>>) target(%dma_start3A_71 : memref<8x1470xf32, #tpu.memory_space<vmem>>) target_semaphore(%arg13 : memref<!tpu.dma_semaphore, #tpu.memory_space<semaphore_mem>>)
    %add3A_74 = arith.constant 24 : i32
    %add3A_75 = arith.addi %mul3A_2, %add3A_74 : i32
    %dma_start3A_76 = arith.constant 24 : i32
    %dma_start3A_77 = arith.constant 0 : i32
    %dma_start3A_78 = tpu.memref_slice %arg5[%dma_start3A_76, %dma_start3A_77] : memref<32x1470xf32, #tpu.memory_space<vmem>> -> memref<8x1470xf32, #tpu.memory_space<vmem>>
    %dma_start3A_79 = arith.constant 0 : i32
    %dma_start3A_80 = tpu.memref_slice %arg2[%add3A_75, %dma_start3A_79] : memref<1024x1470xf32, #tpu.memory_space<hbm>> -> memref<8x1470xf32, #tpu.memory_space<hbm>>
    %dma_start3A_81 = arith.constant 24 : i32
    %dma_start3A_82 = arith.constant 0 : i32
    %dma_start3A_83 = tpu.memref_slice %arg5[%dma_start3A_81, %dma_start3A_82] : memref<32x1470xf32, #tpu.memory_space<vmem>> -> memref<8x1470xf32, #tpu.memory_space<vmem>>
    %dma_start3A_84 = arith.constant 0 : i32
    %dma_start3A_85 = tpu.memref_slice %arg2[%add3A_75, %dma_start3A_84] : memref<1024x1470xf32, #tpu.memory_space<hbm>> -> memref<8x1470xf32, #tpu.memory_space<hbm>>
    tpu.enqueue_dma source(%dma_start3A_85 : memref<8x1470xf32, #tpu.memory_space<hbm>>) target(%dma_start3A_83 : memref<8x1470xf32, #tpu.memory_space<vmem>>) target_semaphore(%arg14 : memref<!tpu.dma_semaphore, #tpu.memory_space<semaphore_mem>>)
    %add3A_86 = arith.constant 24 : i32
    %add3A_87 = arith.addi %mul3A_2, %add3A_86 : i32
    %dma_start3A_88 = arith.constant 24 : i32
    %dma_start3A_89 = arith.constant 0 : i32
    %dma_start3A_90 = tpu.memref_slice %arg6[%dma_start3A_88, %dma_start3A_89] : memref<32x1470xf32, #tpu.memory_space<vmem>> -> memref<8x1470xf32, #tpu.memory_space<vmem>>
    %dma_start3A_91 = arith.constant 0 : i32
    %dma_start3A_92 = tpu.memref_slice %arg3[%add3A_87, %dma_start3A_91] : memref<1024x1470xf32, #tpu.memory_space<hbm>> -> memref<8x1470xf32, #tpu.memory_space<hbm>>
    %dma_start3A_93 = arith.constant 24 : i32
    %dma_start3A_94 = arith.constant 0 : i32
    %dma_start3A_95 = tpu.memref_slice %arg6[%dma_start3A_93, %dma_start3A_94] : memref<32x1470xf32, #tpu.memory_space<vmem>> -> memref<8x1470xf32, #tpu.memory_space<vmem>>
    %dma_start3A_96 = arith.constant 0 : i32
    %dma_start3A_97 = tpu.memref_slice %arg3[%add3A_87, %dma_start3A_96] : memref<1024x1470xf32, #tpu.memory_space<hbm>> -> memref<8x1470xf32, #tpu.memory_space<hbm>>
    tpu.enqueue_dma source(%dma_start3A_97 : memref<8x1470xf32, #tpu.memory_space<hbm>>) target(%dma_start3A_95 : memref<8x1470xf32, #tpu.memory_space<vmem>>) target_semaphore(%arg15 : memref<!tpu.dma_semaphore, #tpu.memory_space<semaphore_mem>>)
    %broadcast_in_dim3A = arith.constant 0.000000e+00 : f32
    %broadcast_in_dim3A_98 = vector.broadcast %broadcast_in_dim3A : f32 to vector<16xf32>
    %mul3A_99 = arith.constant 0 : i32
    %mul3A_100 = vector.broadcast %mul3A_99 : i32 to vector<16xi32>
    %mul3A_101 = arith.muli %iota3A, %mul3A_100 : vector<16xi32>
    %mul3A_102 = arith.constant 30 : i32
    %mul3A_103 = vector.broadcast %mul3A_102 : i32 to vector<16xi32>
    %mul3A_104 = arith.muli %iota3A, %mul3A_103 : vector<16xi32>
    %dma_wait3A = arith.constant 0 : i32
    %dma_wait3A_105 = arith.constant 0 : i32
    %dma_wait3A_106 = tpu.memref_slice %arg5[%dma_wait3A, %dma_wait3A_105] : memref<32x1470xf32, #tpu.memory_space<vmem>> -> memref<8x1470xf32, #tpu.memory_space<vmem>>
    %dma_wait3A_107 = arith.constant 0 : i32
    %dma_wait3A_108 = tpu.memref_slice %arg2[%add3A_4, %dma_wait3A_107] : memref<1024x1470xf32, #tpu.memory_space<hbm>> -> memref<8x1470xf32, #tpu.memory_space<hbm>>
    %dma_wait3A_109 = arith.constant 0 : i32
    %dma_wait3A_110 = arith.constant 0 : i32
    %dma_wait3A_111 = tpu.memref_slice %arg5[%dma_wait3A_109, %dma_wait3A_110] : memref<32x1470xf32, #tpu.memory_space<vmem>> -> memref<8x1470xf32, #tpu.memory_space<vmem>>
    %dma_wait3A_112 = arith.constant 0 : i32
    %dma_wait3A_113 = tpu.memref_slice %arg2[%add3A_4, %dma_wait3A_112] : memref<1024x1470xf32, #tpu.memory_space<hbm>> -> memref<8x1470xf32, #tpu.memory_space<hbm>>
    tpu.wait_dma2 semaphore(%arg8 : memref<!tpu.dma_semaphore, #tpu.memory_space<semaphore_mem>>) src(%dma_wait3A_113 : memref<8x1470xf32, #tpu.memory_space<hbm>>) dst(%dma_wait3A_111 : memref<8x1470xf32, #tpu.memory_space<vmem>>)
    %dma_wait3A_114 = arith.constant 0 : i32
    %dma_wait3A_115 = arith.constant 0 : i32
    %dma_wait3A_116 = tpu.memref_slice %arg6[%dma_wait3A_114, %dma_wait3A_115] : memref<32x1470xf32, #tpu.memory_space<vmem>> -> memref<8x1470xf32, #tpu.memory_space<vmem>>
    %dma_wait3A_117 = arith.constant 0 : i32
    %dma_wait3A_118 = tpu.memref_slice %arg3[%add3A_15, %dma_wait3A_117] : memref<1024x1470xf32, #tpu.memory_space<hbm>> -> memref<8x1470xf32, #tpu.memory_space<hbm>>
    %dma_wait3A_119 = arith.constant 0 : i32
    %dma_wait3A_120 = arith.constant 0 : i32
    %dma_wait3A_121 = tpu.memref_slice %arg6[%dma_wait3A_119, %dma_wait3A_120] : memref<32x1470xf32, #tpu.memory_space<vmem>> -> memref<8x1470xf32, #tpu.memory_space<vmem>>
    %dma_wait3A_122 = arith.constant 0 : i32
    %dma_wait3A_123 = tpu.memref_slice %arg3[%add3A_15, %dma_wait3A_122] : memref<1024x1470xf32, #tpu.memory_space<hbm>> -> memref<8x1470xf32, #tpu.memory_space<hbm>>
    tpu.wait_dma2 semaphore(%arg9 : memref<!tpu.dma_semaphore, #tpu.memory_space<semaphore_mem>>) src(%dma_wait3A_123 : memref<8x1470xf32, #tpu.memory_space<hbm>>) dst(%dma_wait3A_121 : memref<8x1470xf32, #tpu.memory_space<vmem>>)
    %scan3A = arith.constant 0 : i32
    %scan3A_124 = arith.constant 12 : i32
    %scan3A_125 = arith.addi %scan3A, %scan3A_124 : i32
    %scan3A_126 = arith.constant 1 : i32
    %scan3A_127:3 = scf.for %scan3A_210 = %scan3A to %scan3A_125 step %scan3A_126 iter_args(%scan3A_211 = %broadcast_in_dim3A_98, %scan3A_212 = %mul3A_101, %scan3A_213 = %mul3A_104) -> (vector<16xf32>, vector<16xi32>, vector<16xi32>)  : i32 {
      %add3A_214 = arith.constant 0 : i32
      %add3A_215 = vector.broadcast %add3A_214 : i32 to vector<16xi32>
      %add3A_216 = arith.addi %scan3A_213, %add3A_215 : vector<16xi32>
      %gather3A = tpu.vector_load_idx %arg5[%scan3A_212, %add3A_216] : memref<32x1470xf32, #tpu.memory_space<vmem>>[vector<16xi32>, vector<16xi32>], vector<16xf32>,
      %add3A_217 = arith.constant 1 : i32
      %add3A_218 = vector.broadcast %add3A_217 : i32 to vector<16xi32>
      %add3A_219 = arith.addi %scan3A_213, %add3A_218 : vector<16xi32>
      %gather3A_220 = tpu.vector_load_idx %arg5[%scan3A_212, %add3A_219] : memref<32x1470xf32, #tpu.memory_space<vmem>>[vector<16xi32>, vector<16xi32>], vector<16xf32>,
      %add3A_221 = arith.constant 2 : i32
      %add3A_222 = vector.broadcast %add3A_221 : i32 to vector<16xi32>
      %add3A_223 = arith.addi %scan3A_213, %add3A_222 : vector<16xi32>
      %gather3A_224 = tpu.vector_load_idx %arg5[%scan3A_212, %add3A_223] : memref<32x1470xf32, #tpu.memory_space<vmem>>[vector<16xi32>, vector<16xi32>], vector<16xf32>,
      %add3A_225 = arith.constant 3 : i32
      %add3A_226 = vector.broadcast %add3A_225 : i32 to vector<16xi32>
      %add3A_227 = arith.addi %scan3A_213, %add3A_226 : vector<16xi32>
      %gather3A_228 = tpu.vector_load_idx %arg5[%scan3A_212, %add3A_227] : memref<32x1470xf32, #tpu.memory_space<vmem>>[vector<16xi32>, vector<16xi32>], vector<16xf32>,
      %add3A_229 = arith.constant 4 : i32
      %add3A_230 = vector.broadcast %add3A_229 : i32 to vector<16xi32>
      %add3A_231 = arith.addi %scan3A_213, %add3A_230 : vector<16xi32>
      %gather3A_232 = tpu.vector_load_idx %arg5[%scan3A_212, %add3A_231] : memref<32x1470xf32, #tpu.memory_space<vmem>>[vector<16xi32>, vector<16xi32>], vector<16xf32>,
      %add3A_233 = arith.constant 5 : i32
      %add3A_234 = vector.broadcast %add3A_233 : i32 to vector<16xi32>
      %add3A_235 = arith.addi %scan3A_213, %add3A_234 : vector<16xi32>
      %gather3A_236 = tpu.vector_load_idx %arg5[%scan3A_212, %add3A_235] : memref<32x1470xf32, #tpu.memory_space<vmem>>[vector<16xi32>, vector<16xi32>], vector<16xf32>,
      %add3A_237 = arith.constant 6 : i32
      %add3A_238 = vector.broadcast %add3A_237 : i32 to vector<16xi32>
      %add3A_239 = arith.addi %scan3A_213, %add3A_238 : vector<16xi32>
      %gather3A_240 = tpu.vector_load_idx %arg5[%scan3A_212, %add3A_239] : memref<32x1470xf32, #tpu.memory_space<vmem>>[vector<16xi32>, vector<16xi32>], vector<16xf32>,
      %add3A_241 = arith.constant 7 : i32
      %add3A_242 = vector.broadcast %add3A_241 : i32 to vector<16xi32>
      %add3A_243 = arith.addi %scan3A_213, %add3A_242 : vector<16xi32>
      %gather3A_244 = tpu.vector_load_idx %arg5[%scan3A_212, %add3A_243] : memref<32x1470xf32, #tpu.memory_space<vmem>>[vector<16xi32>, vector<16xi32>], vector<16xf32>,
      %add3A_245 = arith.constant 8 : i32
      %add3A_246 = vector.broadcast %add3A_245 : i32 to vector<16xi32>
      %add3A_247 = arith.addi %scan3A_213, %add3A_246 : vector<16xi32>
      %gather3A_248 = tpu.vector_load_idx %arg5[%scan3A_212, %add3A_247] : memref<32x1470xf32, #tpu.memory_space<vmem>>[vector<16xi32>, vector<16xi32>], vector<16xf32>,
      %add3A_249 = arith.constant 9 : i32
      %add3A_250 = vector.broadcast %add3A_249 : i32 to vector<16xi32>
      %add3A_251 = arith.addi %scan3A_213, %add3A_250 : vector<16xi32>
      %gather3A_252 = tpu.vector_load_idx %arg5[%scan3A_212, %add3A_251] : memref<32x1470xf32, #tpu.memory_space<vmem>>[vector<16xi32>, vector<16xi32>], vector<16xf32>,
      %add3A_253 = arith.constant 0 : i32
      %add3A_254 = vector.broadcast %add3A_253 : i32 to vector<16xi32>
      %add3A_255 = arith.addi %scan3A_213, %add3A_254 : vector<16xi32>
      %gather3A_256 = tpu.vector_load_idx %arg6[%scan3A_212, %add3A_255] : memref<32x1470xf32, #tpu.memory_space<vmem>>[vector<16xi32>, vector<16xi32>], vector<16xf32>,
      %add3A_257 = arith.constant 1 : i32
      %add3A_258 = vector.broadcast %add3A_257 : i32 to vector<16xi32>
      %add3A_259 = arith.addi %scan3A_213, %add3A_258 : vector<16xi32>
      %gather3A_260 = tpu.vector_load_idx %arg6[%scan3A_212, %add3A_259] : memref<32x1470xf32, #tpu.memory_space<vmem>>[vector<16xi32>, vector<16xi32>], vector<16xf32>,
      %add3A_261 = arith.constant 2 : i32
      %add3A_262 = vector.broadcast %add3A_261 : i32 to vector<16xi32>
      %add3A_263 = arith.addi %scan3A_213, %add3A_262 : vector<16xi32>
      %gather3A_264 = tpu.vector_load_idx %arg6[%scan3A_212, %add3A_263] : memref<32x1470xf32, #tpu.memory_space<vmem>>[vector<16xi32>, vector<16xi32>], vector<16xf32>,
      %add3A_265 = arith.constant 3 : i32
      %add3A_266 = vector.broadcast %add3A_265 : i32 to vector<16xi32>
      %add3A_267 = arith.addi %scan3A_213, %add3A_266 : vector<16xi32>
      %gather3A_268 = tpu.vector_load_idx %arg6[%scan3A_212, %add3A_267] : memref<32x1470xf32, #tpu.memory_space<vmem>>[vector<16xi32>, vector<16xi32>], vector<16xf32>,
      %add3A_269 = arith.constant 4 : i32
      %add3A_270 = vector.broadcast %add3A_269 : i32 to vector<16xi32>
      %add3A_271 = arith.addi %scan3A_213, %add3A_270 : vector<16xi32>
      %gather3A_272 = tpu.vector_load_idx %arg6[%scan3A_212, %add3A_271] : memref<32x1470xf32, #tpu.memory_space<vmem>>[vector<16xi32>, vector<16xi32>], vector<16xf32>,
      %add3A_273 = arith.constant 5 : i32
      %add3A_274 = vector.broadcast %add3A_273 : i32 to vector<16xi32>
      %add3A_275 = arith.addi %scan3A_213, %add3A_274 : vector<16xi32>
      %gather3A_276 = tpu.vector_load_idx %arg6[%scan3A_212, %add3A_275] : memref<32x1470xf32, #tpu.memory_space<vmem>>[vector<16xi32>, vector<16xi32>], vector<16xf32>,
      %add3A_277 = arith.constant 6 : i32
      %add3A_278 = vector.broadcast %add3A_277 : i32 to vector<16xi32>
      %add3A_279 = arith.addi %scan3A_213, %add3A_278 : vector<16xi32>
      %gather3A_280 = tpu.vector_load_idx %arg6[%scan3A_212, %add3A_279] : memref<32x1470xf32, #tpu.memory_space<vmem>>[vector<16xi32>, vector<16xi32>], vector<16xf32>,
      %add3A_281 = arith.constant 7 : i32
      %add3A_282 = vector.broadcast %add3A_281 : i32 to vector<16xi32>
      %add3A_283 = arith.addi %scan3A_213, %add3A_282 : vector<16xi32>
      %gather3A_284 = tpu.vector_load_idx %arg6[%scan3A_212, %add3A_283] : memref<32x1470xf32, #tpu.memory_space<vmem>>[vector<16xi32>, vector<16xi32>], vector<16xf32>,
      %add3A_285 = arith.constant 8 : i32
      %add3A_286 = vector.broadcast %add3A_285 : i32 to vector<16xi32>
      %add3A_287 = arith.addi %scan3A_213, %add3A_286 : vector<16xi32>
      %gather3A_288 = tpu.vector_load_idx %arg6[%scan3A_212, %add3A_287] : memref<32x1470xf32, #tpu.memory_space<vmem>>[vector<16xi32>, vector<16xi32>], vector<16xf32>,
      %add3A_289 = arith.constant 9 : i32
      %add3A_290 = vector.broadcast %add3A_289 : i32 to vector<16xi32>
      %add3A_291 = arith.addi %scan3A_213, %add3A_290 : vector<16xi32>
      %gather3A_292 = tpu.vector_load_idx %arg6[%scan3A_212, %add3A_291] : memref<32x1470xf32, #tpu.memory_space<vmem>>[vector<16xi32>, vector<16xi32>], vector<16xf32>,
      %gt3A = arith.constant 0.000000e+00 : f32
      %gt3A_293 = vector.broadcast %gt3A : f32 to vector<16xf32>
      %gt3A_294 = arith.cmpf ogt, %gather3A_272, %gt3A_293 : vector<16xf32>
      %jit3A = arith.constant 1.000000e+00 : f32
      %jit3A_295 = arith.constant 0.000000e+00 : f32
      %broadcast_in_dim3A_296 = vector.broadcast %jit3A : f32 to vector<16xf32>
      %broadcast_in_dim3A_297 = vector.broadcast %jit3A_295 : f32 to vector<16xf32>
      %select_n3A = arith.select %gt3A_294, %broadcast_in_dim3A_296, %broadcast_in_dim3A_297 : vector<16xi1>, vector<16xf32>
      %mul3A_298 = arith.constant 0.0714285746 : f32
      %mul3A_299 = vector.broadcast %mul3A_298 : f32 to vector<16xf32>
      %mul3A_300 = arith.mulf %gather3A_256, %mul3A_299 : vector<16xf32>
      %mul3A_301 = arith.constant 0.0714285746 : f32
      %mul3A_302 = vector.broadcast %mul3A_301 : f32 to vector<16xf32>
      %mul3A_303 = arith.mulf %gather3A_260, %mul3A_302 : vector<16xf32>
      %mul3A_304 = arith.constant 5.000000e-01 : f32
      %mul3A_305 = vector.broadcast %mul3A_304 : f32 to vector<16xf32>
      %mul3A_306 = arith.mulf %mul3A_305, %gather3A_264 : vector<16xf32>
      %sub3A = arith.subf %mul3A_300, %mul3A_306 : vector<16xf32>
      %mul3A_307 = arith.constant 5.000000e-01 : f32
      %mul3A_308 = vector.broadcast %mul3A_307 : f32 to vector<16xf32>
      %mul3A_309 = arith.mulf %mul3A_308, %gather3A_268 : vector<16xf32>
      %sub3A_310 = arith.subf %mul3A_303, %mul3A_309 : vector<16xf32>
      %mul3A_311 = arith.constant 5.000000e-01 : f32
      %mul3A_312 = vector.broadcast %mul3A_311 : f32 to vector<16xf32>
      %mul3A_313 = arith.mulf %mul3A_312, %gather3A_264 : vector<16xf32>
      %add3A_314 = arith.addf %mul3A_300, %mul3A_313 : vector<16xf32>
      %mul3A_315 = arith.constant 5.000000e-01 : f32
      %mul3A_316 = vector.broadcast %mul3A_315 : f32 to vector<16xf32>
      %mul3A_317 = arith.mulf %mul3A_316, %gather3A_268 : vector<16xf32>
      %add3A_318 = arith.addf %mul3A_303, %mul3A_317 : vector<16xf32>
      %mul3A_319 = arith.mulf %gather3A_264, %gather3A_268 : vector<16xf32>
      %mul3A_320 = arith.constant 0.0714285746 : f32
      %mul3A_321 = vector.broadcast %mul3A_320 : f32 to vector<16xf32>
      %mul3A_322 = arith.mulf %gather3A, %mul3A_321 : vector<16xf32>
      %mul3A_323 = arith.constant 0.0714285746 : f32
      %mul3A_324 = vector.broadcast %mul3A_323 : f32 to vector<16xf32>
      %mul3A_325 = arith.mulf %gather3A_220, %mul3A_324 : vector<16xf32>
      %mul3A_326 = arith.constant 5.000000e-01 : f32
      %mul3A_327 = vector.broadcast %mul3A_326 : f32 to vector<16xf32>
      %mul3A_328 = arith.mulf %mul3A_327, %gather3A_224 : vector<16xf32>
      %sub3A_329 = arith.subf %mul3A_322, %mul3A_328 : vector<16xf32>
      %max3A = arith.maximumf %sub3A_329, %sub3A : vector<16xf32>
      %mul3A_330 = arith.constant 5.000000e-01 : f32
      %mul3A_331 = vector.broadcast %mul3A_330 : f32 to vector<16xf32>
      %mul3A_332 = arith.mulf %mul3A_331, %gather3A_228 : vector<16xf32>
      %sub3A_333 = arith.subf %mul3A_325, %mul3A_332 : vector<16xf32>
      %max3A_334 = arith.maximumf %sub3A_333, %sub3A_310 : vector<16xf32>
      %mul3A_335 = arith.constant 5.000000e-01 : f32
      %mul3A_336 = vector.broadcast %mul3A_335 : f32 to vector<16xf32>
      %mul3A_337 = arith.mulf %mul3A_336, %gather3A_224 : vector<16xf32>
      %add3A_338 = arith.addf %mul3A_322, %mul3A_337 : vector<16xf32>
      %min3A = arith.minimumf %add3A_338, %add3A_314 : vector<16xf32>
      %mul3A_339 = arith.constant 5.000000e-01 : f32
      %mul3A_340 = vector.broadcast %mul3A_339 : f32 to vector<16xf32>
      %mul3A_341 = arith.mulf %mul3A_340, %gather3A_228 : vector<16xf32>
      %add3A_342 = arith.addf %mul3A_325, %mul3A_341 : vector<16xf32>
      %min3A_343 = arith.minimumf %add3A_342, %add3A_318 : vector<16xf32>
      %sub3A_344 = arith.subf %min3A, %max3A : vector<16xf32>
      %max3A_345 = arith.constant 0.000000e+00 : f32
      %max3A_346 = vector.broadcast %max3A_345 : f32 to vector<16xf32>
      %max3A_347 = arith.maximumf %sub3A_344, %max3A_346 : vector<16xf32>
      %sub3A_348 = arith.subf %min3A_343, %max3A_334 : vector<16xf32>
      %max3A_349 = arith.constant 0.000000e+00 : f32
      %max3A_350 = vector.broadcast %max3A_349 : f32 to vector<16xf32>
      %max3A_351 = arith.maximumf %sub3A_348, %max3A_350 : vector<16xf32>
      %mul3A_352 = arith.mulf %max3A_347, %max3A_351 : vector<16xf32>
      %mul3A_353 = arith.mulf %gather3A_224, %gather3A_228 : vector<16xf32>
      %add3A_354 = arith.addf %mul3A_353, %mul3A_319 : vector<16xf32>
      %sub3A_355 = arith.subf %add3A_354, %mul3A_352 : vector<16xf32>
      %div3A = arith.divf %mul3A_352, %sub3A_355 : vector<16xf32>
      %mul3A_356 = arith.constant 0.0714285746 : f32
      %mul3A_357 = vector.broadcast %mul3A_356 : f32 to vector<16xf32>
      %mul3A_358 = arith.mulf %gather3A_236, %mul3A_357 : vector<16xf32>
      %mul3A_359 = arith.constant 0.0714285746 : f32
      %mul3A_360 = vector.broadcast %mul3A_359 : f32 to vector<16xf32>
      %mul3A_361 = arith.mulf %gather3A_240, %mul3A_360 : vector<16xf32>
      %mul3A_362 = arith.constant 5.000000e-01 : f32
      %mul3A_363 = vector.broadcast %mul3A_362 : f32 to vector<16xf32>
      %mul3A_364 = arith.mulf %mul3A_363, %gather3A_244 : vector<16xf32>
      %sub3A_365 = arith.subf %mul3A_358, %mul3A_364 : vector<16xf32>
      %max3A_366 = arith.maximumf %sub3A_365, %sub3A : vector<16xf32>
      %mul3A_367 = arith.constant 5.000000e-01 : f32
      %mul3A_368 = vector.broadcast %mul3A_367 : f32 to vector<16xf32>
      %mul3A_369 = arith.mulf %mul3A_368, %gather3A_248 : vector<16xf32>
      %sub3A_370 = arith.subf %mul3A_361, %mul3A_369 : vector<16xf32>
      %max3A_371 = arith.maximumf %sub3A_370, %sub3A_310 : vector<16xf32>
      %mul3A_372 = arith.constant 5.000000e-01 : f32
      %mul3A_373 = vector.broadcast %mul3A_372 : f32 to vector<16xf32>
      %mul3A_374 = arith.mulf %mul3A_373, %gather3A_244 : vector<16xf32>
      %add3A_375 = arith.addf %mul3A_358, %mul3A_374 : vector<16xf32>
      %min3A_376 = arith.minimumf %add3A_375, %add3A_314 : vector<16xf32>
      %mul3A_377 = arith.constant 5.000000e-01 : f32
      %mul3A_378 = vector.broadcast %mul3A_377 : f32 to vector<16xf32>
      %mul3A_379 = arith.mulf %mul3A_378, %gather3A_248 : vector<16xf32>
      %add3A_380 = arith.addf %mul3A_361, %mul3A_379 : vector<16xf32>
      %min3A_381 = arith.minimumf %add3A_380, %add3A_318 : vector<16xf32>
      %sub3A_382 = arith.subf %min3A_376, %max3A_366 : vector<16xf32>
      %max3A_383 = arith.constant 0.000000e+00 : f32
      %max3A_384 = vector.broadcast %max3A_383 : f32 to vector<16xf32>
      %max3A_385 = arith.maximumf %sub3A_382, %max3A_384 : vector<16xf32>
      %sub3A_386 = arith.subf %min3A_381, %max3A_371 : vector<16xf32>
      %max3A_387 = arith.constant 0.000000e+00 : f32
      %max3A_388 = vector.broadcast %max3A_387 : f32 to vector<16xf32>
      %max3A_389 = arith.maximumf %sub3A_386, %max3A_388 : vector<16xf32>
      %mul3A_390 = arith.mulf %max3A_385, %max3A_389 : vector<16xf32>
      %mul3A_391 = arith.mulf %gather3A_244, %gather3A_248 : vector<16xf32>
      %add3A_392 = arith.addf %mul3A_391, %mul3A_319 : vector<16xf32>
      %sub3A_393 = arith.subf %add3A_392, %mul3A_390 : vector<16xf32>
      %div3A_394 = arith.divf %mul3A_390, %sub3A_393 : vector<16xf32>
      %gt3A_395 = arith.cmpf ogt, %div3A_394, %div3A : vector<16xf32>
      %max3A_396 = arith.maximumf %div3A, %div3A_394 : vector<16xf32>
      %select_n3A_397 = arith.select %gt3A_395, %gather3A_236, %gather3A : vector<16xi1>, vector<16xf32>
      %select_n3A_398 = arith.select %gt3A_395, %gather3A_240, %gather3A_220 : vector<16xi1>, vector<16xf32>
      %select_n3A_399 = arith.select %gt3A_395, %gather3A_244, %gather3A_224 : vector<16xi1>, vector<16xf32>
      %select_n3A_400 = arith.select %gt3A_395, %gather3A_248, %gather3A_228 : vector<16xi1>, vector<16xf32>
      %select_n3A_401 = arith.select %gt3A_395, %gather3A_252, %gather3A_232 : vector<16xi1>, vector<16xf32>
      %select_n3A_402 = arith.select %gt3A_395, %gather3A_232, %gather3A_252 : vector<16xi1>, vector<16xf32>
      %select_n3A_403 = arith.select %gt3A_395, %gather3A_276, %gather3A_256 : vector<16xi1>, vector<16xf32>
      %select_n3A_404 = arith.select %gt3A_395, %gather3A_280, %gather3A_260 : vector<16xi1>, vector<16xf32>
      %select_n3A_405 = arith.select %gt3A_395, %gather3A_284, %gather3A_264 : vector<16xi1>, vector<16xf32>
      %select_n3A_406 = arith.select %gt3A_395, %gather3A_288, %gather3A_268 : vector<16xi1>, vector<16xf32>
      %sub3A_407 = arith.subf %select_n3A_397, %select_n3A_403 : vector<16xf32>
      %sub3A_408 = arith.subf %select_n3A_398, %select_n3A_404 : vector<16xf32>
      %add3A_409 = arith.addf %select_n3A_399, %select_n3A_405 : vector<16xf32>
      %mul3A_410 = arith.mulf %select_n3A_399, %select_n3A_405 : vector<16xf32>
      %bitcast_convert_type3A = tpu.bitcast %mul3A_410 : vector<16xf32> -> vector<16xi32>
      %shift_right_logical3A = arith.constant 1 : i32
      %shift_right_logical3A_411 = vector.broadcast %shift_right_logical3A : i32 to vector<16xi32>
      %shift_right_logical3A_412 = arith.shrui %bitcast_convert_type3A, %shift_right_logical3A_411 : vector<16xi32>
      %sub3A_413 = arith.constant 1597463007 : i32
      %sub3A_414 = vector.broadcast %sub3A_413 : i32 to vector<16xi32>
      %sub3A_415 = arith.subi %sub3A_414, %shift_right_logical3A_412 : vector<16xi32>
      %bitcast_convert_type3A_416 = tpu.bitcast %sub3A_415 : vector<16xi32> -> vector<16xf32>
      %mul3A_417 = arith.constant 5.000000e-01 : f32
      %mul3A_418 = vector.broadcast %mul3A_417 : f32 to vector<16xf32>
      %mul3A_419 = arith.mulf %mul3A_418, %mul3A_410 : vector<16xf32>
      %mul3A_420 = arith.mulf %mul3A_419, %bitcast_convert_type3A_416 : vector<16xf32>
      %mul3A_421 = arith.mulf %mul3A_420, %bitcast_convert_type3A_416 : vector<16xf32>
      %sub3A_422 = arith.constant 1.500000e+00 : f32
      %sub3A_423 = vector.broadcast %sub3A_422 : f32 to vector<16xf32>
      %sub3A_424 = arith.subf %sub3A_423, %mul3A_421 : vector<16xf32>
      %mul3A_425 = arith.mulf %bitcast_convert_type3A_416, %sub3A_424 : vector<16xf32>
      %mul3A_426 = arith.constant 5.000000e-01 : f32
      %mul3A_427 = vector.broadcast %mul3A_426 : f32 to vector<16xf32>
      %mul3A_428 = arith.mulf %mul3A_427, %mul3A_410 : vector<16xf32>
      %mul3A_429 = arith.mulf %mul3A_428, %mul3A_425 : vector<16xf32>
      %mul3A_430 = arith.mulf %mul3A_429, %mul3A_425 : vector<16xf32>
      %sub3A_431 = arith.constant 1.500000e+00 : f32
      %sub3A_432 = vector.broadcast %sub3A_431 : f32 to vector<16xf32>
      %sub3A_433 = arith.subf %sub3A_432, %mul3A_430 : vector<16xf32>
      %mul3A_434 = arith.mulf %mul3A_425, %sub3A_433 : vector<16xf32>
      %mul3A_435 = arith.constant 5.000000e-01 : f32
      %mul3A_436 = vector.broadcast %mul3A_435 : f32 to vector<16xf32>
      %mul3A_437 = arith.mulf %mul3A_436, %mul3A_410 : vector<16xf32>
      %mul3A_438 = arith.mulf %mul3A_437, %mul3A_434 : vector<16xf32>
      %mul3A_439 = arith.mulf %mul3A_438, %mul3A_434 : vector<16xf32>
      %sub3A_440 = arith.constant 1.500000e+00 : f32
      %sub3A_441 = vector.broadcast %sub3A_440 : f32 to vector<16xf32>
      %sub3A_442 = arith.subf %sub3A_441, %mul3A_439 : vector<16xf32>
      %mul3A_443 = arith.mulf %mul3A_434, %sub3A_442 : vector<16xf32>
      %mul3A_444 = arith.mulf %mul3A_410, %mul3A_443 : vector<16xf32>
      %mul3A_445 = arith.constant 2.000000e+00 : f32
      %mul3A_446 = vector.broadcast %mul3A_445 : f32 to vector<16xf32>
      %mul3A_447 = arith.mulf %mul3A_446, %mul3A_444 : vector<16xf32>
      %sub3A_448 = arith.subf %add3A_409, %mul3A_447 : vector<16xf32>
      %add3A_449 = arith.addf %select_n3A_400, %select_n3A_406 : vector<16xf32>
      %mul3A_450 = arith.mulf %select_n3A_400, %select_n3A_406 : vector<16xf32>
      %bitcast_convert_type3A_451 = tpu.bitcast %mul3A_450 : vector<16xf32> -> vector<16xi32>
      %shift_right_logical3A_452 = arith.constant 1 : i32
      %shift_right_logical3A_453 = vector.broadcast %shift_right_logical3A_452 : i32 to vector<16xi32>
      %shift_right_logical3A_454 = arith.shrui %bitcast_convert_type3A_451, %shift_right_logical3A_453 : vector<16xi32>
      %sub3A_455 = arith.constant 1597463007 : i32
      %sub3A_456 = vector.broadcast %sub3A_455 : i32 to vector<16xi32>
      %sub3A_457 = arith.subi %sub3A_456, %shift_right_logical3A_454 : vector<16xi32>
      %bitcast_convert_type3A_458 = tpu.bitcast %sub3A_457 : vector<16xi32> -> vector<16xf32>
      %mul3A_459 = arith.constant 5.000000e-01 : f32
      %mul3A_460 = vector.broadcast %mul3A_459 : f32 to vector<16xf32>
      %mul3A_461 = arith.mulf %mul3A_460, %mul3A_450 : vector<16xf32>
      %mul3A_462 = arith.mulf %mul3A_461, %bitcast_convert_type3A_458 : vector<16xf32>
      %mul3A_463 = arith.mulf %mul3A_462, %bitcast_convert_type3A_458 : vector<16xf32>
      %sub3A_464 = arith.constant 1.500000e+00 : f32
      %sub3A_465 = vector.broadcast %sub3A_464 : f32 to vector<16xf32>
      %sub3A_466 = arith.subf %sub3A_465, %mul3A_463 : vector<16xf32>
      %mul3A_467 = arith.mulf %bitcast_convert_type3A_458, %sub3A_466 : vector<16xf32>
      %mul3A_468 = arith.constant 5.000000e-01 : f32
      %mul3A_469 = vector.broadcast %mul3A_468 : f32 to vector<16xf32>
      %mul3A_470 = arith.mulf %mul3A_469, %mul3A_450 : vector<16xf32>
      %mul3A_471 = arith.mulf %mul3A_470, %mul3A_467 : vector<16xf32>
      %mul3A_472 = arith.mulf %mul3A_471, %mul3A_467 : vector<16xf32>
      %sub3A_473 = arith.constant 1.500000e+00 : f32
      %sub3A_474 = vector.broadcast %sub3A_473 : f32 to vector<16xf32>
      %sub3A_475 = arith.subf %sub3A_474, %mul3A_472 : vector<16xf32>
      %mul3A_476 = arith.mulf %mul3A_467, %sub3A_475 : vector<16xf32>
      %mul3A_477 = arith.constant 5.000000e-01 : f32
      %mul3A_478 = vector.broadcast %mul3A_477 : f32 to vector<16xf32>
      %mul3A_479 = arith.mulf %mul3A_478, %mul3A_450 : vector<16xf32>
      %mul3A_480 = arith.mulf %mul3A_479, %mul3A_476 : vector<16xf32>
      %mul3A_481 = arith.mulf %mul3A_480, %mul3A_476 : vector<16xf32>
      %sub3A_482 = arith.constant 1.500000e+00 : f32
      %sub3A_483 = vector.broadcast %sub3A_482 : f32 to vector<16xf32>
      %sub3A_484 = arith.subf %sub3A_483, %mul3A_481 : vector<16xf32>
      %mul3A_485 = arith.mulf %mul3A_476, %sub3A_484 : vector<16xf32>
      %mul3A_486 = arith.mulf %mul3A_450, %mul3A_485 : vector<16xf32>
      %mul3A_487 = arith.constant 2.000000e+00 : f32
      %mul3A_488 = vector.broadcast %mul3A_487 : f32 to vector<16xf32>
      %mul3A_489 = arith.mulf %mul3A_488, %mul3A_486 : vector<16xf32>
      %sub3A_490 = arith.subf %add3A_449, %mul3A_489 : vector<16xf32>
      %mul3A_491 = arith.mulf %sub3A_407, %sub3A_407 : vector<16xf32>
      %mul3A_492 = arith.mulf %sub3A_408, %sub3A_408 : vector<16xf32>
      %add3A_493 = arith.addf %mul3A_491, %mul3A_492 : vector<16xf32>
      %add3A_494 = arith.addf %add3A_493, %sub3A_448 : vector<16xf32>
      %add3A_495 = arith.addf %add3A_494, %sub3A_490 : vector<16xf32>
      %sub3A_496 = arith.subf %select_n3A_401, %max3A_396 : vector<16xf32>
      %mul3A_497 = arith.mulf %sub3A_496, %sub3A_496 : vector<16xf32>
      %mul3A_498 = arith.constant 5.000000e+00 : f32
      %mul3A_499 = vector.broadcast %mul3A_498 : f32 to vector<16xf32>
      %mul3A_500 = arith.mulf %mul3A_499, %add3A_495 : vector<16xf32>
      %mul3A_501 = arith.constant 2.000000e+00 : f32
      %mul3A_502 = vector.broadcast %mul3A_501 : f32 to vector<16xf32>
      %mul3A_503 = arith.mulf %mul3A_502, %mul3A_497 : vector<16xf32>
      %add3A_504 = arith.addf %mul3A_500, %mul3A_503 : vector<16xf32>
      %mul3A_505 = arith.mulf %select_n3A_402, %select_n3A_402 : vector<16xf32>
      %add3A_506 = arith.addf %add3A_504, %mul3A_505 : vector<16xf32>
      %mul3A_507 = arith.mulf %select_n3A, %add3A_506 : vector<16xf32>
      %add3A_508 = arith.addf %scan3A_211, %mul3A_507 : vector<16xf32>
      %add3A_509 = arith.constant 480 : i32
      %add3A_510 = vector.broadcast %add3A_509 : i32 to vector<16xi32>
      %add3A_511 = arith.addi %scan3A_213, %add3A_510 : vector<16xi32>
      %ge3A = arith.constant 1470 : i32
      %ge3A_512 = vector.broadcast %ge3A : i32 to vector<16xi32>
      %ge3A_513 = arith.cmpi sge, %add3A_511, %ge3A_512 : vector<16xi32>
      %jit3A_514 = arith.constant 1 : i32
      %jit3A_515 = arith.constant 0 : i32
      %broadcast_in_dim3A_516 = vector.broadcast %jit3A_514 : i32 to vector<16xi32>
      %broadcast_in_dim3A_517 = vector.broadcast %jit3A_515 : i32 to vector<16xi32>
      %select_n3A_518 = arith.select %ge3A_513, %broadcast_in_dim3A_516, %broadcast_in_dim3A_517 : vector<16xi1>, vector<16xi32>
      %add3A_519 = arith.addi %scan3A_212, %select_n3A_518 : vector<16xi32>
      %jit3A_520 = arith.constant 1470 : i32
      %jit3A_521 = arith.constant 0 : i32
      %broadcast_in_dim3A_522 = vector.broadcast %jit3A_520 : i32 to vector<16xi32>
      %broadcast_in_dim3A_523 = vector.broadcast %jit3A_521 : i32 to vector<16xi32>
      %select_n3A_524 = arith.select %ge3A_513, %broadcast_in_dim3A_522, %broadcast_in_dim3A_523 : vector<16xi1>, vector<16xi32>
      %sub3A_525 = arith.subi %add3A_511, %select_n3A_524 : vector<16xi32>
      %add3A_526 = arith.constant 0 : i32
      %add3A_527 = vector.broadcast %add3A_526 : i32 to vector<16xi32>
      %add3A_528 = arith.addi %sub3A_525, %add3A_527 : vector<16xi32>
      %gather3A_529 = tpu.vector_load_idx %arg5[%add3A_519, %add3A_528] : memref<32x1470xf32, #tpu.memory_space<vmem>>[vector<16xi32>, vector<16xi32>], vector<16xf32>,
      %add3A_530 = arith.constant 1 : i32
      %add3A_531 = vector.broadcast %add3A_530 : i32 to vector<16xi32>
      %add3A_532 = arith.addi %sub3A_525, %add3A_531 : vector<16xi32>
      %gather3A_533 = tpu.vector_load_idx %arg5[%add3A_519, %add3A_532] : memref<32x1470xf32, #tpu.memory_space<vmem>>[vector<16xi32>, vector<16xi32>], vector<16xf32>,
      %add3A_534 = arith.constant 2 : i32
      %add3A_535 = vector.broadcast %add3A_534 : i32 to vector<16xi32>
      %add3A_536 = arith.addi %sub3A_525, %add3A_535 : vector<16xi32>
      %gather3A_537 = tpu.vector_load_idx %arg5[%add3A_519, %add3A_536] : memref<32x1470xf32, #tpu.memory_space<vmem>>[vector<16xi32>, vector<16xi32>], vector<16xf32>,
      %add3A_538 = arith.constant 3 : i32
      %add3A_539 = vector.broadcast %add3A_538 : i32 to vector<16xi32>
      %add3A_540 = arith.addi %sub3A_525, %add3A_539 : vector<16xi32>
      %gather3A_541 = tpu.vector_load_idx %arg5[%add3A_519, %add3A_540] : memref<32x1470xf32, #tpu.memory_space<vmem>>[vector<16xi32>, vector<16xi32>], vector<16xf32>,
      %add3A_542 = arith.constant 4 : i32
      %add3A_543 = vector.broadcast %add3A_542 : i32 to vector<16xi32>
      %add3A_544 = arith.addi %sub3A_525, %add3A_543 : vector<16xi32>
      %gather3A_545 = tpu.vector_load_idx %arg5[%add3A_519, %add3A_544] : memref<32x1470xf32, #tpu.memory_space<vmem>>[vector<16xi32>, vector<16xi32>], vector<16xf32>,
      %add3A_546 = arith.constant 5 : i32
      %add3A_547 = vector.broadcast %add3A_546 : i32 to vector<16xi32>
      %add3A_548 = arith.addi %sub3A_525, %add3A_547 : vector<16xi32>
      %gather3A_549 = tpu.vector_load_idx %arg5[%add3A_519, %add3A_548] : memref<32x1470xf32, #tpu.memory_space<vmem>>[vector<16xi32>, vector<16xi32>], vector<16xf32>,
      %add3A_550 = arith.constant 6 : i32
      %add3A_551 = vector.broadcast %add3A_550 : i32 to vector<16xi32>
      %add3A_552 = arith.addi %sub3A_525, %add3A_551 : vector<16xi32>
      %gather3A_553 = tpu.vector_load_idx %arg5[%add3A_519, %add3A_552] : memref<32x1470xf32, #tpu.memory_space<vmem>>[vector<16xi32>, vector<16xi32>], vector<16xf32>,
      %add3A_554 = arith.constant 7 : i32
      %add3A_555 = vector.broadcast %add3A_554 : i32 to vector<16xi32>
      %add3A_556 = arith.addi %sub3A_525, %add3A_555 : vector<16xi32>
      %gather3A_557 = tpu.vector_load_idx %arg5[%add3A_519, %add3A_556] : memref<32x1470xf32, #tpu.memory_space<vmem>>[vector<16xi32>, vector<16xi32>], vector<16xf32>,
      %add3A_558 = arith.constant 8 : i32
      %add3A_559 = vector.broadcast %add3A_558 : i32 to vector<16xi32>
      %add3A_560 = arith.addi %sub3A_525, %add3A_559 : vector<16xi32>
      %gather3A_561 = tpu.vector_load_idx %arg5[%add3A_519, %add3A_560] : memref<32x1470xf32, #tpu.memory_space<vmem>>[vector<16xi32>, vector<16xi32>], vector<16xf32>,
      %add3A_562 = arith.constant 9 : i32
      %add3A_563 = vector.broadcast %add3A_562 : i32 to vector<16xi32>
      %add3A_564 = arith.addi %sub3A_525, %add3A_563 : vector<16xi32>
      %gather3A_565 = tpu.vector_load_idx %arg5[%add3A_519, %add3A_564] : memref<32x1470xf32, #tpu.memory_space<vmem>>[vector<16xi32>, vector<16xi32>], vector<16xf32>,
      %add3A_566 = arith.constant 0 : i32
      %add3A_567 = vector.broadcast %add3A_566 : i32 to vector<16xi32>
      %add3A_568 = arith.addi %sub3A_525, %add3A_567 : vector<16xi32>
      %gather3A_569 = tpu.vector_load_idx %arg6[%add3A_519, %add3A_568] : memref<32x1470xf32, #tpu.memory_space<vmem>>[vector<16xi32>, vector<16xi32>], vector<16xf32>,
      %add3A_570 = arith.constant 1 : i32
      %add3A_571 = vector.broadcast %add3A_570 : i32 to vector<16xi32>
      %add3A_572 = arith.addi %sub3A_525, %add3A_571 : vector<16xi32>
      %gather3A_573 = tpu.vector_load_idx %arg6[%add3A_519, %add3A_572] : memref<32x1470xf32, #tpu.memory_space<vmem>>[vector<16xi32>, vector<16xi32>], vector<16xf32>,
      %add3A_574 = arith.constant 2 : i32
      %add3A_575 = vector.broadcast %add3A_574 : i32 to vector<16xi32>
      %add3A_576 = arith.addi %sub3A_525, %add3A_575 : vector<16xi32>
      %gather3A_577 = tpu.vector_load_idx %arg6[%add3A_519, %add3A_576] : memref<32x1470xf32, #tpu.memory_space<vmem>>[vector<16xi32>, vector<16xi32>], vector<16xf32>,
      %add3A_578 = arith.constant 3 : i32
      %add3A_579 = vector.broadcast %add3A_578 : i32 to vector<16xi32>
      %add3A_580 = arith.addi %sub3A_525, %add3A_579 : vector<16xi32>
      %gather3A_581 = tpu.vector_load_idx %arg6[%add3A_519, %add3A_580] : memref<32x1470xf32, #tpu.memory_space<vmem>>[vector<16xi32>, vector<16xi32>], vector<16xf32>,
      %add3A_582 = arith.constant 4 : i32
      %add3A_583 = vector.broadcast %add3A_582 : i32 to vector<16xi32>
      %add3A_584 = arith.addi %sub3A_525, %add3A_583 : vector<16xi32>
      %gather3A_585 = tpu.vector_load_idx %arg6[%add3A_519, %add3A_584] : memref<32x1470xf32, #tpu.memory_space<vmem>>[vector<16xi32>, vector<16xi32>], vector<16xf32>,
      %add3A_586 = arith.constant 5 : i32
      %add3A_587 = vector.broadcast %add3A_586 : i32 to vector<16xi32>
      %add3A_588 = arith.addi %sub3A_525, %add3A_587 : vector<16xi32>
      %gather3A_589 = tpu.vector_load_idx %arg6[%add3A_519, %add3A_588] : memref<32x1470xf32, #tpu.memory_space<vmem>>[vector<16xi32>, vector<16xi32>], vector<16xf32>,
      %add3A_590 = arith.constant 6 : i32
      %add3A_591 = vector.broadcast %add3A_590 : i32 to vector<16xi32>
      %add3A_592 = arith.addi %sub3A_525, %add3A_591 : vector<16xi32>
      %gather3A_593 = tpu.vector_load_idx %arg6[%add3A_519, %add3A_592] : memref<32x1470xf32, #tpu.memory_space<vmem>>[vector<16xi32>, vector<16xi32>], vector<16xf32>,
      %add3A_594 = arith.constant 7 : i32
      %add3A_595 = vector.broadcast %add3A_594 : i32 to vector<16xi32>
      %add3A_596 = arith.addi %sub3A_525, %add3A_595 : vector<16xi32>
      %gather3A_597 = tpu.vector_load_idx %arg6[%add3A_519, %add3A_596] : memref<32x1470xf32, #tpu.memory_space<vmem>>[vector<16xi32>, vector<16xi32>], vector<16xf32>,
      %add3A_598 = arith.constant 8 : i32
      %add3A_599 = vector.broadcast %add3A_598 : i32 to vector<16xi32>
      %add3A_600 = arith.addi %sub3A_525, %add3A_599 : vector<16xi32>
      %gather3A_601 = tpu.vector_load_idx %arg6[%add3A_519, %add3A_600] : memref<32x1470xf32, #tpu.memory_space<vmem>>[vector<16xi32>, vector<16xi32>], vector<16xf32>,
      %add3A_602 = arith.constant 9 : i32
      %add3A_603 = vector.broadcast %add3A_602 : i32 to vector<16xi32>
      %add3A_604 = arith.addi %sub3A_525, %add3A_603 : vector<16xi32>
      %gather3A_605 = tpu.vector_load_idx %arg6[%add3A_519, %add3A_604] : memref<32x1470xf32, #tpu.memory_space<vmem>>[vector<16xi32>, vector<16xi32>], vector<16xf32>,
      %gt3A_606 = arith.constant 0.000000e+00 : f32
      %gt3A_607 = vector.broadcast %gt3A_606 : f32 to vector<16xf32>
      %gt3A_608 = arith.cmpf ogt, %gather3A_585, %gt3A_607 : vector<16xf32>
      %jit3A_609 = arith.constant 1.000000e+00 : f32
      %jit3A_610 = arith.constant 0.000000e+00 : f32
      %broadcast_in_dim3A_611 = vector.broadcast %jit3A_609 : f32 to vector<16xf32>
      %broadcast_in_dim3A_612 = vector.broadcast %jit3A_610 : f32 to vector<16xf32>
      %select_n3A_613 = arith.select %gt3A_608, %broadcast_in_dim3A_611, %broadcast_in_dim3A_612 : vector<16xi1>, vector<16xf32>
      %mul3A_614 = arith.constant 0.0714285746 : f32
      %mul3A_615 = vector.broadcast %mul3A_614 : f32 to vector<16xf32>
      %mul3A_616 = arith.mulf %gather3A_569, %mul3A_615 : vector<16xf32>
      %mul3A_617 = arith.constant 0.0714285746 : f32
      %mul3A_618 = vector.broadcast %mul3A_617 : f32 to vector<16xf32>
      %mul3A_619 = arith.mulf %gather3A_573, %mul3A_618 : vector<16xf32>
      %mul3A_620 = arith.constant 5.000000e-01 : f32
      %mul3A_621 = vector.broadcast %mul3A_620 : f32 to vector<16xf32>
      %mul3A_622 = arith.mulf %mul3A_621, %gather3A_577 : vector<16xf32>
      %sub3A_623 = arith.subf %mul3A_616, %mul3A_622 : vector<16xf32>
      %mul3A_624 = arith.constant 5.000000e-01 : f32
      %mul3A_625 = vector.broadcast %mul3A_624 : f32 to vector<16xf32>
      %mul3A_626 = arith.mulf %mul3A_625, %gather3A_581 : vector<16xf32>
      %sub3A_627 = arith.subf %mul3A_619, %mul3A_626 : vector<16xf32>
      %mul3A_628 = arith.constant 5.000000e-01 : f32
      %mul3A_629 = vector.broadcast %mul3A_628 : f32 to vector<16xf32>
      %mul3A_630 = arith.mulf %mul3A_629, %gather3A_577 : vector<16xf32>
      %add3A_631 = arith.addf %mul3A_616, %mul3A_630 : vector<16xf32>
      %mul3A_632 = arith.constant 5.000000e-01 : f32
      %mul3A_633 = vector.broadcast %mul3A_632 : f32 to vector<16xf32>
      %mul3A_634 = arith.mulf %mul3A_633, %gather3A_581 : vector<16xf32>
      %add3A_635 = arith.addf %mul3A_619, %mul3A_634 : vector<16xf32>
      %mul3A_636 = arith.mulf %gather3A_577, %gather3A_581 : vector<16xf32>
      %mul3A_637 = arith.constant 0.0714285746 : f32
      %mul3A_638 = vector.broadcast %mul3A_637 : f32 to vector<16xf32>
      %mul3A_639 = arith.mulf %gather3A_529, %mul3A_638 : vector<16xf32>
      %mul3A_640 = arith.constant 0.0714285746 : f32
      %mul3A_641 = vector.broadcast %mul3A_640 : f32 to vector<16xf32>
      %mul3A_642 = arith.mulf %gather3A_533, %mul3A_641 : vector<16xf32>
      %mul3A_643 = arith.constant 5.000000e-01 : f32
      %mul3A_644 = vector.broadcast %mul3A_643 : f32 to vector<16xf32>
      %mul3A_645 = arith.mulf %mul3A_644, %gather3A_537 : vector<16xf32>
      %sub3A_646 = arith.subf %mul3A_639, %mul3A_645 : vector<16xf32>
      %max3A_647 = arith.maximumf %sub3A_646, %sub3A_623 : vector<16xf32>
      %mul3A_648 = arith.constant 5.000000e-01 : f32
      %mul3A_649 = vector.broadcast %mul3A_648 : f32 to vector<16xf32>
      %mul3A_650 = arith.mulf %mul3A_649, %gather3A_541 : vector<16xf32>
      %sub3A_651 = arith.subf %mul3A_642, %mul3A_650 : vector<16xf32>
      %max3A_652 = arith.maximumf %sub3A_651, %sub3A_627 : vector<16xf32>
      %mul3A_653 = arith.constant 5.000000e-01 : f32
      %mul3A_654 = vector.broadcast %mul3A_653 : f32 to vector<16xf32>
      %mul3A_655 = arith.mulf %mul3A_654, %gather3A_537 : vector<16xf32>
      %add3A_656 = arith.addf %mul3A_639, %mul3A_655 : vector<16xf32>
      %min3A_657 = arith.minimumf %add3A_656, %add3A_631 : vector<16xf32>
      %mul3A_658 = arith.constant 5.000000e-01 : f32
      %mul3A_659 = vector.broadcast %mul3A_658 : f32 to vector<16xf32>
      %mul3A_660 = arith.mulf %mul3A_659, %gather3A_541 : vector<16xf32>
      %add3A_661 = arith.addf %mul3A_642, %mul3A_660 : vector<16xf32>
      %min3A_662 = arith.minimumf %add3A_661, %add3A_635 : vector<16xf32>
      %sub3A_663 = arith.subf %min3A_657, %max3A_647 : vector<16xf32>
      %max3A_664 = arith.constant 0.000000e+00 : f32
      %max3A_665 = vector.broadcast %max3A_664 : f32 to vector<16xf32>
      %max3A_666 = arith.maximumf %sub3A_663, %max3A_665 : vector<16xf32>
      %sub3A_667 = arith.subf %min3A_662, %max3A_652 : vector<16xf32>
      %max3A_668 = arith.constant 0.000000e+00 : f32
      %max3A_669 = vector.broadcast %max3A_668 : f32 to vector<16xf32>
      %max3A_670 = arith.maximumf %sub3A_667, %max3A_669 : vector<16xf32>
      %mul3A_671 = arith.mulf %max3A_666, %max3A_670 : vector<16xf32>
      %mul3A_672 = arith.mulf %gather3A_537, %gather3A_541 : vector<16xf32>
      %add3A_673 = arith.addf %mul3A_672, %mul3A_636 : vector<16xf32>
      %sub3A_674 = arith.subf %add3A_673, %mul3A_671 : vector<16xf32>
      %div3A_675 = arith.divf %mul3A_671, %sub3A_674 : vector<16xf32>
      %mul3A_676 = arith.constant 0.0714285746 : f32
      %mul3A_677 = vector.broadcast %mul3A_676 : f32 to vector<16xf32>
      %mul3A_678 = arith.mulf %gather3A_549, %mul3A_677 : vector<16xf32>
      %mul3A_679 = arith.constant 0.0714285746 : f32
      %mul3A_680 = vector.broadcast %mul3A_679 : f32 to vector<16xf32>
      %mul3A_681 = arith.mulf %gather3A_553, %mul3A_680 : vector<16xf32>
      %mul3A_682 = arith.constant 5.000000e-01 : f32
      %mul3A_683 = vector.broadcast %mul3A_682 : f32 to vector<16xf32>
      %mul3A_684 = arith.mulf %mul3A_683, %gather3A_557 : vector<16xf32>
      %sub3A_685 = arith.subf %mul3A_678, %mul3A_684 : vector<16xf32>
      %max3A_686 = arith.maximumf %sub3A_685, %sub3A_623 : vector<16xf32>
      %mul3A_687 = arith.constant 5.000000e-01 : f32
      %mul3A_688 = vector.broadcast %mul3A_687 : f32 to vector<16xf32>
      %mul3A_689 = arith.mulf %mul3A_688, %gather3A_561 : vector<16xf32>
      %sub3A_690 = arith.subf %mul3A_681, %mul3A_689 : vector<16xf32>
      %max3A_691 = arith.maximumf %sub3A_690, %sub3A_627 : vector<16xf32>
      %mul3A_692 = arith.constant 5.000000e-01 : f32
      %mul3A_693 = vector.broadcast %mul3A_692 : f32 to vector<16xf32>
      %mul3A_694 = arith.mulf %mul3A_693, %gather3A_557 : vector<16xf32>
      %add3A_695 = arith.addf %mul3A_678, %mul3A_694 : vector<16xf32>
      %min3A_696 = arith.minimumf %add3A_695, %add3A_631 : vector<16xf32>
      %mul3A_697 = arith.constant 5.000000e-01 : f32
      %mul3A_698 = vector.broadcast %mul3A_697 : f32 to vector<16xf32>
      %mul3A_699 = arith.mulf %mul3A_698, %gather3A_561 : vector<16xf32>
      %add3A_700 = arith.addf %mul3A_681, %mul3A_699 : vector<16xf32>
      %min3A_701 = arith.minimumf %add3A_700, %add3A_635 : vector<16xf32>
      %sub3A_702 = arith.subf %min3A_696, %max3A_686 : vector<16xf32>
      %max3A_703 = arith.constant 0.000000e+00 : f32
      %max3A_704 = vector.broadcast %max3A_703 : f32 to vector<16xf32>
      %max3A_705 = arith.maximumf %sub3A_702, %max3A_704 : vector<16xf32>
      %sub3A_706 = arith.subf %min3A_701, %max3A_691 : vector<16xf32>
      %max3A_707 = arith.constant 0.000000e+00 : f32
      %max3A_708 = vector.broadcast %max3A_707 : f32 to vector<16xf32>
      %max3A_709 = arith.maximumf %sub3A_706, %max3A_708 : vector<16xf32>
      %mul3A_710 = arith.mulf %max3A_705, %max3A_709 : vector<16xf32>
      %mul3A_711 = arith.mulf %gather3A_557, %gather3A_561 : vector<16xf32>
      %add3A_712 = arith.addf %mul3A_711, %mul3A_636 : vector<16xf32>
      %sub3A_713 = arith.subf %add3A_712, %mul3A_710 : vector<16xf32>
      %div3A_714 = arith.divf %mul3A_710, %sub3A_713 : vector<16xf32>
      %gt3A_715 = arith.cmpf ogt, %div3A_714, %div3A_675 : vector<16xf32>
      %max3A_716 = arith.maximumf %div3A_675, %div3A_714 : vector<16xf32>
      %select_n3A_717 = arith.select %gt3A_715, %gather3A_549, %gather3A_529 : vector<16xi1>, vector<16xf32>
      %select_n3A_718 = arith.select %gt3A_715, %gather3A_553, %gather3A_533 : vector<16xi1>, vector<16xf32>
      %select_n3A_719 = arith.select %gt3A_715, %gather3A_557, %gather3A_537 : vector<16xi1>, vector<16xf32>
      %select_n3A_720 = arith.select %gt3A_715, %gather3A_561, %gather3A_541 : vector<16xi1>, vector<16xf32>
      %select_n3A_721 = arith.select %gt3A_715, %gather3A_565, %gather3A_545 : vector<16xi1>, vector<16xf32>
      %select_n3A_722 = arith.select %gt3A_715, %gather3A_545, %gather3A_565 : vector<16xi1>, vector<16xf32>
      %select_n3A_723 = arith.select %gt3A_715, %gather3A_589, %gather3A_569 : vector<16xi1>, vector<16xf32>
      %select_n3A_724 = arith.select %gt3A_715, %gather3A_593, %gather3A_573 : vector<16xi1>, vector<16xf32>
      %select_n3A_725 = arith.select %gt3A_715, %gather3A_597, %gather3A_577 : vector<16xi1>, vector<16xf32>
      %select_n3A_726 = arith.select %gt3A_715, %gather3A_601, %gather3A_581 : vector<16xi1>, vector<16xf32>
      %sub3A_727 = arith.subf %select_n3A_717, %select_n3A_723 : vector<16xf32>
      %sub3A_728 = arith.subf %select_n3A_718, %select_n3A_724 : vector<16xf32>
      %add3A_729 = arith.addf %select_n3A_719, %select_n3A_725 : vector<16xf32>
      %mul3A_730 = arith.mulf %select_n3A_719, %select_n3A_725 : vector<16xf32>
      %bitcast_convert_type3A_731 = tpu.bitcast %mul3A_730 : vector<16xf32> -> vector<16xi32>
      %shift_right_logical3A_732 = arith.constant 1 : i32
      %shift_right_logical3A_733 = vector.broadcast %shift_right_logical3A_732 : i32 to vector<16xi32>
      %shift_right_logical3A_734 = arith.shrui %bitcast_convert_type3A_731, %shift_right_logical3A_733 : vector<16xi32>
      %sub3A_735 = arith.constant 1597463007 : i32
      %sub3A_736 = vector.broadcast %sub3A_735 : i32 to vector<16xi32>
      %sub3A_737 = arith.subi %sub3A_736, %shift_right_logical3A_734 : vector<16xi32>
      %bitcast_convert_type3A_738 = tpu.bitcast %sub3A_737 : vector<16xi32> -> vector<16xf32>
      %mul3A_739 = arith.constant 5.000000e-01 : f32
      %mul3A_740 = vector.broadcast %mul3A_739 : f32 to vector<16xf32>
      %mul3A_741 = arith.mulf %mul3A_740, %mul3A_730 : vector<16xf32>
      %mul3A_742 = arith.mulf %mul3A_741, %bitcast_convert_type3A_738 : vector<16xf32>
      %mul3A_743 = arith.mulf %mul3A_742, %bitcast_convert_type3A_738 : vector<16xf32>
      %sub3A_744 = arith.constant 1.500000e+00 : f32
      %sub3A_745 = vector.broadcast %sub3A_744 : f32 to vector<16xf32>
      %sub3A_746 = arith.subf %sub3A_745, %mul3A_743 : vector<16xf32>
      %mul3A_747 = arith.mulf %bitcast_convert_type3A_738, %sub3A_746 : vector<16xf32>
      %mul3A_748 = arith.constant 5.000000e-01 : f32
      %mul3A_749 = vector.broadcast %mul3A_748 : f32 to vector<16xf32>
      %mul3A_750 = arith.mulf %mul3A_749, %mul3A_730 : vector<16xf32>
      %mul3A_751 = arith.mulf %mul3A_750, %mul3A_747 : vector<16xf32>
      %mul3A_752 = arith.mulf %mul3A_751, %mul3A_747 : vector<16xf32>
      %sub3A_753 = arith.constant 1.500000e+00 : f32
      %sub3A_754 = vector.broadcast %sub3A_753 : f32 to vector<16xf32>
      %sub3A_755 = arith.subf %sub3A_754, %mul3A_752 : vector<16xf32>
      %mul3A_756 = arith.mulf %mul3A_747, %sub3A_755 : vector<16xf32>
      %mul3A_757 = arith.constant 5.000000e-01 : f32
      %mul3A_758 = vector.broadcast %mul3A_757 : f32 to vector<16xf32>
      %mul3A_759 = arith.mulf %mul3A_758, %mul3A_730 : vector<16xf32>
      %mul3A_760 = arith.mulf %mul3A_759, %mul3A_756 : vector<16xf32>
      %mul3A_761 = arith.mulf %mul3A_760, %mul3A_756 : vector<16xf32>
      %sub3A_762 = arith.constant 1.500000e+00 : f32
      %sub3A_763 = vector.broadcast %sub3A_762 : f32 to vector<16xf32>
      %sub3A_764 = arith.subf %sub3A_763, %mul3A_761 : vector<16xf32>
      %mul3A_765 = arith.mulf %mul3A_756, %sub3A_764 : vector<16xf32>
      %mul3A_766 = arith.mulf %mul3A_730, %mul3A_765 : vector<16xf32>
      %mul3A_767 = arith.constant 2.000000e+00 : f32
      %mul3A_768 = vector.broadcast %mul3A_767 : f32 to vector<16xf32>
      %mul3A_769 = arith.mulf %mul3A_768, %mul3A_766 : vector<16xf32>
      %sub3A_770 = arith.subf %add3A_729, %mul3A_769 : vector<16xf32>
      %add3A_771 = arith.addf %select_n3A_720, %select_n3A_726 : vector<16xf32>
      %mul3A_772 = arith.mulf %select_n3A_720, %select_n3A_726 : vector<16xf32>
      %bitcast_convert_type3A_773 = tpu.bitcast %mul3A_772 : vector<16xf32> -> vector<16xi32>
      %shift_right_logical3A_774 = arith.constant 1 : i32
      %shift_right_logical3A_775 = vector.broadcast %shift_right_logical3A_774 : i32 to vector<16xi32>
      %shift_right_logical3A_776 = arith.shrui %bitcast_convert_type3A_773, %shift_right_logical3A_775 : vector<16xi32>
      %sub3A_777 = arith.constant 1597463007 : i32
      %sub3A_778 = vector.broadcast %sub3A_777 : i32 to vector<16xi32>
      %sub3A_779 = arith.subi %sub3A_778, %shift_right_logical3A_776 : vector<16xi32>
      %bitcast_convert_type3A_780 = tpu.bitcast %sub3A_779 : vector<16xi32> -> vector<16xf32>
      %mul3A_781 = arith.constant 5.000000e-01 : f32
      %mul3A_782 = vector.broadcast %mul3A_781 : f32 to vector<16xf32>
      %mul3A_783 = arith.mulf %mul3A_782, %mul3A_772 : vector<16xf32>
      %mul3A_784 = arith.mulf %mul3A_783, %bitcast_convert_type3A_780 : vector<16xf32>
      %mul3A_785 = arith.mulf %mul3A_784, %bitcast_convert_type3A_780 : vector<16xf32>
      %sub3A_786 = arith.constant 1.500000e+00 : f32
      %sub3A_787 = vector.broadcast %sub3A_786 : f32 to vector<16xf32>
      %sub3A_788 = arith.subf %sub3A_787, %mul3A_785 : vector<16xf32>
      %mul3A_789 = arith.mulf %bitcast_convert_type3A_780, %sub3A_788 : vector<16xf32>
      %mul3A_790 = arith.constant 5.000000e-01 : f32
      %mul3A_791 = vector.broadcast %mul3A_790 : f32 to vector<16xf32>
      %mul3A_792 = arith.mulf %mul3A_791, %mul3A_772 : vector<16xf32>
      %mul3A_793 = arith.mulf %mul3A_792, %mul3A_789 : vector<16xf32>
      %mul3A_794 = arith.mulf %mul3A_793, %mul3A_789 : vector<16xf32>
      %sub3A_795 = arith.constant 1.500000e+00 : f32
      %sub3A_796 = vector.broadcast %sub3A_795 : f32 to vector<16xf32>
      %sub3A_797 = arith.subf %sub3A_796, %mul3A_794 : vector<16xf32>
      %mul3A_798 = arith.mulf %mul3A_789, %sub3A_797 : vector<16xf32>
      %mul3A_799 = arith.constant 5.000000e-01 : f32
      %mul3A_800 = vector.broadcast %mul3A_799 : f32 to vector<16xf32>
      %mul3A_801 = arith.mulf %mul3A_800, %mul3A_772 : vector<16xf32>
      %mul3A_802 = arith.mulf %mul3A_801, %mul3A_798 : vector<16xf32>
      %mul3A_803 = arith.mulf %mul3A_802, %mul3A_798 : vector<16xf32>
      %sub3A_804 = arith.constant 1.500000e+00 : f32
      %sub3A_805 = vector.broadcast %sub3A_804 : f32 to vector<16xf32>
      %sub3A_806 = arith.subf %sub3A_805, %mul3A_803 : vector<16xf32>
      %mul3A_807 = arith.mulf %mul3A_798, %sub3A_806 : vector<16xf32>
      %mul3A_808 = arith.mulf %mul3A_772, %mul3A_807 : vector<16xf32>
      %mul3A_809 = arith.constant 2.000000e+00 : f32
      %mul3A_810 = vector.broadcast %mul3A_809 : f32 to vector<16xf32>
      %mul3A_811 = arith.mulf %mul3A_810, %mul3A_808 : vector<16xf32>
      %sub3A_812 = arith.subf %add3A_771, %mul3A_811 : vector<16xf32>
      %mul3A_813 = arith.mulf %sub3A_727, %sub3A_727 : vector<16xf32>
      %mul3A_814 = arith.mulf %sub3A_728, %sub3A_728 : vector<16xf32>
      %add3A_815 = arith.addf %mul3A_813, %mul3A_814 : vector<16xf32>
      %add3A_816 = arith.addf %add3A_815, %sub3A_770 : vector<16xf32>
      %add3A_817 = arith.addf %add3A_816, %sub3A_812 : vector<16xf32>
      %sub3A_818 = arith.subf %select_n3A_721, %max3A_716 : vector<16xf32>
      %mul3A_819 = arith.mulf %sub3A_818, %sub3A_818 : vector<16xf32>
      %mul3A_820 = arith.constant 5.000000e+00 : f32
      %mul3A_821 = vector.broadcast %mul3A_820 : f32 to vector<16xf32>
      %mul3A_822 = arith.mulf %mul3A_821, %add3A_817 : vector<16xf32>
      %mul3A_823 = arith.constant 2.000000e+00 : f32
      %mul3A_824 = vector.broadcast %mul3A_823 : f32 to vector<16xf32>
      %mul3A_825 = arith.mulf %mul3A_824, %mul3A_819 : vector<16xf32>
      %add3A_826 = arith.addf %mul3A_822, %mul3A_825 : vector<16xf32>
      %mul3A_827 = arith.mulf %select_n3A_722, %select_n3A_722 : vector<16xf32>
      %add3A_828 = arith.addf %add3A_826, %mul3A_827 : vector<16xf32>
      %mul3A_829 = arith.mulf %select_n3A_613, %add3A_828 : vector<16xf32>
      %add3A_830 = arith.addf %add3A_508, %mul3A_829 : vector<16xf32>
      %add3A_831 = arith.constant 480 : i32
      %add3A_832 = vector.broadcast %add3A_831 : i32 to vector<16xi32>
      %add3A_833 = arith.addi %sub3A_525, %add3A_832 : vector<16xi32>
      %ge3A_834 = arith.constant 1470 : i32
      %ge3A_835 = vector.broadcast %ge3A_834 : i32 to vector<16xi32>
      %ge3A_836 = arith.cmpi sge, %add3A_833, %ge3A_835 : vector<16xi32>
      %jit3A_837 = arith.constant 1 : i32
      %jit3A_838 = arith.constant 0 : i32
      %broadcast_in_dim3A_839 = vector.broadcast %jit3A_837 : i32 to vector<16xi32>
      %broadcast_in_dim3A_840 = vector.broadcast %jit3A_838 : i32 to vector<16xi32>
      %select_n3A_841 = arith.select %ge3A_836, %broadcast_in_dim3A_839, %broadcast_in_dim3A_840 : vector<16xi1>, vector<16xi32>
      %add3A_842 = arith.addi %add3A_519, %select_n3A_841 : vector<16xi32>
      %jit3A_843 = arith.constant 1470 : i32
      %jit3A_844 = arith.constant 0 : i32
      %broadcast_in_dim3A_845 = vector.broadcast %jit3A_843 : i32 to vector<16xi32>
      %broadcast_in_dim3A_846 = vector.broadcast %jit3A_844 : i32 to vector<16xi32>
      %select_n3A_847 = arith.select %ge3A_836, %broadcast_in_dim3A_845, %broadcast_in_dim3A_846 : vector<16xi1>, vector<16xi32>
      %sub3A_848 = arith.subi %add3A_833, %select_n3A_847 : vector<16xi32>
      scf.yield %add3A_830, %add3A_842, %sub3A_848 : vector<16xf32>, vector<16xi32>, vector<16xi32>
    }
    %scan3A_128 = arith.constant 12 : i32
    %dma_wait3A_129 = arith.constant 8 : i32
    %dma_wait3A_130 = arith.constant 0 : i32
    %dma_wait3A_131 = tpu.memref_slice %arg5[%dma_wait3A_129, %dma_wait3A_130] : memref<32x1470xf32, #tpu.memory_space<vmem>> -> memref<8x1470xf32, #tpu.memory_space<vmem>>
    %dma_wait3A_132 = arith.constant 0 : i32
    %dma_wait3A_133 = tpu.memref_slice %arg2[%add3A_27, %dma_wait3A_132] : memref<1024x1470xf32, #tpu.memory_space<hbm>> -> memref<8x1470xf32, #tpu.memory_space<hbm>>
    %dma_wait3A_134 = arith.constant 8 : i32
    %dma_wait3A_135 = arith.constant 0 : i32
    %dma_wait3A_136 = tpu.memref_slice %arg5[%dma_wait3A_134, %dma_wait3A_135] : memref<32x1470xf32, #tpu.memory_space<vmem>> -> memref<8x1470xf32, #tpu.memory_space<vmem>>
    %dma_wait3A_137 = arith.constant 0 : i32
    %dma_wait3A_138 = tpu.memref_slice %arg2[%add3A_27, %dma_wait3A_137] : memref<1024x1470xf32, #tpu.memory_space<hbm>> -> memref<8x1470xf32, #tpu.memory_space<hbm>>
    tpu.wait_dma2 semaphore(%arg10 : memref<!tpu.dma_semaphore, #tpu.memory_space<semaphore_mem>>) src(%dma_wait3A_138 : memref<8x1470xf32, #tpu.memory_space<hbm>>) dst(%dma_wait3A_136 : memref<8x1470xf32, #tpu.memory_space<vmem>>)
    %dma_wait3A_139 = arith.constant 8 : i32
    %dma_wait3A_140 = arith.constant 0 : i32
    %dma_wait3A_141 = tpu.memref_slice %arg6[%dma_wait3A_139, %dma_wait3A_140] : memref<32x1470xf32, #tpu.memory_space<vmem>> -> memref<8x1470xf32, #tpu.memory_space<vmem>>
    %dma_wait3A_142 = arith.constant 0 : i32
    %dma_wait3A_143 = tpu.memref_slice %arg3[%add3A_39, %dma_wait3A_142] : memref<1024x1470xf32, #tpu.memory_space<hbm>> -> memref<8x1470xf32, #tpu.memory_space<hbm>>
    %dma_wait3A_144 = arith.constant 8 : i32
    %dma_wait3A_145 = arith.constant 0 : i32
    %dma_wait3A_146 = tpu.memref_slice %arg6[%dma_wait3A_144, %dma_wait3A_145] : memref<32x1470xf32, #tpu.memory_space<vmem>> -> memref<8x1470xf32, #tpu.memory_space<vmem>>
    %dma_wait3A_147 = arith.constant 0 : i32
    %dma_wait3A_148 = tpu.memref_slice %arg3[%add3A_39, %dma_wait3A_147] : memref<1024x1470xf32, #tpu.memory_space<hbm>> -> memref<8x1470xf32, #tpu.memory_space<hbm>>
    tpu.wait_dma2 semaphore(%arg11 : memref<!tpu.dma_semaphore, #tpu.memory_space<semaphore_mem>>) src(%dma_wait3A_148 : memref<8x1470xf32, #tpu.memory_space<hbm>>) dst(%dma_wait3A_146 : memref<8x1470xf32, #tpu.memory_space<vmem>>)
    %scan3A_149 = arith.constant 0 : i32
    %scan3A_150 = arith.constant 12 : i32
    %scan3A_151 = arith.addi %scan3A_149, %scan3A_150 : i32
    %scan3A_152 = arith.constant 1 : i32
    %scan3A_153:3 = scf.for %scan3A_210 = %scan3A_149 to %scan3A_151 step %scan3A_152 iter_args(%scan3A_211 = %scan3A_127#0, %scan3A_212 = %scan3A_127#1, %scan3A_213 = %scan3A_127#2) -> (vector<16xf32>, vector<16xi32>, vector<16xi32>)  : i32 {
      %add3A_214 = arith.constant 0 : i32
      %add3A_215 = vector.broadcast %add3A_214 : i32 to vector<16xi32>
      %add3A_216 = arith.addi %scan3A_213, %add3A_215 : vector<16xi32>
      %gather3A = tpu.vector_load_idx %arg5[%scan3A_212, %add3A_216] : memref<32x1470xf32, #tpu.memory_space<vmem>>[vector<16xi32>, vector<16xi32>], vector<16xf32>,
      %add3A_217 = arith.constant 1 : i32
      %add3A_218 = vector.broadcast %add3A_217 : i32 to vector<16xi32>
      %add3A_219 = arith.addi %scan3A_213, %add3A_218 : vector<16xi32>
      %gather3A_220 = tpu.vector_load_idx %arg5[%scan3A_212, %add3A_219] : memref<32x1470xf32, #tpu.memory_space<vmem>>[vector<16xi32>, vector<16xi32>], vector<16xf32>,
      %add3A_221 = arith.constant 2 : i32
      %add3A_222 = vector.broadcast %add3A_221 : i32 to vector<16xi32>
      %add3A_223 = arith.addi %scan3A_213, %add3A_222 : vector<16xi32>
      %gather3A_224 = tpu.vector_load_idx %arg5[%scan3A_212, %add3A_223] : memref<32x1470xf32, #tpu.memory_space<vmem>>[vector<16xi32>, vector<16xi32>], vector<16xf32>,
      %add3A_225 = arith.constant 3 : i32
      %add3A_226 = vector.broadcast %add3A_225 : i32 to vector<16xi32>
      %add3A_227 = arith.addi %scan3A_213, %add3A_226 : vector<16xi32>
      %gather3A_228 = tpu.vector_load_idx %arg5[%scan3A_212, %add3A_227] : memref<32x1470xf32, #tpu.memory_space<vmem>>[vector<16xi32>, vector<16xi32>], vector<16xf32>,
      %add3A_229 = arith.constant 4 : i32
      %add3A_230 = vector.broadcast %add3A_229 : i32 to vector<16xi32>
      %add3A_231 = arith.addi %scan3A_213, %add3A_230 : vector<16xi32>
      %gather3A_232 = tpu.vector_load_idx %arg5[%scan3A_212, %add3A_231] : memref<32x1470xf32, #tpu.memory_space<vmem>>[vector<16xi32>, vector<16xi32>], vector<16xf32>,
      %add3A_233 = arith.constant 5 : i32
      %add3A_234 = vector.broadcast %add3A_233 : i32 to vector<16xi32>
      %add3A_235 = arith.addi %scan3A_213, %add3A_234 : vector<16xi32>
      %gather3A_236 = tpu.vector_load_idx %arg5[%scan3A_212, %add3A_235] : memref<32x1470xf32, #tpu.memory_space<vmem>>[vector<16xi32>, vector<16xi32>], vector<16xf32>,
      %add3A_237 = arith.constant 6 : i32
      %add3A_238 = vector.broadcast %add3A_237 : i32 to vector<16xi32>
      %add3A_239 = arith.addi %scan3A_213, %add3A_238 : vector<16xi32>
      %gather3A_240 = tpu.vector_load_idx %arg5[%scan3A_212, %add3A_239] : memref<32x1470xf32, #tpu.memory_space<vmem>>[vector<16xi32>, vector<16xi32>], vector<16xf32>,
      %add3A_241 = arith.constant 7 : i32
      %add3A_242 = vector.broadcast %add3A_241 : i32 to vector<16xi32>
      %add3A_243 = arith.addi %scan3A_213, %add3A_242 : vector<16xi32>
      %gather3A_244 = tpu.vector_load_idx %arg5[%scan3A_212, %add3A_243] : memref<32x1470xf32, #tpu.memory_space<vmem>>[vector<16xi32>, vector<16xi32>], vector<16xf32>,
      %add3A_245 = arith.constant 8 : i32
      %add3A_246 = vector.broadcast %add3A_245 : i32 to vector<16xi32>
      %add3A_247 = arith.addi %scan3A_213, %add3A_246 : vector<16xi32>
      %gather3A_248 = tpu.vector_load_idx %arg5[%scan3A_212, %add3A_247] : memref<32x1470xf32, #tpu.memory_space<vmem>>[vector<16xi32>, vector<16xi32>], vector<16xf32>,
      %add3A_249 = arith.constant 9 : i32
      %add3A_250 = vector.broadcast %add3A_249 : i32 to vector<16xi32>
      %add3A_251 = arith.addi %scan3A_213, %add3A_250 : vector<16xi32>
      %gather3A_252 = tpu.vector_load_idx %arg5[%scan3A_212, %add3A_251] : memref<32x1470xf32, #tpu.memory_space<vmem>>[vector<16xi32>, vector<16xi32>], vector<16xf32>,
      %add3A_253 = arith.constant 0 : i32
      %add3A_254 = vector.broadcast %add3A_253 : i32 to vector<16xi32>
      %add3A_255 = arith.addi %scan3A_213, %add3A_254 : vector<16xi32>
      %gather3A_256 = tpu.vector_load_idx %arg6[%scan3A_212, %add3A_255] : memref<32x1470xf32, #tpu.memory_space<vmem>>[vector<16xi32>, vector<16xi32>], vector<16xf32>,
      %add3A_257 = arith.constant 1 : i32
      %add3A_258 = vector.broadcast %add3A_257 : i32 to vector<16xi32>
      %add3A_259 = arith.addi %scan3A_213, %add3A_258 : vector<16xi32>
      %gather3A_260 = tpu.vector_load_idx %arg6[%scan3A_212, %add3A_259] : memref<32x1470xf32, #tpu.memory_space<vmem>>[vector<16xi32>, vector<16xi32>], vector<16xf32>,
      %add3A_261 = arith.constant 2 : i32
      %add3A_262 = vector.broadcast %add3A_261 : i32 to vector<16xi32>
      %add3A_263 = arith.addi %scan3A_213, %add3A_262 : vector<16xi32>
      %gather3A_264 = tpu.vector_load_idx %arg6[%scan3A_212, %add3A_263] : memref<32x1470xf32, #tpu.memory_space<vmem>>[vector<16xi32>, vector<16xi32>], vector<16xf32>,
      %add3A_265 = arith.constant 3 : i32
      %add3A_266 = vector.broadcast %add3A_265 : i32 to vector<16xi32>
      %add3A_267 = arith.addi %scan3A_213, %add3A_266 : vector<16xi32>
      %gather3A_268 = tpu.vector_load_idx %arg6[%scan3A_212, %add3A_267] : memref<32x1470xf32, #tpu.memory_space<vmem>>[vector<16xi32>, vector<16xi32>], vector<16xf32>,
      %add3A_269 = arith.constant 4 : i32
      %add3A_270 = vector.broadcast %add3A_269 : i32 to vector<16xi32>
      %add3A_271 = arith.addi %scan3A_213, %add3A_270 : vector<16xi32>
      %gather3A_272 = tpu.vector_load_idx %arg6[%scan3A_212, %add3A_271] : memref<32x1470xf32, #tpu.memory_space<vmem>>[vector<16xi32>, vector<16xi32>], vector<16xf32>,
      %add3A_273 = arith.constant 5 : i32
      %add3A_274 = vector.broadcast %add3A_273 : i32 to vector<16xi32>
      %add3A_275 = arith.addi %scan3A_213, %add3A_274 : vector<16xi32>
      %gather3A_276 = tpu.vector_load_idx %arg6[%scan3A_212, %add3A_275] : memref<32x1470xf32, #tpu.memory_space<vmem>>[vector<16xi32>, vector<16xi32>], vector<16xf32>,
      %add3A_277 = arith.constant 6 : i32
      %add3A_278 = vector.broadcast %add3A_277 : i32 to vector<16xi32>
      %add3A_279 = arith.addi %scan3A_213, %add3A_278 : vector<16xi32>
      %gather3A_280 = tpu.vector_load_idx %arg6[%scan3A_212, %add3A_279] : memref<32x1470xf32, #tpu.memory_space<vmem>>[vector<16xi32>, vector<16xi32>], vector<16xf32>,
      %add3A_281 = arith.constant 7 : i32
      %add3A_282 = vector.broadcast %add3A_281 : i32 to vector<16xi32>
      %add3A_283 = arith.addi %scan3A_213, %add3A_282 : vector<16xi32>
      %gather3A_284 = tpu.vector_load_idx %arg6[%scan3A_212, %add3A_283] : memref<32x1470xf32, #tpu.memory_space<vmem>>[vector<16xi32>, vector<16xi32>], vector<16xf32>,
      %add3A_285 = arith.constant 8 : i32
      %add3A_286 = vector.broadcast %add3A_285 : i32 to vector<16xi32>
      %add3A_287 = arith.addi %scan3A_213, %add3A_286 : vector<16xi32>
      %gather3A_288 = tpu.vector_load_idx %arg6[%scan3A_212, %add3A_287] : memref<32x1470xf32, #tpu.memory_space<vmem>>[vector<16xi32>, vector<16xi32>], vector<16xf32>,
      %add3A_289 = arith.constant 9 : i32
      %add3A_290 = vector.broadcast %add3A_289 : i32 to vector<16xi32>
      %add3A_291 = arith.addi %scan3A_213, %add3A_290 : vector<16xi32>
      %gather3A_292 = tpu.vector_load_idx %arg6[%scan3A_212, %add3A_291] : memref<32x1470xf32, #tpu.memory_space<vmem>>[vector<16xi32>, vector<16xi32>], vector<16xf32>,
      %gt3A = arith.constant 0.000000e+00 : f32
      %gt3A_293 = vector.broadcast %gt3A : f32 to vector<16xf32>
      %gt3A_294 = arith.cmpf ogt, %gather3A_272, %gt3A_293 : vector<16xf32>
      %jit3A = arith.constant 1.000000e+00 : f32
      %jit3A_295 = arith.constant 0.000000e+00 : f32
      %broadcast_in_dim3A_296 = vector.broadcast %jit3A : f32 to vector<16xf32>
      %broadcast_in_dim3A_297 = vector.broadcast %jit3A_295 : f32 to vector<16xf32>
      %select_n3A = arith.select %gt3A_294, %broadcast_in_dim3A_296, %broadcast_in_dim3A_297 : vector<16xi1>, vector<16xf32>
      %mul3A_298 = arith.constant 0.0714285746 : f32
      %mul3A_299 = vector.broadcast %mul3A_298 : f32 to vector<16xf32>
      %mul3A_300 = arith.mulf %gather3A_256, %mul3A_299 : vector<16xf32>
      %mul3A_301 = arith.constant 0.0714285746 : f32
      %mul3A_302 = vector.broadcast %mul3A_301 : f32 to vector<16xf32>
      %mul3A_303 = arith.mulf %gather3A_260, %mul3A_302 : vector<16xf32>
      %mul3A_304 = arith.constant 5.000000e-01 : f32
      %mul3A_305 = vector.broadcast %mul3A_304 : f32 to vector<16xf32>
      %mul3A_306 = arith.mulf %mul3A_305, %gather3A_264 : vector<16xf32>
      %sub3A = arith.subf %mul3A_300, %mul3A_306 : vector<16xf32>
      %mul3A_307 = arith.constant 5.000000e-01 : f32
      %mul3A_308 = vector.broadcast %mul3A_307 : f32 to vector<16xf32>
      %mul3A_309 = arith.mulf %mul3A_308, %gather3A_268 : vector<16xf32>
      %sub3A_310 = arith.subf %mul3A_303, %mul3A_309 : vector<16xf32>
      %mul3A_311 = arith.constant 5.000000e-01 : f32
      %mul3A_312 = vector.broadcast %mul3A_311 : f32 to vector<16xf32>
      %mul3A_313 = arith.mulf %mul3A_312, %gather3A_264 : vector<16xf32>
      %add3A_314 = arith.addf %mul3A_300, %mul3A_313 : vector<16xf32>
      %mul3A_315 = arith.constant 5.000000e-01 : f32
      %mul3A_316 = vector.broadcast %mul3A_315 : f32 to vector<16xf32>
      %mul3A_317 = arith.mulf %mul3A_316, %gather3A_268 : vector<16xf32>
      %add3A_318 = arith.addf %mul3A_303, %mul3A_317 : vector<16xf32>
      %mul3A_319 = arith.mulf %gather3A_264, %gather3A_268 : vector<16xf32>
      %mul3A_320 = arith.constant 0.0714285746 : f32
      %mul3A_321 = vector.broadcast %mul3A_320 : f32 to vector<16xf32>
      %mul3A_322 = arith.mulf %gather3A, %mul3A_321 : vector<16xf32>
      %mul3A_323 = arith.constant 0.0714285746 : f32
      %mul3A_324 = vector.broadcast %mul3A_323 : f32 to vector<16xf32>
      %mul3A_325 = arith.mulf %gather3A_220, %mul3A_324 : vector<16xf32>
      %mul3A_326 = arith.constant 5.000000e-01 : f32
      %mul3A_327 = vector.broadcast %mul3A_326 : f32 to vector<16xf32>
      %mul3A_328 = arith.mulf %mul3A_327, %gather3A_224 : vector<16xf32>
      %sub3A_329 = arith.subf %mul3A_322, %mul3A_328 : vector<16xf32>
      %max3A = arith.maximumf %sub3A_329, %sub3A : vector<16xf32>
      %mul3A_330 = arith.constant 5.000000e-01 : f32
      %mul3A_331 = vector.broadcast %mul3A_330 : f32 to vector<16xf32>
      %mul3A_332 = arith.mulf %mul3A_331, %gather3A_228 : vector<16xf32>
      %sub3A_333 = arith.subf %mul3A_325, %mul3A_332 : vector<16xf32>
      %max3A_334 = arith.maximumf %sub3A_333, %sub3A_310 : vector<16xf32>
      %mul3A_335 = arith.constant 5.000000e-01 : f32
      %mul3A_336 = vector.broadcast %mul3A_335 : f32 to vector<16xf32>
      %mul3A_337 = arith.mulf %mul3A_336, %gather3A_224 : vector<16xf32>
      %add3A_338 = arith.addf %mul3A_322, %mul3A_337 : vector<16xf32>
      %min3A = arith.minimumf %add3A_338, %add3A_314 : vector<16xf32>
      %mul3A_339 = arith.constant 5.000000e-01 : f32
      %mul3A_340 = vector.broadcast %mul3A_339 : f32 to vector<16xf32>
      %mul3A_341 = arith.mulf %mul3A_340, %gather3A_228 : vector<16xf32>
      %add3A_342 = arith.addf %mul3A_325, %mul3A_341 : vector<16xf32>
      %min3A_343 = arith.minimumf %add3A_342, %add3A_318 : vector<16xf32>
      %sub3A_344 = arith.subf %min3A, %max3A : vector<16xf32>
      %max3A_345 = arith.constant 0.000000e+00 : f32
      %max3A_346 = vector.broadcast %max3A_345 : f32 to vector<16xf32>
      %max3A_347 = arith.maximumf %sub3A_344, %max3A_346 : vector<16xf32>
      %sub3A_348 = arith.subf %min3A_343, %max3A_334 : vector<16xf32>
      %max3A_349 = arith.constant 0.000000e+00 : f32
      %max3A_350 = vector.broadcast %max3A_349 : f32 to vector<16xf32>
      %max3A_351 = arith.maximumf %sub3A_348, %max3A_350 : vector<16xf32>
      %mul3A_352 = arith.mulf %max3A_347, %max3A_351 : vector<16xf32>
      %mul3A_353 = arith.mulf %gather3A_224, %gather3A_228 : vector<16xf32>
      %add3A_354 = arith.addf %mul3A_353, %mul3A_319 : vector<16xf32>
      %sub3A_355 = arith.subf %add3A_354, %mul3A_352 : vector<16xf32>
      %div3A = arith.divf %mul3A_352, %sub3A_355 : vector<16xf32>
      %mul3A_356 = arith.constant 0.0714285746 : f32
      %mul3A_357 = vector.broadcast %mul3A_356 : f32 to vector<16xf32>
      %mul3A_358 = arith.mulf %gather3A_236, %mul3A_357 : vector<16xf32>
      %mul3A_359 = arith.constant 0.0714285746 : f32
      %mul3A_360 = vector.broadcast %mul3A_359 : f32 to vector<16xf32>
      %mul3A_361 = arith.mulf %gather3A_240, %mul3A_360 : vector<16xf32>
      %mul3A_362 = arith.constant 5.000000e-01 : f32
      %mul3A_363 = vector.broadcast %mul3A_362 : f32 to vector<16xf32>
      %mul3A_364 = arith.mulf %mul3A_363, %gather3A_244 : vector<16xf32>
      %sub3A_365 = arith.subf %mul3A_358, %mul3A_364 : vector<16xf32>
      %max3A_366 = arith.maximumf %sub3A_365, %sub3A : vector<16xf32>
      %mul3A_367 = arith.constant 5.000000e-01 : f32
      %mul3A_368 = vector.broadcast %mul3A_367 : f32 to vector<16xf32>
      %mul3A_369 = arith.mulf %mul3A_368, %gather3A_248 : vector<16xf32>
      %sub3A_370 = arith.subf %mul3A_361, %mul3A_369 : vector<16xf32>
      %max3A_371 = arith.maximumf %sub3A_370, %sub3A_310 : vector<16xf32>
      %mul3A_372 = arith.constant 5.000000e-01 : f32
      %mul3A_373 = vector.broadcast %mul3A_372 : f32 to vector<16xf32>
      %mul3A_374 = arith.mulf %mul3A_373, %gather3A_244 : vector<16xf32>
      %add3A_375 = arith.addf %mul3A_358, %mul3A_374 : vector<16xf32>
      %min3A_376 = arith.minimumf %add3A_375, %add3A_314 : vector<16xf32>
      %mul3A_377 = arith.constant 5.000000e-01 : f32
      %mul3A_378 = vector.broadcast %mul3A_377 : f32 to vector<16xf32>
      %mul3A_379 = arith.mulf %mul3A_378, %gather3A_248 : vector<16xf32>
      %add3A_380 = arith.addf %mul3A_361, %mul3A_379 : vector<16xf32>
      %min3A_381 = arith.minimumf %add3A_380, %add3A_318 : vector<16xf32>
      %sub3A_382 = arith.subf %min3A_376, %max3A_366 : vector<16xf32>
      %max3A_383 = arith.constant 0.000000e+00 : f32
      %max3A_384 = vector.broadcast %max3A_383 : f32 to vector<16xf32>
      %max3A_385 = arith.maximumf %sub3A_382, %max3A_384 : vector<16xf32>
      %sub3A_386 = arith.subf %min3A_381, %max3A_371 : vector<16xf32>
      %max3A_387 = arith.constant 0.000000e+00 : f32
      %max3A_388 = vector.broadcast %max3A_387 : f32 to vector<16xf32>
      %max3A_389 = arith.maximumf %sub3A_386, %max3A_388 : vector<16xf32>
      %mul3A_390 = arith.mulf %max3A_385, %max3A_389 : vector<16xf32>
      %mul3A_391 = arith.mulf %gather3A_244, %gather3A_248 : vector<16xf32>
      %add3A_392 = arith.addf %mul3A_391, %mul3A_319 : vector<16xf32>
      %sub3A_393 = arith.subf %add3A_392, %mul3A_390 : vector<16xf32>
      %div3A_394 = arith.divf %mul3A_390, %sub3A_393 : vector<16xf32>
      %gt3A_395 = arith.cmpf ogt, %div3A_394, %div3A : vector<16xf32>
      %max3A_396 = arith.maximumf %div3A, %div3A_394 : vector<16xf32>
      %select_n3A_397 = arith.select %gt3A_395, %gather3A_236, %gather3A : vector<16xi1>, vector<16xf32>
      %select_n3A_398 = arith.select %gt3A_395, %gather3A_240, %gather3A_220 : vector<16xi1>, vector<16xf32>
      %select_n3A_399 = arith.select %gt3A_395, %gather3A_244, %gather3A_224 : vector<16xi1>, vector<16xf32>
      %select_n3A_400 = arith.select %gt3A_395, %gather3A_248, %gather3A_228 : vector<16xi1>, vector<16xf32>
      %select_n3A_401 = arith.select %gt3A_395, %gather3A_252, %gather3A_232 : vector<16xi1>, vector<16xf32>
      %select_n3A_402 = arith.select %gt3A_395, %gather3A_232, %gather3A_252 : vector<16xi1>, vector<16xf32>
      %select_n3A_403 = arith.select %gt3A_395, %gather3A_276, %gather3A_256 : vector<16xi1>, vector<16xf32>
      %select_n3A_404 = arith.select %gt3A_395, %gather3A_280, %gather3A_260 : vector<16xi1>, vector<16xf32>
      %select_n3A_405 = arith.select %gt3A_395, %gather3A_284, %gather3A_264 : vector<16xi1>, vector<16xf32>
      %select_n3A_406 = arith.select %gt3A_395, %gather3A_288, %gather3A_268 : vector<16xi1>, vector<16xf32>
      %sub3A_407 = arith.subf %select_n3A_397, %select_n3A_403 : vector<16xf32>
      %sub3A_408 = arith.subf %select_n3A_398, %select_n3A_404 : vector<16xf32>
      %add3A_409 = arith.addf %select_n3A_399, %select_n3A_405 : vector<16xf32>
      %mul3A_410 = arith.mulf %select_n3A_399, %select_n3A_405 : vector<16xf32>
      %bitcast_convert_type3A = tpu.bitcast %mul3A_410 : vector<16xf32> -> vector<16xi32>
      %shift_right_logical3A = arith.constant 1 : i32
      %shift_right_logical3A_411 = vector.broadcast %shift_right_logical3A : i32 to vector<16xi32>
      %shift_right_logical3A_412 = arith.shrui %bitcast_convert_type3A, %shift_right_logical3A_411 : vector<16xi32>
      %sub3A_413 = arith.constant 1597463007 : i32
      %sub3A_414 = vector.broadcast %sub3A_413 : i32 to vector<16xi32>
      %sub3A_415 = arith.subi %sub3A_414, %shift_right_logical3A_412 : vector<16xi32>
      %bitcast_convert_type3A_416 = tpu.bitcast %sub3A_415 : vector<16xi32> -> vector<16xf32>
      %mul3A_417 = arith.constant 5.000000e-01 : f32
      %mul3A_418 = vector.broadcast %mul3A_417 : f32 to vector<16xf32>
      %mul3A_419 = arith.mulf %mul3A_418, %mul3A_410 : vector<16xf32>
      %mul3A_420 = arith.mulf %mul3A_419, %bitcast_convert_type3A_416 : vector<16xf32>
      %mul3A_421 = arith.mulf %mul3A_420, %bitcast_convert_type3A_416 : vector<16xf32>
      %sub3A_422 = arith.constant 1.500000e+00 : f32
      %sub3A_423 = vector.broadcast %sub3A_422 : f32 to vector<16xf32>
      %sub3A_424 = arith.subf %sub3A_423, %mul3A_421 : vector<16xf32>
      %mul3A_425 = arith.mulf %bitcast_convert_type3A_416, %sub3A_424 : vector<16xf32>
      %mul3A_426 = arith.constant 5.000000e-01 : f32
      %mul3A_427 = vector.broadcast %mul3A_426 : f32 to vector<16xf32>
      %mul3A_428 = arith.mulf %mul3A_427, %mul3A_410 : vector<16xf32>
      %mul3A_429 = arith.mulf %mul3A_428, %mul3A_425 : vector<16xf32>
      %mul3A_430 = arith.mulf %mul3A_429, %mul3A_425 : vector<16xf32>
      %sub3A_431 = arith.constant 1.500000e+00 : f32
      %sub3A_432 = vector.broadcast %sub3A_431 : f32 to vector<16xf32>
      %sub3A_433 = arith.subf %sub3A_432, %mul3A_430 : vector<16xf32>
      %mul3A_434 = arith.mulf %mul3A_425, %sub3A_433 : vector<16xf32>
      %mul3A_435 = arith.constant 5.000000e-01 : f32
      %mul3A_436 = vector.broadcast %mul3A_435 : f32 to vector<16xf32>
      %mul3A_437 = arith.mulf %mul3A_436, %mul3A_410 : vector<16xf32>
      %mul3A_438 = arith.mulf %mul3A_437, %mul3A_434 : vector<16xf32>
      %mul3A_439 = arith.mulf %mul3A_438, %mul3A_434 : vector<16xf32>
      %sub3A_440 = arith.constant 1.500000e+00 : f32
      %sub3A_441 = vector.broadcast %sub3A_440 : f32 to vector<16xf32>
      %sub3A_442 = arith.subf %sub3A_441, %mul3A_439 : vector<16xf32>
      %mul3A_443 = arith.mulf %mul3A_434, %sub3A_442 : vector<16xf32>
      %mul3A_444 = arith.mulf %mul3A_410, %mul3A_443 : vector<16xf32>
      %mul3A_445 = arith.constant 2.000000e+00 : f32
      %mul3A_446 = vector.broadcast %mul3A_445 : f32 to vector<16xf32>
      %mul3A_447 = arith.mulf %mul3A_446, %mul3A_444 : vector<16xf32>
      %sub3A_448 = arith.subf %add3A_409, %mul3A_447 : vector<16xf32>
      %add3A_449 = arith.addf %select_n3A_400, %select_n3A_406 : vector<16xf32>
      %mul3A_450 = arith.mulf %select_n3A_400, %select_n3A_406 : vector<16xf32>
      %bitcast_convert_type3A_451 = tpu.bitcast %mul3A_450 : vector<16xf32> -> vector<16xi32>
      %shift_right_logical3A_452 = arith.constant 1 : i32
      %shift_right_logical3A_453 = vector.broadcast %shift_right_logical3A_452 : i32 to vector<16xi32>
      %shift_right_logical3A_454 = arith.shrui %bitcast_convert_type3A_451, %shift_right_logical3A_453 : vector<16xi32>
      %sub3A_455 = arith.constant 1597463007 : i32
      %sub3A_456 = vector.broadcast %sub3A_455 : i32 to vector<16xi32>
      %sub3A_457 = arith.subi %sub3A_456, %shift_right_logical3A_454 : vector<16xi32>
      %bitcast_convert_type3A_458 = tpu.bitcast %sub3A_457 : vector<16xi32> -> vector<16xf32>
      %mul3A_459 = arith.constant 5.000000e-01 : f32
      %mul3A_460 = vector.broadcast %mul3A_459 : f32 to vector<16xf32>
      %mul3A_461 = arith.mulf %mul3A_460, %mul3A_450 : vector<16xf32>
      %mul3A_462 = arith.mulf %mul3A_461, %bitcast_convert_type3A_458 : vector<16xf32>
      %mul3A_463 = arith.mulf %mul3A_462, %bitcast_convert_type3A_458 : vector<16xf32>
      %sub3A_464 = arith.constant 1.500000e+00 : f32
      %sub3A_465 = vector.broadcast %sub3A_464 : f32 to vector<16xf32>
      %sub3A_466 = arith.subf %sub3A_465, %mul3A_463 : vector<16xf32>
      %mul3A_467 = arith.mulf %bitcast_convert_type3A_458, %sub3A_466 : vector<16xf32>
      %mul3A_468 = arith.constant 5.000000e-01 : f32
      %mul3A_469 = vector.broadcast %mul3A_468 : f32 to vector<16xf32>
      %mul3A_470 = arith.mulf %mul3A_469, %mul3A_450 : vector<16xf32>
      %mul3A_471 = arith.mulf %mul3A_470, %mul3A_467 : vector<16xf32>
      %mul3A_472 = arith.mulf %mul3A_471, %mul3A_467 : vector<16xf32>
      %sub3A_473 = arith.constant 1.500000e+00 : f32
      %sub3A_474 = vector.broadcast %sub3A_473 : f32 to vector<16xf32>
      %sub3A_475 = arith.subf %sub3A_474, %mul3A_472 : vector<16xf32>
      %mul3A_476 = arith.mulf %mul3A_467, %sub3A_475 : vector<16xf32>
      %mul3A_477 = arith.constant 5.000000e-01 : f32
      %mul3A_478 = vector.broadcast %mul3A_477 : f32 to vector<16xf32>
      %mul3A_479 = arith.mulf %mul3A_478, %mul3A_450 : vector<16xf32>
      %mul3A_480 = arith.mulf %mul3A_479, %mul3A_476 : vector<16xf32>
      %mul3A_481 = arith.mulf %mul3A_480, %mul3A_476 : vector<16xf32>
      %sub3A_482 = arith.constant 1.500000e+00 : f32
      %sub3A_483 = vector.broadcast %sub3A_482 : f32 to vector<16xf32>
      %sub3A_484 = arith.subf %sub3A_483, %mul3A_481 : vector<16xf32>
      %mul3A_485 = arith.mulf %mul3A_476, %sub3A_484 : vector<16xf32>
      %mul3A_486 = arith.mulf %mul3A_450, %mul3A_485 : vector<16xf32>
      %mul3A_487 = arith.constant 2.000000e+00 : f32
      %mul3A_488 = vector.broadcast %mul3A_487 : f32 to vector<16xf32>
      %mul3A_489 = arith.mulf %mul3A_488, %mul3A_486 : vector<16xf32>
      %sub3A_490 = arith.subf %add3A_449, %mul3A_489 : vector<16xf32>
      %mul3A_491 = arith.mulf %sub3A_407, %sub3A_407 : vector<16xf32>
      %mul3A_492 = arith.mulf %sub3A_408, %sub3A_408 : vector<16xf32>
      %add3A_493 = arith.addf %mul3A_491, %mul3A_492 : vector<16xf32>
      %add3A_494 = arith.addf %add3A_493, %sub3A_448 : vector<16xf32>
      %add3A_495 = arith.addf %add3A_494, %sub3A_490 : vector<16xf32>
      %sub3A_496 = arith.subf %select_n3A_401, %max3A_396 : vector<16xf32>
      %mul3A_497 = arith.mulf %sub3A_496, %sub3A_496 : vector<16xf32>
      %mul3A_498 = arith.constant 5.000000e+00 : f32
      %mul3A_499 = vector.broadcast %mul3A_498 : f32 to vector<16xf32>
      %mul3A_500 = arith.mulf %mul3A_499, %add3A_495 : vector<16xf32>
      %mul3A_501 = arith.constant 2.000000e+00 : f32
      %mul3A_502 = vector.broadcast %mul3A_501 : f32 to vector<16xf32>
      %mul3A_503 = arith.mulf %mul3A_502, %mul3A_497 : vector<16xf32>
      %add3A_504 = arith.addf %mul3A_500, %mul3A_503 : vector<16xf32>
      %mul3A_505 = arith.mulf %select_n3A_402, %select_n3A_402 : vector<16xf32>
      %add3A_506 = arith.addf %add3A_504, %mul3A_505 : vector<16xf32>
      %mul3A_507 = arith.mulf %select_n3A, %add3A_506 : vector<16xf32>
      %add3A_508 = arith.addf %scan3A_211, %mul3A_507 : vector<16xf32>
      %add3A_509 = arith.constant 480 : i32
      %add3A_510 = vector.broadcast %add3A_509 : i32 to vector<16xi32>
      %add3A_511 = arith.addi %scan3A_213, %add3A_510 : vector<16xi32>
      %ge3A = arith.constant 1470 : i32
      %ge3A_512 = vector.broadcast %ge3A : i32 to vector<16xi32>
      %ge3A_513 = arith.cmpi sge, %add3A_511, %ge3A_512 : vector<16xi32>
      %jit3A_514 = arith.constant 1 : i32
      %jit3A_515 = arith.constant 0 : i32
      %broadcast_in_dim3A_516 = vector.broadcast %jit3A_514 : i32 to vector<16xi32>
      %broadcast_in_dim3A_517 = vector.broadcast %jit3A_515 : i32 to vector<16xi32>
      %select_n3A_518 = arith.select %ge3A_513, %broadcast_in_dim3A_516, %broadcast_in_dim3A_517 : vector<16xi1>, vector<16xi32>
      %add3A_519 = arith.addi %scan3A_212, %select_n3A_518 : vector<16xi32>
      %jit3A_520 = arith.constant 1470 : i32
      %jit3A_521 = arith.constant 0 : i32
      %broadcast_in_dim3A_522 = vector.broadcast %jit3A_520 : i32 to vector<16xi32>
      %broadcast_in_dim3A_523 = vector.broadcast %jit3A_521 : i32 to vector<16xi32>
      %select_n3A_524 = arith.select %ge3A_513, %broadcast_in_dim3A_522, %broadcast_in_dim3A_523 : vector<16xi1>, vector<16xi32>
      %sub3A_525 = arith.subi %add3A_511, %select_n3A_524 : vector<16xi32>
      %add3A_526 = arith.constant 0 : i32
      %add3A_527 = vector.broadcast %add3A_526 : i32 to vector<16xi32>
      %add3A_528 = arith.addi %sub3A_525, %add3A_527 : vector<16xi32>
      %gather3A_529 = tpu.vector_load_idx %arg5[%add3A_519, %add3A_528] : memref<32x1470xf32, #tpu.memory_space<vmem>>[vector<16xi32>, vector<16xi32>], vector<16xf32>,
      %add3A_530 = arith.constant 1 : i32
      %add3A_531 = vector.broadcast %add3A_530 : i32 to vector<16xi32>
      %add3A_532 = arith.addi %sub3A_525, %add3A_531 : vector<16xi32>
      %gather3A_533 = tpu.vector_load_idx %arg5[%add3A_519, %add3A_532] : memref<32x1470xf32, #tpu.memory_space<vmem>>[vector<16xi32>, vector<16xi32>], vector<16xf32>,
      %add3A_534 = arith.constant 2 : i32
      %add3A_535 = vector.broadcast %add3A_534 : i32 to vector<16xi32>
      %add3A_536 = arith.addi %sub3A_525, %add3A_535 : vector<16xi32>
      %gather3A_537 = tpu.vector_load_idx %arg5[%add3A_519, %add3A_536] : memref<32x1470xf32, #tpu.memory_space<vmem>>[vector<16xi32>, vector<16xi32>], vector<16xf32>,
      %add3A_538 = arith.constant 3 : i32
      %add3A_539 = vector.broadcast %add3A_538 : i32 to vector<16xi32>
      %add3A_540 = arith.addi %sub3A_525, %add3A_539 : vector<16xi32>
      %gather3A_541 = tpu.vector_load_idx %arg5[%add3A_519, %add3A_540] : memref<32x1470xf32, #tpu.memory_space<vmem>>[vector<16xi32>, vector<16xi32>], vector<16xf32>,
      %add3A_542 = arith.constant 4 : i32
      %add3A_543 = vector.broadcast %add3A_542 : i32 to vector<16xi32>
      %add3A_544 = arith.addi %sub3A_525, %add3A_543 : vector<16xi32>
      %gather3A_545 = tpu.vector_load_idx %arg5[%add3A_519, %add3A_544] : memref<32x1470xf32, #tpu.memory_space<vmem>>[vector<16xi32>, vector<16xi32>], vector<16xf32>,
      %add3A_546 = arith.constant 5 : i32
      %add3A_547 = vector.broadcast %add3A_546 : i32 to vector<16xi32>
      %add3A_548 = arith.addi %sub3A_525, %add3A_547 : vector<16xi32>
      %gather3A_549 = tpu.vector_load_idx %arg5[%add3A_519, %add3A_548] : memref<32x1470xf32, #tpu.memory_space<vmem>>[vector<16xi32>, vector<16xi32>], vector<16xf32>,
      %add3A_550 = arith.constant 6 : i32
      %add3A_551 = vector.broadcast %add3A_550 : i32 to vector<16xi32>
      %add3A_552 = arith.addi %sub3A_525, %add3A_551 : vector<16xi32>
      %gather3A_553 = tpu.vector_load_idx %arg5[%add3A_519, %add3A_552] : memref<32x1470xf32, #tpu.memory_space<vmem>>[vector<16xi32>, vector<16xi32>], vector<16xf32>,
      %add3A_554 = arith.constant 7 : i32
      %add3A_555 = vector.broadcast %add3A_554 : i32 to vector<16xi32>
      %add3A_556 = arith.addi %sub3A_525, %add3A_555 : vector<16xi32>
      %gather3A_557 = tpu.vector_load_idx %arg5[%add3A_519, %add3A_556] : memref<32x1470xf32, #tpu.memory_space<vmem>>[vector<16xi32>, vector<16xi32>], vector<16xf32>,
      %add3A_558 = arith.constant 8 : i32
      %add3A_559 = vector.broadcast %add3A_558 : i32 to vector<16xi32>
      %add3A_560 = arith.addi %sub3A_525, %add3A_559 : vector<16xi32>
      %gather3A_561 = tpu.vector_load_idx %arg5[%add3A_519, %add3A_560] : memref<32x1470xf32, #tpu.memory_space<vmem>>[vector<16xi32>, vector<16xi32>], vector<16xf32>,
      %add3A_562 = arith.constant 9 : i32
      %add3A_563 = vector.broadcast %add3A_562 : i32 to vector<16xi32>
      %add3A_564 = arith.addi %sub3A_525, %add3A_563 : vector<16xi32>
      %gather3A_565 = tpu.vector_load_idx %arg5[%add3A_519, %add3A_564] : memref<32x1470xf32, #tpu.memory_space<vmem>>[vector<16xi32>, vector<16xi32>], vector<16xf32>,
      %add3A_566 = arith.constant 0 : i32
      %add3A_567 = vector.broadcast %add3A_566 : i32 to vector<16xi32>
      %add3A_568 = arith.addi %sub3A_525, %add3A_567 : vector<16xi32>
      %gather3A_569 = tpu.vector_load_idx %arg6[%add3A_519, %add3A_568] : memref<32x1470xf32, #tpu.memory_space<vmem>>[vector<16xi32>, vector<16xi32>], vector<16xf32>,
      %add3A_570 = arith.constant 1 : i32
      %add3A_571 = vector.broadcast %add3A_570 : i32 to vector<16xi32>
      %add3A_572 = arith.addi %sub3A_525, %add3A_571 : vector<16xi32>
      %gather3A_573 = tpu.vector_load_idx %arg6[%add3A_519, %add3A_572] : memref<32x1470xf32, #tpu.memory_space<vmem>>[vector<16xi32>, vector<16xi32>], vector<16xf32>,
      %add3A_574 = arith.constant 2 : i32
      %add3A_575 = vector.broadcast %add3A_574 : i32 to vector<16xi32>
      %add3A_576 = arith.addi %sub3A_525, %add3A_575 : vector<16xi32>
      %gather3A_577 = tpu.vector_load_idx %arg6[%add3A_519, %add3A_576] : memref<32x1470xf32, #tpu.memory_space<vmem>>[vector<16xi32>, vector<16xi32>], vector<16xf32>,
      %add3A_578 = arith.constant 3 : i32
      %add3A_579 = vector.broadcast %add3A_578 : i32 to vector<16xi32>
      %add3A_580 = arith.addi %sub3A_525, %add3A_579 : vector<16xi32>
      %gather3A_581 = tpu.vector_load_idx %arg6[%add3A_519, %add3A_580] : memref<32x1470xf32, #tpu.memory_space<vmem>>[vector<16xi32>, vector<16xi32>], vector<16xf32>,
      %add3A_582 = arith.constant 4 : i32
      %add3A_583 = vector.broadcast %add3A_582 : i32 to vector<16xi32>
      %add3A_584 = arith.addi %sub3A_525, %add3A_583 : vector<16xi32>
      %gather3A_585 = tpu.vector_load_idx %arg6[%add3A_519, %add3A_584] : memref<32x1470xf32, #tpu.memory_space<vmem>>[vector<16xi32>, vector<16xi32>], vector<16xf32>,
      %add3A_586 = arith.constant 5 : i32
      %add3A_587 = vector.broadcast %add3A_586 : i32 to vector<16xi32>
      %add3A_588 = arith.addi %sub3A_525, %add3A_587 : vector<16xi32>
      %gather3A_589 = tpu.vector_load_idx %arg6[%add3A_519, %add3A_588] : memref<32x1470xf32, #tpu.memory_space<vmem>>[vector<16xi32>, vector<16xi32>], vector<16xf32>,
      %add3A_590 = arith.constant 6 : i32
      %add3A_591 = vector.broadcast %add3A_590 : i32 to vector<16xi32>
      %add3A_592 = arith.addi %sub3A_525, %add3A_591 : vector<16xi32>
      %gather3A_593 = tpu.vector_load_idx %arg6[%add3A_519, %add3A_592] : memref<32x1470xf32, #tpu.memory_space<vmem>>[vector<16xi32>, vector<16xi32>], vector<16xf32>,
      %add3A_594 = arith.constant 7 : i32
      %add3A_595 = vector.broadcast %add3A_594 : i32 to vector<16xi32>
      %add3A_596 = arith.addi %sub3A_525, %add3A_595 : vector<16xi32>
      %gather3A_597 = tpu.vector_load_idx %arg6[%add3A_519, %add3A_596] : memref<32x1470xf32, #tpu.memory_space<vmem>>[vector<16xi32>, vector<16xi32>], vector<16xf32>,
      %add3A_598 = arith.constant 8 : i32
      %add3A_599 = vector.broadcast %add3A_598 : i32 to vector<16xi32>
      %add3A_600 = arith.addi %sub3A_525, %add3A_599 : vector<16xi32>
      %gather3A_601 = tpu.vector_load_idx %arg6[%add3A_519, %add3A_600] : memref<32x1470xf32, #tpu.memory_space<vmem>>[vector<16xi32>, vector<16xi32>], vector<16xf32>,
      %add3A_602 = arith.constant 9 : i32
      %add3A_603 = vector.broadcast %add3A_602 : i32 to vector<16xi32>
      %add3A_604 = arith.addi %sub3A_525, %add3A_603 : vector<16xi32>
      %gather3A_605 = tpu.vector_load_idx %arg6[%add3A_519, %add3A_604] : memref<32x1470xf32, #tpu.memory_space<vmem>>[vector<16xi32>, vector<16xi32>], vector<16xf32>,
      %gt3A_606 = arith.constant 0.000000e+00 : f32
      %gt3A_607 = vector.broadcast %gt3A_606 : f32 to vector<16xf32>
      %gt3A_608 = arith.cmpf ogt, %gather3A_585, %gt3A_607 : vector<16xf32>
      %jit3A_609 = arith.constant 1.000000e+00 : f32
      %jit3A_610 = arith.constant 0.000000e+00 : f32
      %broadcast_in_dim3A_611 = vector.broadcast %jit3A_609 : f32 to vector<16xf32>
      %broadcast_in_dim3A_612 = vector.broadcast %jit3A_610 : f32 to vector<16xf32>
      %select_n3A_613 = arith.select %gt3A_608, %broadcast_in_dim3A_611, %broadcast_in_dim3A_612 : vector<16xi1>, vector<16xf32>
      %mul3A_614 = arith.constant 0.0714285746 : f32
      %mul3A_615 = vector.broadcast %mul3A_614 : f32 to vector<16xf32>
      %mul3A_616 = arith.mulf %gather3A_569, %mul3A_615 : vector<16xf32>
      %mul3A_617 = arith.constant 0.0714285746 : f32
      %mul3A_618 = vector.broadcast %mul3A_617 : f32 to vector<16xf32>
      %mul3A_619 = arith.mulf %gather3A_573, %mul3A_618 : vector<16xf32>
      %mul3A_620 = arith.constant 5.000000e-01 : f32
      %mul3A_621 = vector.broadcast %mul3A_620 : f32 to vector<16xf32>
      %mul3A_622 = arith.mulf %mul3A_621, %gather3A_577 : vector<16xf32>
      %sub3A_623 = arith.subf %mul3A_616, %mul3A_622 : vector<16xf32>
      %mul3A_624 = arith.constant 5.000000e-01 : f32
      %mul3A_625 = vector.broadcast %mul3A_624 : f32 to vector<16xf32>
      %mul3A_626 = arith.mulf %mul3A_625, %gather3A_581 : vector<16xf32>
      %sub3A_627 = arith.subf %mul3A_619, %mul3A_626 : vector<16xf32>
      %mul3A_628 = arith.constant 5.000000e-01 : f32
      %mul3A_629 = vector.broadcast %mul3A_628 : f32 to vector<16xf32>
      %mul3A_630 = arith.mulf %mul3A_629, %gather3A_577 : vector<16xf32>
      %add3A_631 = arith.addf %mul3A_616, %mul3A_630 : vector<16xf32>
      %mul3A_632 = arith.constant 5.000000e-01 : f32
      %mul3A_633 = vector.broadcast %mul3A_632 : f32 to vector<16xf32>
      %mul3A_634 = arith.mulf %mul3A_633, %gather3A_581 : vector<16xf32>
      %add3A_635 = arith.addf %mul3A_619, %mul3A_634 : vector<16xf32>
      %mul3A_636 = arith.mulf %gather3A_577, %gather3A_581 : vector<16xf32>
      %mul3A_637 = arith.constant 0.0714285746 : f32
      %mul3A_638 = vector.broadcast %mul3A_637 : f32 to vector<16xf32>
      %mul3A_639 = arith.mulf %gather3A_529, %mul3A_638 : vector<16xf32>
      %mul3A_640 = arith.constant 0.0714285746 : f32
      %mul3A_641 = vector.broadcast %mul3A_640 : f32 to vector<16xf32>
      %mul3A_642 = arith.mulf %gather3A_533, %mul3A_641 : vector<16xf32>
      %mul3A_643 = arith.constant 5.000000e-01 : f32
      %mul3A_644 = vector.broadcast %mul3A_643 : f32 to vector<16xf32>
      %mul3A_645 = arith.mulf %mul3A_644, %gather3A_537 : vector<16xf32>
      %sub3A_646 = arith.subf %mul3A_639, %mul3A_645 : vector<16xf32>
      %max3A_647 = arith.maximumf %sub3A_646, %sub3A_623 : vector<16xf32>
      %mul3A_648 = arith.constant 5.000000e-01 : f32
      %mul3A_649 = vector.broadcast %mul3A_648 : f32 to vector<16xf32>
      %mul3A_650 = arith.mulf %mul3A_649, %gather3A_541 : vector<16xf32>
      %sub3A_651 = arith.subf %mul3A_642, %mul3A_650 : vector<16xf32>
      %max3A_652 = arith.maximumf %sub3A_651, %sub3A_627 : vector<16xf32>
      %mul3A_653 = arith.constant 5.000000e-01 : f32
      %mul3A_654 = vector.broadcast %mul3A_653 : f32 to vector<16xf32>
      %mul3A_655 = arith.mulf %mul3A_654, %gather3A_537 : vector<16xf32>
      %add3A_656 = arith.addf %mul3A_639, %mul3A_655 : vector<16xf32>
      %min3A_657 = arith.minimumf %add3A_656, %add3A_631 : vector<16xf32>
      %mul3A_658 = arith.constant 5.000000e-01 : f32
      %mul3A_659 = vector.broadcast %mul3A_658 : f32 to vector<16xf32>
      %mul3A_660 = arith.mulf %mul3A_659, %gather3A_541 : vector<16xf32>
      %add3A_661 = arith.addf %mul3A_642, %mul3A_660 : vector<16xf32>
      %min3A_662 = arith.minimumf %add3A_661, %add3A_635 : vector<16xf32>
      %sub3A_663 = arith.subf %min3A_657, %max3A_647 : vector<16xf32>
      %max3A_664 = arith.constant 0.000000e+00 : f32
      %max3A_665 = vector.broadcast %max3A_664 : f32 to vector<16xf32>
      %max3A_666 = arith.maximumf %sub3A_663, %max3A_665 : vector<16xf32>
      %sub3A_667 = arith.subf %min3A_662, %max3A_652 : vector<16xf32>
      %max3A_668 = arith.constant 0.000000e+00 : f32
      %max3A_669 = vector.broadcast %max3A_668 : f32 to vector<16xf32>
      %max3A_670 = arith.maximumf %sub3A_667, %max3A_669 : vector<16xf32>
      %mul3A_671 = arith.mulf %max3A_666, %max3A_670 : vector<16xf32>
      %mul3A_672 = arith.mulf %gather3A_537, %gather3A_541 : vector<16xf32>
      %add3A_673 = arith.addf %mul3A_672, %mul3A_636 : vector<16xf32>
      %sub3A_674 = arith.subf %add3A_673, %mul3A_671 : vector<16xf32>
      %div3A_675 = arith.divf %mul3A_671, %sub3A_674 : vector<16xf32>
      %mul3A_676 = arith.constant 0.0714285746 : f32
      %mul3A_677 = vector.broadcast %mul3A_676 : f32 to vector<16xf32>
      %mul3A_678 = arith.mulf %gather3A_549, %mul3A_677 : vector<16xf32>
      %mul3A_679 = arith.constant 0.0714285746 : f32
      %mul3A_680 = vector.broadcast %mul3A_679 : f32 to vector<16xf32>
      %mul3A_681 = arith.mulf %gather3A_553, %mul3A_680 : vector<16xf32>
      %mul3A_682 = arith.constant 5.000000e-01 : f32
      %mul3A_683 = vector.broadcast %mul3A_682 : f32 to vector<16xf32>
      %mul3A_684 = arith.mulf %mul3A_683, %gather3A_557 : vector<16xf32>
      %sub3A_685 = arith.subf %mul3A_678, %mul3A_684 : vector<16xf32>
      %max3A_686 = arith.maximumf %sub3A_685, %sub3A_623 : vector<16xf32>
      %mul3A_687 = arith.constant 5.000000e-01 : f32
      %mul3A_688 = vector.broadcast %mul3A_687 : f32 to vector<16xf32>
      %mul3A_689 = arith.mulf %mul3A_688, %gather3A_561 : vector<16xf32>
      %sub3A_690 = arith.subf %mul3A_681, %mul3A_689 : vector<16xf32>
      %max3A_691 = arith.maximumf %sub3A_690, %sub3A_627 : vector<16xf32>
      %mul3A_692 = arith.constant 5.000000e-01 : f32
      %mul3A_693 = vector.broadcast %mul3A_692 : f32 to vector<16xf32>
      %mul3A_694 = arith.mulf %mul3A_693, %gather3A_557 : vector<16xf32>
      %add3A_695 = arith.addf %mul3A_678, %mul3A_694 : vector<16xf32>
      %min3A_696 = arith.minimumf %add3A_695, %add3A_631 : vector<16xf32>
      %mul3A_697 = arith.constant 5.000000e-01 : f32
      %mul3A_698 = vector.broadcast %mul3A_697 : f32 to vector<16xf32>
      %mul3A_699 = arith.mulf %mul3A_698, %gather3A_561 : vector<16xf32>
      %add3A_700 = arith.addf %mul3A_681, %mul3A_699 : vector<16xf32>
      %min3A_701 = arith.minimumf %add3A_700, %add3A_635 : vector<16xf32>
      %sub3A_702 = arith.subf %min3A_696, %max3A_686 : vector<16xf32>
      %max3A_703 = arith.constant 0.000000e+00 : f32
      %max3A_704 = vector.broadcast %max3A_703 : f32 to vector<16xf32>
      %max3A_705 = arith.maximumf %sub3A_702, %max3A_704 : vector<16xf32>
      %sub3A_706 = arith.subf %min3A_701, %max3A_691 : vector<16xf32>
      %max3A_707 = arith.constant 0.000000e+00 : f32
      %max3A_708 = vector.broadcast %max3A_707 : f32 to vector<16xf32>
      %max3A_709 = arith.maximumf %sub3A_706, %max3A_708 : vector<16xf32>
      %mul3A_710 = arith.mulf %max3A_705, %max3A_709 : vector<16xf32>
      %mul3A_711 = arith.mulf %gather3A_557, %gather3A_561 : vector<16xf32>
      %add3A_712 = arith.addf %mul3A_711, %mul3A_636 : vector<16xf32>
      %sub3A_713 = arith.subf %add3A_712, %mul3A_710 : vector<16xf32>
      %div3A_714 = arith.divf %mul3A_710, %sub3A_713 : vector<16xf32>
      %gt3A_715 = arith.cmpf ogt, %div3A_714, %div3A_675 : vector<16xf32>
      %max3A_716 = arith.maximumf %div3A_675, %div3A_714 : vector<16xf32>
      %select_n3A_717 = arith.select %gt3A_715, %gather3A_549, %gather3A_529 : vector<16xi1>, vector<16xf32>
      %select_n3A_718 = arith.select %gt3A_715, %gather3A_553, %gather3A_533 : vector<16xi1>, vector<16xf32>
      %select_n3A_719 = arith.select %gt3A_715, %gather3A_557, %gather3A_537 : vector<16xi1>, vector<16xf32>
      %select_n3A_720 = arith.select %gt3A_715, %gather3A_561, %gather3A_541 : vector<16xi1>, vector<16xf32>
      %select_n3A_721 = arith.select %gt3A_715, %gather3A_565, %gather3A_545 : vector<16xi1>, vector<16xf32>
      %select_n3A_722 = arith.select %gt3A_715, %gather3A_545, %gather3A_565 : vector<16xi1>, vector<16xf32>
      %select_n3A_723 = arith.select %gt3A_715, %gather3A_589, %gather3A_569 : vector<16xi1>, vector<16xf32>
      %select_n3A_724 = arith.select %gt3A_715, %gather3A_593, %gather3A_573 : vector<16xi1>, vector<16xf32>
      %select_n3A_725 = arith.select %gt3A_715, %gather3A_597, %gather3A_577 : vector<16xi1>, vector<16xf32>
      %select_n3A_726 = arith.select %gt3A_715, %gather3A_601, %gather3A_581 : vector<16xi1>, vector<16xf32>
      %sub3A_727 = arith.subf %select_n3A_717, %select_n3A_723 : vector<16xf32>
      %sub3A_728 = arith.subf %select_n3A_718, %select_n3A_724 : vector<16xf32>
      %add3A_729 = arith.addf %select_n3A_719, %select_n3A_725 : vector<16xf32>
      %mul3A_730 = arith.mulf %select_n3A_719, %select_n3A_725 : vector<16xf32>
      %bitcast_convert_type3A_731 = tpu.bitcast %mul3A_730 : vector<16xf32> -> vector<16xi32>
      %shift_right_logical3A_732 = arith.constant 1 : i32
      %shift_right_logical3A_733 = vector.broadcast %shift_right_logical3A_732 : i32 to vector<16xi32>
      %shift_right_logical3A_734 = arith.shrui %bitcast_convert_type3A_731, %shift_right_logical3A_733 : vector<16xi32>
      %sub3A_735 = arith.constant 1597463007 : i32
      %sub3A_736 = vector.broadcast %sub3A_735 : i32 to vector<16xi32>
      %sub3A_737 = arith.subi %sub3A_736, %shift_right_logical3A_734 : vector<16xi32>
      %bitcast_convert_type3A_738 = tpu.bitcast %sub3A_737 : vector<16xi32> -> vector<16xf32>
      %mul3A_739 = arith.constant 5.000000e-01 : f32
      %mul3A_740 = vector.broadcast %mul3A_739 : f32 to vector<16xf32>
      %mul3A_741 = arith.mulf %mul3A_740, %mul3A_730 : vector<16xf32>
      %mul3A_742 = arith.mulf %mul3A_741, %bitcast_convert_type3A_738 : vector<16xf32>
      %mul3A_743 = arith.mulf %mul3A_742, %bitcast_convert_type3A_738 : vector<16xf32>
      %sub3A_744 = arith.constant 1.500000e+00 : f32
      %sub3A_745 = vector.broadcast %sub3A_744 : f32 to vector<16xf32>
      %sub3A_746 = arith.subf %sub3A_745, %mul3A_743 : vector<16xf32>
      %mul3A_747 = arith.mulf %bitcast_convert_type3A_738, %sub3A_746 : vector<16xf32>
      %mul3A_748 = arith.constant 5.000000e-01 : f32
      %mul3A_749 = vector.broadcast %mul3A_748 : f32 to vector<16xf32>
      %mul3A_750 = arith.mulf %mul3A_749, %mul3A_730 : vector<16xf32>
      %mul3A_751 = arith.mulf %mul3A_750, %mul3A_747 : vector<16xf32>
      %mul3A_752 = arith.mulf %mul3A_751, %mul3A_747 : vector<16xf32>
      %sub3A_753 = arith.constant 1.500000e+00 : f32
      %sub3A_754 = vector.broadcast %sub3A_753 : f32 to vector<16xf32>
      %sub3A_755 = arith.subf %sub3A_754, %mul3A_752 : vector<16xf32>
      %mul3A_756 = arith.mulf %mul3A_747, %sub3A_755 : vector<16xf32>
      %mul3A_757 = arith.constant 5.000000e-01 : f32
      %mul3A_758 = vector.broadcast %mul3A_757 : f32 to vector<16xf32>
      %mul3A_759 = arith.mulf %mul3A_758, %mul3A_730 : vector<16xf32>
      %mul3A_760 = arith.mulf %mul3A_759, %mul3A_756 : vector<16xf32>
      %mul3A_761 = arith.mulf %mul3A_760, %mul3A_756 : vector<16xf32>
      %sub3A_762 = arith.constant 1.500000e+00 : f32
      %sub3A_763 = vector.broadcast %sub3A_762 : f32 to vector<16xf32>
      %sub3A_764 = arith.subf %sub3A_763, %mul3A_761 : vector<16xf32>
      %mul3A_765 = arith.mulf %mul3A_756, %sub3A_764 : vector<16xf32>
      %mul3A_766 = arith.mulf %mul3A_730, %mul3A_765 : vector<16xf32>
      %mul3A_767 = arith.constant 2.000000e+00 : f32
      %mul3A_768 = vector.broadcast %mul3A_767 : f32 to vector<16xf32>
      %mul3A_769 = arith.mulf %mul3A_768, %mul3A_766 : vector<16xf32>
      %sub3A_770 = arith.subf %add3A_729, %mul3A_769 : vector<16xf32>
      %add3A_771 = arith.addf %select_n3A_720, %select_n3A_726 : vector<16xf32>
      %mul3A_772 = arith.mulf %select_n3A_720, %select_n3A_726 : vector<16xf32>
      %bitcast_convert_type3A_773 = tpu.bitcast %mul3A_772 : vector<16xf32> -> vector<16xi32>
      %shift_right_logical3A_774 = arith.constant 1 : i32
      %shift_right_logical3A_775 = vector.broadcast %shift_right_logical3A_774 : i32 to vector<16xi32>
      %shift_right_logical3A_776 = arith.shrui %bitcast_convert_type3A_773, %shift_right_logical3A_775 : vector<16xi32>
      %sub3A_777 = arith.constant 1597463007 : i32
      %sub3A_778 = vector.broadcast %sub3A_777 : i32 to vector<16xi32>
      %sub3A_779 = arith.subi %sub3A_778, %shift_right_logical3A_776 : vector<16xi32>
      %bitcast_convert_type3A_780 = tpu.bitcast %sub3A_779 : vector<16xi32> -> vector<16xf32>
      %mul3A_781 = arith.constant 5.000000e-01 : f32
      %mul3A_782 = vector.broadcast %mul3A_781 : f32 to vector<16xf32>
      %mul3A_783 = arith.mulf %mul3A_782, %mul3A_772 : vector<16xf32>
      %mul3A_784 = arith.mulf %mul3A_783, %bitcast_convert_type3A_780 : vector<16xf32>
      %mul3A_785 = arith.mulf %mul3A_784, %bitcast_convert_type3A_780 : vector<16xf32>
      %sub3A_786 = arith.constant 1.500000e+00 : f32
      %sub3A_787 = vector.broadcast %sub3A_786 : f32 to vector<16xf32>
      %sub3A_788 = arith.subf %sub3A_787, %mul3A_785 : vector<16xf32>
      %mul3A_789 = arith.mulf %bitcast_convert_type3A_780, %sub3A_788 : vector<16xf32>
      %mul3A_790 = arith.constant 5.000000e-01 : f32
      %mul3A_791 = vector.broadcast %mul3A_790 : f32 to vector<16xf32>
      %mul3A_792 = arith.mulf %mul3A_791, %mul3A_772 : vector<16xf32>
      %mul3A_793 = arith.mulf %mul3A_792, %mul3A_789 : vector<16xf32>
      %mul3A_794 = arith.mulf %mul3A_793, %mul3A_789 : vector<16xf32>
      %sub3A_795 = arith.constant 1.500000e+00 : f32
      %sub3A_796 = vector.broadcast %sub3A_795 : f32 to vector<16xf32>
      %sub3A_797 = arith.subf %sub3A_796, %mul3A_794 : vector<16xf32>
      %mul3A_798 = arith.mulf %mul3A_789, %sub3A_797 : vector<16xf32>
      %mul3A_799 = arith.constant 5.000000e-01 : f32
      %mul3A_800 = vector.broadcast %mul3A_799 : f32 to vector<16xf32>
      %mul3A_801 = arith.mulf %mul3A_800, %mul3A_772 : vector<16xf32>
      %mul3A_802 = arith.mulf %mul3A_801, %mul3A_798 : vector<16xf32>
      %mul3A_803 = arith.mulf %mul3A_802, %mul3A_798 : vector<16xf32>
      %sub3A_804 = arith.constant 1.500000e+00 : f32
      %sub3A_805 = vector.broadcast %sub3A_804 : f32 to vector<16xf32>
      %sub3A_806 = arith.subf %sub3A_805, %mul3A_803 : vector<16xf32>
      %mul3A_807 = arith.mulf %mul3A_798, %sub3A_806 : vector<16xf32>
      %mul3A_808 = arith.mulf %mul3A_772, %mul3A_807 : vector<16xf32>
      %mul3A_809 = arith.constant 2.000000e+00 : f32
      %mul3A_810 = vector.broadcast %mul3A_809 : f32 to vector<16xf32>
      %mul3A_811 = arith.mulf %mul3A_810, %mul3A_808 : vector<16xf32>
      %sub3A_812 = arith.subf %add3A_771, %mul3A_811 : vector<16xf32>
      %mul3A_813 = arith.mulf %sub3A_727, %sub3A_727 : vector<16xf32>
      %mul3A_814 = arith.mulf %sub3A_728, %sub3A_728 : vector<16xf32>
      %add3A_815 = arith.addf %mul3A_813, %mul3A_814 : vector<16xf32>
      %add3A_816 = arith.addf %add3A_815, %sub3A_770 : vector<16xf32>
      %add3A_817 = arith.addf %add3A_816, %sub3A_812 : vector<16xf32>
      %sub3A_818 = arith.subf %select_n3A_721, %max3A_716 : vector<16xf32>
      %mul3A_819 = arith.mulf %sub3A_818, %sub3A_818 : vector<16xf32>
      %mul3A_820 = arith.constant 5.000000e+00 : f32
      %mul3A_821 = vector.broadcast %mul3A_820 : f32 to vector<16xf32>
      %mul3A_822 = arith.mulf %mul3A_821, %add3A_817 : vector<16xf32>
      %mul3A_823 = arith.constant 2.000000e+00 : f32
      %mul3A_824 = vector.broadcast %mul3A_823 : f32 to vector<16xf32>
      %mul3A_825 = arith.mulf %mul3A_824, %mul3A_819 : vector<16xf32>
      %add3A_826 = arith.addf %mul3A_822, %mul3A_825 : vector<16xf32>
      %mul3A_827 = arith.mulf %select_n3A_722, %select_n3A_722 : vector<16xf32>
      %add3A_828 = arith.addf %add3A_826, %mul3A_827 : vector<16xf32>
      %mul3A_829 = arith.mulf %select_n3A_613, %add3A_828 : vector<16xf32>
      %add3A_830 = arith.addf %add3A_508, %mul3A_829 : vector<16xf32>
      %add3A_831 = arith.constant 480 : i32
      %add3A_832 = vector.broadcast %add3A_831 : i32 to vector<16xi32>
      %add3A_833 = arith.addi %sub3A_525, %add3A_832 : vector<16xi32>
      %ge3A_834 = arith.constant 1470 : i32
      %ge3A_835 = vector.broadcast %ge3A_834 : i32 to vector<16xi32>
      %ge3A_836 = arith.cmpi sge, %add3A_833, %ge3A_835 : vector<16xi32>
      %jit3A_837 = arith.constant 1 : i32
      %jit3A_838 = arith.constant 0 : i32
      %broadcast_in_dim3A_839 = vector.broadcast %jit3A_837 : i32 to vector<16xi32>
      %broadcast_in_dim3A_840 = vector.broadcast %jit3A_838 : i32 to vector<16xi32>
      %select_n3A_841 = arith.select %ge3A_836, %broadcast_in_dim3A_839, %broadcast_in_dim3A_840 : vector<16xi1>, vector<16xi32>
      %add3A_842 = arith.addi %add3A_519, %select_n3A_841 : vector<16xi32>
      %jit3A_843 = arith.constant 1470 : i32
      %jit3A_844 = arith.constant 0 : i32
      %broadcast_in_dim3A_845 = vector.broadcast %jit3A_843 : i32 to vector<16xi32>
      %broadcast_in_dim3A_846 = vector.broadcast %jit3A_844 : i32 to vector<16xi32>
      %select_n3A_847 = arith.select %ge3A_836, %broadcast_in_dim3A_845, %broadcast_in_dim3A_846 : vector<16xi1>, vector<16xi32>
      %sub3A_848 = arith.subi %add3A_833, %select_n3A_847 : vector<16xi32>
      scf.yield %add3A_830, %add3A_842, %sub3A_848 : vector<16xf32>, vector<16xi32>, vector<16xi32>
    }
    %scan3A_154 = arith.constant 12 : i32
    %dma_wait3A_155 = arith.constant 16 : i32
    %dma_wait3A_156 = arith.constant 0 : i32
    %dma_wait3A_157 = tpu.memref_slice %arg5[%dma_wait3A_155, %dma_wait3A_156] : memref<32x1470xf32, #tpu.memory_space<vmem>> -> memref<8x1470xf32, #tpu.memory_space<vmem>>
    %dma_wait3A_158 = arith.constant 0 : i32
    %dma_wait3A_159 = tpu.memref_slice %arg2[%add3A_51, %dma_wait3A_158] : memref<1024x1470xf32, #tpu.memory_space<hbm>> -> memref<8x1470xf32, #tpu.memory_space<hbm>>
    %dma_wait3A_160 = arith.constant 16 : i32
    %dma_wait3A_161 = arith.constant 0 : i32
    %dma_wait3A_162 = tpu.memref_slice %arg5[%dma_wait3A_160, %dma_wait3A_161] : memref<32x1470xf32, #tpu.memory_space<vmem>> -> memref<8x1470xf32, #tpu.memory_space<vmem>>
    %dma_wait3A_163 = arith.constant 0 : i32
    %dma_wait3A_164 = tpu.memref_slice %arg2[%add3A_51, %dma_wait3A_163] : memref<1024x1470xf32, #tpu.memory_space<hbm>> -> memref<8x1470xf32, #tpu.memory_space<hbm>>
    tpu.wait_dma2 semaphore(%arg12 : memref<!tpu.dma_semaphore, #tpu.memory_space<semaphore_mem>>) src(%dma_wait3A_164 : memref<8x1470xf32, #tpu.memory_space<hbm>>) dst(%dma_wait3A_162 : memref<8x1470xf32, #tpu.memory_space<vmem>>)
    %dma_wait3A_165 = arith.constant 16 : i32
    %dma_wait3A_166 = arith.constant 0 : i32
    %dma_wait3A_167 = tpu.memref_slice %arg6[%dma_wait3A_165, %dma_wait3A_166] : memref<32x1470xf32, #tpu.memory_space<vmem>> -> memref<8x1470xf32, #tpu.memory_space<vmem>>
    %dma_wait3A_168 = arith.constant 0 : i32
    %dma_wait3A_169 = tpu.memref_slice %arg3[%add3A_63, %dma_wait3A_168] : memref<1024x1470xf32, #tpu.memory_space<hbm>> -> memref<8x1470xf32, #tpu.memory_space<hbm>>
    %dma_wait3A_170 = arith.constant 16 : i32
    %dma_wait3A_171 = arith.constant 0 : i32
    %dma_wait3A_172 = tpu.memref_slice %arg6[%dma_wait3A_170, %dma_wait3A_171] : memref<32x1470xf32, #tpu.memory_space<vmem>> -> memref<8x1470xf32, #tpu.memory_space<vmem>>
    %dma_wait3A_173 = arith.constant 0 : i32
    %dma_wait3A_174 = tpu.memref_slice %arg3[%add3A_63, %dma_wait3A_173] : memref<1024x1470xf32, #tpu.memory_space<hbm>> -> memref<8x1470xf32, #tpu.memory_space<hbm>>
    tpu.wait_dma2 semaphore(%arg13 : memref<!tpu.dma_semaphore, #tpu.memory_space<semaphore_mem>>) src(%dma_wait3A_174 : memref<8x1470xf32, #tpu.memory_space<hbm>>) dst(%dma_wait3A_172 : memref<8x1470xf32, #tpu.memory_space<vmem>>)
    %scan3A_175 = arith.constant 0 : i32
    %scan3A_176 = arith.constant 12 : i32
    %scan3A_177 = arith.addi %scan3A_175, %scan3A_176 : i32
    %scan3A_178 = arith.constant 1 : i32
    %scan3A_179:3 = scf.for %scan3A_210 = %scan3A_175 to %scan3A_177 step %scan3A_178 iter_args(%scan3A_211 = %scan3A_153#0, %scan3A_212 = %scan3A_153#1, %scan3A_213 = %scan3A_153#2) -> (vector<16xf32>, vector<16xi32>, vector<16xi32>)  : i32 {
      %add3A_214 = arith.constant 0 : i32
      %add3A_215 = vector.broadcast %add3A_214 : i32 to vector<16xi32>
      %add3A_216 = arith.addi %scan3A_213, %add3A_215 : vector<16xi32>
      %gather3A = tpu.vector_load_idx %arg5[%scan3A_212, %add3A_216] : memref<32x1470xf32, #tpu.memory_space<vmem>>[vector<16xi32>, vector<16xi32>], vector<16xf32>,
      %add3A_217 = arith.constant 1 : i32
      %add3A_218 = vector.broadcast %add3A_217 : i32 to vector<16xi32>
      %add3A_219 = arith.addi %scan3A_213, %add3A_218 : vector<16xi32>
      %gather3A_220 = tpu.vector_load_idx %arg5[%scan3A_212, %add3A_219] : memref<32x1470xf32, #tpu.memory_space<vmem>>[vector<16xi32>, vector<16xi32>], vector<16xf32>,
      %add3A_221 = arith.constant 2 : i32
      %add3A_222 = vector.broadcast %add3A_221 : i32 to vector<16xi32>
      %add3A_223 = arith.addi %scan3A_213, %add3A_222 : vector<16xi32>
      %gather3A_224 = tpu.vector_load_idx %arg5[%scan3A_212, %add3A_223] : memref<32x1470xf32, #tpu.memory_space<vmem>>[vector<16xi32>, vector<16xi32>], vector<16xf32>,
      %add3A_225 = arith.constant 3 : i32
      %add3A_226 = vector.broadcast %add3A_225 : i32 to vector<16xi32>
      %add3A_227 = arith.addi %scan3A_213, %add3A_226 : vector<16xi32>
      %gather3A_228 = tpu.vector_load_idx %arg5[%scan3A_212, %add3A_227] : memref<32x1470xf32, #tpu.memory_space<vmem>>[vector<16xi32>, vector<16xi32>], vector<16xf32>,
      %add3A_229 = arith.constant 4 : i32
      %add3A_230 = vector.broadcast %add3A_229 : i32 to vector<16xi32>
      %add3A_231 = arith.addi %scan3A_213, %add3A_230 : vector<16xi32>
      %gather3A_232 = tpu.vector_load_idx %arg5[%scan3A_212, %add3A_231] : memref<32x1470xf32, #tpu.memory_space<vmem>>[vector<16xi32>, vector<16xi32>], vector<16xf32>,
      %add3A_233 = arith.constant 5 : i32
      %add3A_234 = vector.broadcast %add3A_233 : i32 to vector<16xi32>
      %add3A_235 = arith.addi %scan3A_213, %add3A_234 : vector<16xi32>
      %gather3A_236 = tpu.vector_load_idx %arg5[%scan3A_212, %add3A_235] : memref<32x1470xf32, #tpu.memory_space<vmem>>[vector<16xi32>, vector<16xi32>], vector<16xf32>,
      %add3A_237 = arith.constant 6 : i32
      %add3A_238 = vector.broadcast %add3A_237 : i32 to vector<16xi32>
      %add3A_239 = arith.addi %scan3A_213, %add3A_238 : vector<16xi32>
      %gather3A_240 = tpu.vector_load_idx %arg5[%scan3A_212, %add3A_239] : memref<32x1470xf32, #tpu.memory_space<vmem>>[vector<16xi32>, vector<16xi32>], vector<16xf32>,
      %add3A_241 = arith.constant 7 : i32
      %add3A_242 = vector.broadcast %add3A_241 : i32 to vector<16xi32>
      %add3A_243 = arith.addi %scan3A_213, %add3A_242 : vector<16xi32>
      %gather3A_244 = tpu.vector_load_idx %arg5[%scan3A_212, %add3A_243] : memref<32x1470xf32, #tpu.memory_space<vmem>>[vector<16xi32>, vector<16xi32>], vector<16xf32>,
      %add3A_245 = arith.constant 8 : i32
      %add3A_246 = vector.broadcast %add3A_245 : i32 to vector<16xi32>
      %add3A_247 = arith.addi %scan3A_213, %add3A_246 : vector<16xi32>
      %gather3A_248 = tpu.vector_load_idx %arg5[%scan3A_212, %add3A_247] : memref<32x1470xf32, #tpu.memory_space<vmem>>[vector<16xi32>, vector<16xi32>], vector<16xf32>,
      %add3A_249 = arith.constant 9 : i32
      %add3A_250 = vector.broadcast %add3A_249 : i32 to vector<16xi32>
      %add3A_251 = arith.addi %scan3A_213, %add3A_250 : vector<16xi32>
      %gather3A_252 = tpu.vector_load_idx %arg5[%scan3A_212, %add3A_251] : memref<32x1470xf32, #tpu.memory_space<vmem>>[vector<16xi32>, vector<16xi32>], vector<16xf32>,
      %add3A_253 = arith.constant 0 : i32
      %add3A_254 = vector.broadcast %add3A_253 : i32 to vector<16xi32>
      %add3A_255 = arith.addi %scan3A_213, %add3A_254 : vector<16xi32>
      %gather3A_256 = tpu.vector_load_idx %arg6[%scan3A_212, %add3A_255] : memref<32x1470xf32, #tpu.memory_space<vmem>>[vector<16xi32>, vector<16xi32>], vector<16xf32>,
      %add3A_257 = arith.constant 1 : i32
      %add3A_258 = vector.broadcast %add3A_257 : i32 to vector<16xi32>
      %add3A_259 = arith.addi %scan3A_213, %add3A_258 : vector<16xi32>
      %gather3A_260 = tpu.vector_load_idx %arg6[%scan3A_212, %add3A_259] : memref<32x1470xf32, #tpu.memory_space<vmem>>[vector<16xi32>, vector<16xi32>], vector<16xf32>,
      %add3A_261 = arith.constant 2 : i32
      %add3A_262 = vector.broadcast %add3A_261 : i32 to vector<16xi32>
      %add3A_263 = arith.addi %scan3A_213, %add3A_262 : vector<16xi32>
      %gather3A_264 = tpu.vector_load_idx %arg6[%scan3A_212, %add3A_263] : memref<32x1470xf32, #tpu.memory_space<vmem>>[vector<16xi32>, vector<16xi32>], vector<16xf32>,
      %add3A_265 = arith.constant 3 : i32
      %add3A_266 = vector.broadcast %add3A_265 : i32 to vector<16xi32>
      %add3A_267 = arith.addi %scan3A_213, %add3A_266 : vector<16xi32>
      %gather3A_268 = tpu.vector_load_idx %arg6[%scan3A_212, %add3A_267] : memref<32x1470xf32, #tpu.memory_space<vmem>>[vector<16xi32>, vector<16xi32>], vector<16xf32>,
      %add3A_269 = arith.constant 4 : i32
      %add3A_270 = vector.broadcast %add3A_269 : i32 to vector<16xi32>
      %add3A_271 = arith.addi %scan3A_213, %add3A_270 : vector<16xi32>
      %gather3A_272 = tpu.vector_load_idx %arg6[%scan3A_212, %add3A_271] : memref<32x1470xf32, #tpu.memory_space<vmem>>[vector<16xi32>, vector<16xi32>], vector<16xf32>,
      %add3A_273 = arith.constant 5 : i32
      %add3A_274 = vector.broadcast %add3A_273 : i32 to vector<16xi32>
      %add3A_275 = arith.addi %scan3A_213, %add3A_274 : vector<16xi32>
      %gather3A_276 = tpu.vector_load_idx %arg6[%scan3A_212, %add3A_275] : memref<32x1470xf32, #tpu.memory_space<vmem>>[vector<16xi32>, vector<16xi32>], vector<16xf32>,
      %add3A_277 = arith.constant 6 : i32
      %add3A_278 = vector.broadcast %add3A_277 : i32 to vector<16xi32>
      %add3A_279 = arith.addi %scan3A_213, %add3A_278 : vector<16xi32>
      %gather3A_280 = tpu.vector_load_idx %arg6[%scan3A_212, %add3A_279] : memref<32x1470xf32, #tpu.memory_space<vmem>>[vector<16xi32>, vector<16xi32>], vector<16xf32>,
      %add3A_281 = arith.constant 7 : i32
      %add3A_282 = vector.broadcast %add3A_281 : i32 to vector<16xi32>
      %add3A_283 = arith.addi %scan3A_213, %add3A_282 : vector<16xi32>
      %gather3A_284 = tpu.vector_load_idx %arg6[%scan3A_212, %add3A_283] : memref<32x1470xf32, #tpu.memory_space<vmem>>[vector<16xi32>, vector<16xi32>], vector<16xf32>,
      %add3A_285 = arith.constant 8 : i32
      %add3A_286 = vector.broadcast %add3A_285 : i32 to vector<16xi32>
      %add3A_287 = arith.addi %scan3A_213, %add3A_286 : vector<16xi32>
      %gather3A_288 = tpu.vector_load_idx %arg6[%scan3A_212, %add3A_287] : memref<32x1470xf32, #tpu.memory_space<vmem>>[vector<16xi32>, vector<16xi32>], vector<16xf32>,
      %add3A_289 = arith.constant 9 : i32
      %add3A_290 = vector.broadcast %add3A_289 : i32 to vector<16xi32>
      %add3A_291 = arith.addi %scan3A_213, %add3A_290 : vector<16xi32>
      %gather3A_292 = tpu.vector_load_idx %arg6[%scan3A_212, %add3A_291] : memref<32x1470xf32, #tpu.memory_space<vmem>>[vector<16xi32>, vector<16xi32>], vector<16xf32>,
      %gt3A = arith.constant 0.000000e+00 : f32
      %gt3A_293 = vector.broadcast %gt3A : f32 to vector<16xf32>
      %gt3A_294 = arith.cmpf ogt, %gather3A_272, %gt3A_293 : vector<16xf32>
      %jit3A = arith.constant 1.000000e+00 : f32
      %jit3A_295 = arith.constant 0.000000e+00 : f32
      %broadcast_in_dim3A_296 = vector.broadcast %jit3A : f32 to vector<16xf32>
      %broadcast_in_dim3A_297 = vector.broadcast %jit3A_295 : f32 to vector<16xf32>
      %select_n3A = arith.select %gt3A_294, %broadcast_in_dim3A_296, %broadcast_in_dim3A_297 : vector<16xi1>, vector<16xf32>
      %mul3A_298 = arith.constant 0.0714285746 : f32
      %mul3A_299 = vector.broadcast %mul3A_298 : f32 to vector<16xf32>
      %mul3A_300 = arith.mulf %gather3A_256, %mul3A_299 : vector<16xf32>
      %mul3A_301 = arith.constant 0.0714285746 : f32
      %mul3A_302 = vector.broadcast %mul3A_301 : f32 to vector<16xf32>
      %mul3A_303 = arith.mulf %gather3A_260, %mul3A_302 : vector<16xf32>
      %mul3A_304 = arith.constant 5.000000e-01 : f32
      %mul3A_305 = vector.broadcast %mul3A_304 : f32 to vector<16xf32>
      %mul3A_306 = arith.mulf %mul3A_305, %gather3A_264 : vector<16xf32>
      %sub3A = arith.subf %mul3A_300, %mul3A_306 : vector<16xf32>
      %mul3A_307 = arith.constant 5.000000e-01 : f32
      %mul3A_308 = vector.broadcast %mul3A_307 : f32 to vector<16xf32>
      %mul3A_309 = arith.mulf %mul3A_308, %gather3A_268 : vector<16xf32>
      %sub3A_310 = arith.subf %mul3A_303, %mul3A_309 : vector<16xf32>
      %mul3A_311 = arith.constant 5.000000e-01 : f32
      %mul3A_312 = vector.broadcast %mul3A_311 : f32 to vector<16xf32>
      %mul3A_313 = arith.mulf %mul3A_312, %gather3A_264 : vector<16xf32>
      %add3A_314 = arith.addf %mul3A_300, %mul3A_313 : vector<16xf32>
      %mul3A_315 = arith.constant 5.000000e-01 : f32
      %mul3A_316 = vector.broadcast %mul3A_315 : f32 to vector<16xf32>
      %mul3A_317 = arith.mulf %mul3A_316, %gather3A_268 : vector<16xf32>
      %add3A_318 = arith.addf %mul3A_303, %mul3A_317 : vector<16xf32>
      %mul3A_319 = arith.mulf %gather3A_264, %gather3A_268 : vector<16xf32>
      %mul3A_320 = arith.constant 0.0714285746 : f32
      %mul3A_321 = vector.broadcast %mul3A_320 : f32 to vector<16xf32>
      %mul3A_322 = arith.mulf %gather3A, %mul3A_321 : vector<16xf32>
      %mul3A_323 = arith.constant 0.0714285746 : f32
      %mul3A_324 = vector.broadcast %mul3A_323 : f32 to vector<16xf32>
      %mul3A_325 = arith.mulf %gather3A_220, %mul3A_324 : vector<16xf32>
      %mul3A_326 = arith.constant 5.000000e-01 : f32
      %mul3A_327 = vector.broadcast %mul3A_326 : f32 to vector<16xf32>
      %mul3A_328 = arith.mulf %mul3A_327, %gather3A_224 : vector<16xf32>
      %sub3A_329 = arith.subf %mul3A_322, %mul3A_328 : vector<16xf32>
      %max3A = arith.maximumf %sub3A_329, %sub3A : vector<16xf32>
      %mul3A_330 = arith.constant 5.000000e-01 : f32
      %mul3A_331 = vector.broadcast %mul3A_330 : f32 to vector<16xf32>
      %mul3A_332 = arith.mulf %mul3A_331, %gather3A_228 : vector<16xf32>
      %sub3A_333 = arith.subf %mul3A_325, %mul3A_332 : vector<16xf32>
      %max3A_334 = arith.maximumf %sub3A_333, %sub3A_310 : vector<16xf32>
      %mul3A_335 = arith.constant 5.000000e-01 : f32
      %mul3A_336 = vector.broadcast %mul3A_335 : f32 to vector<16xf32>
      %mul3A_337 = arith.mulf %mul3A_336, %gather3A_224 : vector<16xf32>
      %add3A_338 = arith.addf %mul3A_322, %mul3A_337 : vector<16xf32>
      %min3A = arith.minimumf %add3A_338, %add3A_314 : vector<16xf32>
      %mul3A_339 = arith.constant 5.000000e-01 : f32
      %mul3A_340 = vector.broadcast %mul3A_339 : f32 to vector<16xf32>
      %mul3A_341 = arith.mulf %mul3A_340, %gather3A_228 : vector<16xf32>
      %add3A_342 = arith.addf %mul3A_325, %mul3A_341 : vector<16xf32>
      %min3A_343 = arith.minimumf %add3A_342, %add3A_318 : vector<16xf32>
      %sub3A_344 = arith.subf %min3A, %max3A : vector<16xf32>
      %max3A_345 = arith.constant 0.000000e+00 : f32
      %max3A_346 = vector.broadcast %max3A_345 : f32 to vector<16xf32>
      %max3A_347 = arith.maximumf %sub3A_344, %max3A_346 : vector<16xf32>
      %sub3A_348 = arith.subf %min3A_343, %max3A_334 : vector<16xf32>
      %max3A_349 = arith.constant 0.000000e+00 : f32
      %max3A_350 = vector.broadcast %max3A_349 : f32 to vector<16xf32>
      %max3A_351 = arith.maximumf %sub3A_348, %max3A_350 : vector<16xf32>
      %mul3A_352 = arith.mulf %max3A_347, %max3A_351 : vector<16xf32>
      %mul3A_353 = arith.mulf %gather3A_224, %gather3A_228 : vector<16xf32>
      %add3A_354 = arith.addf %mul3A_353, %mul3A_319 : vector<16xf32>
      %sub3A_355 = arith.subf %add3A_354, %mul3A_352 : vector<16xf32>
      %div3A = arith.divf %mul3A_352, %sub3A_355 : vector<16xf32>
      %mul3A_356 = arith.constant 0.0714285746 : f32
      %mul3A_357 = vector.broadcast %mul3A_356 : f32 to vector<16xf32>
      %mul3A_358 = arith.mulf %gather3A_236, %mul3A_357 : vector<16xf32>
      %mul3A_359 = arith.constant 0.0714285746 : f32
      %mul3A_360 = vector.broadcast %mul3A_359 : f32 to vector<16xf32>
      %mul3A_361 = arith.mulf %gather3A_240, %mul3A_360 : vector<16xf32>
      %mul3A_362 = arith.constant 5.000000e-01 : f32
      %mul3A_363 = vector.broadcast %mul3A_362 : f32 to vector<16xf32>
      %mul3A_364 = arith.mulf %mul3A_363, %gather3A_244 : vector<16xf32>
      %sub3A_365 = arith.subf %mul3A_358, %mul3A_364 : vector<16xf32>
      %max3A_366 = arith.maximumf %sub3A_365, %sub3A : vector<16xf32>
      %mul3A_367 = arith.constant 5.000000e-01 : f32
      %mul3A_368 = vector.broadcast %mul3A_367 : f32 to vector<16xf32>
      %mul3A_369 = arith.mulf %mul3A_368, %gather3A_248 : vector<16xf32>
      %sub3A_370 = arith.subf %mul3A_361, %mul3A_369 : vector<16xf32>
      %max3A_371 = arith.maximumf %sub3A_370, %sub3A_310 : vector<16xf32>
      %mul3A_372 = arith.constant 5.000000e-01 : f32
      %mul3A_373 = vector.broadcast %mul3A_372 : f32 to vector<16xf32>
      %mul3A_374 = arith.mulf %mul3A_373, %gather3A_244 : vector<16xf32>
      %add3A_375 = arith.addf %mul3A_358, %mul3A_374 : vector<16xf32>
      %min3A_376 = arith.minimumf %add3A_375, %add3A_314 : vector<16xf32>
      %mul3A_377 = arith.constant 5.000000e-01 : f32
      %mul3A_378 = vector.broadcast %mul3A_377 : f32 to vector<16xf32>
      %mul3A_379 = arith.mulf %mul3A_378, %gather3A_248 : vector<16xf32>
      %add3A_380 = arith.addf %mul3A_361, %mul3A_379 : vector<16xf32>
      %min3A_381 = arith.minimumf %add3A_380, %add3A_318 : vector<16xf32>
      %sub3A_382 = arith.subf %min3A_376, %max3A_366 : vector<16xf32>
      %max3A_383 = arith.constant 0.000000e+00 : f32
      %max3A_384 = vector.broadcast %max3A_383 : f32 to vector<16xf32>
      %max3A_385 = arith.maximumf %sub3A_382, %max3A_384 : vector<16xf32>
      %sub3A_386 = arith.subf %min3A_381, %max3A_371 : vector<16xf32>
      %max3A_387 = arith.constant 0.000000e+00 : f32
      %max3A_388 = vector.broadcast %max3A_387 : f32 to vector<16xf32>
      %max3A_389 = arith.maximumf %sub3A_386, %max3A_388 : vector<16xf32>
      %mul3A_390 = arith.mulf %max3A_385, %max3A_389 : vector<16xf32>
      %mul3A_391 = arith.mulf %gather3A_244, %gather3A_248 : vector<16xf32>
      %add3A_392 = arith.addf %mul3A_391, %mul3A_319 : vector<16xf32>
      %sub3A_393 = arith.subf %add3A_392, %mul3A_390 : vector<16xf32>
      %div3A_394 = arith.divf %mul3A_390, %sub3A_393 : vector<16xf32>
      %gt3A_395 = arith.cmpf ogt, %div3A_394, %div3A : vector<16xf32>
      %max3A_396 = arith.maximumf %div3A, %div3A_394 : vector<16xf32>
      %select_n3A_397 = arith.select %gt3A_395, %gather3A_236, %gather3A : vector<16xi1>, vector<16xf32>
      %select_n3A_398 = arith.select %gt3A_395, %gather3A_240, %gather3A_220 : vector<16xi1>, vector<16xf32>
      %select_n3A_399 = arith.select %gt3A_395, %gather3A_244, %gather3A_224 : vector<16xi1>, vector<16xf32>
      %select_n3A_400 = arith.select %gt3A_395, %gather3A_248, %gather3A_228 : vector<16xi1>, vector<16xf32>
      %select_n3A_401 = arith.select %gt3A_395, %gather3A_252, %gather3A_232 : vector<16xi1>, vector<16xf32>
      %select_n3A_402 = arith.select %gt3A_395, %gather3A_232, %gather3A_252 : vector<16xi1>, vector<16xf32>
      %select_n3A_403 = arith.select %gt3A_395, %gather3A_276, %gather3A_256 : vector<16xi1>, vector<16xf32>
      %select_n3A_404 = arith.select %gt3A_395, %gather3A_280, %gather3A_260 : vector<16xi1>, vector<16xf32>
      %select_n3A_405 = arith.select %gt3A_395, %gather3A_284, %gather3A_264 : vector<16xi1>, vector<16xf32>
      %select_n3A_406 = arith.select %gt3A_395, %gather3A_288, %gather3A_268 : vector<16xi1>, vector<16xf32>
      %sub3A_407 = arith.subf %select_n3A_397, %select_n3A_403 : vector<16xf32>
      %sub3A_408 = arith.subf %select_n3A_398, %select_n3A_404 : vector<16xf32>
      %add3A_409 = arith.addf %select_n3A_399, %select_n3A_405 : vector<16xf32>
      %mul3A_410 = arith.mulf %select_n3A_399, %select_n3A_405 : vector<16xf32>
      %bitcast_convert_type3A = tpu.bitcast %mul3A_410 : vector<16xf32> -> vector<16xi32>
      %shift_right_logical3A = arith.constant 1 : i32
      %shift_right_logical3A_411 = vector.broadcast %shift_right_logical3A : i32 to vector<16xi32>
      %shift_right_logical3A_412 = arith.shrui %bitcast_convert_type3A, %shift_right_logical3A_411 : vector<16xi32>
      %sub3A_413 = arith.constant 1597463007 : i32
      %sub3A_414 = vector.broadcast %sub3A_413 : i32 to vector<16xi32>
      %sub3A_415 = arith.subi %sub3A_414, %shift_right_logical3A_412 : vector<16xi32>
      %bitcast_convert_type3A_416 = tpu.bitcast %sub3A_415 : vector<16xi32> -> vector<16xf32>
      %mul3A_417 = arith.constant 5.000000e-01 : f32
      %mul3A_418 = vector.broadcast %mul3A_417 : f32 to vector<16xf32>
      %mul3A_419 = arith.mulf %mul3A_418, %mul3A_410 : vector<16xf32>
      %mul3A_420 = arith.mulf %mul3A_419, %bitcast_convert_type3A_416 : vector<16xf32>
      %mul3A_421 = arith.mulf %mul3A_420, %bitcast_convert_type3A_416 : vector<16xf32>
      %sub3A_422 = arith.constant 1.500000e+00 : f32
      %sub3A_423 = vector.broadcast %sub3A_422 : f32 to vector<16xf32>
      %sub3A_424 = arith.subf %sub3A_423, %mul3A_421 : vector<16xf32>
      %mul3A_425 = arith.mulf %bitcast_convert_type3A_416, %sub3A_424 : vector<16xf32>
      %mul3A_426 = arith.constant 5.000000e-01 : f32
      %mul3A_427 = vector.broadcast %mul3A_426 : f32 to vector<16xf32>
      %mul3A_428 = arith.mulf %mul3A_427, %mul3A_410 : vector<16xf32>
      %mul3A_429 = arith.mulf %mul3A_428, %mul3A_425 : vector<16xf32>
      %mul3A_430 = arith.mulf %mul3A_429, %mul3A_425 : vector<16xf32>
      %sub3A_431 = arith.constant 1.500000e+00 : f32
      %sub3A_432 = vector.broadcast %sub3A_431 : f32 to vector<16xf32>
      %sub3A_433 = arith.subf %sub3A_432, %mul3A_430 : vector<16xf32>
      %mul3A_434 = arith.mulf %mul3A_425, %sub3A_433 : vector<16xf32>
      %mul3A_435 = arith.constant 5.000000e-01 : f32
      %mul3A_436 = vector.broadcast %mul3A_435 : f32 to vector<16xf32>
      %mul3A_437 = arith.mulf %mul3A_436, %mul3A_410 : vector<16xf32>
      %mul3A_438 = arith.mulf %mul3A_437, %mul3A_434 : vector<16xf32>
      %mul3A_439 = arith.mulf %mul3A_438, %mul3A_434 : vector<16xf32>
      %sub3A_440 = arith.constant 1.500000e+00 : f32
      %sub3A_441 = vector.broadcast %sub3A_440 : f32 to vector<16xf32>
      %sub3A_442 = arith.subf %sub3A_441, %mul3A_439 : vector<16xf32>
      %mul3A_443 = arith.mulf %mul3A_434, %sub3A_442 : vector<16xf32>
      %mul3A_444 = arith.mulf %mul3A_410, %mul3A_443 : vector<16xf32>
      %mul3A_445 = arith.constant 2.000000e+00 : f32
      %mul3A_446 = vector.broadcast %mul3A_445 : f32 to vector<16xf32>
      %mul3A_447 = arith.mulf %mul3A_446, %mul3A_444 : vector<16xf32>
      %sub3A_448 = arith.subf %add3A_409, %mul3A_447 : vector<16xf32>
      %add3A_449 = arith.addf %select_n3A_400, %select_n3A_406 : vector<16xf32>
      %mul3A_450 = arith.mulf %select_n3A_400, %select_n3A_406 : vector<16xf32>
      %bitcast_convert_type3A_451 = tpu.bitcast %mul3A_450 : vector<16xf32> -> vector<16xi32>
      %shift_right_logical3A_452 = arith.constant 1 : i32
      %shift_right_logical3A_453 = vector.broadcast %shift_right_logical3A_452 : i32 to vector<16xi32>
      %shift_right_logical3A_454 = arith.shrui %bitcast_convert_type3A_451, %shift_right_logical3A_453 : vector<16xi32>
      %sub3A_455 = arith.constant 1597463007 : i32
      %sub3A_456 = vector.broadcast %sub3A_455 : i32 to vector<16xi32>
      %sub3A_457 = arith.subi %sub3A_456, %shift_right_logical3A_454 : vector<16xi32>
      %bitcast_convert_type3A_458 = tpu.bitcast %sub3A_457 : vector<16xi32> -> vector<16xf32>
      %mul3A_459 = arith.constant 5.000000e-01 : f32
      %mul3A_460 = vector.broadcast %mul3A_459 : f32 to vector<16xf32>
      %mul3A_461 = arith.mulf %mul3A_460, %mul3A_450 : vector<16xf32>
      %mul3A_462 = arith.mulf %mul3A_461, %bitcast_convert_type3A_458 : vector<16xf32>
      %mul3A_463 = arith.mulf %mul3A_462, %bitcast_convert_type3A_458 : vector<16xf32>
      %sub3A_464 = arith.constant 1.500000e+00 : f32
      %sub3A_465 = vector.broadcast %sub3A_464 : f32 to vector<16xf32>
      %sub3A_466 = arith.subf %sub3A_465, %mul3A_463 : vector<16xf32>
      %mul3A_467 = arith.mulf %bitcast_convert_type3A_458, %sub3A_466 : vector<16xf32>
      %mul3A_468 = arith.constant 5.000000e-01 : f32
      %mul3A_469 = vector.broadcast %mul3A_468 : f32 to vector<16xf32>
      %mul3A_470 = arith.mulf %mul3A_469, %mul3A_450 : vector<16xf32>
      %mul3A_471 = arith.mulf %mul3A_470, %mul3A_467 : vector<16xf32>
      %mul3A_472 = arith.mulf %mul3A_471, %mul3A_467 : vector<16xf32>
      %sub3A_473 = arith.constant 1.500000e+00 : f32
      %sub3A_474 = vector.broadcast %sub3A_473 : f32 to vector<16xf32>
      %sub3A_475 = arith.subf %sub3A_474, %mul3A_472 : vector<16xf32>
      %mul3A_476 = arith.mulf %mul3A_467, %sub3A_475 : vector<16xf32>
      %mul3A_477 = arith.constant 5.000000e-01 : f32
      %mul3A_478 = vector.broadcast %mul3A_477 : f32 to vector<16xf32>
      %mul3A_479 = arith.mulf %mul3A_478, %mul3A_450 : vector<16xf32>
      %mul3A_480 = arith.mulf %mul3A_479, %mul3A_476 : vector<16xf32>
      %mul3A_481 = arith.mulf %mul3A_480, %mul3A_476 : vector<16xf32>
      %sub3A_482 = arith.constant 1.500000e+00 : f32
      %sub3A_483 = vector.broadcast %sub3A_482 : f32 to vector<16xf32>
      %sub3A_484 = arith.subf %sub3A_483, %mul3A_481 : vector<16xf32>
      %mul3A_485 = arith.mulf %mul3A_476, %sub3A_484 : vector<16xf32>
      %mul3A_486 = arith.mulf %mul3A_450, %mul3A_485 : vector<16xf32>
      %mul3A_487 = arith.constant 2.000000e+00 : f32
      %mul3A_488 = vector.broadcast %mul3A_487 : f32 to vector<16xf32>
      %mul3A_489 = arith.mulf %mul3A_488, %mul3A_486 : vector<16xf32>
      %sub3A_490 = arith.subf %add3A_449, %mul3A_489 : vector<16xf32>
      %mul3A_491 = arith.mulf %sub3A_407, %sub3A_407 : vector<16xf32>
      %mul3A_492 = arith.mulf %sub3A_408, %sub3A_408 : vector<16xf32>
      %add3A_493 = arith.addf %mul3A_491, %mul3A_492 : vector<16xf32>
      %add3A_494 = arith.addf %add3A_493, %sub3A_448 : vector<16xf32>
      %add3A_495 = arith.addf %add3A_494, %sub3A_490 : vector<16xf32>
      %sub3A_496 = arith.subf %select_n3A_401, %max3A_396 : vector<16xf32>
      %mul3A_497 = arith.mulf %sub3A_496, %sub3A_496 : vector<16xf32>
      %mul3A_498 = arith.constant 5.000000e+00 : f32
      %mul3A_499 = vector.broadcast %mul3A_498 : f32 to vector<16xf32>
      %mul3A_500 = arith.mulf %mul3A_499, %add3A_495 : vector<16xf32>
      %mul3A_501 = arith.constant 2.000000e+00 : f32
      %mul3A_502 = vector.broadcast %mul3A_501 : f32 to vector<16xf32>
      %mul3A_503 = arith.mulf %mul3A_502, %mul3A_497 : vector<16xf32>
      %add3A_504 = arith.addf %mul3A_500, %mul3A_503 : vector<16xf32>
      %mul3A_505 = arith.mulf %select_n3A_402, %select_n3A_402 : vector<16xf32>
      %add3A_506 = arith.addf %add3A_504, %mul3A_505 : vector<16xf32>
      %mul3A_507 = arith.mulf %select_n3A, %add3A_506 : vector<16xf32>
      %add3A_508 = arith.addf %scan3A_211, %mul3A_507 : vector<16xf32>
      %add3A_509 = arith.constant 480 : i32
      %add3A_510 = vector.broadcast %add3A_509 : i32 to vector<16xi32>
      %add3A_511 = arith.addi %scan3A_213, %add3A_510 : vector<16xi32>
      %ge3A = arith.constant 1470 : i32
      %ge3A_512 = vector.broadcast %ge3A : i32 to vector<16xi32>
      %ge3A_513 = arith.cmpi sge, %add3A_511, %ge3A_512 : vector<16xi32>
      %jit3A_514 = arith.constant 1 : i32
      %jit3A_515 = arith.constant 0 : i32
      %broadcast_in_dim3A_516 = vector.broadcast %jit3A_514 : i32 to vector<16xi32>
      %broadcast_in_dim3A_517 = vector.broadcast %jit3A_515 : i32 to vector<16xi32>
      %select_n3A_518 = arith.select %ge3A_513, %broadcast_in_dim3A_516, %broadcast_in_dim3A_517 : vector<16xi1>, vector<16xi32>
      %add3A_519 = arith.addi %scan3A_212, %select_n3A_518 : vector<16xi32>
      %jit3A_520 = arith.constant 1470 : i32
      %jit3A_521 = arith.constant 0 : i32
      %broadcast_in_dim3A_522 = vector.broadcast %jit3A_520 : i32 to vector<16xi32>
      %broadcast_in_dim3A_523 = vector.broadcast %jit3A_521 : i32 to vector<16xi32>
      %select_n3A_524 = arith.select %ge3A_513, %broadcast_in_dim3A_522, %broadcast_in_dim3A_523 : vector<16xi1>, vector<16xi32>
      %sub3A_525 = arith.subi %add3A_511, %select_n3A_524 : vector<16xi32>
      %add3A_526 = arith.constant 0 : i32
      %add3A_527 = vector.broadcast %add3A_526 : i32 to vector<16xi32>
      %add3A_528 = arith.addi %sub3A_525, %add3A_527 : vector<16xi32>
      %gather3A_529 = tpu.vector_load_idx %arg5[%add3A_519, %add3A_528] : memref<32x1470xf32, #tpu.memory_space<vmem>>[vector<16xi32>, vector<16xi32>], vector<16xf32>,
      %add3A_530 = arith.constant 1 : i32
      %add3A_531 = vector.broadcast %add3A_530 : i32 to vector<16xi32>
      %add3A_532 = arith.addi %sub3A_525, %add3A_531 : vector<16xi32>
      %gather3A_533 = tpu.vector_load_idx %arg5[%add3A_519, %add3A_532] : memref<32x1470xf32, #tpu.memory_space<vmem>>[vector<16xi32>, vector<16xi32>], vector<16xf32>,
      %add3A_534 = arith.constant 2 : i32
      %add3A_535 = vector.broadcast %add3A_534 : i32 to vector<16xi32>
      %add3A_536 = arith.addi %sub3A_525, %add3A_535 : vector<16xi32>
      %gather3A_537 = tpu.vector_load_idx %arg5[%add3A_519, %add3A_536] : memref<32x1470xf32, #tpu.memory_space<vmem>>[vector<16xi32>, vector<16xi32>], vector<16xf32>,
      %add3A_538 = arith.constant 3 : i32
      %add3A_539 = vector.broadcast %add3A_538 : i32 to vector<16xi32>
      %add3A_540 = arith.addi %sub3A_525, %add3A_539 : vector<16xi32>
      %gather3A_541 = tpu.vector_load_idx %arg5[%add3A_519, %add3A_540] : memref<32x1470xf32, #tpu.memory_space<vmem>>[vector<16xi32>, vector<16xi32>], vector<16xf32>,
      %add3A_542 = arith.constant 4 : i32
      %add3A_543 = vector.broadcast %add3A_542 : i32 to vector<16xi32>
      %add3A_544 = arith.addi %sub3A_525, %add3A_543 : vector<16xi32>
      %gather3A_545 = tpu.vector_load_idx %arg5[%add3A_519, %add3A_544] : memref<32x1470xf32, #tpu.memory_space<vmem>>[vector<16xi32>, vector<16xi32>], vector<16xf32>,
      %add3A_546 = arith.constant 5 : i32
      %add3A_547 = vector.broadcast %add3A_546 : i32 to vector<16xi32>
      %add3A_548 = arith.addi %sub3A_525, %add3A_547 : vector<16xi32>
      %gather3A_549 = tpu.vector_load_idx %arg5[%add3A_519, %add3A_548] : memref<32x1470xf32, #tpu.memory_space<vmem>>[vector<16xi32>, vector<16xi32>], vector<16xf32>,
      %add3A_550 = arith.constant 6 : i32
      %add3A_551 = vector.broadcast %add3A_550 : i32 to vector<16xi32>
      %add3A_552 = arith.addi %sub3A_525, %add3A_551 : vector<16xi32>
      %gather3A_553 = tpu.vector_load_idx %arg5[%add3A_519, %add3A_552] : memref<32x1470xf32, #tpu.memory_space<vmem>>[vector<16xi32>, vector<16xi32>], vector<16xf32>,
      %add3A_554 = arith.constant 7 : i32
      %add3A_555 = vector.broadcast %add3A_554 : i32 to vector<16xi32>
      %add3A_556 = arith.addi %sub3A_525, %add3A_555 : vector<16xi32>
      %gather3A_557 = tpu.vector_load_idx %arg5[%add3A_519, %add3A_556] : memref<32x1470xf32, #tpu.memory_space<vmem>>[vector<16xi32>, vector<16xi32>], vector<16xf32>,
      %add3A_558 = arith.constant 8 : i32
      %add3A_559 = vector.broadcast %add3A_558 : i32 to vector<16xi32>
      %add3A_560 = arith.addi %sub3A_525, %add3A_559 : vector<16xi32>
      %gather3A_561 = tpu.vector_load_idx %arg5[%add3A_519, %add3A_560] : memref<32x1470xf32, #tpu.memory_space<vmem>>[vector<16xi32>, vector<16xi32>], vector<16xf32>,
      %add3A_562 = arith.constant 9 : i32
      %add3A_563 = vector.broadcast %add3A_562 : i32 to vector<16xi32>
      %add3A_564 = arith.addi %sub3A_525, %add3A_563 : vector<16xi32>
      %gather3A_565 = tpu.vector_load_idx %arg5[%add3A_519, %add3A_564] : memref<32x1470xf32, #tpu.memory_space<vmem>>[vector<16xi32>, vector<16xi32>], vector<16xf32>,
      %add3A_566 = arith.constant 0 : i32
      %add3A_567 = vector.broadcast %add3A_566 : i32 to vector<16xi32>
      %add3A_568 = arith.addi %sub3A_525, %add3A_567 : vector<16xi32>
      %gather3A_569 = tpu.vector_load_idx %arg6[%add3A_519, %add3A_568] : memref<32x1470xf32, #tpu.memory_space<vmem>>[vector<16xi32>, vector<16xi32>], vector<16xf32>,
      %add3A_570 = arith.constant 1 : i32
      %add3A_571 = vector.broadcast %add3A_570 : i32 to vector<16xi32>
      %add3A_572 = arith.addi %sub3A_525, %add3A_571 : vector<16xi32>
      %gather3A_573 = tpu.vector_load_idx %arg6[%add3A_519, %add3A_572] : memref<32x1470xf32, #tpu.memory_space<vmem>>[vector<16xi32>, vector<16xi32>], vector<16xf32>,
      %add3A_574 = arith.constant 2 : i32
      %add3A_575 = vector.broadcast %add3A_574 : i32 to vector<16xi32>
      %add3A_576 = arith.addi %sub3A_525, %add3A_575 : vector<16xi32>
      %gather3A_577 = tpu.vector_load_idx %arg6[%add3A_519, %add3A_576] : memref<32x1470xf32, #tpu.memory_space<vmem>>[vector<16xi32>, vector<16xi32>], vector<16xf32>,
      %add3A_578 = arith.constant 3 : i32
      %add3A_579 = vector.broadcast %add3A_578 : i32 to vector<16xi32>
      %add3A_580 = arith.addi %sub3A_525, %add3A_579 : vector<16xi32>
      %gather3A_581 = tpu.vector_load_idx %arg6[%add3A_519, %add3A_580] : memref<32x1470xf32, #tpu.memory_space<vmem>>[vector<16xi32>, vector<16xi32>], vector<16xf32>,
      %add3A_582 = arith.constant 4 : i32
      %add3A_583 = vector.broadcast %add3A_582 : i32 to vector<16xi32>
      %add3A_584 = arith.addi %sub3A_525, %add3A_583 : vector<16xi32>
      %gather3A_585 = tpu.vector_load_idx %arg6[%add3A_519, %add3A_584] : memref<32x1470xf32, #tpu.memory_space<vmem>>[vector<16xi32>, vector<16xi32>], vector<16xf32>,
      %add3A_586 = arith.constant 5 : i32
      %add3A_587 = vector.broadcast %add3A_586 : i32 to vector<16xi32>
      %add3A_588 = arith.addi %sub3A_525, %add3A_587 : vector<16xi32>
      %gather3A_589 = tpu.vector_load_idx %arg6[%add3A_519, %add3A_588] : memref<32x1470xf32, #tpu.memory_space<vmem>>[vector<16xi32>, vector<16xi32>], vector<16xf32>,
      %add3A_590 = arith.constant 6 : i32
      %add3A_591 = vector.broadcast %add3A_590 : i32 to vector<16xi32>
      %add3A_592 = arith.addi %sub3A_525, %add3A_591 : vector<16xi32>
      %gather3A_593 = tpu.vector_load_idx %arg6[%add3A_519, %add3A_592] : memref<32x1470xf32, #tpu.memory_space<vmem>>[vector<16xi32>, vector<16xi32>], vector<16xf32>,
      %add3A_594 = arith.constant 7 : i32
      %add3A_595 = vector.broadcast %add3A_594 : i32 to vector<16xi32>
      %add3A_596 = arith.addi %sub3A_525, %add3A_595 : vector<16xi32>
      %gather3A_597 = tpu.vector_load_idx %arg6[%add3A_519, %add3A_596] : memref<32x1470xf32, #tpu.memory_space<vmem>>[vector<16xi32>, vector<16xi32>], vector<16xf32>,
      %add3A_598 = arith.constant 8 : i32
      %add3A_599 = vector.broadcast %add3A_598 : i32 to vector<16xi32>
      %add3A_600 = arith.addi %sub3A_525, %add3A_599 : vector<16xi32>
      %gather3A_601 = tpu.vector_load_idx %arg6[%add3A_519, %add3A_600] : memref<32x1470xf32, #tpu.memory_space<vmem>>[vector<16xi32>, vector<16xi32>], vector<16xf32>,
      %add3A_602 = arith.constant 9 : i32
      %add3A_603 = vector.broadcast %add3A_602 : i32 to vector<16xi32>
      %add3A_604 = arith.addi %sub3A_525, %add3A_603 : vector<16xi32>
      %gather3A_605 = tpu.vector_load_idx %arg6[%add3A_519, %add3A_604] : memref<32x1470xf32, #tpu.memory_space<vmem>>[vector<16xi32>, vector<16xi32>], vector<16xf32>,
      %gt3A_606 = arith.constant 0.000000e+00 : f32
      %gt3A_607 = vector.broadcast %gt3A_606 : f32 to vector<16xf32>
      %gt3A_608 = arith.cmpf ogt, %gather3A_585, %gt3A_607 : vector<16xf32>
      %jit3A_609 = arith.constant 1.000000e+00 : f32
      %jit3A_610 = arith.constant 0.000000e+00 : f32
      %broadcast_in_dim3A_611 = vector.broadcast %jit3A_609 : f32 to vector<16xf32>
      %broadcast_in_dim3A_612 = vector.broadcast %jit3A_610 : f32 to vector<16xf32>
      %select_n3A_613 = arith.select %gt3A_608, %broadcast_in_dim3A_611, %broadcast_in_dim3A_612 : vector<16xi1>, vector<16xf32>
      %mul3A_614 = arith.constant 0.0714285746 : f32
      %mul3A_615 = vector.broadcast %mul3A_614 : f32 to vector<16xf32>
      %mul3A_616 = arith.mulf %gather3A_569, %mul3A_615 : vector<16xf32>
      %mul3A_617 = arith.constant 0.0714285746 : f32
      %mul3A_618 = vector.broadcast %mul3A_617 : f32 to vector<16xf32>
      %mul3A_619 = arith.mulf %gather3A_573, %mul3A_618 : vector<16xf32>
      %mul3A_620 = arith.constant 5.000000e-01 : f32
      %mul3A_621 = vector.broadcast %mul3A_620 : f32 to vector<16xf32>
      %mul3A_622 = arith.mulf %mul3A_621, %gather3A_577 : vector<16xf32>
      %sub3A_623 = arith.subf %mul3A_616, %mul3A_622 : vector<16xf32>
      %mul3A_624 = arith.constant 5.000000e-01 : f32
      %mul3A_625 = vector.broadcast %mul3A_624 : f32 to vector<16xf32>
      %mul3A_626 = arith.mulf %mul3A_625, %gather3A_581 : vector<16xf32>
      %sub3A_627 = arith.subf %mul3A_619, %mul3A_626 : vector<16xf32>
      %mul3A_628 = arith.constant 5.000000e-01 : f32
      %mul3A_629 = vector.broadcast %mul3A_628 : f32 to vector<16xf32>
      %mul3A_630 = arith.mulf %mul3A_629, %gather3A_577 : vector<16xf32>
      %add3A_631 = arith.addf %mul3A_616, %mul3A_630 : vector<16xf32>
      %mul3A_632 = arith.constant 5.000000e-01 : f32
      %mul3A_633 = vector.broadcast %mul3A_632 : f32 to vector<16xf32>
      %mul3A_634 = arith.mulf %mul3A_633, %gather3A_581 : vector<16xf32>
      %add3A_635 = arith.addf %mul3A_619, %mul3A_634 : vector<16xf32>
      %mul3A_636 = arith.mulf %gather3A_577, %gather3A_581 : vector<16xf32>
      %mul3A_637 = arith.constant 0.0714285746 : f32
      %mul3A_638 = vector.broadcast %mul3A_637 : f32 to vector<16xf32>
      %mul3A_639 = arith.mulf %gather3A_529, %mul3A_638 : vector<16xf32>
      %mul3A_640 = arith.constant 0.0714285746 : f32
      %mul3A_641 = vector.broadcast %mul3A_640 : f32 to vector<16xf32>
      %mul3A_642 = arith.mulf %gather3A_533, %mul3A_641 : vector<16xf32>
      %mul3A_643 = arith.constant 5.000000e-01 : f32
      %mul3A_644 = vector.broadcast %mul3A_643 : f32 to vector<16xf32>
      %mul3A_645 = arith.mulf %mul3A_644, %gather3A_537 : vector<16xf32>
      %sub3A_646 = arith.subf %mul3A_639, %mul3A_645 : vector<16xf32>
      %max3A_647 = arith.maximumf %sub3A_646, %sub3A_623 : vector<16xf32>
      %mul3A_648 = arith.constant 5.000000e-01 : f32
      %mul3A_649 = vector.broadcast %mul3A_648 : f32 to vector<16xf32>
      %mul3A_650 = arith.mulf %mul3A_649, %gather3A_541 : vector<16xf32>
      %sub3A_651 = arith.subf %mul3A_642, %mul3A_650 : vector<16xf32>
      %max3A_652 = arith.maximumf %sub3A_651, %sub3A_627 : vector<16xf32>
      %mul3A_653 = arith.constant 5.000000e-01 : f32
      %mul3A_654 = vector.broadcast %mul3A_653 : f32 to vector<16xf32>
      %mul3A_655 = arith.mulf %mul3A_654, %gather3A_537 : vector<16xf32>
      %add3A_656 = arith.addf %mul3A_639, %mul3A_655 : vector<16xf32>
      %min3A_657 = arith.minimumf %add3A_656, %add3A_631 : vector<16xf32>
      %mul3A_658 = arith.constant 5.000000e-01 : f32
      %mul3A_659 = vector.broadcast %mul3A_658 : f32 to vector<16xf32>
      %mul3A_660 = arith.mulf %mul3A_659, %gather3A_541 : vector<16xf32>
      %add3A_661 = arith.addf %mul3A_642, %mul3A_660 : vector<16xf32>
      %min3A_662 = arith.minimumf %add3A_661, %add3A_635 : vector<16xf32>
      %sub3A_663 = arith.subf %min3A_657, %max3A_647 : vector<16xf32>
      %max3A_664 = arith.constant 0.000000e+00 : f32
      %max3A_665 = vector.broadcast %max3A_664 : f32 to vector<16xf32>
      %max3A_666 = arith.maximumf %sub3A_663, %max3A_665 : vector<16xf32>
      %sub3A_667 = arith.subf %min3A_662, %max3A_652 : vector<16xf32>
      %max3A_668 = arith.constant 0.000000e+00 : f32
      %max3A_669 = vector.broadcast %max3A_668 : f32 to vector<16xf32>
      %max3A_670 = arith.maximumf %sub3A_667, %max3A_669 : vector<16xf32>
      %mul3A_671 = arith.mulf %max3A_666, %max3A_670 : vector<16xf32>
      %mul3A_672 = arith.mulf %gather3A_537, %gather3A_541 : vector<16xf32>
      %add3A_673 = arith.addf %mul3A_672, %mul3A_636 : vector<16xf32>
      %sub3A_674 = arith.subf %add3A_673, %mul3A_671 : vector<16xf32>
      %div3A_675 = arith.divf %mul3A_671, %sub3A_674 : vector<16xf32>
      %mul3A_676 = arith.constant 0.0714285746 : f32
      %mul3A_677 = vector.broadcast %mul3A_676 : f32 to vector<16xf32>
      %mul3A_678 = arith.mulf %gather3A_549, %mul3A_677 : vector<16xf32>
      %mul3A_679 = arith.constant 0.0714285746 : f32
      %mul3A_680 = vector.broadcast %mul3A_679 : f32 to vector<16xf32>
      %mul3A_681 = arith.mulf %gather3A_553, %mul3A_680 : vector<16xf32>
      %mul3A_682 = arith.constant 5.000000e-01 : f32
      %mul3A_683 = vector.broadcast %mul3A_682 : f32 to vector<16xf32>
      %mul3A_684 = arith.mulf %mul3A_683, %gather3A_557 : vector<16xf32>
      %sub3A_685 = arith.subf %mul3A_678, %mul3A_684 : vector<16xf32>
      %max3A_686 = arith.maximumf %sub3A_685, %sub3A_623 : vector<16xf32>
      %mul3A_687 = arith.constant 5.000000e-01 : f32
      %mul3A_688 = vector.broadcast %mul3A_687 : f32 to vector<16xf32>
      %mul3A_689 = arith.mulf %mul3A_688, %gather3A_561 : vector<16xf32>
      %sub3A_690 = arith.subf %mul3A_681, %mul3A_689 : vector<16xf32>
      %max3A_691 = arith.maximumf %sub3A_690, %sub3A_627 : vector<16xf32>
      %mul3A_692 = arith.constant 5.000000e-01 : f32
      %mul3A_693 = vector.broadcast %mul3A_692 : f32 to vector<16xf32>
      %mul3A_694 = arith.mulf %mul3A_693, %gather3A_557 : vector<16xf32>
      %add3A_695 = arith.addf %mul3A_678, %mul3A_694 : vector<16xf32>
      %min3A_696 = arith.minimumf %add3A_695, %add3A_631 : vector<16xf32>
      %mul3A_697 = arith.constant 5.000000e-01 : f32
      %mul3A_698 = vector.broadcast %mul3A_697 : f32 to vector<16xf32>
      %mul3A_699 = arith.mulf %mul3A_698, %gather3A_561 : vector<16xf32>
      %add3A_700 = arith.addf %mul3A_681, %mul3A_699 : vector<16xf32>
      %min3A_701 = arith.minimumf %add3A_700, %add3A_635 : vector<16xf32>
      %sub3A_702 = arith.subf %min3A_696, %max3A_686 : vector<16xf32>
      %max3A_703 = arith.constant 0.000000e+00 : f32
      %max3A_704 = vector.broadcast %max3A_703 : f32 to vector<16xf32>
      %max3A_705 = arith.maximumf %sub3A_702, %max3A_704 : vector<16xf32>
      %sub3A_706 = arith.subf %min3A_701, %max3A_691 : vector<16xf32>
      %max3A_707 = arith.constant 0.000000e+00 : f32
      %max3A_708 = vector.broadcast %max3A_707 : f32 to vector<16xf32>
      %max3A_709 = arith.maximumf %sub3A_706, %max3A_708 : vector<16xf32>
      %mul3A_710 = arith.mulf %max3A_705, %max3A_709 : vector<16xf32>
      %mul3A_711 = arith.mulf %gather3A_557, %gather3A_561 : vector<16xf32>
      %add3A_712 = arith.addf %mul3A_711, %mul3A_636 : vector<16xf32>
      %sub3A_713 = arith.subf %add3A_712, %mul3A_710 : vector<16xf32>
      %div3A_714 = arith.divf %mul3A_710, %sub3A_713 : vector<16xf32>
      %gt3A_715 = arith.cmpf ogt, %div3A_714, %div3A_675 : vector<16xf32>
      %max3A_716 = arith.maximumf %div3A_675, %div3A_714 : vector<16xf32>
      %select_n3A_717 = arith.select %gt3A_715, %gather3A_549, %gather3A_529 : vector<16xi1>, vector<16xf32>
      %select_n3A_718 = arith.select %gt3A_715, %gather3A_553, %gather3A_533 : vector<16xi1>, vector<16xf32>
      %select_n3A_719 = arith.select %gt3A_715, %gather3A_557, %gather3A_537 : vector<16xi1>, vector<16xf32>
      %select_n3A_720 = arith.select %gt3A_715, %gather3A_561, %gather3A_541 : vector<16xi1>, vector<16xf32>
      %select_n3A_721 = arith.select %gt3A_715, %gather3A_565, %gather3A_545 : vector<16xi1>, vector<16xf32>
      %select_n3A_722 = arith.select %gt3A_715, %gather3A_545, %gather3A_565 : vector<16xi1>, vector<16xf32>
      %select_n3A_723 = arith.select %gt3A_715, %gather3A_589, %gather3A_569 : vector<16xi1>, vector<16xf32>
      %select_n3A_724 = arith.select %gt3A_715, %gather3A_593, %gather3A_573 : vector<16xi1>, vector<16xf32>
      %select_n3A_725 = arith.select %gt3A_715, %gather3A_597, %gather3A_577 : vector<16xi1>, vector<16xf32>
      %select_n3A_726 = arith.select %gt3A_715, %gather3A_601, %gather3A_581 : vector<16xi1>, vector<16xf32>
      %sub3A_727 = arith.subf %select_n3A_717, %select_n3A_723 : vector<16xf32>
      %sub3A_728 = arith.subf %select_n3A_718, %select_n3A_724 : vector<16xf32>
      %add3A_729 = arith.addf %select_n3A_719, %select_n3A_725 : vector<16xf32>
      %mul3A_730 = arith.mulf %select_n3A_719, %select_n3A_725 : vector<16xf32>
      %bitcast_convert_type3A_731 = tpu.bitcast %mul3A_730 : vector<16xf32> -> vector<16xi32>
      %shift_right_logical3A_732 = arith.constant 1 : i32
      %shift_right_logical3A_733 = vector.broadcast %shift_right_logical3A_732 : i32 to vector<16xi32>
      %shift_right_logical3A_734 = arith.shrui %bitcast_convert_type3A_731, %shift_right_logical3A_733 : vector<16xi32>
      %sub3A_735 = arith.constant 1597463007 : i32
      %sub3A_736 = vector.broadcast %sub3A_735 : i32 to vector<16xi32>
      %sub3A_737 = arith.subi %sub3A_736, %shift_right_logical3A_734 : vector<16xi32>
      %bitcast_convert_type3A_738 = tpu.bitcast %sub3A_737 : vector<16xi32> -> vector<16xf32>
      %mul3A_739 = arith.constant 5.000000e-01 : f32
      %mul3A_740 = vector.broadcast %mul3A_739 : f32 to vector<16xf32>
      %mul3A_741 = arith.mulf %mul3A_740, %mul3A_730 : vector<16xf32>
      %mul3A_742 = arith.mulf %mul3A_741, %bitcast_convert_type3A_738 : vector<16xf32>
      %mul3A_743 = arith.mulf %mul3A_742, %bitcast_convert_type3A_738 : vector<16xf32>
      %sub3A_744 = arith.constant 1.500000e+00 : f32
      %sub3A_745 = vector.broadcast %sub3A_744 : f32 to vector<16xf32>
      %sub3A_746 = arith.subf %sub3A_745, %mul3A_743 : vector<16xf32>
      %mul3A_747 = arith.mulf %bitcast_convert_type3A_738, %sub3A_746 : vector<16xf32>
      %mul3A_748 = arith.constant 5.000000e-01 : f32
      %mul3A_749 = vector.broadcast %mul3A_748 : f32 to vector<16xf32>
      %mul3A_750 = arith.mulf %mul3A_749, %mul3A_730 : vector<16xf32>
      %mul3A_751 = arith.mulf %mul3A_750, %mul3A_747 : vector<16xf32>
      %mul3A_752 = arith.mulf %mul3A_751, %mul3A_747 : vector<16xf32>
      %sub3A_753 = arith.constant 1.500000e+00 : f32
      %sub3A_754 = vector.broadcast %sub3A_753 : f32 to vector<16xf32>
      %sub3A_755 = arith.subf %sub3A_754, %mul3A_752 : vector<16xf32>
      %mul3A_756 = arith.mulf %mul3A_747, %sub3A_755 : vector<16xf32>
      %mul3A_757 = arith.constant 5.000000e-01 : f32
      %mul3A_758 = vector.broadcast %mul3A_757 : f32 to vector<16xf32>
      %mul3A_759 = arith.mulf %mul3A_758, %mul3A_730 : vector<16xf32>
      %mul3A_760 = arith.mulf %mul3A_759, %mul3A_756 : vector<16xf32>
      %mul3A_761 = arith.mulf %mul3A_760, %mul3A_756 : vector<16xf32>
      %sub3A_762 = arith.constant 1.500000e+00 : f32
      %sub3A_763 = vector.broadcast %sub3A_762 : f32 to vector<16xf32>
      %sub3A_764 = arith.subf %sub3A_763, %mul3A_761 : vector<16xf32>
      %mul3A_765 = arith.mulf %mul3A_756, %sub3A_764 : vector<16xf32>
      %mul3A_766 = arith.mulf %mul3A_730, %mul3A_765 : vector<16xf32>
      %mul3A_767 = arith.constant 2.000000e+00 : f32
      %mul3A_768 = vector.broadcast %mul3A_767 : f32 to vector<16xf32>
      %mul3A_769 = arith.mulf %mul3A_768, %mul3A_766 : vector<16xf32>
      %sub3A_770 = arith.subf %add3A_729, %mul3A_769 : vector<16xf32>
      %add3A_771 = arith.addf %select_n3A_720, %select_n3A_726 : vector<16xf32>
      %mul3A_772 = arith.mulf %select_n3A_720, %select_n3A_726 : vector<16xf32>
      %bitcast_convert_type3A_773 = tpu.bitcast %mul3A_772 : vector<16xf32> -> vector<16xi32>
      %shift_right_logical3A_774 = arith.constant 1 : i32
      %shift_right_logical3A_775 = vector.broadcast %shift_right_logical3A_774 : i32 to vector<16xi32>
      %shift_right_logical3A_776 = arith.shrui %bitcast_convert_type3A_773, %shift_right_logical3A_775 : vector<16xi32>
      %sub3A_777 = arith.constant 1597463007 : i32
      %sub3A_778 = vector.broadcast %sub3A_777 : i32 to vector<16xi32>
      %sub3A_779 = arith.subi %sub3A_778, %shift_right_logical3A_776 : vector<16xi32>
      %bitcast_convert_type3A_780 = tpu.bitcast %sub3A_779 : vector<16xi32> -> vector<16xf32>
      %mul3A_781 = arith.constant 5.000000e-01 : f32
      %mul3A_782 = vector.broadcast %mul3A_781 : f32 to vector<16xf32>
      %mul3A_783 = arith.mulf %mul3A_782, %mul3A_772 : vector<16xf32>
      %mul3A_784 = arith.mulf %mul3A_783, %bitcast_convert_type3A_780 : vector<16xf32>
      %mul3A_785 = arith.mulf %mul3A_784, %bitcast_convert_type3A_780 : vector<16xf32>
      %sub3A_786 = arith.constant 1.500000e+00 : f32
      %sub3A_787 = vector.broadcast %sub3A_786 : f32 to vector<16xf32>
      %sub3A_788 = arith.subf %sub3A_787, %mul3A_785 : vector<16xf32>
      %mul3A_789 = arith.mulf %bitcast_convert_type3A_780, %sub3A_788 : vector<16xf32>
      %mul3A_790 = arith.constant 5.000000e-01 : f32
      %mul3A_791 = vector.broadcast %mul3A_790 : f32 to vector<16xf32>
      %mul3A_792 = arith.mulf %mul3A_791, %mul3A_772 : vector<16xf32>
      %mul3A_793 = arith.mulf %mul3A_792, %mul3A_789 : vector<16xf32>
      %mul3A_794 = arith.mulf %mul3A_793, %mul3A_789 : vector<16xf32>
      %sub3A_795 = arith.constant 1.500000e+00 : f32
      %sub3A_796 = vector.broadcast %sub3A_795 : f32 to vector<16xf32>
      %sub3A_797 = arith.subf %sub3A_796, %mul3A_794 : vector<16xf32>
      %mul3A_798 = arith.mulf %mul3A_789, %sub3A_797 : vector<16xf32>
      %mul3A_799 = arith.constant 5.000000e-01 : f32
      %mul3A_800 = vector.broadcast %mul3A_799 : f32 to vector<16xf32>
      %mul3A_801 = arith.mulf %mul3A_800, %mul3A_772 : vector<16xf32>
      %mul3A_802 = arith.mulf %mul3A_801, %mul3A_798 : vector<16xf32>
      %mul3A_803 = arith.mulf %mul3A_802, %mul3A_798 : vector<16xf32>
      %sub3A_804 = arith.constant 1.500000e+00 : f32
      %sub3A_805 = vector.broadcast %sub3A_804 : f32 to vector<16xf32>
      %sub3A_806 = arith.subf %sub3A_805, %mul3A_803 : vector<16xf32>
      %mul3A_807 = arith.mulf %mul3A_798, %sub3A_806 : vector<16xf32>
      %mul3A_808 = arith.mulf %mul3A_772, %mul3A_807 : vector<16xf32>
      %mul3A_809 = arith.constant 2.000000e+00 : f32
      %mul3A_810 = vector.broadcast %mul3A_809 : f32 to vector<16xf32>
      %mul3A_811 = arith.mulf %mul3A_810, %mul3A_808 : vector<16xf32>
      %sub3A_812 = arith.subf %add3A_771, %mul3A_811 : vector<16xf32>
      %mul3A_813 = arith.mulf %sub3A_727, %sub3A_727 : vector<16xf32>
      %mul3A_814 = arith.mulf %sub3A_728, %sub3A_728 : vector<16xf32>
      %add3A_815 = arith.addf %mul3A_813, %mul3A_814 : vector<16xf32>
      %add3A_816 = arith.addf %add3A_815, %sub3A_770 : vector<16xf32>
      %add3A_817 = arith.addf %add3A_816, %sub3A_812 : vector<16xf32>
      %sub3A_818 = arith.subf %select_n3A_721, %max3A_716 : vector<16xf32>
      %mul3A_819 = arith.mulf %sub3A_818, %sub3A_818 : vector<16xf32>
      %mul3A_820 = arith.constant 5.000000e+00 : f32
      %mul3A_821 = vector.broadcast %mul3A_820 : f32 to vector<16xf32>
      %mul3A_822 = arith.mulf %mul3A_821, %add3A_817 : vector<16xf32>
      %mul3A_823 = arith.constant 2.000000e+00 : f32
      %mul3A_824 = vector.broadcast %mul3A_823 : f32 to vector<16xf32>
      %mul3A_825 = arith.mulf %mul3A_824, %mul3A_819 : vector<16xf32>
      %add3A_826 = arith.addf %mul3A_822, %mul3A_825 : vector<16xf32>
      %mul3A_827 = arith.mulf %select_n3A_722, %select_n3A_722 : vector<16xf32>
      %add3A_828 = arith.addf %add3A_826, %mul3A_827 : vector<16xf32>
      %mul3A_829 = arith.mulf %select_n3A_613, %add3A_828 : vector<16xf32>
      %add3A_830 = arith.addf %add3A_508, %mul3A_829 : vector<16xf32>
      %add3A_831 = arith.constant 480 : i32
      %add3A_832 = vector.broadcast %add3A_831 : i32 to vector<16xi32>
      %add3A_833 = arith.addi %sub3A_525, %add3A_832 : vector<16xi32>
      %ge3A_834 = arith.constant 1470 : i32
      %ge3A_835 = vector.broadcast %ge3A_834 : i32 to vector<16xi32>
      %ge3A_836 = arith.cmpi sge, %add3A_833, %ge3A_835 : vector<16xi32>
      %jit3A_837 = arith.constant 1 : i32
      %jit3A_838 = arith.constant 0 : i32
      %broadcast_in_dim3A_839 = vector.broadcast %jit3A_837 : i32 to vector<16xi32>
      %broadcast_in_dim3A_840 = vector.broadcast %jit3A_838 : i32 to vector<16xi32>
      %select_n3A_841 = arith.select %ge3A_836, %broadcast_in_dim3A_839, %broadcast_in_dim3A_840 : vector<16xi1>, vector<16xi32>
      %add3A_842 = arith.addi %add3A_519, %select_n3A_841 : vector<16xi32>
      %jit3A_843 = arith.constant 1470 : i32
      %jit3A_844 = arith.constant 0 : i32
      %broadcast_in_dim3A_845 = vector.broadcast %jit3A_843 : i32 to vector<16xi32>
      %broadcast_in_dim3A_846 = vector.broadcast %jit3A_844 : i32 to vector<16xi32>
      %select_n3A_847 = arith.select %ge3A_836, %broadcast_in_dim3A_845, %broadcast_in_dim3A_846 : vector<16xi1>, vector<16xi32>
      %sub3A_848 = arith.subi %add3A_833, %select_n3A_847 : vector<16xi32>
      scf.yield %add3A_830, %add3A_842, %sub3A_848 : vector<16xf32>, vector<16xi32>, vector<16xi32>
    }
    %scan3A_180 = arith.constant 12 : i32
    %dma_wait3A_181 = arith.constant 24 : i32
    %dma_wait3A_182 = arith.constant 0 : i32
    %dma_wait3A_183 = tpu.memref_slice %arg5[%dma_wait3A_181, %dma_wait3A_182] : memref<32x1470xf32, #tpu.memory_space<vmem>> -> memref<8x1470xf32, #tpu.memory_space<vmem>>
    %dma_wait3A_184 = arith.constant 0 : i32
    %dma_wait3A_185 = tpu.memref_slice %arg2[%add3A_75, %dma_wait3A_184] : memref<1024x1470xf32, #tpu.memory_space<hbm>> -> memref<8x1470xf32, #tpu.memory_space<hbm>>
    %dma_wait3A_186 = arith.constant 24 : i32
    %dma_wait3A_187 = arith.constant 0 : i32
    %dma_wait3A_188 = tpu.memref_slice %arg5[%dma_wait3A_186, %dma_wait3A_187] : memref<32x1470xf32, #tpu.memory_space<vmem>> -> memref<8x1470xf32, #tpu.memory_space<vmem>>
    %dma_wait3A_189 = arith.constant 0 : i32
    %dma_wait3A_190 = tpu.memref_slice %arg2[%add3A_75, %dma_wait3A_189] : memref<1024x1470xf32, #tpu.memory_space<hbm>> -> memref<8x1470xf32, #tpu.memory_space<hbm>>
    tpu.wait_dma2 semaphore(%arg14 : memref<!tpu.dma_semaphore, #tpu.memory_space<semaphore_mem>>) src(%dma_wait3A_190 : memref<8x1470xf32, #tpu.memory_space<hbm>>) dst(%dma_wait3A_188 : memref<8x1470xf32, #tpu.memory_space<vmem>>)
    %dma_wait3A_191 = arith.constant 24 : i32
    %dma_wait3A_192 = arith.constant 0 : i32
    %dma_wait3A_193 = tpu.memref_slice %arg6[%dma_wait3A_191, %dma_wait3A_192] : memref<32x1470xf32, #tpu.memory_space<vmem>> -> memref<8x1470xf32, #tpu.memory_space<vmem>>
    %dma_wait3A_194 = arith.constant 0 : i32
    %dma_wait3A_195 = tpu.memref_slice %arg3[%add3A_87, %dma_wait3A_194] : memref<1024x1470xf32, #tpu.memory_space<hbm>> -> memref<8x1470xf32, #tpu.memory_space<hbm>>
    %dma_wait3A_196 = arith.constant 24 : i32
    %dma_wait3A_197 = arith.constant 0 : i32
    %dma_wait3A_198 = tpu.memref_slice %arg6[%dma_wait3A_196, %dma_wait3A_197] : memref<32x1470xf32, #tpu.memory_space<vmem>> -> memref<8x1470xf32, #tpu.memory_space<vmem>>
    %dma_wait3A_199 = arith.constant 0 : i32
    %dma_wait3A_200 = tpu.memref_slice %arg3[%add3A_87, %dma_wait3A_199] : memref<1024x1470xf32, #tpu.memory_space<hbm>> -> memref<8x1470xf32, #tpu.memory_space<hbm>>
    tpu.wait_dma2 semaphore(%arg15 : memref<!tpu.dma_semaphore, #tpu.memory_space<semaphore_mem>>) src(%dma_wait3A_200 : memref<8x1470xf32, #tpu.memory_space<hbm>>) dst(%dma_wait3A_198 : memref<8x1470xf32, #tpu.memory_space<vmem>>)
    %scan3A_201 = arith.constant 0 : i32
    %scan3A_202 = arith.constant 13 : i32
    %scan3A_203 = arith.addi %scan3A_201, %scan3A_202 : i32
    %scan3A_204 = arith.constant 1 : i32
    %scan3A_205:3 = scf.for %scan3A_210 = %scan3A_201 to %scan3A_203 step %scan3A_204 iter_args(%scan3A_211 = %scan3A_179#0, %scan3A_212 = %scan3A_179#1, %scan3A_213 = %scan3A_179#2) -> (vector<16xf32>, vector<16xi32>, vector<16xi32>)  : i32 {
      %add3A_214 = arith.constant 0 : i32
      %add3A_215 = vector.broadcast %add3A_214 : i32 to vector<16xi32>
      %add3A_216 = arith.addi %scan3A_213, %add3A_215 : vector<16xi32>
      %gather3A = tpu.vector_load_idx %arg5[%scan3A_212, %add3A_216] : memref<32x1470xf32, #tpu.memory_space<vmem>>[vector<16xi32>, vector<16xi32>], vector<16xf32>,
      %add3A_217 = arith.constant 1 : i32
      %add3A_218 = vector.broadcast %add3A_217 : i32 to vector<16xi32>
      %add3A_219 = arith.addi %scan3A_213, %add3A_218 : vector<16xi32>
      %gather3A_220 = tpu.vector_load_idx %arg5[%scan3A_212, %add3A_219] : memref<32x1470xf32, #tpu.memory_space<vmem>>[vector<16xi32>, vector<16xi32>], vector<16xf32>,
      %add3A_221 = arith.constant 2 : i32
      %add3A_222 = vector.broadcast %add3A_221 : i32 to vector<16xi32>
      %add3A_223 = arith.addi %scan3A_213, %add3A_222 : vector<16xi32>
      %gather3A_224 = tpu.vector_load_idx %arg5[%scan3A_212, %add3A_223] : memref<32x1470xf32, #tpu.memory_space<vmem>>[vector<16xi32>, vector<16xi32>], vector<16xf32>,
      %add3A_225 = arith.constant 3 : i32
      %add3A_226 = vector.broadcast %add3A_225 : i32 to vector<16xi32>
      %add3A_227 = arith.addi %scan3A_213, %add3A_226 : vector<16xi32>
      %gather3A_228 = tpu.vector_load_idx %arg5[%scan3A_212, %add3A_227] : memref<32x1470xf32, #tpu.memory_space<vmem>>[vector<16xi32>, vector<16xi32>], vector<16xf32>,
      %add3A_229 = arith.constant 4 : i32
      %add3A_230 = vector.broadcast %add3A_229 : i32 to vector<16xi32>
      %add3A_231 = arith.addi %scan3A_213, %add3A_230 : vector<16xi32>
      %gather3A_232 = tpu.vector_load_idx %arg5[%scan3A_212, %add3A_231] : memref<32x1470xf32, #tpu.memory_space<vmem>>[vector<16xi32>, vector<16xi32>], vector<16xf32>,
      %add3A_233 = arith.constant 5 : i32
      %add3A_234 = vector.broadcast %add3A_233 : i32 to vector<16xi32>
      %add3A_235 = arith.addi %scan3A_213, %add3A_234 : vector<16xi32>
      %gather3A_236 = tpu.vector_load_idx %arg5[%scan3A_212, %add3A_235] : memref<32x1470xf32, #tpu.memory_space<vmem>>[vector<16xi32>, vector<16xi32>], vector<16xf32>,
      %add3A_237 = arith.constant 6 : i32
      %add3A_238 = vector.broadcast %add3A_237 : i32 to vector<16xi32>
      %add3A_239 = arith.addi %scan3A_213, %add3A_238 : vector<16xi32>
      %gather3A_240 = tpu.vector_load_idx %arg5[%scan3A_212, %add3A_239] : memref<32x1470xf32, #tpu.memory_space<vmem>>[vector<16xi32>, vector<16xi32>], vector<16xf32>,
      %add3A_241 = arith.constant 7 : i32
      %add3A_242 = vector.broadcast %add3A_241 : i32 to vector<16xi32>
      %add3A_243 = arith.addi %scan3A_213, %add3A_242 : vector<16xi32>
      %gather3A_244 = tpu.vector_load_idx %arg5[%scan3A_212, %add3A_243] : memref<32x1470xf32, #tpu.memory_space<vmem>>[vector<16xi32>, vector<16xi32>], vector<16xf32>,
      %add3A_245 = arith.constant 8 : i32
      %add3A_246 = vector.broadcast %add3A_245 : i32 to vector<16xi32>
      %add3A_247 = arith.addi %scan3A_213, %add3A_246 : vector<16xi32>
      %gather3A_248 = tpu.vector_load_idx %arg5[%scan3A_212, %add3A_247] : memref<32x1470xf32, #tpu.memory_space<vmem>>[vector<16xi32>, vector<16xi32>], vector<16xf32>,
      %add3A_249 = arith.constant 9 : i32
      %add3A_250 = vector.broadcast %add3A_249 : i32 to vector<16xi32>
      %add3A_251 = arith.addi %scan3A_213, %add3A_250 : vector<16xi32>
      %gather3A_252 = tpu.vector_load_idx %arg5[%scan3A_212, %add3A_251] : memref<32x1470xf32, #tpu.memory_space<vmem>>[vector<16xi32>, vector<16xi32>], vector<16xf32>,
      %add3A_253 = arith.constant 0 : i32
      %add3A_254 = vector.broadcast %add3A_253 : i32 to vector<16xi32>
      %add3A_255 = arith.addi %scan3A_213, %add3A_254 : vector<16xi32>
      %gather3A_256 = tpu.vector_load_idx %arg6[%scan3A_212, %add3A_255] : memref<32x1470xf32, #tpu.memory_space<vmem>>[vector<16xi32>, vector<16xi32>], vector<16xf32>,
      %add3A_257 = arith.constant 1 : i32
      %add3A_258 = vector.broadcast %add3A_257 : i32 to vector<16xi32>
      %add3A_259 = arith.addi %scan3A_213, %add3A_258 : vector<16xi32>
      %gather3A_260 = tpu.vector_load_idx %arg6[%scan3A_212, %add3A_259] : memref<32x1470xf32, #tpu.memory_space<vmem>>[vector<16xi32>, vector<16xi32>], vector<16xf32>,
      %add3A_261 = arith.constant 2 : i32
      %add3A_262 = vector.broadcast %add3A_261 : i32 to vector<16xi32>
      %add3A_263 = arith.addi %scan3A_213, %add3A_262 : vector<16xi32>
      %gather3A_264 = tpu.vector_load_idx %arg6[%scan3A_212, %add3A_263] : memref<32x1470xf32, #tpu.memory_space<vmem>>[vector<16xi32>, vector<16xi32>], vector<16xf32>,
      %add3A_265 = arith.constant 3 : i32
      %add3A_266 = vector.broadcast %add3A_265 : i32 to vector<16xi32>
      %add3A_267 = arith.addi %scan3A_213, %add3A_266 : vector<16xi32>
      %gather3A_268 = tpu.vector_load_idx %arg6[%scan3A_212, %add3A_267] : memref<32x1470xf32, #tpu.memory_space<vmem>>[vector<16xi32>, vector<16xi32>], vector<16xf32>,
      %add3A_269 = arith.constant 4 : i32
      %add3A_270 = vector.broadcast %add3A_269 : i32 to vector<16xi32>
      %add3A_271 = arith.addi %scan3A_213, %add3A_270 : vector<16xi32>
      %gather3A_272 = tpu.vector_load_idx %arg6[%scan3A_212, %add3A_271] : memref<32x1470xf32, #tpu.memory_space<vmem>>[vector<16xi32>, vector<16xi32>], vector<16xf32>,
      %add3A_273 = arith.constant 5 : i32
      %add3A_274 = vector.broadcast %add3A_273 : i32 to vector<16xi32>
      %add3A_275 = arith.addi %scan3A_213, %add3A_274 : vector<16xi32>
      %gather3A_276 = tpu.vector_load_idx %arg6[%scan3A_212, %add3A_275] : memref<32x1470xf32, #tpu.memory_space<vmem>>[vector<16xi32>, vector<16xi32>], vector<16xf32>,
      %add3A_277 = arith.constant 6 : i32
      %add3A_278 = vector.broadcast %add3A_277 : i32 to vector<16xi32>
      %add3A_279 = arith.addi %scan3A_213, %add3A_278 : vector<16xi32>
      %gather3A_280 = tpu.vector_load_idx %arg6[%scan3A_212, %add3A_279] : memref<32x1470xf32, #tpu.memory_space<vmem>>[vector<16xi32>, vector<16xi32>], vector<16xf32>,
      %add3A_281 = arith.constant 7 : i32
      %add3A_282 = vector.broadcast %add3A_281 : i32 to vector<16xi32>
      %add3A_283 = arith.addi %scan3A_213, %add3A_282 : vector<16xi32>
      %gather3A_284 = tpu.vector_load_idx %arg6[%scan3A_212, %add3A_283] : memref<32x1470xf32, #tpu.memory_space<vmem>>[vector<16xi32>, vector<16xi32>], vector<16xf32>,
      %add3A_285 = arith.constant 8 : i32
      %add3A_286 = vector.broadcast %add3A_285 : i32 to vector<16xi32>
      %add3A_287 = arith.addi %scan3A_213, %add3A_286 : vector<16xi32>
      %gather3A_288 = tpu.vector_load_idx %arg6[%scan3A_212, %add3A_287] : memref<32x1470xf32, #tpu.memory_space<vmem>>[vector<16xi32>, vector<16xi32>], vector<16xf32>,
      %add3A_289 = arith.constant 9 : i32
      %add3A_290 = vector.broadcast %add3A_289 : i32 to vector<16xi32>
      %add3A_291 = arith.addi %scan3A_213, %add3A_290 : vector<16xi32>
      %gather3A_292 = tpu.vector_load_idx %arg6[%scan3A_212, %add3A_291] : memref<32x1470xf32, #tpu.memory_space<vmem>>[vector<16xi32>, vector<16xi32>], vector<16xf32>,
      %gt3A = arith.constant 0.000000e+00 : f32
      %gt3A_293 = vector.broadcast %gt3A : f32 to vector<16xf32>
      %gt3A_294 = arith.cmpf ogt, %gather3A_272, %gt3A_293 : vector<16xf32>
      %jit3A = arith.constant 1.000000e+00 : f32
      %jit3A_295 = arith.constant 0.000000e+00 : f32
      %broadcast_in_dim3A_296 = vector.broadcast %jit3A : f32 to vector<16xf32>
      %broadcast_in_dim3A_297 = vector.broadcast %jit3A_295 : f32 to vector<16xf32>
      %select_n3A = arith.select %gt3A_294, %broadcast_in_dim3A_296, %broadcast_in_dim3A_297 : vector<16xi1>, vector<16xf32>
      %mul3A_298 = arith.constant 0.0714285746 : f32
      %mul3A_299 = vector.broadcast %mul3A_298 : f32 to vector<16xf32>
      %mul3A_300 = arith.mulf %gather3A_256, %mul3A_299 : vector<16xf32>
      %mul3A_301 = arith.constant 0.0714285746 : f32
      %mul3A_302 = vector.broadcast %mul3A_301 : f32 to vector<16xf32>
      %mul3A_303 = arith.mulf %gather3A_260, %mul3A_302 : vector<16xf32>
      %mul3A_304 = arith.constant 5.000000e-01 : f32
      %mul3A_305 = vector.broadcast %mul3A_304 : f32 to vector<16xf32>
      %mul3A_306 = arith.mulf %mul3A_305, %gather3A_264 : vector<16xf32>
      %sub3A = arith.subf %mul3A_300, %mul3A_306 : vector<16xf32>
      %mul3A_307 = arith.constant 5.000000e-01 : f32
      %mul3A_308 = vector.broadcast %mul3A_307 : f32 to vector<16xf32>
      %mul3A_309 = arith.mulf %mul3A_308, %gather3A_268 : vector<16xf32>
      %sub3A_310 = arith.subf %mul3A_303, %mul3A_309 : vector<16xf32>
      %mul3A_311 = arith.constant 5.000000e-01 : f32
      %mul3A_312 = vector.broadcast %mul3A_311 : f32 to vector<16xf32>
      %mul3A_313 = arith.mulf %mul3A_312, %gather3A_264 : vector<16xf32>
      %add3A_314 = arith.addf %mul3A_300, %mul3A_313 : vector<16xf32>
      %mul3A_315 = arith.constant 5.000000e-01 : f32
      %mul3A_316 = vector.broadcast %mul3A_315 : f32 to vector<16xf32>
      %mul3A_317 = arith.mulf %mul3A_316, %gather3A_268 : vector<16xf32>
      %add3A_318 = arith.addf %mul3A_303, %mul3A_317 : vector<16xf32>
      %mul3A_319 = arith.mulf %gather3A_264, %gather3A_268 : vector<16xf32>
      %mul3A_320 = arith.constant 0.0714285746 : f32
      %mul3A_321 = vector.broadcast %mul3A_320 : f32 to vector<16xf32>
      %mul3A_322 = arith.mulf %gather3A, %mul3A_321 : vector<16xf32>
      %mul3A_323 = arith.constant 0.0714285746 : f32
      %mul3A_324 = vector.broadcast %mul3A_323 : f32 to vector<16xf32>
      %mul3A_325 = arith.mulf %gather3A_220, %mul3A_324 : vector<16xf32>
      %mul3A_326 = arith.constant 5.000000e-01 : f32
      %mul3A_327 = vector.broadcast %mul3A_326 : f32 to vector<16xf32>
      %mul3A_328 = arith.mulf %mul3A_327, %gather3A_224 : vector<16xf32>
      %sub3A_329 = arith.subf %mul3A_322, %mul3A_328 : vector<16xf32>
      %max3A = arith.maximumf %sub3A_329, %sub3A : vector<16xf32>
      %mul3A_330 = arith.constant 5.000000e-01 : f32
      %mul3A_331 = vector.broadcast %mul3A_330 : f32 to vector<16xf32>
      %mul3A_332 = arith.mulf %mul3A_331, %gather3A_228 : vector<16xf32>
      %sub3A_333 = arith.subf %mul3A_325, %mul3A_332 : vector<16xf32>
      %max3A_334 = arith.maximumf %sub3A_333, %sub3A_310 : vector<16xf32>
      %mul3A_335 = arith.constant 5.000000e-01 : f32
      %mul3A_336 = vector.broadcast %mul3A_335 : f32 to vector<16xf32>
      %mul3A_337 = arith.mulf %mul3A_336, %gather3A_224 : vector<16xf32>
      %add3A_338 = arith.addf %mul3A_322, %mul3A_337 : vector<16xf32>
      %min3A = arith.minimumf %add3A_338, %add3A_314 : vector<16xf32>
      %mul3A_339 = arith.constant 5.000000e-01 : f32
      %mul3A_340 = vector.broadcast %mul3A_339 : f32 to vector<16xf32>
      %mul3A_341 = arith.mulf %mul3A_340, %gather3A_228 : vector<16xf32>
      %add3A_342 = arith.addf %mul3A_325, %mul3A_341 : vector<16xf32>
      %min3A_343 = arith.minimumf %add3A_342, %add3A_318 : vector<16xf32>
      %sub3A_344 = arith.subf %min3A, %max3A : vector<16xf32>
      %max3A_345 = arith.constant 0.000000e+00 : f32
      %max3A_346 = vector.broadcast %max3A_345 : f32 to vector<16xf32>
      %max3A_347 = arith.maximumf %sub3A_344, %max3A_346 : vector<16xf32>
      %sub3A_348 = arith.subf %min3A_343, %max3A_334 : vector<16xf32>
      %max3A_349 = arith.constant 0.000000e+00 : f32
      %max3A_350 = vector.broadcast %max3A_349 : f32 to vector<16xf32>
      %max3A_351 = arith.maximumf %sub3A_348, %max3A_350 : vector<16xf32>
      %mul3A_352 = arith.mulf %max3A_347, %max3A_351 : vector<16xf32>
      %mul3A_353 = arith.mulf %gather3A_224, %gather3A_228 : vector<16xf32>
      %add3A_354 = arith.addf %mul3A_353, %mul3A_319 : vector<16xf32>
      %sub3A_355 = arith.subf %add3A_354, %mul3A_352 : vector<16xf32>
      %div3A = arith.divf %mul3A_352, %sub3A_355 : vector<16xf32>
      %mul3A_356 = arith.constant 0.0714285746 : f32
      %mul3A_357 = vector.broadcast %mul3A_356 : f32 to vector<16xf32>
      %mul3A_358 = arith.mulf %gather3A_236, %mul3A_357 : vector<16xf32>
      %mul3A_359 = arith.constant 0.0714285746 : f32
      %mul3A_360 = vector.broadcast %mul3A_359 : f32 to vector<16xf32>
      %mul3A_361 = arith.mulf %gather3A_240, %mul3A_360 : vector<16xf32>
      %mul3A_362 = arith.constant 5.000000e-01 : f32
      %mul3A_363 = vector.broadcast %mul3A_362 : f32 to vector<16xf32>
      %mul3A_364 = arith.mulf %mul3A_363, %gather3A_244 : vector<16xf32>
      %sub3A_365 = arith.subf %mul3A_358, %mul3A_364 : vector<16xf32>
      %max3A_366 = arith.maximumf %sub3A_365, %sub3A : vector<16xf32>
      %mul3A_367 = arith.constant 5.000000e-01 : f32
      %mul3A_368 = vector.broadcast %mul3A_367 : f32 to vector<16xf32>
      %mul3A_369 = arith.mulf %mul3A_368, %gather3A_248 : vector<16xf32>
      %sub3A_370 = arith.subf %mul3A_361, %mul3A_369 : vector<16xf32>
      %max3A_371 = arith.maximumf %sub3A_370, %sub3A_310 : vector<16xf32>
      %mul3A_372 = arith.constant 5.000000e-01 : f32
      %mul3A_373 = vector.broadcast %mul3A_372 : f32 to vector<16xf32>
      %mul3A_374 = arith.mulf %mul3A_373, %gather3A_244 : vector<16xf32>
      %add3A_375 = arith.addf %mul3A_358, %mul3A_374 : vector<16xf32>
      %min3A_376 = arith.minimumf %add3A_375, %add3A_314 : vector<16xf32>
      %mul3A_377 = arith.constant 5.000000e-01 : f32
      %mul3A_378 = vector.broadcast %mul3A_377 : f32 to vector<16xf32>
      %mul3A_379 = arith.mulf %mul3A_378, %gather3A_248 : vector<16xf32>
      %add3A_380 = arith.addf %mul3A_361, %mul3A_379 : vector<16xf32>
      %min3A_381 = arith.minimumf %add3A_380, %add3A_318 : vector<16xf32>
      %sub3A_382 = arith.subf %min3A_376, %max3A_366 : vector<16xf32>
      %max3A_383 = arith.constant 0.000000e+00 : f32
      %max3A_384 = vector.broadcast %max3A_383 : f32 to vector<16xf32>
      %max3A_385 = arith.maximumf %sub3A_382, %max3A_384 : vector<16xf32>
      %sub3A_386 = arith.subf %min3A_381, %max3A_371 : vector<16xf32>
      %max3A_387 = arith.constant 0.000000e+00 : f32
      %max3A_388 = vector.broadcast %max3A_387 : f32 to vector<16xf32>
      %max3A_389 = arith.maximumf %sub3A_386, %max3A_388 : vector<16xf32>
      %mul3A_390 = arith.mulf %max3A_385, %max3A_389 : vector<16xf32>
      %mul3A_391 = arith.mulf %gather3A_244, %gather3A_248 : vector<16xf32>
      %add3A_392 = arith.addf %mul3A_391, %mul3A_319 : vector<16xf32>
      %sub3A_393 = arith.subf %add3A_392, %mul3A_390 : vector<16xf32>
      %div3A_394 = arith.divf %mul3A_390, %sub3A_393 : vector<16xf32>
      %gt3A_395 = arith.cmpf ogt, %div3A_394, %div3A : vector<16xf32>
      %max3A_396 = arith.maximumf %div3A, %div3A_394 : vector<16xf32>
      %select_n3A_397 = arith.select %gt3A_395, %gather3A_236, %gather3A : vector<16xi1>, vector<16xf32>
      %select_n3A_398 = arith.select %gt3A_395, %gather3A_240, %gather3A_220 : vector<16xi1>, vector<16xf32>
      %select_n3A_399 = arith.select %gt3A_395, %gather3A_244, %gather3A_224 : vector<16xi1>, vector<16xf32>
      %select_n3A_400 = arith.select %gt3A_395, %gather3A_248, %gather3A_228 : vector<16xi1>, vector<16xf32>
      %select_n3A_401 = arith.select %gt3A_395, %gather3A_252, %gather3A_232 : vector<16xi1>, vector<16xf32>
      %select_n3A_402 = arith.select %gt3A_395, %gather3A_232, %gather3A_252 : vector<16xi1>, vector<16xf32>
      %select_n3A_403 = arith.select %gt3A_395, %gather3A_276, %gather3A_256 : vector<16xi1>, vector<16xf32>
      %select_n3A_404 = arith.select %gt3A_395, %gather3A_280, %gather3A_260 : vector<16xi1>, vector<16xf32>
      %select_n3A_405 = arith.select %gt3A_395, %gather3A_284, %gather3A_264 : vector<16xi1>, vector<16xf32>
      %select_n3A_406 = arith.select %gt3A_395, %gather3A_288, %gather3A_268 : vector<16xi1>, vector<16xf32>
      %sub3A_407 = arith.subf %select_n3A_397, %select_n3A_403 : vector<16xf32>
      %sub3A_408 = arith.subf %select_n3A_398, %select_n3A_404 : vector<16xf32>
      %add3A_409 = arith.addf %select_n3A_399, %select_n3A_405 : vector<16xf32>
      %mul3A_410 = arith.mulf %select_n3A_399, %select_n3A_405 : vector<16xf32>
      %bitcast_convert_type3A = tpu.bitcast %mul3A_410 : vector<16xf32> -> vector<16xi32>
      %shift_right_logical3A = arith.constant 1 : i32
      %shift_right_logical3A_411 = vector.broadcast %shift_right_logical3A : i32 to vector<16xi32>
      %shift_right_logical3A_412 = arith.shrui %bitcast_convert_type3A, %shift_right_logical3A_411 : vector<16xi32>
      %sub3A_413 = arith.constant 1597463007 : i32
      %sub3A_414 = vector.broadcast %sub3A_413 : i32 to vector<16xi32>
      %sub3A_415 = arith.subi %sub3A_414, %shift_right_logical3A_412 : vector<16xi32>
      %bitcast_convert_type3A_416 = tpu.bitcast %sub3A_415 : vector<16xi32> -> vector<16xf32>
      %mul3A_417 = arith.constant 5.000000e-01 : f32
      %mul3A_418 = vector.broadcast %mul3A_417 : f32 to vector<16xf32>
      %mul3A_419 = arith.mulf %mul3A_418, %mul3A_410 : vector<16xf32>
      %mul3A_420 = arith.mulf %mul3A_419, %bitcast_convert_type3A_416 : vector<16xf32>
      %mul3A_421 = arith.mulf %mul3A_420, %bitcast_convert_type3A_416 : vector<16xf32>
      %sub3A_422 = arith.constant 1.500000e+00 : f32
      %sub3A_423 = vector.broadcast %sub3A_422 : f32 to vector<16xf32>
      %sub3A_424 = arith.subf %sub3A_423, %mul3A_421 : vector<16xf32>
      %mul3A_425 = arith.mulf %bitcast_convert_type3A_416, %sub3A_424 : vector<16xf32>
      %mul3A_426 = arith.constant 5.000000e-01 : f32
      %mul3A_427 = vector.broadcast %mul3A_426 : f32 to vector<16xf32>
      %mul3A_428 = arith.mulf %mul3A_427, %mul3A_410 : vector<16xf32>
      %mul3A_429 = arith.mulf %mul3A_428, %mul3A_425 : vector<16xf32>
      %mul3A_430 = arith.mulf %mul3A_429, %mul3A_425 : vector<16xf32>
      %sub3A_431 = arith.constant 1.500000e+00 : f32
      %sub3A_432 = vector.broadcast %sub3A_431 : f32 to vector<16xf32>
      %sub3A_433 = arith.subf %sub3A_432, %mul3A_430 : vector<16xf32>
      %mul3A_434 = arith.mulf %mul3A_425, %sub3A_433 : vector<16xf32>
      %mul3A_435 = arith.constant 5.000000e-01 : f32
      %mul3A_436 = vector.broadcast %mul3A_435 : f32 to vector<16xf32>
      %mul3A_437 = arith.mulf %mul3A_436, %mul3A_410 : vector<16xf32>
      %mul3A_438 = arith.mulf %mul3A_437, %mul3A_434 : vector<16xf32>
      %mul3A_439 = arith.mulf %mul3A_438, %mul3A_434 : vector<16xf32>
      %sub3A_440 = arith.constant 1.500000e+00 : f32
      %sub3A_441 = vector.broadcast %sub3A_440 : f32 to vector<16xf32>
      %sub3A_442 = arith.subf %sub3A_441, %mul3A_439 : vector<16xf32>
      %mul3A_443 = arith.mulf %mul3A_434, %sub3A_442 : vector<16xf32>
      %mul3A_444 = arith.mulf %mul3A_410, %mul3A_443 : vector<16xf32>
      %mul3A_445 = arith.constant 2.000000e+00 : f32
      %mul3A_446 = vector.broadcast %mul3A_445 : f32 to vector<16xf32>
      %mul3A_447 = arith.mulf %mul3A_446, %mul3A_444 : vector<16xf32>
      %sub3A_448 = arith.subf %add3A_409, %mul3A_447 : vector<16xf32>
      %add3A_449 = arith.addf %select_n3A_400, %select_n3A_406 : vector<16xf32>
      %mul3A_450 = arith.mulf %select_n3A_400, %select_n3A_406 : vector<16xf32>
      %bitcast_convert_type3A_451 = tpu.bitcast %mul3A_450 : vector<16xf32> -> vector<16xi32>
      %shift_right_logical3A_452 = arith.constant 1 : i32
      %shift_right_logical3A_453 = vector.broadcast %shift_right_logical3A_452 : i32 to vector<16xi32>
      %shift_right_logical3A_454 = arith.shrui %bitcast_convert_type3A_451, %shift_right_logical3A_453 : vector<16xi32>
      %sub3A_455 = arith.constant 1597463007 : i32
      %sub3A_456 = vector.broadcast %sub3A_455 : i32 to vector<16xi32>
      %sub3A_457 = arith.subi %sub3A_456, %shift_right_logical3A_454 : vector<16xi32>
      %bitcast_convert_type3A_458 = tpu.bitcast %sub3A_457 : vector<16xi32> -> vector<16xf32>
      %mul3A_459 = arith.constant 5.000000e-01 : f32
      %mul3A_460 = vector.broadcast %mul3A_459 : f32 to vector<16xf32>
      %mul3A_461 = arith.mulf %mul3A_460, %mul3A_450 : vector<16xf32>
      %mul3A_462 = arith.mulf %mul3A_461, %bitcast_convert_type3A_458 : vector<16xf32>
      %mul3A_463 = arith.mulf %mul3A_462, %bitcast_convert_type3A_458 : vector<16xf32>
      %sub3A_464 = arith.constant 1.500000e+00 : f32
      %sub3A_465 = vector.broadcast %sub3A_464 : f32 to vector<16xf32>
      %sub3A_466 = arith.subf %sub3A_465, %mul3A_463 : vector<16xf32>
      %mul3A_467 = arith.mulf %bitcast_convert_type3A_458, %sub3A_466 : vector<16xf32>
      %mul3A_468 = arith.constant 5.000000e-01 : f32
      %mul3A_469 = vector.broadcast %mul3A_468 : f32 to vector<16xf32>
      %mul3A_470 = arith.mulf %mul3A_469, %mul3A_450 : vector<16xf32>
      %mul3A_471 = arith.mulf %mul3A_470, %mul3A_467 : vector<16xf32>
      %mul3A_472 = arith.mulf %mul3A_471, %mul3A_467 : vector<16xf32>
      %sub3A_473 = arith.constant 1.500000e+00 : f32
      %sub3A_474 = vector.broadcast %sub3A_473 : f32 to vector<16xf32>
      %sub3A_475 = arith.subf %sub3A_474, %mul3A_472 : vector<16xf32>
      %mul3A_476 = arith.mulf %mul3A_467, %sub3A_475 : vector<16xf32>
      %mul3A_477 = arith.constant 5.000000e-01 : f32
      %mul3A_478 = vector.broadcast %mul3A_477 : f32 to vector<16xf32>
      %mul3A_479 = arith.mulf %mul3A_478, %mul3A_450 : vector<16xf32>
      %mul3A_480 = arith.mulf %mul3A_479, %mul3A_476 : vector<16xf32>
      %mul3A_481 = arith.mulf %mul3A_480, %mul3A_476 : vector<16xf32>
      %sub3A_482 = arith.constant 1.500000e+00 : f32
      %sub3A_483 = vector.broadcast %sub3A_482 : f32 to vector<16xf32>
      %sub3A_484 = arith.subf %sub3A_483, %mul3A_481 : vector<16xf32>
      %mul3A_485 = arith.mulf %mul3A_476, %sub3A_484 : vector<16xf32>
      %mul3A_486 = arith.mulf %mul3A_450, %mul3A_485 : vector<16xf32>
      %mul3A_487 = arith.constant 2.000000e+00 : f32
      %mul3A_488 = vector.broadcast %mul3A_487 : f32 to vector<16xf32>
      %mul3A_489 = arith.mulf %mul3A_488, %mul3A_486 : vector<16xf32>
      %sub3A_490 = arith.subf %add3A_449, %mul3A_489 : vector<16xf32>
      %mul3A_491 = arith.mulf %sub3A_407, %sub3A_407 : vector<16xf32>
      %mul3A_492 = arith.mulf %sub3A_408, %sub3A_408 : vector<16xf32>
      %add3A_493 = arith.addf %mul3A_491, %mul3A_492 : vector<16xf32>
      %add3A_494 = arith.addf %add3A_493, %sub3A_448 : vector<16xf32>
      %add3A_495 = arith.addf %add3A_494, %sub3A_490 : vector<16xf32>
      %sub3A_496 = arith.subf %select_n3A_401, %max3A_396 : vector<16xf32>
      %mul3A_497 = arith.mulf %sub3A_496, %sub3A_496 : vector<16xf32>
      %mul3A_498 = arith.constant 5.000000e+00 : f32
      %mul3A_499 = vector.broadcast %mul3A_498 : f32 to vector<16xf32>
      %mul3A_500 = arith.mulf %mul3A_499, %add3A_495 : vector<16xf32>
      %mul3A_501 = arith.constant 2.000000e+00 : f32
      %mul3A_502 = vector.broadcast %mul3A_501 : f32 to vector<16xf32>
      %mul3A_503 = arith.mulf %mul3A_502, %mul3A_497 : vector<16xf32>
      %add3A_504 = arith.addf %mul3A_500, %mul3A_503 : vector<16xf32>
      %mul3A_505 = arith.mulf %select_n3A_402, %select_n3A_402 : vector<16xf32>
      %add3A_506 = arith.addf %add3A_504, %mul3A_505 : vector<16xf32>
      %mul3A_507 = arith.mulf %select_n3A, %add3A_506 : vector<16xf32>
      %add3A_508 = arith.addf %scan3A_211, %mul3A_507 : vector<16xf32>
      %add3A_509 = arith.constant 480 : i32
      %add3A_510 = vector.broadcast %add3A_509 : i32 to vector<16xi32>
      %add3A_511 = arith.addi %scan3A_213, %add3A_510 : vector<16xi32>
      %ge3A = arith.constant 1470 : i32
      %ge3A_512 = vector.broadcast %ge3A : i32 to vector<16xi32>
      %ge3A_513 = arith.cmpi sge, %add3A_511, %ge3A_512 : vector<16xi32>
      %jit3A_514 = arith.constant 1 : i32
      %jit3A_515 = arith.constant 0 : i32
      %broadcast_in_dim3A_516 = vector.broadcast %jit3A_514 : i32 to vector<16xi32>
      %broadcast_in_dim3A_517 = vector.broadcast %jit3A_515 : i32 to vector<16xi32>
      %select_n3A_518 = arith.select %ge3A_513, %broadcast_in_dim3A_516, %broadcast_in_dim3A_517 : vector<16xi1>, vector<16xi32>
      %add3A_519 = arith.addi %scan3A_212, %select_n3A_518 : vector<16xi32>
      %jit3A_520 = arith.constant 1470 : i32
      %jit3A_521 = arith.constant 0 : i32
      %broadcast_in_dim3A_522 = vector.broadcast %jit3A_520 : i32 to vector<16xi32>
      %broadcast_in_dim3A_523 = vector.broadcast %jit3A_521 : i32 to vector<16xi32>
      %select_n3A_524 = arith.select %ge3A_513, %broadcast_in_dim3A_522, %broadcast_in_dim3A_523 : vector<16xi1>, vector<16xi32>
      %sub3A_525 = arith.subi %add3A_511, %select_n3A_524 : vector<16xi32>
      %add3A_526 = arith.constant 0 : i32
      %add3A_527 = vector.broadcast %add3A_526 : i32 to vector<16xi32>
      %add3A_528 = arith.addi %sub3A_525, %add3A_527 : vector<16xi32>
      %gather3A_529 = tpu.vector_load_idx %arg5[%add3A_519, %add3A_528] : memref<32x1470xf32, #tpu.memory_space<vmem>>[vector<16xi32>, vector<16xi32>], vector<16xf32>,
      %add3A_530 = arith.constant 1 : i32
      %add3A_531 = vector.broadcast %add3A_530 : i32 to vector<16xi32>
      %add3A_532 = arith.addi %sub3A_525, %add3A_531 : vector<16xi32>
      %gather3A_533 = tpu.vector_load_idx %arg5[%add3A_519, %add3A_532] : memref<32x1470xf32, #tpu.memory_space<vmem>>[vector<16xi32>, vector<16xi32>], vector<16xf32>,
      %add3A_534 = arith.constant 2 : i32
      %add3A_535 = vector.broadcast %add3A_534 : i32 to vector<16xi32>
      %add3A_536 = arith.addi %sub3A_525, %add3A_535 : vector<16xi32>
      %gather3A_537 = tpu.vector_load_idx %arg5[%add3A_519, %add3A_536] : memref<32x1470xf32, #tpu.memory_space<vmem>>[vector<16xi32>, vector<16xi32>], vector<16xf32>,
      %add3A_538 = arith.constant 3 : i32
      %add3A_539 = vector.broadcast %add3A_538 : i32 to vector<16xi32>
      %add3A_540 = arith.addi %sub3A_525, %add3A_539 : vector<16xi32>
      %gather3A_541 = tpu.vector_load_idx %arg5[%add3A_519, %add3A_540] : memref<32x1470xf32, #tpu.memory_space<vmem>>[vector<16xi32>, vector<16xi32>], vector<16xf32>,
      %add3A_542 = arith.constant 4 : i32
      %add3A_543 = vector.broadcast %add3A_542 : i32 to vector<16xi32>
      %add3A_544 = arith.addi %sub3A_525, %add3A_543 : vector<16xi32>
      %gather3A_545 = tpu.vector_load_idx %arg5[%add3A_519, %add3A_544] : memref<32x1470xf32, #tpu.memory_space<vmem>>[vector<16xi32>, vector<16xi32>], vector<16xf32>,
      %add3A_546 = arith.constant 5 : i32
      %add3A_547 = vector.broadcast %add3A_546 : i32 to vector<16xi32>
      %add3A_548 = arith.addi %sub3A_525, %add3A_547 : vector<16xi32>
      %gather3A_549 = tpu.vector_load_idx %arg5[%add3A_519, %add3A_548] : memref<32x1470xf32, #tpu.memory_space<vmem>>[vector<16xi32>, vector<16xi32>], vector<16xf32>,
      %add3A_550 = arith.constant 6 : i32
      %add3A_551 = vector.broadcast %add3A_550 : i32 to vector<16xi32>
      %add3A_552 = arith.addi %sub3A_525, %add3A_551 : vector<16xi32>
      %gather3A_553 = tpu.vector_load_idx %arg5[%add3A_519, %add3A_552] : memref<32x1470xf32, #tpu.memory_space<vmem>>[vector<16xi32>, vector<16xi32>], vector<16xf32>,
      %add3A_554 = arith.constant 7 : i32
      %add3A_555 = vector.broadcast %add3A_554 : i32 to vector<16xi32>
      %add3A_556 = arith.addi %sub3A_525, %add3A_555 : vector<16xi32>
      %gather3A_557 = tpu.vector_load_idx %arg5[%add3A_519, %add3A_556] : memref<32x1470xf32, #tpu.memory_space<vmem>>[vector<16xi32>, vector<16xi32>], vector<16xf32>,
      %add3A_558 = arith.constant 8 : i32
      %add3A_559 = vector.broadcast %add3A_558 : i32 to vector<16xi32>
      %add3A_560 = arith.addi %sub3A_525, %add3A_559 : vector<16xi32>
      %gather3A_561 = tpu.vector_load_idx %arg5[%add3A_519, %add3A_560] : memref<32x1470xf32, #tpu.memory_space<vmem>>[vector<16xi32>, vector<16xi32>], vector<16xf32>,
      %add3A_562 = arith.constant 9 : i32
      %add3A_563 = vector.broadcast %add3A_562 : i32 to vector<16xi32>
      %add3A_564 = arith.addi %sub3A_525, %add3A_563 : vector<16xi32>
      %gather3A_565 = tpu.vector_load_idx %arg5[%add3A_519, %add3A_564] : memref<32x1470xf32, #tpu.memory_space<vmem>>[vector<16xi32>, vector<16xi32>], vector<16xf32>,
      %add3A_566 = arith.constant 0 : i32
      %add3A_567 = vector.broadcast %add3A_566 : i32 to vector<16xi32>
      %add3A_568 = arith.addi %sub3A_525, %add3A_567 : vector<16xi32>
      %gather3A_569 = tpu.vector_load_idx %arg6[%add3A_519, %add3A_568] : memref<32x1470xf32, #tpu.memory_space<vmem>>[vector<16xi32>, vector<16xi32>], vector<16xf32>,
      %add3A_570 = arith.constant 1 : i32
      %add3A_571 = vector.broadcast %add3A_570 : i32 to vector<16xi32>
      %add3A_572 = arith.addi %sub3A_525, %add3A_571 : vector<16xi32>
      %gather3A_573 = tpu.vector_load_idx %arg6[%add3A_519, %add3A_572] : memref<32x1470xf32, #tpu.memory_space<vmem>>[vector<16xi32>, vector<16xi32>], vector<16xf32>,
      %add3A_574 = arith.constant 2 : i32
      %add3A_575 = vector.broadcast %add3A_574 : i32 to vector<16xi32>
      %add3A_576 = arith.addi %sub3A_525, %add3A_575 : vector<16xi32>
      %gather3A_577 = tpu.vector_load_idx %arg6[%add3A_519, %add3A_576] : memref<32x1470xf32, #tpu.memory_space<vmem>>[vector<16xi32>, vector<16xi32>], vector<16xf32>,
      %add3A_578 = arith.constant 3 : i32
      %add3A_579 = vector.broadcast %add3A_578 : i32 to vector<16xi32>
      %add3A_580 = arith.addi %sub3A_525, %add3A_579 : vector<16xi32>
      %gather3A_581 = tpu.vector_load_idx %arg6[%add3A_519, %add3A_580] : memref<32x1470xf32, #tpu.memory_space<vmem>>[vector<16xi32>, vector<16xi32>], vector<16xf32>,
      %add3A_582 = arith.constant 4 : i32
      %add3A_583 = vector.broadcast %add3A_582 : i32 to vector<16xi32>
      %add3A_584 = arith.addi %sub3A_525, %add3A_583 : vector<16xi32>
      %gather3A_585 = tpu.vector_load_idx %arg6[%add3A_519, %add3A_584] : memref<32x1470xf32, #tpu.memory_space<vmem>>[vector<16xi32>, vector<16xi32>], vector<16xf32>,
      %add3A_586 = arith.constant 5 : i32
      %add3A_587 = vector.broadcast %add3A_586 : i32 to vector<16xi32>
      %add3A_588 = arith.addi %sub3A_525, %add3A_587 : vector<16xi32>
      %gather3A_589 = tpu.vector_load_idx %arg6[%add3A_519, %add3A_588] : memref<32x1470xf32, #tpu.memory_space<vmem>>[vector<16xi32>, vector<16xi32>], vector<16xf32>,
      %add3A_590 = arith.constant 6 : i32
      %add3A_591 = vector.broadcast %add3A_590 : i32 to vector<16xi32>
      %add3A_592 = arith.addi %sub3A_525, %add3A_591 : vector<16xi32>
      %gather3A_593 = tpu.vector_load_idx %arg6[%add3A_519, %add3A_592] : memref<32x1470xf32, #tpu.memory_space<vmem>>[vector<16xi32>, vector<16xi32>], vector<16xf32>,
      %add3A_594 = arith.constant 7 : i32
      %add3A_595 = vector.broadcast %add3A_594 : i32 to vector<16xi32>
      %add3A_596 = arith.addi %sub3A_525, %add3A_595 : vector<16xi32>
      %gather3A_597 = tpu.vector_load_idx %arg6[%add3A_519, %add3A_596] : memref<32x1470xf32, #tpu.memory_space<vmem>>[vector<16xi32>, vector<16xi32>], vector<16xf32>,
      %add3A_598 = arith.constant 8 : i32
      %add3A_599 = vector.broadcast %add3A_598 : i32 to vector<16xi32>
      %add3A_600 = arith.addi %sub3A_525, %add3A_599 : vector<16xi32>
      %gather3A_601 = tpu.vector_load_idx %arg6[%add3A_519, %add3A_600] : memref<32x1470xf32, #tpu.memory_space<vmem>>[vector<16xi32>, vector<16xi32>], vector<16xf32>,
      %add3A_602 = arith.constant 9 : i32
      %add3A_603 = vector.broadcast %add3A_602 : i32 to vector<16xi32>
      %add3A_604 = arith.addi %sub3A_525, %add3A_603 : vector<16xi32>
      %gather3A_605 = tpu.vector_load_idx %arg6[%add3A_519, %add3A_604] : memref<32x1470xf32, #tpu.memory_space<vmem>>[vector<16xi32>, vector<16xi32>], vector<16xf32>,
      %gt3A_606 = arith.constant 0.000000e+00 : f32
      %gt3A_607 = vector.broadcast %gt3A_606 : f32 to vector<16xf32>
      %gt3A_608 = arith.cmpf ogt, %gather3A_585, %gt3A_607 : vector<16xf32>
      %jit3A_609 = arith.constant 1.000000e+00 : f32
      %jit3A_610 = arith.constant 0.000000e+00 : f32
      %broadcast_in_dim3A_611 = vector.broadcast %jit3A_609 : f32 to vector<16xf32>
      %broadcast_in_dim3A_612 = vector.broadcast %jit3A_610 : f32 to vector<16xf32>
      %select_n3A_613 = arith.select %gt3A_608, %broadcast_in_dim3A_611, %broadcast_in_dim3A_612 : vector<16xi1>, vector<16xf32>
      %mul3A_614 = arith.constant 0.0714285746 : f32
      %mul3A_615 = vector.broadcast %mul3A_614 : f32 to vector<16xf32>
      %mul3A_616 = arith.mulf %gather3A_569, %mul3A_615 : vector<16xf32>
      %mul3A_617 = arith.constant 0.0714285746 : f32
      %mul3A_618 = vector.broadcast %mul3A_617 : f32 to vector<16xf32>
      %mul3A_619 = arith.mulf %gather3A_573, %mul3A_618 : vector<16xf32>
      %mul3A_620 = arith.constant 5.000000e-01 : f32
      %mul3A_621 = vector.broadcast %mul3A_620 : f32 to vector<16xf32>
      %mul3A_622 = arith.mulf %mul3A_621, %gather3A_577 : vector<16xf32>
      %sub3A_623 = arith.subf %mul3A_616, %mul3A_622 : vector<16xf32>
      %mul3A_624 = arith.constant 5.000000e-01 : f32
      %mul3A_625 = vector.broadcast %mul3A_624 : f32 to vector<16xf32>
      %mul3A_626 = arith.mulf %mul3A_625, %gather3A_581 : vector<16xf32>
      %sub3A_627 = arith.subf %mul3A_619, %mul3A_626 : vector<16xf32>
      %mul3A_628 = arith.constant 5.000000e-01 : f32
      %mul3A_629 = vector.broadcast %mul3A_628 : f32 to vector<16xf32>
      %mul3A_630 = arith.mulf %mul3A_629, %gather3A_577 : vector<16xf32>
      %add3A_631 = arith.addf %mul3A_616, %mul3A_630 : vector<16xf32>
      %mul3A_632 = arith.constant 5.000000e-01 : f32
      %mul3A_633 = vector.broadcast %mul3A_632 : f32 to vector<16xf32>
      %mul3A_634 = arith.mulf %mul3A_633, %gather3A_581 : vector<16xf32>
      %add3A_635 = arith.addf %mul3A_619, %mul3A_634 : vector<16xf32>
      %mul3A_636 = arith.mulf %gather3A_577, %gather3A_581 : vector<16xf32>
      %mul3A_637 = arith.constant 0.0714285746 : f32
      %mul3A_638 = vector.broadcast %mul3A_637 : f32 to vector<16xf32>
      %mul3A_639 = arith.mulf %gather3A_529, %mul3A_638 : vector<16xf32>
      %mul3A_640 = arith.constant 0.0714285746 : f32
      %mul3A_641 = vector.broadcast %mul3A_640 : f32 to vector<16xf32>
      %mul3A_642 = arith.mulf %gather3A_533, %mul3A_641 : vector<16xf32>
      %mul3A_643 = arith.constant 5.000000e-01 : f32
      %mul3A_644 = vector.broadcast %mul3A_643 : f32 to vector<16xf32>
      %mul3A_645 = arith.mulf %mul3A_644, %gather3A_537 : vector<16xf32>
      %sub3A_646 = arith.subf %mul3A_639, %mul3A_645 : vector<16xf32>
      %max3A_647 = arith.maximumf %sub3A_646, %sub3A_623 : vector<16xf32>
      %mul3A_648 = arith.constant 5.000000e-01 : f32
      %mul3A_649 = vector.broadcast %mul3A_648 : f32 to vector<16xf32>
      %mul3A_650 = arith.mulf %mul3A_649, %gather3A_541 : vector<16xf32>
      %sub3A_651 = arith.subf %mul3A_642, %mul3A_650 : vector<16xf32>
      %max3A_652 = arith.maximumf %sub3A_651, %sub3A_627 : vector<16xf32>
      %mul3A_653 = arith.constant 5.000000e-01 : f32
      %mul3A_654 = vector.broadcast %mul3A_653 : f32 to vector<16xf32>
      %mul3A_655 = arith.mulf %mul3A_654, %gather3A_537 : vector<16xf32>
      %add3A_656 = arith.addf %mul3A_639, %mul3A_655 : vector<16xf32>
      %min3A_657 = arith.minimumf %add3A_656, %add3A_631 : vector<16xf32>
      %mul3A_658 = arith.constant 5.000000e-01 : f32
      %mul3A_659 = vector.broadcast %mul3A_658 : f32 to vector<16xf32>
      %mul3A_660 = arith.mulf %mul3A_659, %gather3A_541 : vector<16xf32>
      %add3A_661 = arith.addf %mul3A_642, %mul3A_660 : vector<16xf32>
      %min3A_662 = arith.minimumf %add3A_661, %add3A_635 : vector<16xf32>
      %sub3A_663 = arith.subf %min3A_657, %max3A_647 : vector<16xf32>
      %max3A_664 = arith.constant 0.000000e+00 : f32
      %max3A_665 = vector.broadcast %max3A_664 : f32 to vector<16xf32>
      %max3A_666 = arith.maximumf %sub3A_663, %max3A_665 : vector<16xf32>
      %sub3A_667 = arith.subf %min3A_662, %max3A_652 : vector<16xf32>
      %max3A_668 = arith.constant 0.000000e+00 : f32
      %max3A_669 = vector.broadcast %max3A_668 : f32 to vector<16xf32>
      %max3A_670 = arith.maximumf %sub3A_667, %max3A_669 : vector<16xf32>
      %mul3A_671 = arith.mulf %max3A_666, %max3A_670 : vector<16xf32>
      %mul3A_672 = arith.mulf %gather3A_537, %gather3A_541 : vector<16xf32>
      %add3A_673 = arith.addf %mul3A_672, %mul3A_636 : vector<16xf32>
      %sub3A_674 = arith.subf %add3A_673, %mul3A_671 : vector<16xf32>
      %div3A_675 = arith.divf %mul3A_671, %sub3A_674 : vector<16xf32>
      %mul3A_676 = arith.constant 0.0714285746 : f32
      %mul3A_677 = vector.broadcast %mul3A_676 : f32 to vector<16xf32>
      %mul3A_678 = arith.mulf %gather3A_549, %mul3A_677 : vector<16xf32>
      %mul3A_679 = arith.constant 0.0714285746 : f32
      %mul3A_680 = vector.broadcast %mul3A_679 : f32 to vector<16xf32>
      %mul3A_681 = arith.mulf %gather3A_553, %mul3A_680 : vector<16xf32>
      %mul3A_682 = arith.constant 5.000000e-01 : f32
      %mul3A_683 = vector.broadcast %mul3A_682 : f32 to vector<16xf32>
      %mul3A_684 = arith.mulf %mul3A_683, %gather3A_557 : vector<16xf32>
      %sub3A_685 = arith.subf %mul3A_678, %mul3A_684 : vector<16xf32>
      %max3A_686 = arith.maximumf %sub3A_685, %sub3A_623 : vector<16xf32>
      %mul3A_687 = arith.constant 5.000000e-01 : f32
      %mul3A_688 = vector.broadcast %mul3A_687 : f32 to vector<16xf32>
      %mul3A_689 = arith.mulf %mul3A_688, %gather3A_561 : vector<16xf32>
      %sub3A_690 = arith.subf %mul3A_681, %mul3A_689 : vector<16xf32>
      %max3A_691 = arith.maximumf %sub3A_690, %sub3A_627 : vector<16xf32>
      %mul3A_692 = arith.constant 5.000000e-01 : f32
      %mul3A_693 = vector.broadcast %mul3A_692 : f32 to vector<16xf32>
      %mul3A_694 = arith.mulf %mul3A_693, %gather3A_557 : vector<16xf32>
      %add3A_695 = arith.addf %mul3A_678, %mul3A_694 : vector<16xf32>
      %min3A_696 = arith.minimumf %add3A_695, %add3A_631 : vector<16xf32>
      %mul3A_697 = arith.constant 5.000000e-01 : f32
      %mul3A_698 = vector.broadcast %mul3A_697 : f32 to vector<16xf32>
      %mul3A_699 = arith.mulf %mul3A_698, %gather3A_561 : vector<16xf32>
      %add3A_700 = arith.addf %mul3A_681, %mul3A_699 : vector<16xf32>
      %min3A_701 = arith.minimumf %add3A_700, %add3A_635 : vector<16xf32>
      %sub3A_702 = arith.subf %min3A_696, %max3A_686 : vector<16xf32>
      %max3A_703 = arith.constant 0.000000e+00 : f32
      %max3A_704 = vector.broadcast %max3A_703 : f32 to vector<16xf32>
      %max3A_705 = arith.maximumf %sub3A_702, %max3A_704 : vector<16xf32>
      %sub3A_706 = arith.subf %min3A_701, %max3A_691 : vector<16xf32>
      %max3A_707 = arith.constant 0.000000e+00 : f32
      %max3A_708 = vector.broadcast %max3A_707 : f32 to vector<16xf32>
      %max3A_709 = arith.maximumf %sub3A_706, %max3A_708 : vector<16xf32>
      %mul3A_710 = arith.mulf %max3A_705, %max3A_709 : vector<16xf32>
      %mul3A_711 = arith.mulf %gather3A_557, %gather3A_561 : vector<16xf32>
      %add3A_712 = arith.addf %mul3A_711, %mul3A_636 : vector<16xf32>
      %sub3A_713 = arith.subf %add3A_712, %mul3A_710 : vector<16xf32>
      %div3A_714 = arith.divf %mul3A_710, %sub3A_713 : vector<16xf32>
      %gt3A_715 = arith.cmpf ogt, %div3A_714, %div3A_675 : vector<16xf32>
      %max3A_716 = arith.maximumf %div3A_675, %div3A_714 : vector<16xf32>
      %select_n3A_717 = arith.select %gt3A_715, %gather3A_549, %gather3A_529 : vector<16xi1>, vector<16xf32>
      %select_n3A_718 = arith.select %gt3A_715, %gather3A_553, %gather3A_533 : vector<16xi1>, vector<16xf32>
      %select_n3A_719 = arith.select %gt3A_715, %gather3A_557, %gather3A_537 : vector<16xi1>, vector<16xf32>
      %select_n3A_720 = arith.select %gt3A_715, %gather3A_561, %gather3A_541 : vector<16xi1>, vector<16xf32>
      %select_n3A_721 = arith.select %gt3A_715, %gather3A_565, %gather3A_545 : vector<16xi1>, vector<16xf32>
      %select_n3A_722 = arith.select %gt3A_715, %gather3A_545, %gather3A_565 : vector<16xi1>, vector<16xf32>
      %select_n3A_723 = arith.select %gt3A_715, %gather3A_589, %gather3A_569 : vector<16xi1>, vector<16xf32>
      %select_n3A_724 = arith.select %gt3A_715, %gather3A_593, %gather3A_573 : vector<16xi1>, vector<16xf32>
      %select_n3A_725 = arith.select %gt3A_715, %gather3A_597, %gather3A_577 : vector<16xi1>, vector<16xf32>
      %select_n3A_726 = arith.select %gt3A_715, %gather3A_601, %gather3A_581 : vector<16xi1>, vector<16xf32>
      %sub3A_727 = arith.subf %select_n3A_717, %select_n3A_723 : vector<16xf32>
      %sub3A_728 = arith.subf %select_n3A_718, %select_n3A_724 : vector<16xf32>
      %add3A_729 = arith.addf %select_n3A_719, %select_n3A_725 : vector<16xf32>
      %mul3A_730 = arith.mulf %select_n3A_719, %select_n3A_725 : vector<16xf32>
      %bitcast_convert_type3A_731 = tpu.bitcast %mul3A_730 : vector<16xf32> -> vector<16xi32>
      %shift_right_logical3A_732 = arith.constant 1 : i32
      %shift_right_logical3A_733 = vector.broadcast %shift_right_logical3A_732 : i32 to vector<16xi32>
      %shift_right_logical3A_734 = arith.shrui %bitcast_convert_type3A_731, %shift_right_logical3A_733 : vector<16xi32>
      %sub3A_735 = arith.constant 1597463007 : i32
      %sub3A_736 = vector.broadcast %sub3A_735 : i32 to vector<16xi32>
      %sub3A_737 = arith.subi %sub3A_736, %shift_right_logical3A_734 : vector<16xi32>
      %bitcast_convert_type3A_738 = tpu.bitcast %sub3A_737 : vector<16xi32> -> vector<16xf32>
      %mul3A_739 = arith.constant 5.000000e-01 : f32
      %mul3A_740 = vector.broadcast %mul3A_739 : f32 to vector<16xf32>
      %mul3A_741 = arith.mulf %mul3A_740, %mul3A_730 : vector<16xf32>
      %mul3A_742 = arith.mulf %mul3A_741, %bitcast_convert_type3A_738 : vector<16xf32>
      %mul3A_743 = arith.mulf %mul3A_742, %bitcast_convert_type3A_738 : vector<16xf32>
      %sub3A_744 = arith.constant 1.500000e+00 : f32
      %sub3A_745 = vector.broadcast %sub3A_744 : f32 to vector<16xf32>
      %sub3A_746 = arith.subf %sub3A_745, %mul3A_743 : vector<16xf32>
      %mul3A_747 = arith.mulf %bitcast_convert_type3A_738, %sub3A_746 : vector<16xf32>
      %mul3A_748 = arith.constant 5.000000e-01 : f32
      %mul3A_749 = vector.broadcast %mul3A_748 : f32 to vector<16xf32>
      %mul3A_750 = arith.mulf %mul3A_749, %mul3A_730 : vector<16xf32>
      %mul3A_751 = arith.mulf %mul3A_750, %mul3A_747 : vector<16xf32>
      %mul3A_752 = arith.mulf %mul3A_751, %mul3A_747 : vector<16xf32>
      %sub3A_753 = arith.constant 1.500000e+00 : f32
      %sub3A_754 = vector.broadcast %sub3A_753 : f32 to vector<16xf32>
      %sub3A_755 = arith.subf %sub3A_754, %mul3A_752 : vector<16xf32>
      %mul3A_756 = arith.mulf %mul3A_747, %sub3A_755 : vector<16xf32>
      %mul3A_757 = arith.constant 5.000000e-01 : f32
      %mul3A_758 = vector.broadcast %mul3A_757 : f32 to vector<16xf32>
      %mul3A_759 = arith.mulf %mul3A_758, %mul3A_730 : vector<16xf32>
      %mul3A_760 = arith.mulf %mul3A_759, %mul3A_756 : vector<16xf32>
      %mul3A_761 = arith.mulf %mul3A_760, %mul3A_756 : vector<16xf32>
      %sub3A_762 = arith.constant 1.500000e+00 : f32
      %sub3A_763 = vector.broadcast %sub3A_762 : f32 to vector<16xf32>
      %sub3A_764 = arith.subf %sub3A_763, %mul3A_761 : vector<16xf32>
      %mul3A_765 = arith.mulf %mul3A_756, %sub3A_764 : vector<16xf32>
      %mul3A_766 = arith.mulf %mul3A_730, %mul3A_765 : vector<16xf32>
      %mul3A_767 = arith.constant 2.000000e+00 : f32
      %mul3A_768 = vector.broadcast %mul3A_767 : f32 to vector<16xf32>
      %mul3A_769 = arith.mulf %mul3A_768, %mul3A_766 : vector<16xf32>
      %sub3A_770 = arith.subf %add3A_729, %mul3A_769 : vector<16xf32>
      %add3A_771 = arith.addf %select_n3A_720, %select_n3A_726 : vector<16xf32>
      %mul3A_772 = arith.mulf %select_n3A_720, %select_n3A_726 : vector<16xf32>
      %bitcast_convert_type3A_773 = tpu.bitcast %mul3A_772 : vector<16xf32> -> vector<16xi32>
      %shift_right_logical3A_774 = arith.constant 1 : i32
      %shift_right_logical3A_775 = vector.broadcast %shift_right_logical3A_774 : i32 to vector<16xi32>
      %shift_right_logical3A_776 = arith.shrui %bitcast_convert_type3A_773, %shift_right_logical3A_775 : vector<16xi32>
      %sub3A_777 = arith.constant 1597463007 : i32
      %sub3A_778 = vector.broadcast %sub3A_777 : i32 to vector<16xi32>
      %sub3A_779 = arith.subi %sub3A_778, %shift_right_logical3A_776 : vector<16xi32>
      %bitcast_convert_type3A_780 = tpu.bitcast %sub3A_779 : vector<16xi32> -> vector<16xf32>
      %mul3A_781 = arith.constant 5.000000e-01 : f32
      %mul3A_782 = vector.broadcast %mul3A_781 : f32 to vector<16xf32>
      %mul3A_783 = arith.mulf %mul3A_782, %mul3A_772 : vector<16xf32>
      %mul3A_784 = arith.mulf %mul3A_783, %bitcast_convert_type3A_780 : vector<16xf32>
      %mul3A_785 = arith.mulf %mul3A_784, %bitcast_convert_type3A_780 : vector<16xf32>
      %sub3A_786 = arith.constant 1.500000e+00 : f32
      %sub3A_787 = vector.broadcast %sub3A_786 : f32 to vector<16xf32>
      %sub3A_788 = arith.subf %sub3A_787, %mul3A_785 : vector<16xf32>
      %mul3A_789 = arith.mulf %bitcast_convert_type3A_780, %sub3A_788 : vector<16xf32>
      %mul3A_790 = arith.constant 5.000000e-01 : f32
      %mul3A_791 = vector.broadcast %mul3A_790 : f32 to vector<16xf32>
      %mul3A_792 = arith.mulf %mul3A_791, %mul3A_772 : vector<16xf32>
      %mul3A_793 = arith.mulf %mul3A_792, %mul3A_789 : vector<16xf32>
      %mul3A_794 = arith.mulf %mul3A_793, %mul3A_789 : vector<16xf32>
      %sub3A_795 = arith.constant 1.500000e+00 : f32
      %sub3A_796 = vector.broadcast %sub3A_795 : f32 to vector<16xf32>
      %sub3A_797 = arith.subf %sub3A_796, %mul3A_794 : vector<16xf32>
      %mul3A_798 = arith.mulf %mul3A_789, %sub3A_797 : vector<16xf32>
      %mul3A_799 = arith.constant 5.000000e-01 : f32
      %mul3A_800 = vector.broadcast %mul3A_799 : f32 to vector<16xf32>
      %mul3A_801 = arith.mulf %mul3A_800, %mul3A_772 : vector<16xf32>
      %mul3A_802 = arith.mulf %mul3A_801, %mul3A_798 : vector<16xf32>
      %mul3A_803 = arith.mulf %mul3A_802, %mul3A_798 : vector<16xf32>
      %sub3A_804 = arith.constant 1.500000e+00 : f32
      %sub3A_805 = vector.broadcast %sub3A_804 : f32 to vector<16xf32>
      %sub3A_806 = arith.subf %sub3A_805, %mul3A_803 : vector<16xf32>
      %mul3A_807 = arith.mulf %mul3A_798, %sub3A_806 : vector<16xf32>
      %mul3A_808 = arith.mulf %mul3A_772, %mul3A_807 : vector<16xf32>
      %mul3A_809 = arith.constant 2.000000e+00 : f32
      %mul3A_810 = vector.broadcast %mul3A_809 : f32 to vector<16xf32>
      %mul3A_811 = arith.mulf %mul3A_810, %mul3A_808 : vector<16xf32>
      %sub3A_812 = arith.subf %add3A_771, %mul3A_811 : vector<16xf32>
      %mul3A_813 = arith.mulf %sub3A_727, %sub3A_727 : vector<16xf32>
      %mul3A_814 = arith.mulf %sub3A_728, %sub3A_728 : vector<16xf32>
      %add3A_815 = arith.addf %mul3A_813, %mul3A_814 : vector<16xf32>
      %add3A_816 = arith.addf %add3A_815, %sub3A_770 : vector<16xf32>
      %add3A_817 = arith.addf %add3A_816, %sub3A_812 : vector<16xf32>
      %sub3A_818 = arith.subf %select_n3A_721, %max3A_716 : vector<16xf32>
      %mul3A_819 = arith.mulf %sub3A_818, %sub3A_818 : vector<16xf32>
      %mul3A_820 = arith.constant 5.000000e+00 : f32
      %mul3A_821 = vector.broadcast %mul3A_820 : f32 to vector<16xf32>
      %mul3A_822 = arith.mulf %mul3A_821, %add3A_817 : vector<16xf32>
      %mul3A_823 = arith.constant 2.000000e+00 : f32
      %mul3A_824 = vector.broadcast %mul3A_823 : f32 to vector<16xf32>
      %mul3A_825 = arith.mulf %mul3A_824, %mul3A_819 : vector<16xf32>
      %add3A_826 = arith.addf %mul3A_822, %mul3A_825 : vector<16xf32>
      %mul3A_827 = arith.mulf %select_n3A_722, %select_n3A_722 : vector<16xf32>
      %add3A_828 = arith.addf %add3A_826, %mul3A_827 : vector<16xf32>
      %mul3A_829 = arith.mulf %select_n3A_613, %add3A_828 : vector<16xf32>
      %add3A_830 = arith.addf %add3A_508, %mul3A_829 : vector<16xf32>
      %add3A_831 = arith.constant 480 : i32
      %add3A_832 = vector.broadcast %add3A_831 : i32 to vector<16xi32>
      %add3A_833 = arith.addi %sub3A_525, %add3A_832 : vector<16xi32>
      %ge3A_834 = arith.constant 1470 : i32
      %ge3A_835 = vector.broadcast %ge3A_834 : i32 to vector<16xi32>
      %ge3A_836 = arith.cmpi sge, %add3A_833, %ge3A_835 : vector<16xi32>
      %jit3A_837 = arith.constant 1 : i32
      %jit3A_838 = arith.constant 0 : i32
      %broadcast_in_dim3A_839 = vector.broadcast %jit3A_837 : i32 to vector<16xi32>
      %broadcast_in_dim3A_840 = vector.broadcast %jit3A_838 : i32 to vector<16xi32>
      %select_n3A_841 = arith.select %ge3A_836, %broadcast_in_dim3A_839, %broadcast_in_dim3A_840 : vector<16xi1>, vector<16xi32>
      %add3A_842 = arith.addi %add3A_519, %select_n3A_841 : vector<16xi32>
      %jit3A_843 = arith.constant 1470 : i32
      %jit3A_844 = arith.constant 0 : i32
      %broadcast_in_dim3A_845 = vector.broadcast %jit3A_843 : i32 to vector<16xi32>
      %broadcast_in_dim3A_846 = vector.broadcast %jit3A_844 : i32 to vector<16xi32>
      %select_n3A_847 = arith.select %ge3A_836, %broadcast_in_dim3A_845, %broadcast_in_dim3A_846 : vector<16xi1>, vector<16xi32>
      %sub3A_848 = arith.subi %add3A_833, %select_n3A_847 : vector<16xi32>
      scf.yield %add3A_830, %add3A_842, %sub3A_848 : vector<16xf32>, vector<16xi32>, vector<16xi32>
    }
    %scan3A_206 = arith.constant 13 : i32
    %swap3A = arith.constant 0 : index
    %swap3A_207 = tpu.vector_load %arg7[%swap3A] {strides = array<i32>} : memref<16xf32, #tpu.memory_space<vmem>>, vector<16xf32>,
    tpu.vector_store %arg7[%swap3A], %scan3A_205#0 {strides = array<i32>} : memref<16xf32, #tpu.memory_space<vmem>>, vector<16xf32>,
    %mul3A_208 = arith.constant 16 : i32
    %mul3A_209 = arith.muli %add3A, %mul3A_208 : i32
    "tpu.region"() ({
      %run_scoped3A = tpu.sem_alloc : memref<!tpu.dma_semaphore, #tpu.memory_space<semaphore_mem>>
      %dma_start3A_210 = tpu.memref_slice %arg4[%mul3A_209] : memref<512xf32, #tpu.memory_space<hbm>> -> memref<16xf32, #tpu.memory_space<hbm>>
      %dma_start3A_211 = tpu.memref_slice %arg4[%mul3A_209] : memref<512xf32, #tpu.memory_space<hbm>> -> memref<16xf32, #tpu.memory_space<hbm>>
      tpu.enqueue_dma source(%arg7 : memref<16xf32, #tpu.memory_space<vmem>>) target(%dma_start3A_211 : memref<16xf32, #tpu.memory_space<hbm>>) target_semaphore(%run_scoped3A : memref<!tpu.dma_semaphore, #tpu.memory_space<semaphore_mem>>)
      %dma_wait3A_212 = tpu.memref_slice %arg4[%mul3A_209] : memref<512xf32, #tpu.memory_space<hbm>> -> memref<16xf32, #tpu.memory_space<hbm>>
      %dma_wait3A_213 = tpu.memref_slice %arg4[%mul3A_209] : memref<512xf32, #tpu.memory_space<hbm>> -> memref<16xf32, #tpu.memory_space<hbm>>
      tpu.wait_dma2 semaphore(%run_scoped3A : memref<!tpu.dma_semaphore, #tpu.memory_space<semaphore_mem>>) src(%arg7 : memref<16xf32, #tpu.memory_space<vmem>>) dst(%dma_wait3A_213 : memref<16xf32, #tpu.memory_space<hbm>>)
      tpu.yield
    }) : () -> ()
    return
  }
}

module attributes {stable_mosaic.version = 14 : i64} {
  func.func @_tc_body(%arg0: i32, %arg1: memref<128x1470xf32, #tpu.memory_space<vmem>>, %arg2: memref<128x1470xf32, #tpu.memory_space<vmem>>, %arg3: memref<1x1xf32, #tpu.memory_space<smem>>) attributes {dimension_semantics = [#tpu.dimension_semantics<arbitrary>], iteration_bounds = array<i64: 8>, scalar_prefetch = 0 : i64, scratch_operands = 0 : i64, tpu.core_type = #tpu.core_type<tc>, window_params = [{transform_indices = @transform_0, window_bounds = array<i64: 128, 1470>}, {transform_indices = @transform_1, window_bounds = array<i64: 128, 1470>}, {transform_indices = @transform_2, window_bounds = array<i64: 1, 1>}]} {
    %iota3A = tpu.iota {dimensions = array<i32: 1>} : vector<1x1470xi32>
    %jit3A = arith.constant 30 : i32
    %div3A = vector.broadcast %jit3A : i32 to vector<1x1470xi32>
    %div3A_0 = arith.divsi %iota3A, %div3A : vector<1x1470xi32>
    %sign3A = arith.constant 0 : i32
    %sign3A_1 = vector.broadcast %sign3A : i32 to vector<1x1470xi32>
    %sign3A_2 = arith.cmpi sgt, %iota3A, %sign3A_1 : vector<1x1470xi32>
    %sign3A_3 = arith.extui %sign3A_2 : vector<1x1470xi1> to vector<1x1470xi32>
    %sign3A_4 = arith.constant 0 : i32
    %sign3A_5 = vector.broadcast %sign3A_4 : i32 to vector<1x1470xi32>
    %sign3A_6 = arith.cmpi slt, %iota3A, %sign3A_5 : vector<1x1470xi32>
    %sign3A_7 = arith.extui %sign3A_6 : vector<1x1470xi1> to vector<1x1470xi32>
    %sign3A_8 = arith.subi %sign3A_3, %sign3A_7 : vector<1x1470xi32>
    %sign3A_9 = arith.constant 0 : i32
    %sign3A_10 = arith.cmpi sgt, %jit3A, %sign3A_9 : i32
    %sign3A_11 = arith.extui %sign3A_10 : i1 to i32
    %sign3A_12 = arith.constant 0 : i32
    %sign3A_13 = arith.cmpi slt, %jit3A, %sign3A_12 : i32
    %sign3A_14 = arith.extui %sign3A_13 : i1 to i32
    %sign3A_15 = arith.subi %sign3A_11, %sign3A_14 : i32
    %ne3A = vector.broadcast %sign3A_15 : i32 to vector<1x1470xi32>
    %ne3A_16 = arith.cmpi ne, %sign3A_8, %ne3A : vector<1x1470xi32>
    %rem3A = vector.broadcast %jit3A : i32 to vector<1x1470xi32>
    %rem3A_17 = arith.remsi %iota3A, %rem3A : vector<1x1470xi32>
    %ne3A_18 = arith.constant 0 : i32
    %ne3A_19 = vector.broadcast %ne3A_18 : i32 to vector<1x1470xi32>
    %ne3A_20 = arith.cmpi ne, %rem3A_17, %ne3A_19 : vector<1x1470xi32>
    %and3A = arith.andi %ne3A_16, %ne3A_20 : vector<1x1470xi1>
    %sub3A = arith.constant 1 : i32
    %sub3A_21 = vector.broadcast %sub3A : i32 to vector<1x1470xi32>
    %sub3A_22 = arith.subi %div3A_0, %sub3A_21 : vector<1x1470xi32>
    %select_n3A = arith.select %and3A, %sub3A_22, %div3A_0 : vector<1x1470xi1>, vector<1x1470xi32>
    %mul3A = arith.constant 30 : i32
    %mul3A_23 = vector.broadcast %mul3A : i32 to vector<1x1470xi32>
    %mul3A_24 = arith.muli %select_n3A, %mul3A_23 : vector<1x1470xi32>
    %sub3A_25 = arith.subi %iota3A, %mul3A_24 : vector<1x1470xi32>
    %ge3A = arith.constant 10 : i32
    %ge3A_26 = vector.broadcast %ge3A : i32 to vector<1x1470xi32>
    %ge3A_27 = arith.cmpi sge, %sub3A_25, %ge3A_26 : vector<1x1470xi32>
    %jit3A_28 = arith.constant 1.000000e+00 : f32
    %jit3A_29 = arith.constant 0.000000e+00 : f32
    %broadcast_in_dim3A = vector.broadcast %jit3A_28 : f32 to vector<1x1470xf32>
    %broadcast_in_dim3A_30 = vector.broadcast %jit3A_29 : f32 to vector<1x1470xf32>
    %select_n3A_31 = arith.select %ge3A_27, %broadcast_in_dim3A, %broadcast_in_dim3A_30 : vector<1x1470xi1>, vector<1x1470xf32>
    %iota3A_32 = tpu.iota {dimensions = array<i32: 0>} : vector<1470x49xi32>
    %iota3A_33 = tpu.iota {dimensions = array<i32: 1>} : vector<1470x49xi32>
    %mul3A_34 = arith.constant 30 : i32
    %mul3A_35 = vector.broadcast %mul3A_34 : i32 to vector<1470x49xi32>
    %mul3A_36 = arith.muli %iota3A_33, %mul3A_35 : vector<1470x49xi32>
    %add3A = arith.constant 4 : i32
    %add3A_37 = vector.broadcast %add3A : i32 to vector<1470x49xi32>
    %add3A_38 = arith.addi %mul3A_36, %add3A_37 : vector<1470x49xi32>
    %eq3A = arith.cmpi eq, %iota3A_32, %add3A_38 : vector<1470x49xi32>
    %jit3A_39 = arith.constant 1.000000e+00 : f32
    %jit3A_40 = arith.constant 0.000000e+00 : f32
    %broadcast_in_dim3A_41 = vector.broadcast %jit3A_39 : f32 to vector<1470x49xf32>
    %broadcast_in_dim3A_42 = vector.broadcast %jit3A_40 : f32 to vector<1470x49xf32>
    %select_n3A_43 = arith.select %eq3A, %broadcast_in_dim3A_41, %broadcast_in_dim3A_42 : vector<1470x49xi1>, vector<1470x49xf32>
    %iota3A_44 = tpu.iota {dimensions = array<i32: 0>} : vector<49x1470xi32>
    %iota3A_45 = tpu.iota {dimensions = array<i32: 1>} : vector<49x1470xi32>
    %jit3A_46 = arith.constant 30 : i32
    %div3A_47 = vector.broadcast %jit3A_46 : i32 to vector<49x1470xi32>
    %div3A_48 = arith.divsi %iota3A_45, %div3A_47 : vector<49x1470xi32>
    %sign3A_49 = arith.constant 0 : i32
    %sign3A_50 = vector.broadcast %sign3A_49 : i32 to vector<49x1470xi32>
    %sign3A_51 = arith.cmpi sgt, %iota3A_45, %sign3A_50 : vector<49x1470xi32>
    %sign3A_52 = arith.extui %sign3A_51 : vector<49x1470xi1> to vector<49x1470xi32>
    %sign3A_53 = arith.constant 0 : i32
    %sign3A_54 = vector.broadcast %sign3A_53 : i32 to vector<49x1470xi32>
    %sign3A_55 = arith.cmpi slt, %iota3A_45, %sign3A_54 : vector<49x1470xi32>
    %sign3A_56 = arith.extui %sign3A_55 : vector<49x1470xi1> to vector<49x1470xi32>
    %sign3A_57 = arith.subi %sign3A_52, %sign3A_56 : vector<49x1470xi32>
    %sign3A_58 = arith.constant 0 : i32
    %sign3A_59 = arith.cmpi sgt, %jit3A_46, %sign3A_58 : i32
    %sign3A_60 = arith.extui %sign3A_59 : i1 to i32
    %sign3A_61 = arith.constant 0 : i32
    %sign3A_62 = arith.cmpi slt, %jit3A_46, %sign3A_61 : i32
    %sign3A_63 = arith.extui %sign3A_62 : i1 to i32
    %sign3A_64 = arith.subi %sign3A_60, %sign3A_63 : i32
    %ne3A_65 = vector.broadcast %sign3A_64 : i32 to vector<49x1470xi32>
    %ne3A_66 = arith.cmpi ne, %sign3A_57, %ne3A_65 : vector<49x1470xi32>
    %rem3A_67 = vector.broadcast %jit3A_46 : i32 to vector<49x1470xi32>
    %rem3A_68 = arith.remsi %iota3A_45, %rem3A_67 : vector<49x1470xi32>
    %ne3A_69 = arith.constant 0 : i32
    %ne3A_70 = vector.broadcast %ne3A_69 : i32 to vector<49x1470xi32>
    %ne3A_71 = arith.cmpi ne, %rem3A_68, %ne3A_70 : vector<49x1470xi32>
    %and3A_72 = arith.andi %ne3A_66, %ne3A_71 : vector<49x1470xi1>
    %sub3A_73 = arith.constant 1 : i32
    %sub3A_74 = vector.broadcast %sub3A_73 : i32 to vector<49x1470xi32>
    %sub3A_75 = arith.subi %div3A_48, %sub3A_74 : vector<49x1470xi32>
    %select_n3A_76 = arith.select %and3A_72, %sub3A_75, %div3A_48 : vector<49x1470xi1>, vector<49x1470xi32>
    %mul3A_77 = arith.constant 30 : i32
    %mul3A_78 = vector.broadcast %mul3A_77 : i32 to vector<49x1470xi32>
    %mul3A_79 = arith.muli %select_n3A_76, %mul3A_78 : vector<49x1470xi32>
    %sub3A_80 = arith.subi %iota3A_45, %mul3A_79 : vector<49x1470xi32>
    %jit3A_81 = arith.constant 30 : i32
    %div3A_82 = vector.broadcast %jit3A_81 : i32 to vector<49x1470xi32>
    %div3A_83 = arith.divsi %iota3A_45, %div3A_82 : vector<49x1470xi32>
    %sign3A_84 = arith.constant 0 : i32
    %sign3A_85 = vector.broadcast %sign3A_84 : i32 to vector<49x1470xi32>
    %sign3A_86 = arith.cmpi sgt, %iota3A_45, %sign3A_85 : vector<49x1470xi32>
    %sign3A_87 = arith.extui %sign3A_86 : vector<49x1470xi1> to vector<49x1470xi32>
    %sign3A_88 = arith.constant 0 : i32
    %sign3A_89 = vector.broadcast %sign3A_88 : i32 to vector<49x1470xi32>
    %sign3A_90 = arith.cmpi slt, %iota3A_45, %sign3A_89 : vector<49x1470xi32>
    %sign3A_91 = arith.extui %sign3A_90 : vector<49x1470xi1> to vector<49x1470xi32>
    %sign3A_92 = arith.subi %sign3A_87, %sign3A_91 : vector<49x1470xi32>
    %sign3A_93 = arith.constant 0 : i32
    %sign3A_94 = arith.cmpi sgt, %jit3A_81, %sign3A_93 : i32
    %sign3A_95 = arith.extui %sign3A_94 : i1 to i32
    %sign3A_96 = arith.constant 0 : i32
    %sign3A_97 = arith.cmpi slt, %jit3A_81, %sign3A_96 : i32
    %sign3A_98 = arith.extui %sign3A_97 : i1 to i32
    %sign3A_99 = arith.subi %sign3A_95, %sign3A_98 : i32
    %ne3A_100 = vector.broadcast %sign3A_99 : i32 to vector<49x1470xi32>
    %ne3A_101 = arith.cmpi ne, %sign3A_92, %ne3A_100 : vector<49x1470xi32>
    %rem3A_102 = vector.broadcast %jit3A_81 : i32 to vector<49x1470xi32>
    %rem3A_103 = arith.remsi %iota3A_45, %rem3A_102 : vector<49x1470xi32>
    %ne3A_104 = arith.constant 0 : i32
    %ne3A_105 = vector.broadcast %ne3A_104 : i32 to vector<49x1470xi32>
    %ne3A_106 = arith.cmpi ne, %rem3A_103, %ne3A_105 : vector<49x1470xi32>
    %and3A_107 = arith.andi %ne3A_101, %ne3A_106 : vector<49x1470xi1>
    %sub3A_108 = arith.constant 1 : i32
    %sub3A_109 = vector.broadcast %sub3A_108 : i32 to vector<49x1470xi32>
    %sub3A_110 = arith.subi %div3A_83, %sub3A_109 : vector<49x1470xi32>
    %select_n3A_111 = arith.select %and3A_107, %sub3A_110, %div3A_83 : vector<49x1470xi1>, vector<49x1470xi32>
    %eq3A_112 = arith.cmpi eq, %select_n3A_111, %iota3A_44 : vector<49x1470xi32>
    %ge3A_113 = arith.constant 10 : i32
    %ge3A_114 = vector.broadcast %ge3A_113 : i32 to vector<49x1470xi32>
    %ge3A_115 = arith.cmpi sge, %sub3A_80, %ge3A_114 : vector<49x1470xi32>
    %and3A_116 = arith.andi %eq3A_112, %ge3A_115 : vector<49x1470xi1>
    %jit3A_117 = arith.constant -1.000000e+00 : f32
    %jit3A_118 = arith.constant 0.000000e+00 : f32
    %broadcast_in_dim3A_119 = vector.broadcast %jit3A_117 : f32 to vector<49x1470xf32>
    %broadcast_in_dim3A_120 = vector.broadcast %jit3A_118 : f32 to vector<49x1470xf32>
    %select_n3A_121 = arith.select %and3A_116, %broadcast_in_dim3A_119, %broadcast_in_dim3A_120 : vector<49x1470xi1>, vector<49x1470xf32>
    %eq3A_122 = arith.constant 4 : i32
    %eq3A_123 = vector.broadcast %eq3A_122 : i32 to vector<49x1470xi32>
    %eq3A_124 = arith.cmpi eq, %sub3A_80, %eq3A_123 : vector<49x1470xi32>
    %eq3A_125 = arith.constant 9 : i32
    %eq3A_126 = vector.broadcast %eq3A_125 : i32 to vector<49x1470xi32>
    %eq3A_127 = arith.cmpi eq, %sub3A_80, %eq3A_126 : vector<49x1470xi32>
    %or3A = arith.ori %eq3A_124, %eq3A_127 : vector<49x1470xi1>
    %and3A_128 = arith.andi %eq3A_112, %or3A : vector<49x1470xi1>
    %jit3A_129 = arith.constant 5.000000e-01 : f32
    %jit3A_130 = arith.constant 0.000000e+00 : f32
    %broadcast_in_dim3A_131 = vector.broadcast %jit3A_129 : f32 to vector<49x1470xf32>
    %broadcast_in_dim3A_132 = vector.broadcast %jit3A_130 : f32 to vector<49x1470xf32>
    %select_n3A_133 = arith.select %and3A_128, %broadcast_in_dim3A_131, %broadcast_in_dim3A_132 : vector<49x1470xi1>, vector<49x1470xf32>
    %add3A_134 = arith.addf %select_n3A_121, %select_n3A_133 : vector<49x1470xf32>
    %get3A = arith.constant 0 : index
    %get3A_135 = arith.constant 0 : index
    %get3A_136 = vector.load %arg1[%get3A, %get3A_135] : memref<128x1470xf32, #tpu.memory_space<vmem>>, vector<128x1470xf32>
    %get3A_137 = arith.constant 0 : index
    %get3A_138 = arith.constant 0 : index
    %get3A_139 = vector.load %arg2[%get3A_137, %get3A_138] : memref<128x1470xf32, #tpu.memory_space<vmem>>, vector<128x1470xf32>
    %sub3A_140 = arith.subf %get3A_136, %get3A_139 : vector<128x1470xf32>
    %mul3A_141 = arith.mulf %sub3A_140, %sub3A_140 : vector<128x1470xf32>
    %dot_general3A = arith.constant dense<0.000000e+00> : vector<128x49xf32>
    %dot_general3A_142 = tpu.matmul %get3A_139, %select_n3A_43, %dot_general3A {dimension_numbers = #tpu.dot_dimension_numbers<[1], [0], [0], [1], [0, 0, 1, 1], [], []>, transpose_lhs_hint = false} : vector<128x1470xf32>, vector<1470x49xf32>, vector<128x49xf32> -> vector<128x49xf32>
    %eq3A_143 = arith.constant 0.000000e+00 : f32
    %eq3A_144 = vector.broadcast %eq3A_143 : f32 to vector<128x49xf32>
    %eq3A_145 = arith.cmpf oeq, %dot_general3A_142, %eq3A_144 : vector<128x49xf32>
    %jit3A_146 = arith.constant 1.000000e+00 : f32
    %jit3A_147 = arith.constant 0.000000e+00 : f32
    %broadcast_in_dim3A_148 = vector.broadcast %jit3A_146 : f32 to vector<128x49xf32>
    %broadcast_in_dim3A_149 = vector.broadcast %jit3A_147 : f32 to vector<128x49xf32>
    %select_n3A_150 = arith.select %eq3A_145, %broadcast_in_dim3A_148, %broadcast_in_dim3A_149 : vector<128x49xi1>, vector<128x49xf32>
    %dot_general3A_151 = arith.constant dense<0.000000e+00> : vector<128x1470xf32>
    %dot_general3A_152 = tpu.matmul %select_n3A_150, %add3A_134, %dot_general3A_151 {dimension_numbers = #tpu.dot_dimension_numbers<[1], [0], [0], [1], [0, 0, 1, 1], [], []>, transpose_lhs_hint = false} : vector<128x49xf32>, vector<49x1470xf32>, vector<128x1470xf32> -> vector<128x1470xf32>
    %add3A_153 = vector.broadcast %select_n3A_31 : vector<1x1470xf32> to vector<128x1470xf32>
    %add3A_154 = arith.addf %add3A_153, %dot_general3A_152 : vector<128x1470xf32>
    %mul3A_155 = arith.mulf %mul3A_141, %add3A_154 : vector<128x1470xf32>
    %reduce_sum3A = vector.shape_cast %mul3A_155 : vector<128x1470xf32> to vector<1x128x1470xf32>
    %reduce_sum3A_156 = arith.constant dense<0.000000e+00> : vector<1xf32>
    %reduce_sum3A_157 = vector.multi_reduction <add>, %reduce_sum3A, %reduce_sum3A_156 [1, 2] : vector<1x128x1470xf32> to vector<1xf32>
    %reduce_sum3A_158 = vector.shape_cast %reduce_sum3A_157 : vector<1xf32> to vector<1x1x1xf32>
    %reduce_sum3A_159 = vector.extract %reduce_sum3A_158[0, 0, 0] : f32 from vector<1x1x1xf32>
    %eq3A_160 = arith.constant 0 : i32
    %eq3A_161 = arith.cmpi eq, %arg0, %eq3A_160 : i32
    %convert_element_type3A = arith.extui %eq3A_161 : i1 to i32
    %cond3A = arith.constant 0 : i32
    %cond3A_162 = arith.cmpi ne, %convert_element_type3A, %cond3A : i32
    scf.if %cond3A_162 {
      %swap3A_169 = arith.constant 0.000000e+00 : f32
      %swap3A_170 = arith.constant 0 : index
      %swap3A_171 = arith.constant 0 : index
      %swap3A_172 = memref.load %arg3[%swap3A_170, %swap3A_171] : memref<1x1xf32, #tpu.memory_space<smem>>
      memref.store %swap3A_169, %arg3[%swap3A_170, %swap3A_171] : memref<1x1xf32, #tpu.memory_space<smem>>
    } else {
    }
    %get3A_163 = arith.constant 0 : index
    %get3A_164 = arith.constant 0 : index
    %get3A_165 = memref.load %arg3[%get3A_163, %get3A_164] : memref<1x1xf32, #tpu.memory_space<smem>>
    %add3A_166 = arith.addf %get3A_165, %reduce_sum3A_159 : f32
    %swap3A = arith.constant 0 : index
    %swap3A_167 = arith.constant 0 : index
    %swap3A_168 = memref.load %arg3[%swap3A, %swap3A_167] : memref<1x1xf32, #tpu.memory_space<smem>>
    memref.store %add3A_166, %arg3[%swap3A, %swap3A_167] : memref<1x1xf32, #tpu.memory_space<smem>>
    return
  }
  func.func @transform_0(%arg0: i32) -> (i32, i32) {
    %c0_i32 = arith.constant 0 : i32
    %c0_i32_0 = arith.constant 0 : i32
    return %arg0, %c0_i32 : i32, i32
  }
  func.func @transform_1(%arg0: i32) -> (i32, i32) {
    %c0_i32 = arith.constant 0 : i32
    %c0_i32_0 = arith.constant 0 : i32
    return %arg0, %c0_i32 : i32, i32
  }
  func.func @transform_2(%arg0: i32) -> (i32, i32) {
    %c0_i32 = arith.constant 0 : i32
    %c0_i32_0 = arith.constant 0 : i32
    %c0_i32_1 = arith.constant 0 : i32
    return %c0_i32, %c0_i32_0 : i32, i32
  }
}

</mosaic_0001>

<sc_bundles>
// kernel: kernel.4.cloned.1.call-start
scs
__scs_entry_jumppad:
0x0: {  	(pc) =	sbr.rel $0x88, $3  }
0x1: {  	(tag) =	ssettag $0x0;
	lr =	simm.s32 $0x1  }
0x2: {  	[smem:$0x3F9F] =	sst lr;
	_ =	strace $0xD0000000  }
0x3: {  	_ = 	snop  }
0x4: {  	_ = 	snop  }
0x5: {  	_ = 	snop  }
0x6: {  	_ = 	snop  }
0x7: {  	_ = 	snop  }
__scs_overlays_trampoline_lowered:
0x8: {  	[smem:$0x3FAE] =	sst s0  }
0x9: {  	[smem:$0x3FAF] =	sst s1  }
0xa: {  	[smem:$0x3FB0] =	sst s2  }
0xb: {  	[smem:$0x3FB1] =	sst s3  }
0xc: {  	[smem:$0x3FB2] =	sst s4  }
0xd: {  	[smem:$0x3FB3] =	sst s5  }
0xe: {  	[smem:$0x3FB4] =	sst s6  }
0xf: {  	[smem:$0x3FB5] =	sst s7  }
0x10: {  	[smem:$0x3FB6] =	sst s8  }
0x11: {  	[smem:$0x3FB7] =	sst s9;
	s0 =	simm.s32 @!p0 $0x0  }
0x12: {  	s1 =	sld [smem:$0x3F9D];
	s0 =	simm.s32 @p0 $0x1  }
0x13: {  	[smem:$0x3FB8] =	sst s0;
	s0 =	simm.s32 @!p1 $0x0  }
0x14: {  	s2 =	sld [smem:$0x3F9C];
	s0 =	simm.s32 @p1 $0x1  }
0x15: {  	[smem:$0x3FB9] =	sst s0;
	s0 =	simm.s32 @!p2 $0x0  }
0x16: {  	s3 =	sld [smem:$0x3FDB];
	s0 =	simm.s32 @p2 $0x1  }
0x17: {  	s4 =	simm.s32 $0x1BF5;
	[smem:$0x3FBB] =	sst s0  }
0x18: {  	s0 =	sld [smem:$0x3F9E];
	_ =	swait.ge [sflag:s4], $0x0  }
0x19: {  	s7 =	sld [smem:$0x3F9F]  }
0x1a: {  	s8 =	sadd.s32 $0xFFFFE003, lr  }
0x1b: {  	s9 =	sadd.s32 $0xFFFFFEF7, lr;
	s5 =	simm.s32 $0xFFFFFFFF;
	p2 =	slt.u32 s8, $0xFFFFF086  }
0x1c: {  	p1 =	slt.u32 s9, $0xF7A;
	s5 =	simm.s32 @!p2 $0x0  }
0x1d: {  	s5 =	simm.s32 @p1 $0x1;
	p0 =	seq.s32 s7, s2  }
0x1e: {  	s7 =	smul.u32 @!p0 $0xF7A, s2;
	p2 =	seq.s32 @!p0 s5, $0x0  }
0x1f: {  	s9 =	smul.u32 $0xF7A, s1;
	s8 =	simm.s32 @!p0 $0x1BF5;
	p2 =	por !p2, p0  }
0x20: {  	[sflag:s8] =	ssyncset.s32 @!p0 $0xFFFFF086;
	s6 =	sadd.s32 @!p0 s3, s7;
	s7 =	simm.s32 @!p0 $0x108  }
0x21: {  	s3 =	sadd.s32 s3, s9;
	s6 =	sadd.s32 @!p0 $0x88, s6;
	s7 =	simm.s32 @p2 $0x1082  }
0x22: {  	[simem:s7], [sflag:s8] =	dma.local @!p0 [hbm:s6], $0xF7A  }
0x23: {  	s9 =	sor.u32 $0xD0000000, s2;
	s6 =	simm.s32 $0x108;
	_ =	swait.ge @!p0 [sflag:s8], $0x0  }
0x24: {  	s3 =	sadd.s32 $0x88, s3;
	s6 =	simm.s32 @!p1 $0x1082;
	[sflag:s4] =	ssyncset.s32 $0xFFFFF086  }
0x25: {  	[simem:s6], [sflag:s4] =	dma.local [hbm:s3], $0xF7A  }
0x26: {  	[smem:$0x3F9F] =	sst s1;
	(tag) =	ssettag s2;
	_ =	strace s9  }
0x27: {  	s1 =	sld [smem:$0x3FAF]  }
0x28: {  	s2 =	sld [smem:$0x3FB0]  }
0x29: {  	s4 =	sld [smem:$0x3FB2]  }
0x2a: {  	p0 =	seq.s32 s5, $0x0;
	s5 =	sld [smem:$0x3FB3]  }
0x2b: {  	s6 =	sld [smem:$0x3FB4]  }
0x2c: {  	s7 =	sld [smem:$0x3FB5]  }
0x2d: {  	s3 =	simm.s32 $0x108;
	s8 =	sld [smem:$0x3FB6]  }
0x2e: {  	s3 =	simm.s32 @!p0 $0x1082;
	s9 =	sld [smem:$0x3FB7]  }
0x2f: {  	lr =	sadd.s32 s0, s3;
	s0 =	sld [smem:$0x3FAE]  }
0x30: {  	s3 =	sld [smem:$0x3FB1]  }
0x31: {  	[smem:$0x3FBA] =	sst s10  }
0x32: {  	s10 =	sld [smem:$0x3FB8];
	_ =	sdelay $0x3  }
0x33: {  	p0 =	seq.s32 s10, $0x1;
	s10 =	sld [smem:$0x3FBA];
	_ =	sdelay $0x3  }
0x34: {  	[smem:$0x3FBA] =	sst s10  }
0x35: {  	s10 =	sld [smem:$0x3FB9];
	_ =	sdelay $0x3  }
0x36: {  	p1 =	seq.s32 s10, $0x1;
	s10 =	sld [smem:$0x3FBA];
	_ =	sdelay $0x3  }
0x37: {  	[smem:$0x3FBA] =	sst s10  }
0x38: {  	s10 =	sld [smem:$0x3FBB]  }
0x39: {  	_ = 	snop;
	(pc) =	sbr.ind lr, $3  }
0x3a: {  	_ = 	snop  }
0x3b: {  	_ = 	snop  }
0x3c: {  	p2 =	seq.s32 s10, $0x1;
	s10 =	sld [smem:$0x3FBA]  }
0x3d: {  	_ =	shalt  }
0x3e: {  	_ =	shalt  }
0x3f: {  	_ =	shalt  }
0x40: {  	_ =	shalt  }
0x41: {  	_ =	shalt  }
0x42: {  	_ =	shalt  }
0x43: {  	_ =	shalt  }
0x44: {  	_ =	shalt  }
0x45: {  	_ =	shalt  }
0x46: {  	_ =	shalt  }
0x47: {  	_ =	shalt  }
0x48: {  	_ =	shalt  }
0x49: {  	_ =	shalt  }
0x4a: {  	_ =	shalt  }
0x4b: {  	_ =	shalt  }
0x4c: {  	_ =	shalt  }
0x4d: {  	_ =	shalt  }
0x4e: {  	_ =	shalt  }
0x4f: {  	_ =	shalt  }
0x50: {  	_ =	shalt  }
0x51: {  	_ =	shalt  }
0x52: {  	_ =	shalt  }
0x53: {  	_ =	shalt  }
0x54: {  	_ =	shalt  }
0x55: {  	_ =	shalt  }
0x56: {  	_ =	shalt  }
0x57: {  	_ =	shalt  }
0x58: {  	_ =	shalt  }
0x59: {  	_ =	shalt  }
0x5a: {  	_ =	shalt  }
0x5b: {  	_ =	shalt  }
0x5c: {  	_ =	shalt  }
0x5d: {  	_ =	shalt  }
0x5e: {  	_ =	shalt  }
0x5f: {  	_ =	shalt  }
0x60: {  	_ =	shalt  }
0x61: {  	_ =	shalt  }
0x62: {  	_ =	shalt  }
0x63: {  	_ =	shalt  }
0x64: {  	_ =	shalt  }
0x65: {  	_ =	shalt  }
0x66: {  	_ =	shalt  }
0x67: {  	_ =	shalt  }
0x68: {  	_ =	shalt  }
0x69: {  	_ =	shalt  }
0x6a: {  	_ =	shalt  }
0x6b: {  	_ =	shalt  }
0x6c: {  	_ =	shalt  }
0x6d: {  	_ =	shalt  }
0x6e: {  	_ =	shalt  }
0x6f: {  	_ =	shalt  }
0x70: {  	_ =	shalt  }
0x71: {  	_ =	shalt  }
0x72: {  	_ =	shalt  }
0x73: {  	_ =	shalt  }
0x74: {  	_ =	shalt  }
0x75: {  	_ =	shalt  }
0x76: {  	_ =	shalt  }
0x77: {  	_ =	shalt  }
0x78: {  	_ =	shalt  }
0x79: {  	_ =	shalt  }
0x7a: {  	_ =	shalt  }
0x7b: {  	_ =	shalt  }
0x7c: {  	_ =	shalt  }
0x7d: {  	_ =	shalt  }
0x7e: {  	_ =	shalt  }
0x7f: {  	_ =	shalt  }
0x80: {  	_ =	shalt  }
0x81: {  	_ =	shalt  }
0x82: {  	_ =	shalt  }
0x83: {  	_ =	shalt  }
0x84: {  	_ =	shalt  }
0x85: {  	_ =	shalt  }
0x86: {  	_ =	shalt  }
0x87: {  	_ =	shalt  }
.Lfunc_end0:
.L_simem_size_0:
called_computation_lowered:
.L_overlay_start_0:
0x88: {  	s2 =	sld [smem:$0x3FD9]  }
0x89: {  	s3 =	sld [smem:$0x3FFE];
	_ =	sdelay $0x1  }
0x8a: {  	s1 =	srdreg.scid  }
0x8b: {  	s0 =	sand.u32 $0x1, s1  }
0x8c: {  	s16 =	sshll.u32 s0, $0xA;
	s2 =	sadd.s32 s3, s2  }
0x8d: {  	s2 =	sadd.s32 s2, s16  }
0x8e: {  	[smem:$0x3FC6] =	sst s2  }
0x8f: {  	_ = 	snop  }
0x90: {  	(tm) =	ssettm $0x1  }
0x91: {  	s17 =	sld [smem:$0x3FFB];
	_ =	sdelay $0x3  }
0x92: {  	_ =	strace s17  }
0x93: {  	s2 =	sld [smem:$0x3FFC];
	_ =	sdelay $0x3  }
0x94: {  	_ =	strace s2  }
0x95: {  	s2 =	sld [smem:$0x3FFD];
	_ =	sdelay $0x3  }
0x96: {  	_ =	strace s2  }
0x97: {  	_ =	strace $0x8FFFFFFF  }
0x98: {  	s18 =	sld [smem:$0x3FDB];
	_ =	sdelay $0x1  }
0x99: {  	s19 =	simm.s32 $_scs_section_size  }
0x9a: {  	s4 =	simm.s32 $_size__tile_overlayer_lowered;
	s5 =	simm.s32 $_tile_overlayer_lowered  }
0x9b: {  	s22 =	simm.s32 $0x1BFF;
	s21 =	sshll.u32 s5, $0x1;
	s2 =	sadd.s32 s19, s18  }
0x9c: {  	s6 =	simm.s32 $0x0;
	s20 =	sshll.u32 s4, $0x1;
	s4 =	sadd.s32 s21, s2  }
0x9d: {  	[timem:s6], [sflag:s22] =	dma.local [hbm:s4], s20  }
0x9e: {  	_ =	swait.ge [sflag:s22], s20  }
0x9f: {  	s3 =	ssub.s32 $0x0, s20;
	[sflag:s22] =	ssyncset.done $0x0  }
0xa0: {  	[sflag:s22] =	ssyncadd.s32 s3;
	_ =	sdelay $0x1  }
0xa1: {  	s23 =	simm.s32 $0x1B8B  }
0xa2: {  	_ =	swait.ge [sflag:s23], $0x1  }
0xa3: {  	[sflag:s23] =	ssyncset.done $0x0  }
0xa4: {  	s25 =	simm.s32 $0x1B8E;
	s24 =	sld [smem:$0x3FFE];
	[sflag:s23] =	ssyncadd.s32 $0xFFFFFFFF  }
0xa5: {  	s26 =	simm.s32 $execute0_lowered;
	[smem:$0x3FD2] =	sst s25  }
0xa6: {  	s4 =	sshll.u32 s26, $0x1;
	_ =	strace $0x80000046;
	[dreg:$0x1] =	wrdreg $0xFFFFFFFF  }
0xa7: {  	s28 =	simm.s32 $_size_execute0_lowered;
	s2 =	sadd.s32 s2, s4;
	[dreg:$0x0] =	wrdreg $0x0  }
0xa8: {  	s4 =	sshll.u32 s28, $0x1;
	[dreg:$0x2] =	wrdreg s2  }
0xa9: {  	[dreg:$0x3] =	wrdreg s4  }
0xaa: {  	[dreg:$0x4] =	wrdreg $0xC0  }
0xab: {  	_ =	task [dreg:s6], $0x5FFFF  }
0xac: {  	[dreg:$0x1] =	wrdreg $0xFFFFFFFF  }
0xad: {  	[dreg:$0x0] =	wrdreg $0x60  }
0xae: {  	[dreg:$0x2] =	wrdreg s24  }
0xaf: {  	[dreg:$0x3] =	wrdreg $0x9  }
0xb0: {  	_ =	task.clear_ibuf [dreg:s6], $0x4FFFF;
	_ =	strace $0x90000046  }
0xb1: {  	s29 =	simm.s32 $0x9;
	_ =	strace $0x80000048  }
0xb2: {  	_ =	swait.ge [sflag:s29], $0x1  }
0xb3: {  	[sflag:s29] =	ssyncadd.s32 $0xFFFFFFFF  }
0xb4: {  	_ =	strace $0x90000048  }
0xb5: {  	_ =	sfence  }
0xb6: {  	s30 =	sld [smem:$0x0];
	_ =	sdelay $0x2  }
0xb7: {  	s31 =	sshll.u32 s1, $0xD;
	s1 =	sshrl.u32 s1, $0x2  }
0xb8: {  	s3 =	sand.u32 $0x4000, s31;
	s1 =	sadd.s32 s1, s30  }
0xb9: {  	s0 =	sor.u32 s3, s0;
	s1 =	sshll.u32 s1, $0x11  }
0xba: {  	s0 =	sor.u32 s1, s0  }
0xbb: {  	s0 =	sadd.s32 $0x8F2B, s0  }
0xbc: {  	[sflag:s0] =	ssyncadd.remote.s32 $0x1  }
0xbd: {  	_ =	sfence.sel $0xFFFF  }
0xbe: {  	[dreg:$0x0] =	wrdreg $0xFFFFFFFF;
	(pc) =	sbr.abs _section_cstart, $3  }
0xbf: {  	[dreg:$0x1] =	wrdreg $0xFFFFFFFF  }
0xc0: {  	_ =	task.clear_ibuf [dreg:s6], $0x2FFFF;
	_ =	strace $0x9FFFFFFF  }
0xc1: {  	(tm) =	ssettm $0x7FFFFFFF  }
tec
execute0_lowered:
.L_overlay_start_1:
0x0: {  	(tag) =	ssettag $0x1  }
0x1: {  	s0 =	rddreg [dreg:$0x0];
	s2 =	simm.s32 $0x0  }
0x2: {  	s3 =	srdreg.scid;
	s1 =	stileid.u32;
	s13 =	simm.s32 $0xC000  }
0x3: {  	s14 =	simm.s32 $0x3000;
	s15 =	simm.s32 $0xF000;
	s16 =	simm.s32 $0x6000  }
0x4: {  	s17 =	simm.s32 $0x12000;
	s18 =	simm.s32 $0x9000;
	s19 =	simm.s32 $0x15000  }
0x5: {  	s20 =	simm.s32 $0x1;
	s21 =	simm.s32 $0x2;
	s22 =	simm.s32 $0x3  }
0x6: {  	s23 =	simm.s32 $0x4;
	s24 =	simm.s32 $0x5;
	s28 =	simm.s32 $0x8  }
0x7: {  	s29 =	simm.s32 $0x18000;
	s30 =	simm.s32 $0x9;
	s31 =	simm.s32 $0x0  }
0x8: {  	[smem:$0x7FF] =	sst s2;
	s3 =	sand.u32 $0x1, s3;
	s4 =	sshll.u32 s1, $0x1  }
0x9: {  	s9 =	sadd.s32 $0xC00, s0;
	s10 =	sadd.s32 $0x30C00, s0;
	s4 =	sor.u32 s3, s4  }
0xa: {  	_ =	strace $0x80000047;
	s3 =	ssub.s32 $0x2, s3;
	s6 =	smul.u32 $0x1800, s4  }
0xb: {  	s5 =	sshll.u32 s4, $0x1;
	s25 =	sshrl.u32 s3, $0x1;
	s7 =	smul.u32 $0xC000, s4  }
0xc: {  	s0 =	sadd.s32 s5, s0;
	s12 =	ssub.s32 s3, s25;
	s25 =	simm.s32 $0x6  }
0xd: {  	s3 =	sadd.s32 s9, s6;
	s8 =	sor.u32 $0x600, s6;
	s4 =	sadd.s32 s10, s6  }
0xe: {  	s7 =	sshrl.u32 s7, $0x3;
	s12 =	smax.u32 s12, $0x1;
	s5 =	sadd.s32 s9, s8  }
0xf: {  	s6 =	sadd.s32 s10, s8;
	s26 =	sadd.s32 $0xC00, s7;
	s11 =	sadd.s32 $0x1200, s7  }
0x10: {  	v0 =	vlaneseq.u32;
	s7 =	sadd.s32 s9, s26;
	s8 =	sadd.s32 s10, s26;
	s9 =	sadd.s32 s9, s11  }
0x11: {  	v1 =	vimm.f32 $0.0e+00;
	v2 =	vimm.s32 $0x0;
	v0 =	vmul.u32 $0x1E, v0;
	s10 =	sadd.s32 s10, s11;
	s11 =	sadd.s32 $0x60C00, s0;
	s26 =	simm.s32 $0x7  }
.LBB2_1:
0x12: {  	[tilespmem:s2], [sflag:$0x1] =	stream.linear.gather [hbm4b:s3+s2], $0x3000, $0x38;
	[tilespmem:$0x18080] =	vst v63  }
0x13: {  	_ = 	snop  }
0x14: {  	[tilespmem:s13], [sflag:$0x2] =	stream.linear.gather [hbm4b:s4+s2], $0x3000, $0x38;
	[tilespmem:$0x18080] =	vst v63  }
0x15: {  	_ = 	snop  }
0x16: {  	[tilespmem:s14], [sflag:$0x3] =	stream.linear.gather [hbm4b:s5+s2], $0x3000, $0x38;
	[tilespmem:$0x18080] =	vst v63  }
0x17: {  	_ = 	snop  }
0x18: {  	[tilespmem:s15], [sflag:$0x4] =	stream.linear.gather [hbm4b:s6+s2], $0x3000, $0x38;
	[tilespmem:$0x18080] =	vst v63  }
0x19: {  	_ = 	snop  }
0x1a: {  	[tilespmem:s16], [sflag:$0x5] =	stream.linear.gather [hbm4b:s7+s2], $0x3000, $0x38;
	[tilespmem:$0x18080] =	vst v63  }
0x1b: {  	_ = 	snop  }
0x1c: {  	[tilespmem:s17], [sflag:$0x6] =	stream.linear.gather [hbm4b:s8+s2], $0x3000, $0x38;
	[tilespmem:$0x18080] =	vst v63  }
0x1d: {  	_ = 	snop  }
0x1e: {  	[tilespmem:s18], [sflag:$0x7] =	stream.linear.gather [hbm4b:s9+s2], $0x3000, $0x38;
	[tilespmem:$0x18080] =	vst v63  }
0x1f: {  	_ = 	snop  }
0x20: {  	[tilespmem:s19], [sflag:$0x8] =	stream.linear.gather [hbm4b:s10+s2], $0x3000, $0x38;
	[tilespmem:$0x18080] =	vst v63  }
0x21: {  	_ =	swait.ge [sflag:s20], $0x3000  }
0x22: {  	[sflag:s20] =	ssyncset.done $0x0  }
0x23: {  	[sflag:s20] =	ssyncadd.s32 $0xFFFFD000  }
0x24: {  	_ =	swait.ge [sflag:s21], $0x3000  }
0x25: {  	[sflag:s21] =	ssyncset.done $0x0  }
0x26: {  	s0 =	simm.s32 $0xC;
	v5 =	vimm.s32 $0x0;
	v3 =	vimm.f32 $0.0e+00;
	v4 =	vmov v0;
	[sflag:s21] =	ssyncadd.s32 $0xFFFFD000  }
.LBB2_2:
0x27: {  	v6 =	vshrl.u32 v5, $0x3  }
0x28: {  	v7 =	vand.u32 $0x7F, v4;
	v10 =	vadd.s32 $0x1, v4;
	v11 =	vadd.s32 $0x2, v4  }
0x29: {  	v12 =	vadd.s32 $0x3, v4;
	v8 =	vmul.u32 $0x3000, v6;
	v6 =	vshll.u32 v4, $0x3  }
0x2a: {  	v38 =	vshll.u32 v10, $0x3;
	v10 =	vand.u32 $0x7F, v10;
	v6 =	vand.u32 $0xFFFFFC00, v6  }
0x2b: {  	v39 =	vshll.u32 v11, $0x3;
	v9 =	vadd.s32 v8, v6;
	v6 =	vshll.u32 v5, $0x7  }
0x2c: {  	v6 =	vand.u32 $0x380, v6;
	v7 =	vor.u32 v7, v9;
	v9 =	vand.u32 $0xFFFFFC00, v38  }
0x2d: {  	v41 =	vshll.u32 v12, $0x3;
	v7 =	vor.u32 v6, v7;
	v9 =	vadd.s32 v8, v9  }
0x2e: {  	v11 =	vand.u32 $0x7F, v11;
	v40 =	vand.u32 $0xFFFFFC00, v39;
	v9 =	vor.u32 v10, v9  }
0x2f: {  	v10 =	vand.u32 $0xFFFFFC00, v41;
	v13 =	vor.u32 v6, v9;
	v9 =	vadd.s32 v8, v40  }
0x30: {  	v42 =	vand.u32 $0x7F, v12;
	v10 =	vadd.s32 v8, v10;
	v9 =	vor.u32 v11, v9  }
0x31: {  	v44 =	vadd.s32 $0x5, v4;
	v43 =	vor.u32 v42, v10;
	v14 =	vor.u32 v6, v9  }
0x32: {  	v45 =	vshll.u32 v44, $0x3;
	v15 =	vor.u32 v6, v43;
	v12 =	vld.idx.msk [tilespmem:v7+s2+$0x0], $0xffff  }
0x33: {  	v16 =	vadd.s32 $0x6, v4;
	v47 =	vadd.s32 $0x7, v4;
	v11 =	vand.u32 $0xFFFFFC00, v45;
	v10 =	vld.idx.msk [tilespmem:v7+s13+$0x0], $0xffff  }
0x34: {  	v50 =	vadd.s32 $0x8, v4;
	v17 =	vand.u32 $0x7F, v44;
	v11 =	vadd.s32 v8, v11;
	v9 =	vld.idx.msk [tilespmem:v13+s2+$0x0], $0xffff  }
0x35: {  	v18 =	vshll.u32 v16, $0x3;
	v16 =	vand.u32 $0x7F, v16;
	v7 =	vor.u32 v17, v11;
	v11 =	vld.idx.msk [tilespmem:v13+s13+$0x0], $0xffff  }
0x36: {  	v19 =	vshll.u32 v47, $0x3;
	v49 =	vand.u32 $0x7F, v47;
	v46 =	vand.u32 $0xFFFFFC00, v18;
	v29 =	vld.idx.msk [tilespmem:v14+s13+$0x0], $0xffff  }
0x37: {  	v51 =	vshll.u32 v50, $0x3;
	v48 =	vand.u32 $0xFFFFFC00, v19;
	v17 =	vadd.s32 v8, v46;
	v30 =	vld.idx.msk [tilespmem:v15+s13+$0x0], $0xffff  }
0x38: {  	v13 =	vor.u32 v6, v7;
	v7 =	vor.u32 v16, v17;
	v16 =	vadd.s32 v8, v48;
	v26 =	vld.idx.msk [tilespmem:v14+s2+$0x0], $0xffff  }
0x39: {  	v28 =	vld.idx.msk [tilespmem:v15+s2+$0x0], $0xffff;
	v15 =	vor.u32 v6, v7;
	v7 =	vor.u32 v49, v16;
	v14 =	vand.u32 $0xFFFFFC00, v51  }
0x3a: {  	v31 =	vor.u32 v6, v7;
	v7 =	vand.u32 $0x7F, v50;
	v52 =	vmul.f32 $7.142857460e-02, v10  }
0x3b: {  	v14 =	vadd.s32 v8, v14;
	v21 =	vmul.f32 $7.142857460e-02, v12;
	v54 =	vmul.f32 $7.142857460e-02, v11  }
0x3c: {  	v7 =	vor.u32 v7, v14;
	v53 =	vmul.f32 $5.000000000e-01, v29;
	v55 =	vmul.f32 $5.000000000e-01, v30  }
0x3d: {  	v22 =	vmul.f32 $7.142857460e-02, v9;
	v32 =	vor.u32 v6, v7;
	v24 =	vmul.f32 $5.000000000e-01, v26  }
0x3e: {  	v25 =	vmul.f32 $5.000000000e-01, v28;
	v20 =	vsub.f32 v52, v53;
	v23 =	vsub.f32 v54, v55  }
0x3f: {  	v7 =	vadd.f32 v53, v52;
	v14 =	vadd.f32 v55, v54  }
0x40: {  	v19 =	vld.idx.msk [tilespmem:v13+s2+$0x0], $0xffff;
	v56 =	vsub.f32 v21, v24;
	v57 =	vsub.f32 v22, v25  }
0x41: {  	v33 =	vld.idx.msk [tilespmem:v31+s2+$0x0], $0xffff;
	v21 =	vadd.f32 v24, v21;
	v22 =	vadd.f32 v25, v22  }
0x42: {  	v18 =	vld.idx.msk [tilespmem:v15+s2+$0x0], $0xffff;
	v16 =	vmax.f32 v56, v20  }
0x43: {  	v34 =	vld.idx.msk [tilespmem:v32+s2+$0x0], $0xffff;
	v17 =	vmax.f32 v57, v23;
	v21 =	vmin.f32 v21, v7;
	v22 =	vmin.f32 v22, v14  }
0x44: {  	v58 =	vmul.f32 v30, v29;
	v16 =	vsub.f32 v21, v16;
	v17 =	vsub.f32 v22, v17  }
0x45: {  	v59 =	vmul.f32 v28, v26;
	v61 =	vmul.f32 $7.142857460e-02, v19  }
0x46: {  	v63 =	vmul.f32 $5.000000000e-01, v33;
	v16 =	vmax.f32 v16, $0.0e+00;
	v17 =	vmax.f32 v17, $0.0e+00  }
0x47: {  	v60 =	vadd.f32 v58, v59;
	v16 =	vmul.f32 v17, v16  }
0x48: {  	v62 =	vmul.f32 $7.142857460e-02, v18;
	v27 =	vmul.f32 $5.000000000e-01, v34;
	v36 =	vsub.f32 v61, v63  }
0x49: {  	v22 =	vadd.f32 v63, v61;
	v17 =	vsub.f32 v60, v16  }
0x4a: {  	v35 =	vsub.f32 v62, v27;
	v24 =	vadd.f32 v27, v62  }
0x4b: {  	v7 =	vmin.f32 v22, v7;
	(erf) = vrcp.f32 v17  }
0x4c: {  	v17 =	vmax.f32 v36, v20;
	v37 =	vmax.f32 v35, v23;
	v14 =	vmin.f32 v24, v14  }
0x4d: {  	v7 =	vsub.f32 v7, v17;
	v14 =	vsub.f32 v14, v37  }
0x4e: {  	v38 =	vmul.f32 v34, v33  }
0x4f: {  	v39 =	vadd.s32 $0x1E0, v4;
	v7 =	vmax.f32 v7, $0.0e+00;
	v14 =	vmax.f32 v14, $0.0e+00  }
0x50: {  	vm0 =	vgt.s32 v39, $0x5BD;
	v40 =	vmul.f32 v14, v7;
	v7 =	vadd.f32 v58, v38  }
0x51: {  	v50 =	vsel vm0, $0x1, v2  }
0x52: {  	v5 =	vadd.s32 v50, v5;
	v21 =	vsub.f32 v7, v40;
	v7 =	vsel vm0, $0xFFFFFA42, v2  }
0x53: {  	v52 =	vshrl.u32 v5, $0x3;
	v56 =	vshll.u32 v5, $0x7;
	v7 =	vadd.s32 v39, v7  }
0x54: {  	v17 =	vmul.u32 $0x3000, v52;
	(erf) = vrcp.f32 v21;
	v53 =	vshll.u32 v7, $0x3  }
0x55: {  	v20 =	vand.u32 $0x7F, v7;
	v54 =	vadd.s32 $0x1, v7;
	v59 =	vadd.s32 $0x2, v7  }
0x56: {  	v42 =	vadd.s32 $0x3, v7;
	v46 =	vadd.s32 $0x5, v7;
	v39 =	vadd.s32 $0x7, v7;
	v51 =	vpop (erf)  }
0x57: {  	v57 =	vshll.u32 v54, $0x3;
	v14 =	vmul.f32 v51, v16;
	v16 =	vand.u32 $0xFFFFFC00, v53  }
0x58: {  	v21 =	vand.u32 $0x7F, v54;
	v58 =	vand.u32 $0xFFFFFC00, v57;
	v55 =	vadd.s32 v16, v17  }
0x59: {  	v16 =	vand.u32 $0x380, v56;
	v23 =	vadd.s32 v17, v58;
	v20 =	vor.u32 v20, v55  }
0x5a: {  	v62 =	vshll.u32 v59, $0x3;
	v61 =	vor.u32 v21, v23;
	v60 =	vor.u32 v16, v20  }
0x5b: {  	v43 =	vand.u32 $0x7F, v59;
	v44 =	vshll.u32 v42, $0x3;
	v63 =	vor.u32 v16, v61  }
0x5c: {  	v47 =	vshll.u32 v46, $0x3;
	v41 =	vand.u32 $0xFFFFFC00, v62;
	v45 =	vand.u32 $0xFFFFFC00, v44  }
0x5d: {  	v21 =	vand.u32 $0x7F, v42;
	v23 =	vadd.s32 v17, v45;
	v20 =	vadd.s32 v17, v41  }
0x5e: {  	v48 =	vand.u32 $0xFFFFFC00, v47;
	v44 =	vld.idx.msk [tilespmem:v32+s13+$0x0], $0xffff;
	v21 =	vor.u32 v21, v23;
	v20 =	vor.u32 v43, v20  }
0x5f: {  	v51 =	vadd.s32 $0x6, v7;
	v37 =	vor.u32 v16, v21;
	v36 =	vor.u32 v16, v20;
	v20 =	vld.idx.msk [tilespmem:v60+s2+$0x0], $0xffff  }
0x60: {  	v24 =	vand.u32 $0x7F, v46;
	v38 =	vadd.s32 v17, v48;
	v52 =	vshll.u32 v51, $0x3;
	v21 =	vld.idx.msk [tilespmem:v63+s2+$0x0], $0xffff  }
0x61: {  	v53 =	vand.u32 $0x7F, v51;
	v56 =	vadd.s32 $0x8, v7;
	v50 =	vor.u32 v24, v38;
	v22 =	vld.idx.msk [tilespmem:v60+s13+$0x0], $0xffff  }
0x62: {  	v38 =	vand.u32 $0xFFFFFC00, v52;
	v42 =	vshll.u32 v56, $0x3;
	v25 =	vor.u32 v16, v50;
	v49 =	vpop (erf);
	v24 =	vld.idx.msk [tilespmem:v63+s13+$0x0], $0xffff  }
0x63: {  	v54 =	vadd.s32 v17, v38;
	v23 =	vmul.f32 v49, v40;
	v40 =	vshll.u32 v39, $0x3;
	v60 =	vld.idx.msk [tilespmem:v31+s13+$0x0], $0xffff  }
0x64: {  	v58 =	vand.u32 $0xFFFFFC00, v42;
	v27 =	vor.u32 v53, v54;
	v55 =	vand.u32 $0xFFFFFC00, v40;
	v43 =	vld.idx.msk [tilespmem:v37+s13+$0x0], $0xffff  }
0x65: {  	v27 =	vor.u32 v16, v27;
	v39 =	vand.u32 $0x7F, v39;
	v37 =	vld.idx.msk [tilespmem:v37+s2+$0x0], $0xffff;
	v38 =	vadd.s32 v17, v55  }
0x66: {  	v59 =	vand.u32 $0x7F, v56;
	v41 =	vld.idx.msk [tilespmem:v36+s13+$0x0], $0xffff;
	v57 =	vor.u32 v39, v38;
	v38 =	vadd.s32 v17, v58  }
0x67: {  	v36 =	vld.idx.msk [tilespmem:v36+s2+$0x0], $0xffff;
	vm12 =	vgt.f32 v23, v14;
	v35 =	vor.u32 v16, v57;
	v38 =	vor.u32 v59, v38  }
0x68: {  	v31 =	vsel vm12, v33, v26;
	v26 =	vld.idx.msk [tilespmem:v25+s2+$0x0], $0xffff;
	v38 =	vor.u32 v16, v38;
	v61 =	vmul.f32 $7.142857460e-02, v22  }
0x69: {  	v32 =	vsel vm12, v34, v28;
	v63 =	vmul.f32 $7.142857460e-02, v24;
	v51 =	vmul.f32 $7.142857460e-02, v21  }
0x6a: {  	v28 =	vld.idx.msk [tilespmem:v27+s2+$0x0], $0xffff;
	v30 =	vsel vm12, v44, v30;
	v45 =	vmul.f32 $5.000000000e-01, v43;
	v52 =	vmul.f32 $5.000000000e-01, v37  }
0x6b: {  	v47 =	vmul.f32 $7.142857460e-02, v20;
	v29 =	vsel vm12, v60, v29;
	v62 =	vmul.f32 $5.000000000e-01, v41  }
0x6c: {  	v48 =	vmul.f32 $5.000000000e-01, v36;
	v50 =	vsub.f32 v63, v45;
	v55 =	vsub.f32 v51, v52;
	v49 =	vld.idx.msk [tilespmem:v35+s2+$0x0], $0xffff  }
0x6d: {  	v33 =	vadd.f32 v45, v63;
	v56 =	vadd.f32 v52, v51;
	v58 =	vmul.f32 $7.142857460e-02, v26;
	v39 =	vld.idx.msk [tilespmem:v38+s2+$0x0], $0xffff  }
0x6e: {  	v51 =	vmul.f32 v29, v31;
	v46 =	vsub.f32 v61, v62;
	v34 =	vadd.f32 v62, v61  }
0x6f: {  	v60 =	vmul.f32 $7.142857460e-02, v28;
	v54 =	vsub.f32 v47, v48;
	v47 =	vadd.f32 v48, v47  }
0x70: {  	v48 =	vmul.f32 v30, v32;
	v42 =	vmax.f32 v55, v50;
	v44 =	vmin.f32 v56, v33  }
0x71: {  	v40 =	vmax.f32 v54, v46;
	v57 =	vmin.f32 v47, v34;
	v59 =	vmul.f32 $5.000000000e-01, v49  }
0x72: {  	v42 =	vsub.f32 v44, v42;
	v40 =	vsub.f32 v57, v40;
	v62 =	vmul.f32 $5.000000000e-01, v39  }
0x73: {  	v53 =	vshrl.u32 v51, $0x1;
	v61 =	vsub.f32 v58, v59;
	v47 =	vadd.f32 v59, v58  }
0x74: {  	v56 =	vmul.f32 v43, v41;
	v63 =	vsub.f32 v60, v62;
	v44 =	vadd.f32 v62, v60  }
0x75: {  	v57 =	vmul.f32 v37, v36;
	v42 =	vmax.f32 v42, $0.0e+00;
	v45 =	vmax.f32 v61, v46  }
0x76: {  	v34 =	vmin.f32 v47, v34;
	v46 =	vmax.f32 v63, v50;
	v33 =	vmin.f32 v44, v33  }
0x77: {  	v40 =	vmax.f32 v40, $0.0e+00;
	v34 =	vsub.f32 v34, v45;
	v33 =	vsub.f32 v33, v46  }
0x78: {  	v40 =	vmul.f32 v42, v40;
	v58 =	vsub.s32 $0x5F3759DF, v53;
	v59 =	vmul.f32 v39, v49  }
0x79: {  	v44 =	vadd.f32 v56, v57;
	v34 =	vmax.f32 v34, $0.0e+00;
	v33 =	vmax.f32 v33, $0.0e+00  }
0x7a: {  	v60 =	vadd.f32 v56, v59;
	v46 =	vmul.f32 $5.000000000e-01, v51;
	v33 =	vmul.f32 v33, v34  }
0x7b: {  	v61 =	vshrl.u32 v48, $0x1;
	v47 =	vmul.f32 $5.000000000e-01, v48;
	v44 =	vsub.f32 v44, v40  }
0x7c: {  	v42 =	vsub.s32 $0x5F3759DF, v61;
	v62 =	vmul.f32 v58, v46;
	v34 =	vsub.f32 v60, v33  }
0x7d: {  	v63 =	vmul.f32 v42, v47;
	(erf) = vrcp.f32 v44  }
0x7e: {  	v13 =	vld.idx.msk [tilespmem:v13+s13+$0x0], $0xffff;
	v54 =	vmul.f32 v58, v62;
	(erf) = vrcp.f32 v34  }
0x7f: {  	v55 =	vmul.f32 v42, v63  }
0x80: {  	v15 =	vld.idx.msk [tilespmem:v15+s13+$0x0], $0xffff;
	v44 =	vsub.f32 $1.500000000e+00, v54  }
0x81: {  	v34 =	vsub.f32 $1.500000000e+00, v55  }
0x82: {  	v44 =	vmul.f32 v58, v44  }
0x83: {  	v12 =	vsel vm12, v19, v12;
	v10 =	vsel vm12, v13, v10;
	v34 =	vmul.f32 v42, v34  }
0x84: {  	v10 =	vsub.f32 v12, v10;
	v59 =	vmul.f32 v44, v46  }
0x85: {  	v9 =	vsel vm12, v18, v9;
	v11 =	vsel vm12, v15, v11;
	v60 =	vmul.f32 v34, v47  }
0x86: {  	v9 =	vsub.f32 v9, v11;
	v10 =	vmul.f32 v10, v10;
	v35 =	vld.idx.msk [tilespmem:v35+s13+$0x0], $0xffff;
	v61 =	vpop (erf);
	v45 =	vmul.f32 v59, v44  }
0x87: {  	v38 =	vld.idx.msk [tilespmem:v38+s13+$0x0], $0xffff;
	v56 =	vadd.s32 $0x4, v4;
	v4 =	vadd.s32 $0x9, v4;
	v52 =	vmul.f32 v60, v34;
	v63 =	vpop (erf)  }
0x88: {  	v40 =	vmul.f32 v61, v40;
	v45 =	vsub.f32 $1.500000000e+00, v45;
	v33 =	vmul.f32 v63, v33  }
0x89: {  	v57 =	vshll.u32 v56, $0x3;
	v50 =	vand.u32 $0x7F, v56;
	v52 =	vsub.f32 $1.500000000e+00, v52  }
0x8a: {  	v62 =	vshll.u32 v4, $0x3;
	v53 =	vmul.f32 v45, v44;
	vm1 =	vgt.f32 v33, v40  }
0x8b: {  	v34 =	vmul.f32 v52, v34;
	v36 =	vsel vm1, v49, v36;
	v35 =	vsel vm1, v35, v41  }
0x8c: {  	v37 =	vsel vm1, v39, v37;
	v38 =	vsel vm1, v38, v43;
	v39 =	vmul.f32 v35, v36  }
0x8d: {  	v58 =	vand.u32 $0xFFFFFC00, v57;
	v54 =	vmul.f32 v53, v46;
	v41 =	vmul.f32 v38, v37  }
0x8e: {  	v55 =	vmul.f32 v34, v47;
	v56 =	vshrl.u32 v39, $0x1;
	v45 =	vmul.f32 $5.000000000e-01, v39  }
0x8f: {  	v57 =	vshrl.u32 v41, $0x1;
	v47 =	vmul.f32 $5.000000000e-01, v41;
	v44 =	vsub.s32 $0x5F3759DF, v56  }
0x90: {  	v42 =	vadd.s32 v8, v58;
	v46 =	vsub.s32 $0x5F3759DF, v57;
	v58 =	vmul.f32 v44, v45  }
0x91: {  	v4 =	vand.u32 $0x7F, v4;
	v19 =	vmul.f32 v54, v53;
	v60 =	vmul.f32 v46, v47  }
0x92: {  	v42 =	vor.u32 v50, v42;
	v50 =	vand.u32 $0xFFFFFC00, v62;
	v62 =	vmul.f32 v44, v58  }
0x93: {  	v8 =	vadd.s32 v8, v50;
	v61 =	vsub.f32 $1.500000000e+00, v19;
	v49 =	vmul.f32 v46, v60  }
0x94: {  	v18 =	vor.u32 v6, v42;
	v4 =	vor.u32 v4, v8;
	v50 =	vsub.f32 $1.500000000e+00, v62  }
0x95: {  	v25 =	vld.idx.msk [tilespmem:v25+s13+$0x0], $0xffff;
	v59 =	vmul.f32 v55, v34;
	v8 =	vmul.f32 v61, v53;
	v53 =	vsub.f32 $1.500000000e+00, v49  }
0x96: {  	v4 =	vor.u32 v6, v4;
	v6 =	vmul.f32 v9, v9;
	v12 =	vmul.f32 v44, v50  }
0x97: {  	v63 =	vsub.f32 $1.500000000e+00, v59;
	v13 =	vmul.f32 v46, v53  }
0x98: {  	v6 =	vadd.f32 v6, v10;
	v54 =	vadd.f32 v29, v31;
	v56 =	vmul.f32 v12, v45  }
0x99: {  	v55 =	vadd.f32 v30, v32;
	v52 =	vmul.f32 v63, v34;
	v57 =	vmul.f32 v13, v47  }
0x9a: {  	v8 =	vmul.f32 v8, v51;
	v51 =	vsel vm1, v25, v22;
	v58 =	vmul.f32 v56, v12  }
0x9b: {  	v11 =	vmul.f32 v52, v48;
	v60 =	vadd.s32 $0x4, v7;
	v59 =	vmul.f32 v57, v13  }
0x9c: {  	v48 =	vsel vm1, v26, v20;
	v8 =	vadd.f32 v8, v8;
	v9 =	vsub.f32 $1.500000000e+00, v58  }
0x9d: {  	v61 =	vand.u32 $0x7F, v60;
	v10 =	vshll.u32 v60, $0x3;
	v15 =	vsub.f32 $1.500000000e+00, v59  }
0x9e: {  	v10 =	vand.u32 $0xFFFFFC00, v10;
	v62 =	vadd.s32 $0x9, v7;
	v9 =	vmul.f32 v9, v12  }
0x9f: {  	v10 =	vadd.s32 v17, v10;
	v31 =	vshll.u32 v62, $0x3;
	v13 =	vmul.f32 v15, v13  }
0xa0: {  	v34 =	vand.u32 $0x7F, v62;
	v15 =	vand.u32 $0xFFFFFC00, v31;
	v32 =	vmul.f32 v9, v45  }
0xa1: {  	v10 =	vor.u32 v61, v10;
	v15 =	vadd.s32 v17, v15;
	v42 =	vmul.f32 v13, v47  }
0xa2: {  	v43 =	vld.idx.msk [tilespmem:v27+s13+$0x0], $0xffff;
	v10 =	vor.u32 v16, v10;
	v15 =	vor.u32 v34, v15;
	v19 =	vmul.f32 v32, v9  }
0xa3: {  	v4 =	vld.idx.msk [tilespmem:v4+s2+$0x0], $0xffff;
	v52 =	vsub.f32 v48, v51;
	v44 =	vor.u32 v16, v15;
	v45 =	vmul.f32 v42, v13  }
0xa4: {  	v14 =	vmax.f32 v14, v23;
	v63 =	vld.idx.msk [tilespmem:v18+s2+$0x0], $0xffff;
	v11 =	vadd.f32 v11, v11;
	v46 =	vsub.f32 $1.500000000e+00, v19  }
0xa5: {  	v49 =	vsel vm1, v28, v21;
	v8 =	vsub.f32 v54, v8;
	v15 =	vsub.f32 $1.500000000e+00, v45  }
0xa6: {  	v54 =	vadd.f32 v38, v37;
	v11 =	vsub.f32 v55, v11;
	v9 =	vmul.f32 v46, v9  }
0xa7: {  	v6 =	vadd.f32 v8, v6;
	v50 =	vld.idx.msk [tilespmem:v10+s2+$0x0], $0xffff;
	v17 =	vsel vm1, v43, v24;
	v13 =	vmul.f32 v15, v13  }
0xa8: {  	v53 =	vadd.f32 v35, v36;
	v17 =	vsub.f32 v49, v17;
	v8 =	vld.idx.msk [tilespmem:v44+s2+$0x0], $0xffff;
	v9 =	vmul.f32 v9, v39  }
0xa9: {  	v6 =	vadd.f32 v6, v11;
	v47 =	vsel vm12, v4, v63;
	v13 =	vmul.f32 v13, v41  }
0xaa: {  	v17 =	vmul.f32 v17, v17;
	v15 =	vmul.f32 v52, v52;
	v9 =	vadd.f32 v9, v9  }
0xab: {  	v11 =	vsub.f32 v47, v14;
	v13 =	vadd.f32 v13, v13  }
0xac: {  	v55 =	vadd.f32 v17, v15;
	v9 =	vsub.f32 v53, v9  }
0xad: {  	v56 =	vmax.f32 v40, v33;
	v57 =	vsel vm1, v8, v50;
	v13 =	vsub.f32 v54, v13  }
0xae: {  	v18 =	vld.idx.msk [tilespmem:v18+s13+$0x0], $0xffff;
	v11 =	vmul.f32 v11, v11;
	v58 =	vsub.f32 v57, v56;
	v9 =	vadd.f32 v9, v55  }
0xaf: {  	v6 =	vmul.f32 $5.000000000e+00, v6;
	v4 =	vsel vm12, v63, v4  }
0xb0: {  	v11 =	vadd.f32 v11, v11;
	v59 =	vmul.f32 v58, v58;
	v9 =	vadd.f32 v9, v13  }
0xb1: {  	v10 =	vld.idx.msk [tilespmem:v10+s13+$0x0], $0xffff;
	v4 =	vmul.f32 v4, v4  }
0xb2: {  	v6 =	vadd.f32 v6, v11;
	v60 =	vadd.f32 v59, v59;
	v9 =	vmul.f32 $5.000000000e+00, v9  }
0xb3: {  	vm13 =	vgt.f32 v18, $0.0e+00;
	v8 =	vsel vm1, v50, v8  }
0xb4: {  	v4 =	vadd.f32 v6, v4;
	v8 =	vmul.f32 v8, v8;
	v6 =	vadd.f32 v9, v60  }
0xb5: {  	p0 =	sne.s32 s0, $0x1;
	v61 =	vsel vm13, $0x3F800000, v1  }
.Ltmp0:
0xb6: {  	vm14 =	vgt.f32 v10, $0.0e+00;
	v4 =	vmul.f32 v4, v61;
	v6 =	vadd.f32 v6, v8;
	(pc) =	sbr.rel @p0 .LBB2_2-.Ltmp0, $4  }
0xb7: {  	v7 =	vadd.s32 $0x1E0, v7;
	v62 =	vsel vm14, $0x3F800000, v1  }
0xb8: {  	vm15 =	vgt.s32 v7, $0x5BD;
	v3 =	vadd.f32 v4, v3;
	v4 =	vmul.f32 v6, v62  }
0xb9: {  	v63 =	vsel vm15, $0xFFFFFA42, v2;
	v6 =	vsel vm15, $0x1, v2  }
0xba: {  	s0 =	sadd.s32 $0xFFFFFFFF, s0;
	v5 =	vadd.s32 v6, v5;
	v3 =	vadd.f32 v4, v3;
	v4 =	vadd.s32 v7, v63  }
0xbb: {  	_ =	swait.ge [sflag:s22], $0x3000  }
0xbc: {  	[sflag:s22] =	ssyncset.done $0x0  }
0xbd: {  	[sflag:s22] =	ssyncadd.s32 $0xFFFFD000  }
0xbe: {  	_ =	swait.ge [sflag:s23], $0x3000  }
0xbf: {  	[sflag:s23] =	ssyncset.done $0x0  }
0xc0: {  	s0 =	simm.s32 $0xC;
	[sflag:s23] =	ssyncadd.s32 $0xFFFFD000  }
.LBB2_4:
0xc1: {  	v6 =	vshrl.u32 v5, $0x3  }
0xc2: {  	v7 =	vand.u32 $0x7F, v4;
	v10 =	vadd.s32 $0x1, v4;
	v11 =	vadd.s32 $0x2, v4  }
0xc3: {  	v12 =	vadd.s32 $0x3, v4;
	v8 =	vmul.u32 $0x3000, v6;
	v6 =	vshll.u32 v4, $0x3  }
0xc4: {  	v38 =	vshll.u32 v10, $0x3;
	v10 =	vand.u32 $0x7F, v10;
	v6 =	vand.u32 $0xFFFFFC00, v6  }
0xc5: {  	v39 =	vshll.u32 v11, $0x3;
	v9 =	vadd.s32 v8, v6;
	v6 =	vshll.u32 v5, $0x7  }
0xc6: {  	v6 =	vand.u32 $0x380, v6;
	v7 =	vor.u32 v7, v9;
	v9 =	vand.u32 $0xFFFFFC00, v38  }
0xc7: {  	v41 =	vshll.u32 v12, $0x3;
	v7 =	vor.u32 v6, v7;
	v9 =	vadd.s32 v8, v9  }
0xc8: {  	v11 =	vand.u32 $0x7F, v11;
	v40 =	vand.u32 $0xFFFFFC00, v39;
	v9 =	vor.u32 v10, v9  }
0xc9: {  	v10 =	vand.u32 $0xFFFFFC00, v41;
	v13 =	vor.u32 v6, v9;
	v9 =	vadd.s32 v8, v40  }
0xca: {  	v42 =	vand.u32 $0x7F, v12;
	v10 =	vadd.s32 v8, v10;
	v9 =	vor.u32 v11, v9  }
0xcb: {  	v44 =	vadd.s32 $0x5, v4;
	v43 =	vor.u32 v42, v10;
	v14 =	vor.u32 v6, v9  }
0xcc: {  	v45 =	vshll.u32 v44, $0x3;
	v15 =	vor.u32 v6, v43;
	v12 =	vld.idx.msk [tilespmem:v7+s2+$0x0], $0xffff  }
0xcd: {  	v16 =	vadd.s32 $0x6, v4;
	v47 =	vadd.s32 $0x7, v4;
	v11 =	vand.u32 $0xFFFFFC00, v45;
	v10 =	vld.idx.msk [tilespmem:v7+s13+$0x0], $0xffff  }
0xce: {  	v50 =	vadd.s32 $0x8, v4;
	v17 =	vand.u32 $0x7F, v44;
	v11 =	vadd.s32 v8, v11;
	v9 =	vld.idx.msk [tilespmem:v13+s2+$0x0], $0xffff  }
0xcf: {  	v18 =	vshll.u32 v16, $0x3;
	v16 =	vand.u32 $0x7F, v16;
	v7 =	vor.u32 v17, v11;
	v11 =	vld.idx.msk [tilespmem:v13+s13+$0x0], $0xffff  }
0xd0: {  	v19 =	vshll.u32 v47, $0x3;
	v49 =	vand.u32 $0x7F, v47;
	v46 =	vand.u32 $0xFFFFFC00, v18;
	v29 =	vld.idx.msk [tilespmem:v14+s13+$0x0], $0xffff  }
0xd1: {  	v51 =	vshll.u32 v50, $0x3;
	v48 =	vand.u32 $0xFFFFFC00, v19;
	v17 =	vadd.s32 v8, v46;
	v30 =	vld.idx.msk [tilespmem:v15+s13+$0x0], $0xffff  }
0xd2: {  	v13 =	vor.u32 v6, v7;
	v7 =	vor.u32 v16, v17;
	v16 =	vadd.s32 v8, v48;
	v26 =	vld.idx.msk [tilespmem:v14+s2+$0x0], $0xffff  }
0xd3: {  	v28 =	vld.idx.msk [tilespmem:v15+s2+$0x0], $0xffff;
	v15 =	vor.u32 v6, v7;
	v7 =	vor.u32 v49, v16;
	v14 =	vand.u32 $0xFFFFFC00, v51  }
0xd4: {  	v31 =	vor.u32 v6, v7;
	v7 =	vand.u32 $0x7F, v50;
	v52 =	vmul.f32 $7.142857460e-02, v10  }
0xd5: {  	v14 =	vadd.s32 v8, v14;
	v21 =	vmul.f32 $7.142857460e-02, v12;
	v54 =	vmul.f32 $7.142857460e-02, v11  }
0xd6: {  	v7 =	vor.u32 v7, v14;
	v53 =	vmul.f32 $5.000000000e-01, v29;
	v55 =	vmul.f32 $5.000000000e-01, v30  }
0xd7: {  	v22 =	vmul.f32 $7.142857460e-02, v9;
	v32 =	vor.u32 v6, v7;
	v24 =	vmul.f32 $5.000000000e-01, v26  }
0xd8: {  	v25 =	vmul.f32 $5.000000000e-01, v28;
	v20 =	vsub.f32 v52, v53;
	v23 =	vsub.f32 v54, v55  }
0xd9: {  	v7 =	vadd.f32 v53, v52;
	v14 =	vadd.f32 v55, v54  }
0xda: {  	v19 =	vld.idx.msk [tilespmem:v13+s2+$0x0], $0xffff;
	v56 =	vsub.f32 v21, v24;
	v57 =	vsub.f32 v22, v25  }
0xdb: {  	v33 =	vld.idx.msk [tilespmem:v31+s2+$0x0], $0xffff;
	v21 =	vadd.f32 v24, v21;
	v22 =	vadd.f32 v25, v22  }
0xdc: {  	v18 =	vld.idx.msk [tilespmem:v15+s2+$0x0], $0xffff;
	v16 =	vmax.f32 v56, v20  }
0xdd: {  	v34 =	vld.idx.msk [tilespmem:v32+s2+$0x0], $0xffff;
	v17 =	vmax.f32 v57, v23;
	v21 =	vmin.f32 v21, v7;
	v22 =	vmin.f32 v22, v14  }
0xde: {  	v58 =	vmul.f32 v30, v29;
	v16 =	vsub.f32 v21, v16;
	v17 =	vsub.f32 v22, v17  }
0xdf: {  	v59 =	vmul.f32 v28, v26;
	v61 =	vmul.f32 $7.142857460e-02, v19  }
0xe0: {  	v63 =	vmul.f32 $5.000000000e-01, v33;
	v16 =	vmax.f32 v16, $0.0e+00;
	v17 =	vmax.f32 v17, $0.0e+00  }
0xe1: {  	v60 =	vadd.f32 v58, v59;
	v16 =	vmul.f32 v17, v16  }
0xe2: {  	v62 =	vmul.f32 $7.142857460e-02, v18;
	v27 =	vmul.f32 $5.000000000e-01, v34;
	v36 =	vsub.f32 v61, v63  }
0xe3: {  	v22 =	vadd.f32 v63, v61;
	v17 =	vsub.f32 v60, v16  }
0xe4: {  	v35 =	vsub.f32 v62, v27;
	v24 =	vadd.f32 v27, v62  }
0xe5: {  	v7 =	vmin.f32 v22, v7;
	(erf) = vrcp.f32 v17  }
0xe6: {  	v17 =	vmax.f32 v36, v20;
	v37 =	vmax.f32 v35, v23;
	v14 =	vmin.f32 v24, v14  }
0xe7: {  	v7 =	vsub.f32 v7, v17;
	v14 =	vsub.f32 v14, v37  }
0xe8: {  	v38 =	vmul.f32 v34, v33  }
0xe9: {  	v39 =	vadd.s32 $0x1E0, v4;
	v7 =	vmax.f32 v7, $0.0e+00;
	v14 =	vmax.f32 v14, $0.0e+00  }
0xea: {  	vm0 =	vgt.s32 v39, $0x5BD;
	v40 =	vmul.f32 v14, v7;
	v7 =	vadd.f32 v58, v38  }
0xeb: {  	v50 =	vsel vm0, $0x1, v2  }
0xec: {  	v5 =	vadd.s32 v50, v5;
	v21 =	vsub.f32 v7, v40;
	v7 =	vsel vm0, $0xFFFFFA42, v2  }
0xed: {  	v52 =	vshrl.u32 v5, $0x3;
	v56 =	vshll.u32 v5, $0x7;
	v7 =	vadd.s32 v39, v7  }
0xee: {  	v17 =	vmul.u32 $0x3000, v52;
	(erf) = vrcp.f32 v21;
	v53 =	vshll.u32 v7, $0x3  }
0xef: {  	v20 =	vand.u32 $0x7F, v7;
	v54 =	vadd.s32 $0x1, v7;
	v59 =	vadd.s32 $0x2, v7  }
0xf0: {  	v42 =	vadd.s32 $0x3, v7;
	v46 =	vadd.s32 $0x5, v7;
	v39 =	vadd.s32 $0x7, v7;
	v51 =	vpop (erf)  }
0xf1: {  	v57 =	vshll.u32 v54, $0x3;
	v14 =	vmul.f32 v51, v16;
	v16 =	vand.u32 $0xFFFFFC00, v53  }
0xf2: {  	v21 =	vand.u32 $0x7F, v54;
	v58 =	vand.u32 $0xFFFFFC00, v57;
	v55 =	vadd.s32 v16, v17  }
0xf3: {  	v16 =	vand.u32 $0x380, v56;
	v23 =	vadd.s32 v17, v58;
	v20 =	vor.u32 v20, v55  }
0xf4: {  	v62 =	vshll.u32 v59, $0x3;
	v61 =	vor.u32 v21, v23;
	v60 =	vor.u32 v16, v20  }
0xf5: {  	v43 =	vand.u32 $0x7F, v59;
	v44 =	vshll.u32 v42, $0x3;
	v63 =	vor.u32 v16, v61  }
0xf6: {  	v47 =	vshll.u32 v46, $0x3;
	v41 =	vand.u32 $0xFFFFFC00, v62;
	v45 =	vand.u32 $0xFFFFFC00, v44  }
0xf7: {  	v21 =	vand.u32 $0x7F, v42;
	v23 =	vadd.s32 v17, v45;
	v20 =	vadd.s32 v17, v41  }
0xf8: {  	v48 =	vand.u32 $0xFFFFFC00, v47;
	v44 =	vld.idx.msk [tilespmem:v32+s13+$0x0], $0xffff;
	v21 =	vor.u32 v21, v23;
	v20 =	vor.u32 v43, v20  }
0xf9: {  	v51 =	vadd.s32 $0x6, v7;
	v37 =	vor.u32 v16, v21;
	v36 =	vor.u32 v16, v20;
	v20 =	vld.idx.msk [tilespmem:v60+s2+$0x0], $0xffff  }
0xfa: {  	v24 =	vand.u32 $0x7F, v46;
	v38 =	vadd.s32 v17, v48;
	v52 =	vshll.u32 v51, $0x3;
	v21 =	vld.idx.msk [tilespmem:v63+s2+$0x0], $0xffff  }
0xfb: {  	v53 =	vand.u32 $0x7F, v51;
	v56 =	vadd.s32 $0x8, v7;
	v50 =	vor.u32 v24, v38;
	v22 =	vld.idx.msk [tilespmem:v60+s13+$0x0], $0xffff  }
0xfc: {  	v38 =	vand.u32 $0xFFFFFC00, v52;
	v42 =	vshll.u32 v56, $0x3;
	v25 =	vor.u32 v16, v50;
	v49 =	vpop (erf);
	v24 =	vld.idx.msk [tilespmem:v63+s13+$0x0], $0xffff  }
0xfd: {  	v54 =	vadd.s32 v17, v38;
	v23 =	vmul.f32 v49, v40;
	v40 =	vshll.u32 v39, $0x3;
	v60 =	vld.idx.msk [tilespmem:v31+s13+$0x0], $0xffff  }
0xfe: {  	v58 =	vand.u32 $0xFFFFFC00, v42;
	v27 =	vor.u32 v53, v54;
	v55 =	vand.u32 $0xFFFFFC00, v40;
	v43 =	vld.idx.msk [tilespmem:v37+s13+$0x0], $0xffff  }
0xff: {  	v27 =	vor.u32 v16, v27;
	v39 =	vand.u32 $0x7F, v39;
	v37 =	vld.idx.msk [tilespmem:v37+s2+$0x0], $0xffff;
	v38 =	vadd.s32 v17, v55  }
0x100: {  	v59 =	vand.u32 $0x7F, v56;
	v41 =	vld.idx.msk [tilespmem:v36+s13+$0x0], $0xffff;
	v57 =	vor.u32 v39, v38;
	v38 =	vadd.s32 v17, v58  }
0x101: {  	v36 =	vld.idx.msk [tilespmem:v36+s2+$0x0], $0xffff;
	vm12 =	vgt.f32 v23, v14;
	v35 =	vor.u32 v16, v57;
	v38 =	vor.u32 v59, v38  }
0x102: {  	v31 =	vsel vm12, v33, v26;
	v26 =	vld.idx.msk [tilespmem:v25+s2+$0x0], $0xffff;
	v38 =	vor.u32 v16, v38;
	v61 =	vmul.f32 $7.142857460e-02, v22  }
0x103: {  	v32 =	vsel vm12, v34, v28;
	v63 =	vmul.f32 $7.142857460e-02, v24;
	v51 =	vmul.f32 $7.142857460e-02, v21  }
0x104: {  	v28 =	vld.idx.msk [tilespmem:v27+s2+$0x0], $0xffff;
	v30 =	vsel vm12, v44, v30;
	v45 =	vmul.f32 $5.000000000e-01, v43;
	v52 =	vmul.f32 $5.000000000e-01, v37  }
0x105: {  	v47 =	vmul.f32 $7.142857460e-02, v20;
	v29 =	vsel vm12, v60, v29;
	v62 =	vmul.f32 $5.000000000e-01, v41  }
0x106: {  	v48 =	vmul.f32 $5.000000000e-01, v36;
	v50 =	vsub.f32 v63, v45;
	v55 =	vsub.f32 v51, v52;
	v49 =	vld.idx.msk [tilespmem:v35+s2+$0x0], $0xffff  }
0x107: {  	v33 =	vadd.f32 v45, v63;
	v56 =	vadd.f32 v52, v51;
	v58 =	vmul.f32 $7.142857460e-02, v26;
	v39 =	vld.idx.msk [tilespmem:v38+s2+$0x0], $0xffff  }
0x108: {  	v51 =	vmul.f32 v29, v31;
	v46 =	vsub.f32 v61, v62;
	v34 =	vadd.f32 v62, v61  }
0x109: {  	v60 =	vmul.f32 $7.142857460e-02, v28;
	v54 =	vsub.f32 v47, v48;
	v47 =	vadd.f32 v48, v47  }
0x10a: {  	v48 =	vmul.f32 v30, v32;
	v42 =	vmax.f32 v55, v50;
	v44 =	vmin.f32 v56, v33  }
0x10b: {  	v40 =	vmax.f32 v54, v46;
	v57 =	vmin.f32 v47, v34;
	v59 =	vmul.f32 $5.000000000e-01, v49  }
0x10c: {  	v42 =	vsub.f32 v44, v42;
	v40 =	vsub.f32 v57, v40;
	v62 =	vmul.f32 $5.000000000e-01, v39  }
0x10d: {  	v53 =	vshrl.u32 v51, $0x1;
	v61 =	vsub.f32 v58, v59;
	v47 =	vadd.f32 v59, v58  }
0x10e: {  	v56 =	vmul.f32 v43, v41;
	v63 =	vsub.f32 v60, v62;
	v44 =	vadd.f32 v62, v60  }
0x10f: {  	v57 =	vmul.f32 v37, v36;
	v42 =	vmax.f32 v42, $0.0e+00;
	v45 =	vmax.f32 v61, v46  }
0x110: {  	v34 =	vmin.f32 v47, v34;
	v46 =	vmax.f32 v63, v50;
	v33 =	vmin.f32 v44, v33  }
0x111: {  	v40 =	vmax.f32 v40, $0.0e+00;
	v34 =	vsub.f32 v34, v45;
	v33 =	vsub.f32 v33, v46  }
0x112: {  	v40 =	vmul.f32 v42, v40;
	v58 =	vsub.s32 $0x5F3759DF, v53;
	v59 =	vmul.f32 v39, v49  }
0x113: {  	v44 =	vadd.f32 v56, v57;
	v34 =	vmax.f32 v34, $0.0e+00;
	v33 =	vmax.f32 v33, $0.0e+00  }
0x114: {  	v60 =	vadd.f32 v56, v59;
	v46 =	vmul.f32 $5.000000000e-01, v51;
	v33 =	vmul.f32 v33, v34  }
0x115: {  	v61 =	vshrl.u32 v48, $0x1;
	v47 =	vmul.f32 $5.000000000e-01, v48;
	v44 =	vsub.f32 v44, v40  }
0x116: {  	v42 =	vsub.s32 $0x5F3759DF, v61;
	v62 =	vmul.f32 v58, v46;
	v34 =	vsub.f32 v60, v33  }
0x117: {  	v63 =	vmul.f32 v42, v47;
	(erf) = vrcp.f32 v44  }
0x118: {  	v13 =	vld.idx.msk [tilespmem:v13+s13+$0x0], $0xffff;
	v54 =	vmul.f32 v58, v62;
	(erf) = vrcp.f32 v34  }
0x119: {  	v55 =	vmul.f32 v42, v63  }
0x11a: {  	v15 =	vld.idx.msk [tilespmem:v15+s13+$0x0], $0xffff;
	v44 =	vsub.f32 $1.500000000e+00, v54  }
0x11b: {  	v34 =	vsub.f32 $1.500000000e+00, v55  }
0x11c: {  	v44 =	vmul.f32 v58, v44  }
0x11d: {  	v12 =	vsel vm12, v19, v12;
	v10 =	vsel vm12, v13, v10;
	v34 =	vmul.f32 v42, v34  }
0x11e: {  	v10 =	vsub.f32 v12, v10;
	v59 =	vmul.f32 v44, v46  }
0x11f: {  	v9 =	vsel vm12, v18, v9;
	v11 =	vsel vm12, v15, v11;
	v60 =	vmul.f32 v34, v47  }
0x120: {  	v9 =	vsub.f32 v9, v11;
	v10 =	vmul.f32 v10, v10;
	v35 =	vld.idx.msk [tilespmem:v35+s13+$0x0], $0xffff;
	v61 =	vpop (erf);
	v45 =	vmul.f32 v59, v44  }
0x121: {  	v38 =	vld.idx.msk [tilespmem:v38+s13+$0x0], $0xffff;
	v56 =	vadd.s32 $0x4, v4;
	v4 =	vadd.s32 $0x9, v4;
	v52 =	vmul.f32 v60, v34;
	v63 =	vpop (erf)  }
0x122: {  	v40 =	vmul.f32 v61, v40;
	v45 =	vsub.f32 $1.500000000e+00, v45;
	v33 =	vmul.f32 v63, v33  }
0x123: {  	v57 =	vshll.u32 v56, $0x3;
	v50 =	vand.u32 $0x7F, v56;
	v52 =	vsub.f32 $1.500000000e+00, v52  }
0x124: {  	v62 =	vshll.u32 v4, $0x3;
	v53 =	vmul.f32 v45, v44;
	vm1 =	vgt.f32 v33, v40  }
0x125: {  	v34 =	vmul.f32 v52, v34;
	v36 =	vsel vm1, v49, v36;
	v35 =	vsel vm1, v35, v41  }
0x126: {  	v37 =	vsel vm1, v39, v37;
	v38 =	vsel vm1, v38, v43;
	v39 =	vmul.f32 v35, v36  }
0x127: {  	v58 =	vand.u32 $0xFFFFFC00, v57;
	v54 =	vmul.f32 v53, v46;
	v41 =	vmul.f32 v38, v37  }
0x128: {  	v55 =	vmul.f32 v34, v47;
	v56 =	vshrl.u32 v39, $0x1;
	v45 =	vmul.f32 $5.000000000e-01, v39  }
0x129: {  	v57 =	vshrl.u32 v41, $0x1;
	v47 =	vmul.f32 $5.000000000e-01, v41;
	v44 =	vsub.s32 $0x5F3759DF, v56  }
0x12a: {  	v42 =	vadd.s32 v8, v58;
	v46 =	vsub.s32 $0x5F3759DF, v57;
	v58 =	vmul.f32 v44, v45  }
0x12b: {  	v4 =	vand.u32 $0x7F, v4;
	v19 =	vmul.f32 v54, v53;
	v60 =	vmul.f32 v46, v47  }
0x12c: {  	v42 =	vor.u32 v50, v42;
	v50 =	vand.u32 $0xFFFFFC00, v62;
	v62 =	vmul.f32 v44, v58  }
0x12d: {  	v8 =	vadd.s32 v8, v50;
	v61 =	vsub.f32 $1.500000000e+00, v19;
	v49 =	vmul.f32 v46, v60  }
0x12e: {  	v18 =	vor.u32 v6, v42;
	v4 =	vor.u32 v4, v8;
	v50 =	vsub.f32 $1.500000000e+00, v62  }
0x12f: {  	v25 =	vld.idx.msk [tilespmem:v25+s13+$0x0], $0xffff;
	v59 =	vmul.f32 v55, v34;
	v8 =	vmul.f32 v61, v53;
	v53 =	vsub.f32 $1.500000000e+00, v49  }
0x130: {  	v4 =	vor.u32 v6, v4;
	v6 =	vmul.f32 v9, v9;
	v12 =	vmul.f32 v44, v50  }
0x131: {  	v63 =	vsub.f32 $1.500000000e+00, v59;
	v13 =	vmul.f32 v46, v53  }
0x132: {  	v6 =	vadd.f32 v6, v10;
	v54 =	vadd.f32 v29, v31;
	v56 =	vmul.f32 v12, v45  }
0x133: {  	v55 =	vadd.f32 v30, v32;
	v52 =	vmul.f32 v63, v34;
	v57 =	vmul.f32 v13, v47  }
0x134: {  	v8 =	vmul.f32 v8, v51;
	v51 =	vsel vm1, v25, v22;
	v58 =	vmul.f32 v56, v12  }
0x135: {  	v11 =	vmul.f32 v52, v48;
	v60 =	vadd.s32 $0x4, v7;
	v59 =	vmul.f32 v57, v13  }
0x136: {  	v48 =	vsel vm1, v26, v20;
	v8 =	vadd.f32 v8, v8;
	v9 =	vsub.f32 $1.500000000e+00, v58  }
0x137: {  	v61 =	vand.u32 $0x7F, v60;
	v10 =	vshll.u32 v60, $0x3;
	v15 =	vsub.f32 $1.500000000e+00, v59  }
0x138: {  	v10 =	vand.u32 $0xFFFFFC00, v10;
	v62 =	vadd.s32 $0x9, v7;
	v9 =	vmul.f32 v9, v12  }
0x139: {  	v10 =	vadd.s32 v17, v10;
	v31 =	vshll.u32 v62, $0x3;
	v13 =	vmul.f32 v15, v13  }
0x13a: {  	v34 =	vand.u32 $0x7F, v62;
	v15 =	vand.u32 $0xFFFFFC00, v31;
	v32 =	vmul.f32 v9, v45  }
0x13b: {  	v10 =	vor.u32 v61, v10;
	v15 =	vadd.s32 v17, v15;
	v42 =	vmul.f32 v13, v47  }
0x13c: {  	v43 =	vld.idx.msk [tilespmem:v27+s13+$0x0], $0xffff;
	v10 =	vor.u32 v16, v10;
	v15 =	vor.u32 v34, v15;
	v19 =	vmul.f32 v32, v9  }
0x13d: {  	v4 =	vld.idx.msk [tilespmem:v4+s2+$0x0], $0xffff;
	v52 =	vsub.f32 v48, v51;
	v44 =	vor.u32 v16, v15;
	v45 =	vmul.f32 v42, v13  }
0x13e: {  	v14 =	vmax.f32 v14, v23;
	v63 =	vld.idx.msk [tilespmem:v18+s2+$0x0], $0xffff;
	v11 =	vadd.f32 v11, v11;
	v46 =	vsub.f32 $1.500000000e+00, v19  }
0x13f: {  	v49 =	vsel vm1, v28, v21;
	v8 =	vsub.f32 v54, v8;
	v15 =	vsub.f32 $1.500000000e+00, v45  }
0x140: {  	v54 =	vadd.f32 v38, v37;
	v11 =	vsub.f32 v55, v11;
	v9 =	vmul.f32 v46, v9  }
0x141: {  	v6 =	vadd.f32 v8, v6;
	v50 =	vld.idx.msk [tilespmem:v10+s2+$0x0], $0xffff;
	v17 =	vsel vm1, v43, v24;
	v13 =	vmul.f32 v15, v13  }
0x142: {  	v53 =	vadd.f32 v35, v36;
	v17 =	vsub.f32 v49, v17;
	v8 =	vld.idx.msk [tilespmem:v44+s2+$0x0], $0xffff;
	v9 =	vmul.f32 v9, v39  }
0x143: {  	v6 =	vadd.f32 v6, v11;
	v47 =	vsel vm12, v4, v63;
	v13 =	vmul.f32 v13, v41  }
0x144: {  	v17 =	vmul.f32 v17, v17;
	v15 =	vmul.f32 v52, v52;
	v9 =	vadd.f32 v9, v9  }
0x145: {  	v11 =	vsub.f32 v47, v14;
	v13 =	vadd.f32 v13, v13  }
0x146: {  	v55 =	vadd.f32 v17, v15;
	v9 =	vsub.f32 v53, v9  }
0x147: {  	v56 =	vmax.f32 v40, v33;
	v57 =	vsel vm1, v8, v50;
	v13 =	vsub.f32 v54, v13  }
0x148: {  	v18 =	vld.idx.msk [tilespmem:v18+s13+$0x0], $0xffff;
	v11 =	vmul.f32 v11, v11;
	v58 =	vsub.f32 v57, v56;
	v9 =	vadd.f32 v9, v55  }
0x149: {  	v6 =	vmul.f32 $5.000000000e+00, v6;
	v4 =	vsel vm12, v63, v4  }
0x14a: {  	v11 =	vadd.f32 v11, v11;
	v59 =	vmul.f32 v58, v58;
	v9 =	vadd.f32 v9, v13  }
0x14b: {  	v10 =	vld.idx.msk [tilespmem:v10+s13+$0x0], $0xffff;
	v4 =	vmul.f32 v4, v4  }
0x14c: {  	v6 =	vadd.f32 v6, v11;
	v60 =	vadd.f32 v59, v59;
	v9 =	vmul.f32 $5.000000000e+00, v9  }
0x14d: {  	vm13 =	vgt.f32 v18, $0.0e+00;
	v8 =	vsel vm1, v50, v8  }
0x14e: {  	v4 =	vadd.f32 v6, v4;
	v8 =	vmul.f32 v8, v8;
	v6 =	vadd.f32 v9, v60  }
0x14f: {  	p0 =	sne.s32 s0, $0x1;
	v61 =	vsel vm13, $0x3F800000, v1  }
.Ltmp1:
0x150: {  	vm14 =	vgt.f32 v10, $0.0e+00;
	v4 =	vmul.f32 v4, v61;
	v6 =	vadd.f32 v6, v8;
	(pc) =	sbr.rel @p0 .LBB2_4-.Ltmp1, $4  }
0x151: {  	v7 =	vadd.s32 $0x1E0, v7;
	v62 =	vsel vm14, $0x3F800000, v1  }
0x152: {  	vm15 =	vgt.s32 v7, $0x5BD;
	v3 =	vadd.f32 v4, v3;
	v4 =	vmul.f32 v6, v62  }
0x153: {  	v63 =	vsel vm15, $0xFFFFFA42, v2;
	v6 =	vsel vm15, $0x1, v2  }
0x154: {  	s0 =	sadd.s32 $0xFFFFFFFF, s0;
	v5 =	vadd.s32 v6, v5;
	v3 =	vadd.f32 v4, v3;
	v4 =	vadd.s32 v7, v63  }
0x155: {  	_ =	swait.ge [sflag:s24], $0x3000  }
0x156: {  	[sflag:s24] =	ssyncset.done $0x0  }
0x157: {  	[sflag:s24] =	ssyncadd.s32 $0xFFFFD000  }
0x158: {  	_ =	swait.ge [sflag:s25], $0x3000  }
0x159: {  	[sflag:s25] =	ssyncset.done $0x0  }
0x15a: {  	s0 =	simm.s32 $0xC;
	[sflag:s25] =	ssyncadd.s32 $0xFFFFD000  }
.LBB2_6:
0x15b: {  	v6 =	vshrl.u32 v5, $0x3  }
0x15c: {  	v7 =	vand.u32 $0x7F, v4;
	v10 =	vadd.s32 $0x1, v4;
	v11 =	vadd.s32 $0x2, v4  }
0x15d: {  	v12 =	vadd.s32 $0x3, v4;
	v8 =	vmul.u32 $0x3000, v6;
	v6 =	vshll.u32 v4, $0x3  }
0x15e: {  	v38 =	vshll.u32 v10, $0x3;
	v10 =	vand.u32 $0x7F, v10;
	v6 =	vand.u32 $0xFFFFFC00, v6  }
0x15f: {  	v39 =	vshll.u32 v11, $0x3;
	v9 =	vadd.s32 v8, v6;
	v6 =	vshll.u32 v5, $0x7  }
0x160: {  	v6 =	vand.u32 $0x380, v6;
	v7 =	vor.u32 v7, v9;
	v9 =	vand.u32 $0xFFFFFC00, v38  }
0x161: {  	v41 =	vshll.u32 v12, $0x3;
	v7 =	vor.u32 v6, v7;
	v9 =	vadd.s32 v8, v9  }
0x162: {  	v11 =	vand.u32 $0x7F, v11;
	v40 =	vand.u32 $0xFFFFFC00, v39;
	v9 =	vor.u32 v10, v9  }
0x163: {  	v10 =	vand.u32 $0xFFFFFC00, v41;
	v13 =	vor.u32 v6, v9;
	v9 =	vadd.s32 v8, v40  }
0x164: {  	v42 =	vand.u32 $0x7F, v12;
	v10 =	vadd.s32 v8, v10;
	v9 =	vor.u32 v11, v9  }
0x165: {  	v44 =	vadd.s32 $0x5, v4;
	v43 =	vor.u32 v42, v10;
	v14 =	vor.u32 v6, v9  }
0x166: {  	v45 =	vshll.u32 v44, $0x3;
	v15 =	vor.u32 v6, v43;
	v12 =	vld.idx.msk [tilespmem:v7+s2+$0x0], $0xffff  }
0x167: {  	v16 =	vadd.s32 $0x6, v4;
	v47 =	vadd.s32 $0x7, v4;
	v11 =	vand.u32 $0xFFFFFC00, v45;
	v10 =	vld.idx.msk [tilespmem:v7+s13+$0x0], $0xffff  }
0x168: {  	v50 =	vadd.s32 $0x8, v4;
	v17 =	vand.u32 $0x7F, v44;
	v11 =	vadd.s32 v8, v11;
	v9 =	vld.idx.msk [tilespmem:v13+s2+$0x0], $0xffff  }
0x169: {  	v18 =	vshll.u32 v16, $0x3;
	v16 =	vand.u32 $0x7F, v16;
	v7 =	vor.u32 v17, v11;
	v11 =	vld.idx.msk [tilespmem:v13+s13+$0x0], $0xffff  }
0x16a: {  	v19 =	vshll.u32 v47, $0x3;
	v49 =	vand.u32 $0x7F, v47;
	v46 =	vand.u32 $0xFFFFFC00, v18;
	v29 =	vld.idx.msk [tilespmem:v14+s13+$0x0], $0xffff  }
0x16b: {  	v51 =	vshll.u32 v50, $0x3;
	v48 =	vand.u32 $0xFFFFFC00, v19;
	v17 =	vadd.s32 v8, v46;
	v30 =	vld.idx.msk [tilespmem:v15+s13+$0x0], $0xffff  }
0x16c: {  	v13 =	vor.u32 v6, v7;
	v7 =	vor.u32 v16, v17;
	v16 =	vadd.s32 v8, v48;
	v26 =	vld.idx.msk [tilespmem:v14+s2+$0x0], $0xffff  }
0x16d: {  	v28 =	vld.idx.msk [tilespmem:v15+s2+$0x0], $0xffff;
	v15 =	vor.u32 v6, v7;
	v7 =	vor.u32 v49, v16;
	v14 =	vand.u32 $0xFFFFFC00, v51  }
0x16e: {  	v31 =	vor.u32 v6, v7;
	v7 =	vand.u32 $0x7F, v50;
	v52 =	vmul.f32 $7.142857460e-02, v10  }
0x16f: {  	v14 =	vadd.s32 v8, v14;
	v21 =	vmul.f32 $7.142857460e-02, v12;
	v54 =	vmul.f32 $7.142857460e-02, v11  }
0x170: {  	v7 =	vor.u32 v7, v14;
	v53 =	vmul.f32 $5.000000000e-01, v29;
	v55 =	vmul.f32 $5.000000000e-01, v30  }
0x171: {  	v22 =	vmul.f32 $7.142857460e-02, v9;
	v32 =	vor.u32 v6, v7;
	v24 =	vmul.f32 $5.000000000e-01, v26  }
0x172: {  	v25 =	vmul.f32 $5.000000000e-01, v28;
	v20 =	vsub.f32 v52, v53;
	v23 =	vsub.f32 v54, v55  }
0x173: {  	v7 =	vadd.f32 v53, v52;
	v14 =	vadd.f32 v55, v54  }
0x174: {  	v19 =	vld.idx.msk [tilespmem:v13+s2+$0x0], $0xffff;
	v56 =	vsub.f32 v21, v24;
	v57 =	vsub.f32 v22, v25  }
0x175: {  	v33 =	vld.idx.msk [tilespmem:v31+s2+$0x0], $0xffff;
	v21 =	vadd.f32 v24, v21;
	v22 =	vadd.f32 v25, v22  }
0x176: {  	v18 =	vld.idx.msk [tilespmem:v15+s2+$0x0], $0xffff;
	v16 =	vmax.f32 v56, v20  }
0x177: {  	v34 =	vld.idx.msk [tilespmem:v32+s2+$0x0], $0xffff;
	v17 =	vmax.f32 v57, v23;
	v21 =	vmin.f32 v21, v7;
	v22 =	vmin.f32 v22, v14  }
0x178: {  	v58 =	vmul.f32 v30, v29;
	v16 =	vsub.f32 v21, v16;
	v17 =	vsub.f32 v22, v17  }
0x179: {  	v59 =	vmul.f32 v28, v26;
	v61 =	vmul.f32 $7.142857460e-02, v19  }
0x17a: {  	v63 =	vmul.f32 $5.000000000e-01, v33;
	v16 =	vmax.f32 v16, $0.0e+00;
	v17 =	vmax.f32 v17, $0.0e+00  }
0x17b: {  	v60 =	vadd.f32 v58, v59;
	v16 =	vmul.f32 v17, v16  }
0x17c: {  	v62 =	vmul.f32 $7.142857460e-02, v18;
	v27 =	vmul.f32 $5.000000000e-01, v34;
	v36 =	vsub.f32 v61, v63  }
0x17d: {  	v22 =	vadd.f32 v63, v61;
	v17 =	vsub.f32 v60, v16  }
0x17e: {  	v35 =	vsub.f32 v62, v27;
	v24 =	vadd.f32 v27, v62  }
0x17f: {  	v7 =	vmin.f32 v22, v7;
	(erf) = vrcp.f32 v17  }
0x180: {  	v17 =	vmax.f32 v36, v20;
	v37 =	vmax.f32 v35, v23;
	v14 =	vmin.f32 v24, v14  }
0x181: {  	v7 =	vsub.f32 v7, v17;
	v14 =	vsub.f32 v14, v37  }
0x182: {  	v38 =	vmul.f32 v34, v33  }
0x183: {  	v39 =	vadd.s32 $0x1E0, v4;
	v7 =	vmax.f32 v7, $0.0e+00;
	v14 =	vmax.f32 v14, $0.0e+00  }
0x184: {  	vm0 =	vgt.s32 v39, $0x5BD;
	v40 =	vmul.f32 v14, v7;
	v7 =	vadd.f32 v58, v38  }
0x185: {  	v50 =	vsel vm0, $0x1, v2  }
0x186: {  	v5 =	vadd.s32 v50, v5;
	v21 =	vsub.f32 v7, v40;
	v7 =	vsel vm0, $0xFFFFFA42, v2  }
0x187: {  	v52 =	vshrl.u32 v5, $0x3;
	v56 =	vshll.u32 v5, $0x7;
	v7 =	vadd.s32 v39, v7  }
0x188: {  	v17 =	vmul.u32 $0x3000, v52;
	(erf) = vrcp.f32 v21;
	v53 =	vshll.u32 v7, $0x3  }
0x189: {  	v20 =	vand.u32 $0x7F, v7;
	v54 =	vadd.s32 $0x1, v7;
	v59 =	vadd.s32 $0x2, v7  }
0x18a: {  	v42 =	vadd.s32 $0x3, v7;
	v46 =	vadd.s32 $0x5, v7;
	v39 =	vadd.s32 $0x7, v7;
	v51 =	vpop (erf)  }
0x18b: {  	v57 =	vshll.u32 v54, $0x3;
	v14 =	vmul.f32 v51, v16;
	v16 =	vand.u32 $0xFFFFFC00, v53  }
0x18c: {  	v21 =	vand.u32 $0x7F, v54;
	v58 =	vand.u32 $0xFFFFFC00, v57;
	v55 =	vadd.s32 v16, v17  }
0x18d: {  	v16 =	vand.u32 $0x380, v56;
	v23 =	vadd.s32 v17, v58;
	v20 =	vor.u32 v20, v55  }
0x18e: {  	v62 =	vshll.u32 v59, $0x3;
	v61 =	vor.u32 v21, v23;
	v60 =	vor.u32 v16, v20  }
0x18f: {  	v43 =	vand.u32 $0x7F, v59;
	v44 =	vshll.u32 v42, $0x3;
	v63 =	vor.u32 v16, v61  }
0x190: {  	v47 =	vshll.u32 v46, $0x3;
	v41 =	vand.u32 $0xFFFFFC00, v62;
	v45 =	vand.u32 $0xFFFFFC00, v44  }
0x191: {  	v21 =	vand.u32 $0x7F, v42;
	v23 =	vadd.s32 v17, v45;
	v20 =	vadd.s32 v17, v41  }
0x192: {  	v48 =	vand.u32 $0xFFFFFC00, v47;
	v44 =	vld.idx.msk [tilespmem:v32+s13+$0x0], $0xffff;
	v21 =	vor.u32 v21, v23;
	v20 =	vor.u32 v43, v20  }
0x193: {  	v51 =	vadd.s32 $0x6, v7;
	v37 =	vor.u32 v16, v21;
	v36 =	vor.u32 v16, v20;
	v20 =	vld.idx.msk [tilespmem:v60+s2+$0x0], $0xffff  }
0x194: {  	v24 =	vand.u32 $0x7F, v46;
	v38 =	vadd.s32 v17, v48;
	v52 =	vshll.u32 v51, $0x3;
	v21 =	vld.idx.msk [tilespmem:v63+s2+$0x0], $0xffff  }
0x195: {  	v53 =	vand.u32 $0x7F, v51;
	v56 =	vadd.s32 $0x8, v7;
	v50 =	vor.u32 v24, v38;
	v22 =	vld.idx.msk [tilespmem:v60+s13+$0x0], $0xffff  }
0x196: {  	v38 =	vand.u32 $0xFFFFFC00, v52;
	v42 =	vshll.u32 v56, $0x3;
	v25 =	vor.u32 v16, v50;
	v49 =	vpop (erf);
	v24 =	vld.idx.msk [tilespmem:v63+s13+$0x0], $0xffff  }
0x197: {  	v54 =	vadd.s32 v17, v38;
	v23 =	vmul.f32 v49, v40;
	v40 =	vshll.u32 v39, $0x3;
	v60 =	vld.idx.msk [tilespmem:v31+s13+$0x0], $0xffff  }
0x198: {  	v58 =	vand.u32 $0xFFFFFC00, v42;
	v27 =	vor.u32 v53, v54;
	v55 =	vand.u32 $0xFFFFFC00, v40;
	v43 =	vld.idx.msk [tilespmem:v37+s13+$0x0], $0xffff  }
0x199: {  	v27 =	vor.u32 v16, v27;
	v39 =	vand.u32 $0x7F, v39;
	v37 =	vld.idx.msk [tilespmem:v37+s2+$0x0], $0xffff;
	v38 =	vadd.s32 v17, v55  }
0x19a: {  	v59 =	vand.u32 $0x7F, v56;
	v41 =	vld.idx.msk [tilespmem:v36+s13+$0x0], $0xffff;
	v57 =	vor.u32 v39, v38;
	v38 =	vadd.s32 v17, v58  }
0x19b: {  	v36 =	vld.idx.msk [tilespmem:v36+s2+$0x0], $0xffff;
	vm12 =	vgt.f32 v23, v14;
	v35 =	vor.u32 v16, v57;
	v38 =	vor.u32 v59, v38  }
0x19c: {  	v31 =	vsel vm12, v33, v26;
	v26 =	vld.idx.msk [tilespmem:v25+s2+$0x0], $0xffff;
	v38 =	vor.u32 v16, v38;
	v61 =	vmul.f32 $7.142857460e-02, v22  }
0x19d: {  	v32 =	vsel vm12, v34, v28;
	v63 =	vmul.f32 $7.142857460e-02, v24;
	v51 =	vmul.f32 $7.142857460e-02, v21  }
0x19e: {  	v28 =	vld.idx.msk [tilespmem:v27+s2+$0x0], $0xffff;
	v30 =	vsel vm12, v44, v30;
	v45 =	vmul.f32 $5.000000000e-01, v43;
	v52 =	vmul.f32 $5.000000000e-01, v37  }
0x19f: {  	v47 =	vmul.f32 $7.142857460e-02, v20;
	v29 =	vsel vm12, v60, v29;
	v62 =	vmul.f32 $5.000000000e-01, v41  }
0x1a0: {  	v48 =	vmul.f32 $5.000000000e-01, v36;
	v50 =	vsub.f32 v63, v45;
	v55 =	vsub.f32 v51, v52;
	v49 =	vld.idx.msk [tilespmem:v35+s2+$0x0], $0xffff  }
0x1a1: {  	v33 =	vadd.f32 v45, v63;
	v56 =	vadd.f32 v52, v51;
	v58 =	vmul.f32 $7.142857460e-02, v26;
	v39 =	vld.idx.msk [tilespmem:v38+s2+$0x0], $0xffff  }
0x1a2: {  	v51 =	vmul.f32 v29, v31;
	v46 =	vsub.f32 v61, v62;
	v34 =	vadd.f32 v62, v61  }
0x1a3: {  	v60 =	vmul.f32 $7.142857460e-02, v28;
	v54 =	vsub.f32 v47, v48;
	v47 =	vadd.f32 v48, v47  }
0x1a4: {  	v48 =	vmul.f32 v30, v32;
	v42 =	vmax.f32 v55, v50;
	v44 =	vmin.f32 v56, v33  }
0x1a5: {  	v40 =	vmax.f32 v54, v46;
	v57 =	vmin.f32 v47, v34;
	v59 =	vmul.f32 $5.000000000e-01, v49  }
0x1a6: {  	v42 =	vsub.f32 v44, v42;
	v40 =	vsub.f32 v57, v40;
	v62 =	vmul.f32 $5.000000000e-01, v39  }
0x1a7: {  	v53 =	vshrl.u32 v51, $0x1;
	v61 =	vsub.f32 v58, v59;
	v47 =	vadd.f32 v59, v58  }
0x1a8: {  	v56 =	vmul.f32 v43, v41;
	v63 =	vsub.f32 v60, v62;
	v44 =	vadd.f32 v62, v60  }
0x1a9: {  	v57 =	vmul.f32 v37, v36;
	v42 =	vmax.f32 v42, $0.0e+00;
	v45 =	vmax.f32 v61, v46  }
0x1aa: {  	v34 =	vmin.f32 v47, v34;
	v46 =	vmax.f32 v63, v50;
	v33 =	vmin.f32 v44, v33  }
0x1ab: {  	v40 =	vmax.f32 v40, $0.0e+00;
	v34 =	vsub.f32 v34, v45;
	v33 =	vsub.f32 v33, v46  }
0x1ac: {  	v40 =	vmul.f32 v42, v40;
	v58 =	vsub.s32 $0x5F3759DF, v53;
	v59 =	vmul.f32 v39, v49  }
0x1ad: {  	v44 =	vadd.f32 v56, v57;
	v34 =	vmax.f32 v34, $0.0e+00;
	v33 =	vmax.f32 v33, $0.0e+00  }
0x1ae: {  	v60 =	vadd.f32 v56, v59;
	v46 =	vmul.f32 $5.000000000e-01, v51;
	v33 =	vmul.f32 v33, v34  }
0x1af: {  	v61 =	vshrl.u32 v48, $0x1;
	v47 =	vmul.f32 $5.000000000e-01, v48;
	v44 =	vsub.f32 v44, v40  }
0x1b0: {  	v42 =	vsub.s32 $0x5F3759DF, v61;
	v62 =	vmul.f32 v58, v46;
	v34 =	vsub.f32 v60, v33  }
0x1b1: {  	v63 =	vmul.f32 v42, v47;
	(erf) = vrcp.f32 v44  }
0x1b2: {  	v13 =	vld.idx.msk [tilespmem:v13+s13+$0x0], $0xffff;
	v54 =	vmul.f32 v58, v62;
	(erf) = vrcp.f32 v34  }
0x1b3: {  	v55 =	vmul.f32 v42, v63  }
0x1b4: {  	v15 =	vld.idx.msk [tilespmem:v15+s13+$0x0], $0xffff;
	v44 =	vsub.f32 $1.500000000e+00, v54  }
0x1b5: {  	v34 =	vsub.f32 $1.500000000e+00, v55  }
0x1b6: {  	v44 =	vmul.f32 v58, v44  }
0x1b7: {  	v12 =	vsel vm12, v19, v12;
	v10 =	vsel vm12, v13, v10;
	v34 =	vmul.f32 v42, v34  }
0x1b8: {  	v10 =	vsub.f32 v12, v10;
	v59 =	vmul.f32 v44, v46  }
0x1b9: {  	v9 =	vsel vm12, v18, v9;
	v11 =	vsel vm12, v15, v11;
	v60 =	vmul.f32 v34, v47  }
0x1ba: {  	v9 =	vsub.f32 v9, v11;
	v10 =	vmul.f32 v10, v10;
	v35 =	vld.idx.msk [tilespmem:v35+s13+$0x0], $0xffff;
	v61 =	vpop (erf);
	v45 =	vmul.f32 v59, v44  }
0x1bb: {  	v38 =	vld.idx.msk [tilespmem:v38+s13+$0x0], $0xffff;
	v56 =	vadd.s32 $0x4, v4;
	v4 =	vadd.s32 $0x9, v4;
	v52 =	vmul.f32 v60, v34;
	v63 =	vpop (erf)  }
0x1bc: {  	v40 =	vmul.f32 v61, v40;
	v45 =	vsub.f32 $1.500000000e+00, v45;
	v33 =	vmul.f32 v63, v33  }
0x1bd: {  	v57 =	vshll.u32 v56, $0x3;
	v50 =	vand.u32 $0x7F, v56;
	v52 =	vsub.f32 $1.500000000e+00, v52  }
0x1be: {  	v62 =	vshll.u32 v4, $0x3;
	v53 =	vmul.f32 v45, v44;
	vm1 =	vgt.f32 v33, v40  }
0x1bf: {  	v34 =	vmul.f32 v52, v34;
	v36 =	vsel vm1, v49, v36;
	v35 =	vsel vm1, v35, v41  }
0x1c0: {  	v37 =	vsel vm1, v39, v37;
	v38 =	vsel vm1, v38, v43;
	v39 =	vmul.f32 v35, v36  }
0x1c1: {  	v58 =	vand.u32 $0xFFFFFC00, v57;
	v54 =	vmul.f32 v53, v46;
	v41 =	vmul.f32 v38, v37  }
0x1c2: {  	v55 =	vmul.f32 v34, v47;
	v56 =	vshrl.u32 v39, $0x1;
	v45 =	vmul.f32 $5.000000000e-01, v39  }
0x1c3: {  	v57 =	vshrl.u32 v41, $0x1;
	v47 =	vmul.f32 $5.000000000e-01, v41;
	v44 =	vsub.s32 $0x5F3759DF, v56  }
0x1c4: {  	v42 =	vadd.s32 v8, v58;
	v46 =	vsub.s32 $0x5F3759DF, v57;
	v58 =	vmul.f32 v44, v45  }
0x1c5: {  	v4 =	vand.u32 $0x7F, v4;
	v19 =	vmul.f32 v54, v53;
	v60 =	vmul.f32 v46, v47  }
0x1c6: {  	v42 =	vor.u32 v50, v42;
	v50 =	vand.u32 $0xFFFFFC00, v62;
	v62 =	vmul.f32 v44, v58  }
0x1c7: {  	v8 =	vadd.s32 v8, v50;
	v61 =	vsub.f32 $1.500000000e+00, v19;
	v49 =	vmul.f32 v46, v60  }
0x1c8: {  	v18 =	vor.u32 v6, v42;
	v4 =	vor.u32 v4, v8;
	v50 =	vsub.f32 $1.500000000e+00, v62  }
0x1c9: {  	v25 =	vld.idx.msk [tilespmem:v25+s13+$0x0], $0xffff;
	v59 =	vmul.f32 v55, v34;
	v8 =	vmul.f32 v61, v53;
	v53 =	vsub.f32 $1.500000000e+00, v49  }
0x1ca: {  	v4 =	vor.u32 v6, v4;
	v6 =	vmul.f32 v9, v9;
	v12 =	vmul.f32 v44, v50  }
0x1cb: {  	v63 =	vsub.f32 $1.500000000e+00, v59;
	v13 =	vmul.f32 v46, v53  }
0x1cc: {  	v6 =	vadd.f32 v6, v10;
	v54 =	vadd.f32 v29, v31;
	v56 =	vmul.f32 v12, v45  }
0x1cd: {  	v55 =	vadd.f32 v30, v32;
	v52 =	vmul.f32 v63, v34;
	v57 =	vmul.f32 v13, v47  }
0x1ce: {  	v8 =	vmul.f32 v8, v51;
	v51 =	vsel vm1, v25, v22;
	v58 =	vmul.f32 v56, v12  }
0x1cf: {  	v11 =	vmul.f32 v52, v48;
	v60 =	vadd.s32 $0x4, v7;
	v59 =	vmul.f32 v57, v13  }
0x1d0: {  	v48 =	vsel vm1, v26, v20;
	v8 =	vadd.f32 v8, v8;
	v9 =	vsub.f32 $1.500000000e+00, v58  }
0x1d1: {  	v61 =	vand.u32 $0x7F, v60;
	v10 =	vshll.u32 v60, $0x3;
	v15 =	vsub.f32 $1.500000000e+00, v59  }
0x1d2: {  	v10 =	vand.u32 $0xFFFFFC00, v10;
	v62 =	vadd.s32 $0x9, v7;
	v9 =	vmul.f32 v9, v12  }
0x1d3: {  	v10 =	vadd.s32 v17, v10;
	v31 =	vshll.u32 v62, $0x3;
	v13 =	vmul.f32 v15, v13  }
0x1d4: {  	v34 =	vand.u32 $0x7F, v62;
	v15 =	vand.u32 $0xFFFFFC00, v31;
	v32 =	vmul.f32 v9, v45  }
0x1d5: {  	v10 =	vor.u32 v61, v10;
	v15 =	vadd.s32 v17, v15;
	v42 =	vmul.f32 v13, v47  }
0x1d6: {  	v43 =	vld.idx.msk [tilespmem:v27+s13+$0x0], $0xffff;
	v10 =	vor.u32 v16, v10;
	v15 =	vor.u32 v34, v15;
	v19 =	vmul.f32 v32, v9  }
0x1d7: {  	v4 =	vld.idx.msk [tilespmem:v4+s2+$0x0], $0xffff;
	v52 =	vsub.f32 v48, v51;
	v44 =	vor.u32 v16, v15;
	v45 =	vmul.f32 v42, v13  }
0x1d8: {  	v14 =	vmax.f32 v14, v23;
	v63 =	vld.idx.msk [tilespmem:v18+s2+$0x0], $0xffff;
	v11 =	vadd.f32 v11, v11;
	v46 =	vsub.f32 $1.500000000e+00, v19  }
0x1d9: {  	v49 =	vsel vm1, v28, v21;
	v8 =	vsub.f32 v54, v8;
	v15 =	vsub.f32 $1.500000000e+00, v45  }
0x1da: {  	v54 =	vadd.f32 v38, v37;
	v11 =	vsub.f32 v55, v11;
	v9 =	vmul.f32 v46, v9  }
0x1db: {  	v6 =	vadd.f32 v8, v6;
	v50 =	vld.idx.msk [tilespmem:v10+s2+$0x0], $0xffff;
	v17 =	vsel vm1, v43, v24;
	v13 =	vmul.f32 v15, v13  }
0x1dc: {  	v53 =	vadd.f32 v35, v36;
	v17 =	vsub.f32 v49, v17;
	v8 =	vld.idx.msk [tilespmem:v44+s2+$0x0], $0xffff;
	v9 =	vmul.f32 v9, v39  }
0x1dd: {  	v6 =	vadd.f32 v6, v11;
	v47 =	vsel vm12, v4, v63;
	v13 =	vmul.f32 v13, v41  }
0x1de: {  	v17 =	vmul.f32 v17, v17;
	v15 =	vmul.f32 v52, v52;
	v9 =	vadd.f32 v9, v9  }
0x1df: {  	v11 =	vsub.f32 v47, v14;
	v13 =	vadd.f32 v13, v13  }
0x1e0: {  	v55 =	vadd.f32 v17, v15;
	v9 =	vsub.f32 v53, v9  }
0x1e1: {  	v56 =	vmax.f32 v40, v33;
	v57 =	vsel vm1, v8, v50;
	v13 =	vsub.f32 v54, v13  }
0x1e2: {  	v18 =	vld.idx.msk [tilespmem:v18+s13+$0x0], $0xffff;
	v11 =	vmul.f32 v11, v11;
	v58 =	vsub.f32 v57, v56;
	v9 =	vadd.f32 v9, v55  }
0x1e3: {  	v6 =	vmul.f32 $5.000000000e+00, v6;
	v4 =	vsel vm12, v63, v4  }
0x1e4: {  	v11 =	vadd.f32 v11, v11;
	v59 =	vmul.f32 v58, v58;
	v9 =	vadd.f32 v9, v13  }
0x1e5: {  	v10 =	vld.idx.msk [tilespmem:v10+s13+$0x0], $0xffff;
	v4 =	vmul.f32 v4, v4  }
0x1e6: {  	v6 =	vadd.f32 v6, v11;
	v60 =	vadd.f32 v59, v59;
	v9 =	vmul.f32 $5.000000000e+00, v9  }
0x1e7: {  	vm13 =	vgt.f32 v18, $0.0e+00;
	v8 =	vsel vm1, v50, v8  }
0x1e8: {  	v4 =	vadd.f32 v6, v4;
	v8 =	vmul.f32 v8, v8;
	v6 =	vadd.f32 v9, v60  }
0x1e9: {  	p0 =	sne.s32 s0, $0x1;
	v61 =	vsel vm13, $0x3F800000, v1  }
.Ltmp2:
0x1ea: {  	vm14 =	vgt.f32 v10, $0.0e+00;
	v4 =	vmul.f32 v4, v61;
	v6 =	vadd.f32 v6, v8;
	(pc) =	sbr.rel @p0 .LBB2_6-.Ltmp2, $4  }
0x1eb: {  	v7 =	vadd.s32 $0x1E0, v7;
	v62 =	vsel vm14, $0x3F800000, v1  }
0x1ec: {  	vm15 =	vgt.s32 v7, $0x5BD;
	v3 =	vadd.f32 v4, v3;
	v4 =	vmul.f32 v6, v62  }
0x1ed: {  	v63 =	vsel vm15, $0xFFFFFA42, v2;
	v6 =	vsel vm15, $0x1, v2  }
0x1ee: {  	s0 =	sadd.s32 $0xFFFFFFFF, s0;
	v5 =	vadd.s32 v6, v5;
	v3 =	vadd.f32 v4, v3;
	v4 =	vadd.s32 v7, v63  }
0x1ef: {  	_ =	swait.ge [sflag:s26], $0x3000  }
0x1f0: {  	[sflag:s26] =	ssyncset.done $0x0  }
0x1f1: {  	[sflag:s26] =	ssyncadd.s32 $0xFFFFD000  }
0x1f2: {  	_ =	swait.ge [sflag:s28], $0x3000  }
0x1f3: {  	[sflag:s28] =	ssyncset.done $0x0  }
0x1f4: {  	s0 =	simm.s32 $0xD;
	[sflag:s28] =	ssyncadd.s32 $0xFFFFD000  }
.LBB2_8:
0x1f5: {  	v6 =	vshrl.u32 v5, $0x3  }
0x1f6: {  	v7 =	vand.u32 $0x7F, v4;
	v10 =	vadd.s32 $0x1, v4;
	v11 =	vadd.s32 $0x2, v4  }
0x1f7: {  	v12 =	vadd.s32 $0x3, v4;
	v8 =	vmul.u32 $0x3000, v6;
	v6 =	vshll.u32 v4, $0x3  }
0x1f8: {  	v38 =	vshll.u32 v10, $0x3;
	v10 =	vand.u32 $0x7F, v10;
	v6 =	vand.u32 $0xFFFFFC00, v6  }
0x1f9: {  	v39 =	vshll.u32 v11, $0x3;
	v9 =	vadd.s32 v8, v6;
	v6 =	vshll.u32 v5, $0x7  }
0x1fa: {  	v6 =	vand.u32 $0x380, v6;
	v7 =	vor.u32 v7, v9;
	v9 =	vand.u32 $0xFFFFFC00, v38  }
0x1fb: {  	v41 =	vshll.u32 v12, $0x3;
	v7 =	vor.u32 v6, v7;
	v9 =	vadd.s32 v8, v9  }
0x1fc: {  	v11 =	vand.u32 $0x7F, v11;
	v40 =	vand.u32 $0xFFFFFC00, v39;
	v9 =	vor.u32 v10, v9  }
0x1fd: {  	v10 =	vand.u32 $0xFFFFFC00, v41;
	v13 =	vor.u32 v6, v9;
	v9 =	vadd.s32 v8, v40  }
0x1fe: {  	v42 =	vand.u32 $0x7F, v12;
	v10 =	vadd.s32 v8, v10;
	v9 =	vor.u32 v11, v9  }
0x1ff: {  	v44 =	vadd.s32 $0x5, v4;
	v43 =	vor.u32 v42, v10;
	v14 =	vor.u32 v6, v9  }
0x200: {  	v45 =	vshll.u32 v44, $0x3;
	v15 =	vor.u32 v6, v43;
	v12 =	vld.idx.msk [tilespmem:v7+s2+$0x0], $0xffff  }
0x201: {  	v16 =	vadd.s32 $0x6, v4;
	v47 =	vadd.s32 $0x7, v4;
	v11 =	vand.u32 $0xFFFFFC00, v45;
	v10 =	vld.idx.msk [tilespmem:v7+s13+$0x0], $0xffff  }
0x202: {  	v50 =	vadd.s32 $0x8, v4;
	v17 =	vand.u32 $0x7F, v44;
	v11 =	vadd.s32 v8, v11;
	v9 =	vld.idx.msk [tilespmem:v13+s2+$0x0], $0xffff  }
0x203: {  	v18 =	vshll.u32 v16, $0x3;
	v16 =	vand.u32 $0x7F, v16;
	v7 =	vor.u32 v17, v11;
	v11 =	vld.idx.msk [tilespmem:v13+s13+$0x0], $0xffff  }
0x204: {  	v19 =	vshll.u32 v47, $0x3;
	v49 =	vand.u32 $0x7F, v47;
	v46 =	vand.u32 $0xFFFFFC00, v18;
	v29 =	vld.idx.msk [tilespmem:v14+s13+$0x0], $0xffff  }
0x205: {  	v51 =	vshll.u32 v50, $0x3;
	v48 =	vand.u32 $0xFFFFFC00, v19;
	v17 =	vadd.s32 v8, v46;
	v30 =	vld.idx.msk [tilespmem:v15+s13+$0x0], $0xffff  }
0x206: {  	v13 =	vor.u32 v6, v7;
	v7 =	vor.u32 v16, v17;
	v16 =	vadd.s32 v8, v48;
	v26 =	vld.idx.msk [tilespmem:v14+s2+$0x0], $0xffff  }
0x207: {  	v28 =	vld.idx.msk [tilespmem:v15+s2+$0x0], $0xffff;
	v15 =	vor.u32 v6, v7;
	v7 =	vor.u32 v49, v16;
	v14 =	vand.u32 $0xFFFFFC00, v51  }
0x208: {  	v31 =	vor.u32 v6, v7;
	v7 =	vand.u32 $0x7F, v50;
	v52 =	vmul.f32 $7.142857460e-02, v10  }
0x209: {  	v14 =	vadd.s32 v8, v14;
	v21 =	vmul.f32 $7.142857460e-02, v12;
	v54 =	vmul.f32 $7.142857460e-02, v11  }
0x20a: {  	v7 =	vor.u32 v7, v14;
	v53 =	vmul.f32 $5.000000000e-01, v29;
	v55 =	vmul.f32 $5.000000000e-01, v30  }
0x20b: {  	v22 =	vmul.f32 $7.142857460e-02, v9;
	v32 =	vor.u32 v6, v7;
	v24 =	vmul.f32 $5.000000000e-01, v26  }
0x20c: {  	v25 =	vmul.f32 $5.000000000e-01, v28;
	v20 =	vsub.f32 v52, v53;
	v23 =	vsub.f32 v54, v55  }
0x20d: {  	v7 =	vadd.f32 v53, v52;
	v14 =	vadd.f32 v55, v54  }
0x20e: {  	v19 =	vld.idx.msk [tilespmem:v13+s2+$0x0], $0xffff;
	v56 =	vsub.f32 v21, v24;
	v57 =	vsub.f32 v22, v25  }
0x20f: {  	v33 =	vld.idx.msk [tilespmem:v31+s2+$0x0], $0xffff;
	v21 =	vadd.f32 v24, v21;
	v22 =	vadd.f32 v25, v22  }
0x210: {  	v18 =	vld.idx.msk [tilespmem:v15+s2+$0x0], $0xffff;
	v16 =	vmax.f32 v56, v20  }
0x211: {  	v34 =	vld.idx.msk [tilespmem:v32+s2+$0x0], $0xffff;
	v17 =	vmax.f32 v57, v23;
	v21 =	vmin.f32 v21, v7;
	v22 =	vmin.f32 v22, v14  }
0x212: {  	v58 =	vmul.f32 v30, v29;
	v16 =	vsub.f32 v21, v16;
	v17 =	vsub.f32 v22, v17  }
0x213: {  	v59 =	vmul.f32 v28, v26;
	v61 =	vmul.f32 $7.142857460e-02, v19  }
0x214: {  	v63 =	vmul.f32 $5.000000000e-01, v33;
	v16 =	vmax.f32 v16, $0.0e+00;
	v17 =	vmax.f32 v17, $0.0e+00  }
0x215: {  	v60 =	vadd.f32 v58, v59;
	v16 =	vmul.f32 v17, v16  }
0x216: {  	v62 =	vmul.f32 $7.142857460e-02, v18;
	v27 =	vmul.f32 $5.000000000e-01, v34;
	v36 =	vsub.f32 v61, v63  }
0x217: {  	v22 =	vadd.f32 v63, v61;
	v17 =	vsub.f32 v60, v16  }
0x218: {  	v35 =	vsub.f32 v62, v27;
	v24 =	vadd.f32 v27, v62  }
0x219: {  	v7 =	vmin.f32 v22, v7;
	(erf) = vrcp.f32 v17  }
0x21a: {  	v17 =	vmax.f32 v36, v20;
	v37 =	vmax.f32 v35, v23;
	v14 =	vmin.f32 v24, v14  }
0x21b: {  	v7 =	vsub.f32 v7, v17;
	v14 =	vsub.f32 v14, v37  }
0x21c: {  	v38 =	vmul.f32 v34, v33  }
0x21d: {  	v39 =	vadd.s32 $0x1E0, v4;
	v7 =	vmax.f32 v7, $0.0e+00;
	v14 =	vmax.f32 v14, $0.0e+00  }
0x21e: {  	vm0 =	vgt.s32 v39, $0x5BD;
	v40 =	vmul.f32 v14, v7;
	v7 =	vadd.f32 v58, v38  }
0x21f: {  	v50 =	vsel vm0, $0x1, v2  }
0x220: {  	v5 =	vadd.s32 v50, v5;
	v21 =	vsub.f32 v7, v40;
	v7 =	vsel vm0, $0xFFFFFA42, v2  }
0x221: {  	v52 =	vshrl.u32 v5, $0x3;
	v56 =	vshll.u32 v5, $0x7;
	v7 =	vadd.s32 v39, v7  }
0x222: {  	v17 =	vmul.u32 $0x3000, v52;
	(erf) = vrcp.f32 v21;
	v53 =	vshll.u32 v7, $0x3  }
0x223: {  	v20 =	vand.u32 $0x7F, v7;
	v54 =	vadd.s32 $0x1, v7;
	v59 =	vadd.s32 $0x2, v7  }
0x224: {  	v42 =	vadd.s32 $0x3, v7;
	v46 =	vadd.s32 $0x5, v7;
	v39 =	vadd.s32 $0x7, v7;
	v51 =	vpop (erf)  }
0x225: {  	v57 =	vshll.u32 v54, $0x3;
	v14 =	vmul.f32 v51, v16;
	v16 =	vand.u32 $0xFFFFFC00, v53  }
0x226: {  	v21 =	vand.u32 $0x7F, v54;
	v58 =	vand.u32 $0xFFFFFC00, v57;
	v55 =	vadd.s32 v16, v17  }
0x227: {  	v16 =	vand.u32 $0x380, v56;
	v23 =	vadd.s32 v17, v58;
	v20 =	vor.u32 v20, v55  }
0x228: {  	v62 =	vshll.u32 v59, $0x3;
	v61 =	vor.u32 v21, v23;
	v60 =	vor.u32 v16, v20  }
0x229: {  	v43 =	vand.u32 $0x7F, v59;
	v44 =	vshll.u32 v42, $0x3;
	v63 =	vor.u32 v16, v61  }
0x22a: {  	v47 =	vshll.u32 v46, $0x3;
	v41 =	vand.u32 $0xFFFFFC00, v62;
	v45 =	vand.u32 $0xFFFFFC00, v44  }
0x22b: {  	v21 =	vand.u32 $0x7F, v42;
	v23 =	vadd.s32 v17, v45;
	v20 =	vadd.s32 v17, v41  }
0x22c: {  	v48 =	vand.u32 $0xFFFFFC00, v47;
	v44 =	vld.idx.msk [tilespmem:v32+s13+$0x0], $0xffff;
	v21 =	vor.u32 v21, v23;
	v20 =	vor.u32 v43, v20  }
0x22d: {  	v51 =	vadd.s32 $0x6, v7;
	v37 =	vor.u32 v16, v21;
	v36 =	vor.u32 v16, v20;
	v20 =	vld.idx.msk [tilespmem:v60+s2+$0x0], $0xffff  }
0x22e: {  	v24 =	vand.u32 $0x7F, v46;
	v38 =	vadd.s32 v17, v48;
	v52 =	vshll.u32 v51, $0x3;
	v21 =	vld.idx.msk [tilespmem:v63+s2+$0x0], $0xffff  }
0x22f: {  	v53 =	vand.u32 $0x7F, v51;
	v56 =	vadd.s32 $0x8, v7;
	v50 =	vor.u32 v24, v38;
	v22 =	vld.idx.msk [tilespmem:v60+s13+$0x0], $0xffff  }
0x230: {  	v38 =	vand.u32 $0xFFFFFC00, v52;
	v42 =	vshll.u32 v56, $0x3;
	v25 =	vor.u32 v16, v50;
	v49 =	vpop (erf);
	v24 =	vld.idx.msk [tilespmem:v63+s13+$0x0], $0xffff  }
0x231: {  	v54 =	vadd.s32 v17, v38;
	v23 =	vmul.f32 v49, v40;
	v40 =	vshll.u32 v39, $0x3;
	v60 =	vld.idx.msk [tilespmem:v31+s13+$0x0], $0xffff  }
0x232: {  	v58 =	vand.u32 $0xFFFFFC00, v42;
	v27 =	vor.u32 v53, v54;
	v55 =	vand.u32 $0xFFFFFC00, v40;
	v43 =	vld.idx.msk [tilespmem:v37+s13+$0x0], $0xffff  }
0x233: {  	v27 =	vor.u32 v16, v27;
	v39 =	vand.u32 $0x7F, v39;
	v37 =	vld.idx.msk [tilespmem:v37+s2+$0x0], $0xffff;
	v38 =	vadd.s32 v17, v55  }
0x234: {  	v59 =	vand.u32 $0x7F, v56;
	v41 =	vld.idx.msk [tilespmem:v36+s13+$0x0], $0xffff;
	v57 =	vor.u32 v39, v38;
	v38 =	vadd.s32 v17, v58  }
0x235: {  	v36 =	vld.idx.msk [tilespmem:v36+s2+$0x0], $0xffff;
	vm12 =	vgt.f32 v23, v14;
	v35 =	vor.u32 v16, v57;
	v38 =	vor.u32 v59, v38  }
0x236: {  	v31 =	vsel vm12, v33, v26;
	v26 =	vld.idx.msk [tilespmem:v25+s2+$0x0], $0xffff;
	v38 =	vor.u32 v16, v38;
	v61 =	vmul.f32 $7.142857460e-02, v22  }
0x237: {  	v32 =	vsel vm12, v34, v28;
	v63 =	vmul.f32 $7.142857460e-02, v24;
	v51 =	vmul.f32 $7.142857460e-02, v21  }
0x238: {  	v28 =	vld.idx.msk [tilespmem:v27+s2+$0x0], $0xffff;
	v30 =	vsel vm12, v44, v30;
	v45 =	vmul.f32 $5.000000000e-01, v43;
	v52 =	vmul.f32 $5.000000000e-01, v37  }
0x239: {  	v47 =	vmul.f32 $7.142857460e-02, v20;
	v29 =	vsel vm12, v60, v29;
	v62 =	vmul.f32 $5.000000000e-01, v41  }
0x23a: {  	v48 =	vmul.f32 $5.000000000e-01, v36;
	v50 =	vsub.f32 v63, v45;
	v55 =	vsub.f32 v51, v52;
	v49 =	vld.idx.msk [tilespmem:v35+s2+$0x0], $0xffff  }
0x23b: {  	v33 =	vadd.f32 v45, v63;
	v56 =	vadd.f32 v52, v51;
	v58 =	vmul.f32 $7.142857460e-02, v26;
	v39 =	vld.idx.msk [tilespmem:v38+s2+$0x0], $0xffff  }
0x23c: {  	v51 =	vmul.f32 v29, v31;
	v46 =	vsub.f32 v61, v62;
	v34 =	vadd.f32 v62, v61  }
0x23d: {  	v60 =	vmul.f32 $7.142857460e-02, v28;
	v54 =	vsub.f32 v47, v48;
	v47 =	vadd.f32 v48, v47  }
0x23e: {  	v48 =	vmul.f32 v30, v32;
	v42 =	vmax.f32 v55, v50;
	v44 =	vmin.f32 v56, v33  }
0x23f: {  	v40 =	vmax.f32 v54, v46;
	v57 =	vmin.f32 v47, v34;
	v59 =	vmul.f32 $5.000000000e-01, v49  }
0x240: {  	v42 =	vsub.f32 v44, v42;
	v40 =	vsub.f32 v57, v40;
	v62 =	vmul.f32 $5.000000000e-01, v39  }
0x241: {  	v53 =	vshrl.u32 v51, $0x1;
	v61 =	vsub.f32 v58, v59;
	v47 =	vadd.f32 v59, v58  }
0x242: {  	v56 =	vmul.f32 v43, v41;
	v63 =	vsub.f32 v60, v62;
	v44 =	vadd.f32 v62, v60  }
0x243: {  	v57 =	vmul.f32 v37, v36;
	v42 =	vmax.f32 v42, $0.0e+00;
	v45 =	vmax.f32 v61, v46  }
0x244: {  	v34 =	vmin.f32 v47, v34;
	v46 =	vmax.f32 v63, v50;
	v33 =	vmin.f32 v44, v33  }
0x245: {  	v40 =	vmax.f32 v40, $0.0e+00;
	v34 =	vsub.f32 v34, v45;
	v33 =	vsub.f32 v33, v46  }
0x246: {  	v40 =	vmul.f32 v42, v40;
	v58 =	vsub.s32 $0x5F3759DF, v53;
	v59 =	vmul.f32 v39, v49  }
0x247: {  	v44 =	vadd.f32 v56, v57;
	v34 =	vmax.f32 v34, $0.0e+00;
	v33 =	vmax.f32 v33, $0.0e+00  }
0x248: {  	v60 =	vadd.f32 v56, v59;
	v46 =	vmul.f32 $5.000000000e-01, v51;
	v33 =	vmul.f32 v33, v34  }
0x249: {  	v61 =	vshrl.u32 v48, $0x1;
	v47 =	vmul.f32 $5.000000000e-01, v48;
	v44 =	vsub.f32 v44, v40  }
0x24a: {  	v42 =	vsub.s32 $0x5F3759DF, v61;
	v62 =	vmul.f32 v58, v46;
	v34 =	vsub.f32 v60, v33  }
0x24b: {  	v63 =	vmul.f32 v42, v47;
	(erf) = vrcp.f32 v44  }
0x24c: {  	v13 =	vld.idx.msk [tilespmem:v13+s13+$0x0], $0xffff;
	v54 =	vmul.f32 v58, v62;
	(erf) = vrcp.f32 v34  }
0x24d: {  	v55 =	vmul.f32 v42, v63  }
0x24e: {  	v15 =	vld.idx.msk [tilespmem:v15+s13+$0x0], $0xffff;
	v44 =	vsub.f32 $1.500000000e+00, v54  }
0x24f: {  	v34 =	vsub.f32 $1.500000000e+00, v55  }
0x250: {  	v44 =	vmul.f32 v58, v44  }
0x251: {  	v12 =	vsel vm12, v19, v12;
	v10 =	vsel vm12, v13, v10;
	v34 =	vmul.f32 v42, v34  }
0x252: {  	v10 =	vsub.f32 v12, v10;
	v59 =	vmul.f32 v44, v46  }
0x253: {  	v9 =	vsel vm12, v18, v9;
	v11 =	vsel vm12, v15, v11;
	v60 =	vmul.f32 v34, v47  }
0x254: {  	v9 =	vsub.f32 v9, v11;
	v10 =	vmul.f32 v10, v10;
	v35 =	vld.idx.msk [tilespmem:v35+s13+$0x0], $0xffff;
	v61 =	vpop (erf);
	v45 =	vmul.f32 v59, v44  }
0x255: {  	v38 =	vld.idx.msk [tilespmem:v38+s13+$0x0], $0xffff;
	v56 =	vadd.s32 $0x4, v4;
	v4 =	vadd.s32 $0x9, v4;
	v52 =	vmul.f32 v60, v34;
	v63 =	vpop (erf)  }
0x256: {  	v40 =	vmul.f32 v61, v40;
	v45 =	vsub.f32 $1.500000000e+00, v45;
	v33 =	vmul.f32 v63, v33  }
0x257: {  	v57 =	vshll.u32 v56, $0x3;
	v50 =	vand.u32 $0x7F, v56;
	v52 =	vsub.f32 $1.500000000e+00, v52  }
0x258: {  	v62 =	vshll.u32 v4, $0x3;
	v53 =	vmul.f32 v45, v44;
	vm1 =	vgt.f32 v33, v40  }
0x259: {  	v34 =	vmul.f32 v52, v34;
	v36 =	vsel vm1, v49, v36;
	v35 =	vsel vm1, v35, v41  }
0x25a: {  	v37 =	vsel vm1, v39, v37;
	v38 =	vsel vm1, v38, v43;
	v39 =	vmul.f32 v35, v36  }
0x25b: {  	v58 =	vand.u32 $0xFFFFFC00, v57;
	v54 =	vmul.f32 v53, v46;
	v41 =	vmul.f32 v38, v37  }
0x25c: {  	v55 =	vmul.f32 v34, v47;
	v56 =	vshrl.u32 v39, $0x1;
	v45 =	vmul.f32 $5.000000000e-01, v39  }
0x25d: {  	v57 =	vshrl.u32 v41, $0x1;
	v47 =	vmul.f32 $5.000000000e-01, v41;
	v44 =	vsub.s32 $0x5F3759DF, v56  }
0x25e: {  	v42 =	vadd.s32 v8, v58;
	v46 =	vsub.s32 $0x5F3759DF, v57;
	v58 =	vmul.f32 v44, v45  }
0x25f: {  	v4 =	vand.u32 $0x7F, v4;
	v19 =	vmul.f32 v54, v53;
	v60 =	vmul.f32 v46, v47  }
0x260: {  	v42 =	vor.u32 v50, v42;
	v50 =	vand.u32 $0xFFFFFC00, v62;
	v62 =	vmul.f32 v44, v58  }
0x261: {  	v8 =	vadd.s32 v8, v50;
	v61 =	vsub.f32 $1.500000000e+00, v19;
	v49 =	vmul.f32 v46, v60  }
0x262: {  	v18 =	vor.u32 v6, v42;
	v4 =	vor.u32 v4, v8;
	v50 =	vsub.f32 $1.500000000e+00, v62  }
0x263: {  	v25 =	vld.idx.msk [tilespmem:v25+s13+$0x0], $0xffff;
	v59 =	vmul.f32 v55, v34;
	v8 =	vmul.f32 v61, v53;
	v53 =	vsub.f32 $1.500000000e+00, v49  }
0x264: {  	v4 =	vor.u32 v6, v4;
	v6 =	vmul.f32 v9, v9;
	v12 =	vmul.f32 v44, v50  }
0x265: {  	v63 =	vsub.f32 $1.500000000e+00, v59;
	v13 =	vmul.f32 v46, v53  }
0x266: {  	v6 =	vadd.f32 v6, v10;
	v54 =	vadd.f32 v29, v31;
	v56 =	vmul.f32 v12, v45  }
0x267: {  	v55 =	vadd.f32 v30, v32;
	v52 =	vmul.f32 v63, v34;
	v57 =	vmul.f32 v13, v47  }
0x268: {  	v8 =	vmul.f32 v8, v51;
	v51 =	vsel vm1, v25, v22;
	v58 =	vmul.f32 v56, v12  }
0x269: {  	v11 =	vmul.f32 v52, v48;
	v60 =	vadd.s32 $0x4, v7;
	v59 =	vmul.f32 v57, v13  }
0x26a: {  	v48 =	vsel vm1, v26, v20;
	v8 =	vadd.f32 v8, v8;
	v9 =	vsub.f32 $1.500000000e+00, v58  }
0x26b: {  	v61 =	vand.u32 $0x7F, v60;
	v10 =	vshll.u32 v60, $0x3;
	v15 =	vsub.f32 $1.500000000e+00, v59  }
0x26c: {  	v10 =	vand.u32 $0xFFFFFC00, v10;
	v62 =	vadd.s32 $0x9, v7;
	v9 =	vmul.f32 v9, v12  }
0x26d: {  	v10 =	vadd.s32 v17, v10;
	v31 =	vshll.u32 v62, $0x3;
	v13 =	vmul.f32 v15, v13  }
0x26e: {  	v34 =	vand.u32 $0x7F, v62;
	v15 =	vand.u32 $0xFFFFFC00, v31;
	v32 =	vmul.f32 v9, v45  }
0x26f: {  	v10 =	vor.u32 v61, v10;
	v15 =	vadd.s32 v17, v15;
	v42 =	vmul.f32 v13, v47  }
0x270: {  	v43 =	vld.idx.msk [tilespmem:v27+s13+$0x0], $0xffff;
	v10 =	vor.u32 v16, v10;
	v15 =	vor.u32 v34, v15;
	v19 =	vmul.f32 v32, v9  }
0x271: {  	v4 =	vld.idx.msk [tilespmem:v4+s2+$0x0], $0xffff;
	v52 =	vsub.f32 v48, v51;
	v44 =	vor.u32 v16, v15;
	v45 =	vmul.f32 v42, v13  }
0x272: {  	v14 =	vmax.f32 v14, v23;
	v63 =	vld.idx.msk [tilespmem:v18+s2+$0x0], $0xffff;
	v11 =	vadd.f32 v11, v11;
	v46 =	vsub.f32 $1.500000000e+00, v19  }
0x273: {  	v49 =	vsel vm1, v28, v21;
	v8 =	vsub.f32 v54, v8;
	v15 =	vsub.f32 $1.500000000e+00, v45  }
0x274: {  	v54 =	vadd.f32 v38, v37;
	v11 =	vsub.f32 v55, v11;
	v9 =	vmul.f32 v46, v9  }
0x275: {  	v6 =	vadd.f32 v8, v6;
	v50 =	vld.idx.msk [tilespmem:v10+s2+$0x0], $0xffff;
	v17 =	vsel vm1, v43, v24;
	v13 =	vmul.f32 v15, v13  }
0x276: {  	v53 =	vadd.f32 v35, v36;
	v17 =	vsub.f32 v49, v17;
	v8 =	vld.idx.msk [tilespmem:v44+s2+$0x0], $0xffff;
	v9 =	vmul.f32 v9, v39  }
0x277: {  	v6 =	vadd.f32 v6, v11;
	v47 =	vsel vm12, v4, v63;
	v13 =	vmul.f32 v13, v41  }
0x278: {  	v17 =	vmul.f32 v17, v17;
	v15 =	vmul.f32 v52, v52;
	v9 =	vadd.f32 v9, v9  }
0x279: {  	v11 =	vsub.f32 v47, v14;
	v13 =	vadd.f32 v13, v13  }
0x27a: {  	v55 =	vadd.f32 v17, v15;
	v9 =	vsub.f32 v53, v9  }
0x27b: {  	v56 =	vmax.f32 v40, v33;
	v57 =	vsel vm1, v8, v50;
	v13 =	vsub.f32 v54, v13  }
0x27c: {  	v18 =	vld.idx.msk [tilespmem:v18+s13+$0x0], $0xffff;
	v11 =	vmul.f32 v11, v11;
	v58 =	vsub.f32 v57, v56;
	v9 =	vadd.f32 v9, v55  }
0x27d: {  	v6 =	vmul.f32 $5.000000000e+00, v6;
	v4 =	vsel vm12, v63, v4  }
0x27e: {  	v11 =	vadd.f32 v11, v11;
	v59 =	vmul.f32 v58, v58;
	v9 =	vadd.f32 v9, v13  }
0x27f: {  	v10 =	vld.idx.msk [tilespmem:v10+s13+$0x0], $0xffff;
	v4 =	vmul.f32 v4, v4  }
0x280: {  	v6 =	vadd.f32 v6, v11;
	v60 =	vadd.f32 v59, v59;
	v9 =	vmul.f32 $5.000000000e+00, v9  }
0x281: {  	vm13 =	vgt.f32 v18, $0.0e+00;
	v8 =	vsel vm1, v50, v8  }
0x282: {  	v4 =	vadd.f32 v6, v4;
	v8 =	vmul.f32 v8, v8;
	v6 =	vadd.f32 v9, v60  }
0x283: {  	p0 =	sne.s32 s0, $0x1;
	v61 =	vsel vm13, $0x3F800000, v1  }
.Ltmp3:
0x284: {  	vm14 =	vgt.f32 v10, $0.0e+00;
	v4 =	vmul.f32 v4, v61;
	v6 =	vadd.f32 v6, v8;
	(pc) =	sbr.rel @p0 .LBB2_8-.Ltmp3, $4  }
0x285: {  	v7 =	vadd.s32 $0x1E0, v7;
	v62 =	vsel vm14, $0x3F800000, v1  }
0x286: {  	vm15 =	vgt.s32 v7, $0x5BD;
	v3 =	vadd.f32 v4, v3;
	v4 =	vmul.f32 v6, v62  }
0x287: {  	v63 =	vsel vm15, $0xFFFFFA42, v2;
	v6 =	vsel vm15, $0x1, v2  }
0x288: {  	s0 =	sadd.s32 $0xFFFFFFFF, s0;
	v5 =	vadd.s32 v6, v5;
	v3 =	vadd.f32 v4, v3;
	v4 =	vadd.s32 v7, v63  }
0x289: {  	s31 =	sadd.s32 $0x1, s31  }
0x28a: {  	p0 =	sne.s32 s31, s12  }
.Ltmp4:
0x28b: {  	[tilespmem:$0x18000] =	vst v3;
	(pc) =	sbr.rel @p0 .LBB2_1-.Ltmp4, $4  }
0x28c: {  	[hbm4b:s11+s2] =	stream.linear.scatter [tilespmem:s29], [sflag:$0x9], $0x10, $0x38;
	[tilespmem:$0x18080] =	vst v63  }
0x28d: {  	_ =	swait.ge [sflag:s30], $0x10  }
0x28e: {  	[sflag:s30] =	ssyncset.done $0x0  }
0x28f: {  	[sflag:s30] =	ssyncadd.s32 $0xFFFFFFF0  }
0x290: {  	_ =	sfence.sel $0x180000  }
0x291: {  	[bflag:$0x0] =	sbarrier.arrive $0xFFFF  }
0x292: {  	_ =	strace $0x90000047  }
0x293: {  	[bflag:$0x2] =	sbarrier.arrive $0xFFFF  }
0x294: {  	p0 =	sne.s32 s1, $0x0;
	s0 =	rddreg [dreg:$0x1]  }
0x295: {  	s0 =	sadd.s32 @!p0 $0x100000, s0  }
0x296: {  	[sflag:s0] =	ssyncadd.tile.s32 @!p0 $0x1;
	_ =	shalt  }
.Lfunc_end2:
_tile_overlayer_lowered:
.L_overlay_start_2:
0x297: {  	(tag) =	ssettag $0x2  }
0x298: {  	s0 =	rddreg [dreg:$0x0];
	s2 =	stileid.u32  }
0x299: {  	s1 =	rddreg [dreg:$0x1];
	p0 =	sne.s32 s2, $0x0  }
0x29a: {  	s3 =	rddreg [dreg:$0x2];
	[bflag:$0x3] =	sbarrier.arrive $0xFFFF;
	s2 =	simm.s32 @!p0 $0x1C09  }
0x29b: {  	[timem:s3], [sflag:s2] =	dma.local @!p0 [hbm:s0], s1  }
0x29c: {  	s0 =	simm.s32 @!p0 $0x9  }
0x29d: {  	_ =	swait.ge @!p0 [sflag:s0], s1  }
0x29e: {  	s1 =	ssub.s32 @!p0 $0x0, s1;
	[sflag:s0] =	ssyncset.done @!p0 $0x0  }
0x29f: {  	[sflag:s0] =	ssyncadd.s32 @!p0 s1  }
0x2a0: {  	[bflag:$0x3] =	sbarrier.arrive $0xFFFF  }
0x2a1: {  	_ =	shalt  }

</sc_bundles>
